<compile_context>
chip_gen: v7x
topology: tpu7x:2x2x1
jax: 0.10.2.dev20260603
libtpu: 0.0.44.dev20260713+nightly
codegen_flags: <defaults>
</compile_context>

<pallas_src>
import functools

import jax
import jax.numpy as jnp
from jax import lax
from jax.experimental import pallas as pl
from jax.experimental.pallas import tpu as pltpu
from jax.experimental.pallas import tpu_sc as plsc

N = 100000
F = 128
DEG = 5
FB = 4
NC, NS = 2, 16
NW = NC * NS
BN = 32
NBLK = (100, 100)
PAIR_NODES = BN * (NBLK[0] + NBLK[1])
N_PAD = NS * PAIR_NODES
IPB = BN * DEG
NSLOT = 4
IDX_MAX = max(NBLK) * IPB

TC_BN = 2000
LANES = 16


def _sc_gather_sum(atoms2d, edges_flat):
    mesh = plsc.VectorSubcoreMesh(
        core_axis_name="c", subcore_axis_name="s", num_cores=NC, num_subcores=NS
    )
    STREAMS = tuple((o, 32) for o in range(0, IPB, 32))

    @functools.partial(
        pl.kernel,
        out_type=jax.ShapeDtypeStruct((N_PAD, F), jnp.float32),
        mesh=mesh,
        scratch_types=[
            pltpu.VMEM((IDX_MAX,), jnp.int32),
            pltpu.VMEM((NSLOT, IPB, F), jnp.float32),
            pltpu.VMEM((2, BN, F), jnp.float32),
            [pltpu.SemaphoreType.DMA] * NSLOT,
            [pltpu.SemaphoreType.DMA] * 2,
        ],
    )
    def k(atoms_hbm, edges_hbm, out_hbm, idx_v, rows_v, acc_v, gsem, osem):
        c = lax.axis_index("c")
        s = lax.axis_index("s")
        base_w = s * PAIR_NODES + c * (BN * NBLK[0])
        nblocks = jnp.where(c == 0, NBLK[0], NBLK[1])

        pltpu.sync_copy(edges_hbm.at[pl.ds(base_w * DEG, IDX_MAX)], idx_v)

        def issue_gathers(b, slot):
            for off, ln in STREAMS:
                pltpu.async_copy(
                    atoms_hbm.at[idx_v.at[pl.ds(b * IPB + off, ln)]],
                    rows_v.at[slot, pl.ds(off, ln)],
                    gsem[slot],
                )

        def wait_gathers(slot):
            for off, ln in STREAMS:
                pltpu.make_async_copy(
                    atoms_hbm.at[idx_v.at[pl.ds(off, ln)]],
                    rows_v.at[slot, pl.ds(off, ln)],
                    gsem[slot],
                ).wait()

        def wait_out(slot):
            pltpu.make_async_copy(
                acc_v.at[slot], out_hbm.at[pl.ds(base_w, BN)], osem[slot]
            ).wait()

        def compute(slot, aslot):
            def row_body(r, _):
                for c in range(F // LANES):
                    sl = pl.ds(c * LANES, LANES)
                    s = rows_v[slot, DEG * r, sl]
                    for d in range(1, DEG):
                        s = s + rows_v[slot, DEG * r + d, sl]
                    acc_v[aslot, r, sl] = s
                return 0

            lax.fori_loop(0, BN, row_body, 0)

        def step(t, half_i):
            b = NSLOT * t + half_i
            nxt = b + NSLOT - 1
            aslot = half_i % 2

            @pl.when(nxt < nblocks)
            def _():
                issue_gathers(nxt, (half_i + NSLOT - 1) % NSLOT)

            wait_gathers(half_i)

            @pl.when(b >= 2)
            def _():
                wait_out(aslot)

            compute(half_i, aslot)
            pltpu.async_copy(
                acc_v.at[aslot],
                out_hbm.at[pl.ds(base_w + b * BN, BN)],
                osem[aslot],
            )

        for b0 in range(NSLOT - 1):
            issue_gathers(b0, b0)

        def iter_body(t, _):
            for half_i in range(NSLOT):
                step(t, half_i)
            return 0

        lax.fori_loop(0, nblocks // NSLOT, iter_body, 0)
        wait_out(0)
        wait_out(1)

    return k(atoms2d, edges_flat)


def _tc_dense(gsum_pad, atoms2d, bonds_t, wa, wb, bias):

    def body(gsum_ref, atoms_ref, bonds_ref, wa_ref, wb_ref, b_ref, out_ref):
        x = gsum_ref[...] + atoms_ref[...]
        y = jnp.dot(x, wa_ref[...], preferred_element_type=jnp.float32)
        y = y + lax.dot_general(
            bonds_ref[0], wb_ref[...],
            (((0,), (0,)), ((), ())),
            preferred_element_type=jnp.float32,
        )
        y = y + b_ref[...]
        out_ref[...] = jnp.maximum(y, 0.0)

    grid = N // TC_BN
    return pl.pallas_call(
        body,
        grid=(grid,),
        in_specs=[
            pl.BlockSpec((TC_BN, F), lambda i: (i, 0)),
            pl.BlockSpec((TC_BN, F), lambda i: (i, 0)),
            pl.BlockSpec((1, DEG * FB, TC_BN), lambda i: (i, 0, 0)),
            pl.BlockSpec((F, F), lambda i: (0, 0)),
            pl.BlockSpec((DEG * FB, F), lambda i: (0, 0)),
            pl.BlockSpec((1, F), lambda i: (0, 0)),
        ],
        out_specs=pl.BlockSpec((TC_BN, F), lambda i: (i, 0)),
        out_shape=jax.ShapeDtypeStruct((N, F), jnp.float32),
    )(gsum_pad, atoms2d, bonds_t, wa, wb, bias)


def kernel(atoms, bonds, edges, W, b):
    atoms2d = atoms[0]
    bonds_t = (
        bonds[0].reshape(N, DEG * FB).T
        .reshape(DEG * FB, N // TC_BN, TC_BN)
        .transpose(1, 0, 2)
    )
    edges_flat = jnp.pad(edges.reshape(N * DEG), (0, (N_PAD - N) * DEG))

    wa = W[DEG, :F, :]
    wb = jnp.concatenate([W[DEG, F:, :]] * DEG, axis=0)
    bias = b[DEG][None, :]

    gsum = _sc_gather_sum(atoms2d, edges_flat)
    out = _tc_dense(gsum, atoms2d, bonds_t, wa, wb, bias)
    return out[None]

# --- scband reference (transcript-rebuilt; emitter-appended) ---
"""Pipeline reference for scband-graph-conv-2018634629391 (READ-ONLY COPY).

The authoritative reference and input builder live on the scoring server;
editing this copy changes nothing except your own understanding.
"""

import jax, jax.numpy as jnp
import numpy as np

B, N, D = 1, 100000, 5
F_ATOM, F_BOND = 128, 4
MAX_DEGREE = 6
CONV_WIDTH = 128
INPUT_DIM = F_ATOM + F_BOND


def setup_inputs(seed: int = 0):
    key = jax.random.key(seed)
    ks = jax.random.split(key, 5)
    atoms = jax.random.normal(ks[0], (B, N, F_ATOM), dtype=jnp.float32)
    bonds = jax.random.normal(ks[1], (B, N, D, F_BOND), dtype=jnp.float32)
    edges = jax.random.randint(ks[2], (B, N, D), 0, N, dtype=jnp.int32)
    W = jax.random.normal(ks[3], (MAX_DEGREE, INPUT_DIM, CONV_WIDTH), dtype=jnp.float32) * (1.0 / np.sqrt(INPUT_DIM))
    b = jax.random.normal(ks[4], (MAX_DEGREE, CONV_WIDTH), dtype=jnp.float32) * 0.01
    return {"atoms": atoms, "bonds": bonds, "edges": edges, "W": W, "b": b}


def lookup_neighbors(atoms, edges, maskvalue=0.0, include_self=True):
    # atoms: (b, n, f); edges: (b, n, d), padding slots are -1
    bb, nn, ff = atoms.shape
    masked_edges = edges + 1  # shift so -1 -> 0 (mask row)
    masked_atoms = jnp.concatenate(
        [jnp.full((bb, 1, ff), maskvalue, dtype=atoms.dtype), atoms], axis=1
    )
    batch_idx = jnp.arange(bb)[:, None, None]
    out = masked_atoms[batch_idx, masked_edges]  # (b, n, d, f) gather
    if include_self:
        out = jnp.concatenate([atoms[:, :, None, :], out], axis=2)
    return out


def reference(atoms, bonds, edges, W, b):
    atom_degrees = (edges != -1).sum(-1, keepdims=True)  # (B, N, 1)
    neighbor_atom_features = lookup_neighbors(atoms, edges, include_self=True)
    summed_atom_features = neighbor_atom_features.sum(-2)
    summed_bond_features = bonds.sum(-2)
    summed_features = jnp.concatenate([summed_atom_features, summed_bond_features], axis=-1)
    new_features = None
    for degree in range(MAX_DEGREE):
        atom_masks_this_degree = (atom_degrees == degree).astype(jnp.float32)
        new_unmasked = jax.nn.relu(summed_features @ W[degree] + b[degree])
        new_masked = new_unmasked * atom_masks_this_degree
        new_features = new_masked if new_features is None else new_features + new_masked
    return new_features

if __name__ == "__main__":
    import jax
    _d = setup_inputs()
    print(jax.jit(kernel)(*tuple(_d.values())))

</pallas_src>

<mosaic_0001>
#map = affine_map<(d0, d1) -> (0, 0)>
#map1 = affine_map<(d0, d1) -> (0)>
module attributes {stable_mosaic.version = 14 : i64} {
  func.func @k(%arg0: i32, %arg1: i32, %arg2: memref<100000x128xf32, #tpu.memory_space<hbm>>, %arg3: memref<512000xi32, #tpu.memory_space<hbm>>, %arg4: memref<102400x128xf32, #tpu.memory_space<hbm>>, %arg5: memref<16000xi32, #tpu.memory_space<vmem>>, %arg6: memref<4x160x128xf32, #tpu.memory_space<vmem>>, %arg7: memref<2x32x128xf32, #tpu.memory_space<vmem>>, %arg8: memref<!tpu.dma_semaphore, #tpu.memory_space<semaphore_mem>>, %arg9: memref<!tpu.dma_semaphore, #tpu.memory_space<semaphore_mem>>, %arg10: memref<!tpu.dma_semaphore, #tpu.memory_space<semaphore_mem>>, %arg11: memref<!tpu.dma_semaphore, #tpu.memory_space<semaphore_mem>>, %arg12: memref<!tpu.dma_semaphore, #tpu.memory_space<semaphore_mem>>, %arg13: memref<!tpu.dma_semaphore, #tpu.memory_space<semaphore_mem>>) attributes {dimension_semantics = [#tpu.dimension_semantics<core_parallel>, #tpu.dimension_semantics<subcore_parallel>], iteration_bounds = array<i64: 2, 16>, scalar_prefetch = 0 : i64, scratch_operands = 9 : i64, tpu.core_type = #tpu.core_type<sc_vector_subcore>, window_params = [{transform_indices = #map}, {transform_indices = #map1}, {transform_indices = #map}]} {
    %mul3A = arith.constant 6400 : i32
    %mul3A_0 = arith.muli %arg1, %mul3A : i32
    %mul3A_1 = arith.constant 3200 : i32
    %mul3A_2 = arith.muli %arg0, %mul3A_1 : i32
    %add3A = arith.addi %mul3A_0, %mul3A_2 : i32
    %eq3A = arith.constant 0 : i32
    %eq3A_3 = arith.cmpi eq, %arg0, %eq3A : i32
    %jit3A = arith.constant 100 : i32
    %jit3A_4 = arith.constant 100 : i32
    %select_n3A = arith.select %eq3A_3, %jit3A, %jit3A_4 : i32
    %mul3A_5 = arith.constant 5 : i32
    %mul3A_6 = arith.muli %add3A, %mul3A_5 : i32
    "tpu.region"() ({
      %run_scoped3A = tpu.sem_alloc : memref<!tpu.dma_semaphore, #tpu.memory_space<semaphore_mem>>
      %dma_start3A_210 = tpu.memref_slice %arg3[%mul3A_6] : memref<512000xi32, #tpu.memory_space<hbm>> -> memref<16000xi32, #tpu.memory_space<hbm>>
      %dma_start3A_211 = tpu.memref_slice %arg3[%mul3A_6] : memref<512000xi32, #tpu.memory_space<hbm>> -> memref<16000xi32, #tpu.memory_space<hbm>>
      tpu.enqueue_dma source(%dma_start3A_211 : memref<16000xi32, #tpu.memory_space<hbm>>) target(%arg5 : memref<16000xi32, #tpu.memory_space<vmem>>) target_semaphore(%run_scoped3A : memref<!tpu.dma_semaphore, #tpu.memory_space<semaphore_mem>>)
      %dma_wait3A_212 = tpu.memref_slice %arg3[%mul3A_6] : memref<512000xi32, #tpu.memory_space<hbm>> -> memref<16000xi32, #tpu.memory_space<hbm>>
      %dma_wait3A_213 = tpu.memref_slice %arg3[%mul3A_6] : memref<512000xi32, #tpu.memory_space<hbm>> -> memref<16000xi32, #tpu.memory_space<hbm>>
      tpu.wait_dma2 semaphore(%run_scoped3A : memref<!tpu.dma_semaphore, #tpu.memory_space<semaphore_mem>>) src(%dma_wait3A_213 : memref<16000xi32, #tpu.memory_space<hbm>>) dst(%arg5 : memref<16000xi32, #tpu.memory_space<vmem>>)
      tpu.yield
    }) : () -> ()
    %dma_start3A = arith.constant 0 : i32
    %dma_start3A_7 = arith.constant 0 : i32
    %dma_start3A_8 = arith.constant 0 : i32
    %dma_start3A_9 = tpu.memref_slice %arg6[%dma_start3A, %dma_start3A_7, %dma_start3A_8] : memref<4x160x128xf32, #tpu.memory_space<vmem>> -> memref<1x32x128xf32, #tpu.memory_space<vmem>>
    %dma_start3A_10 = tpu.memref_squeeze %dma_start3A_9 : memref<1x32x128xf32, #tpu.memory_space<vmem>> -> memref<32x128xf32, #tpu.memory_space<vmem>>
    %dma_start3A_11 = arith.constant 0 : i32
    %dma_start3A_12 = tpu.memref_slice %arg5[%dma_start3A_11] : memref<16000xi32, #tpu.memory_space<vmem>> -> memref<32xi32, #tpu.memory_space<vmem>>
    %dma_start3A_13 = arith.constant 0 : i32
    %dma_start3A_14 = arith.constant 0 : i32
    %dma_start3A_15 = tpu.memref_slice %arg2[%dma_start3A_13, %dma_start3A_14] : memref<100000x128xf32, #tpu.memory_space<hbm>> -> memref<100000x128xf32, #tpu.memory_space<hbm>>
    tpu.enqueue_indirect_dma source(%dma_start3A_15 : memref<100000x128xf32, #tpu.memory_space<hbm>>) target(%dma_start3A_10 : memref<32x128xf32, #tpu.memory_space<vmem>>) offsets(%dma_start3A_12 : memref<32xi32, #tpu.memory_space<vmem>>) semaphore(%arg8 : memref<!tpu.dma_semaphore, #tpu.memory_space<semaphore_mem>>)
    %dma_start3A_16 = arith.constant 0 : i32
    %dma_start3A_17 = arith.constant 32 : i32
    %dma_start3A_18 = arith.constant 0 : i32
    %dma_start3A_19 = tpu.memref_slice %arg6[%dma_start3A_16, %dma_start3A_17, %dma_start3A_18] : memref<4x160x128xf32, #tpu.memory_space<vmem>> -> memref<1x32x128xf32, #tpu.memory_space<vmem>>
    %dma_start3A_20 = tpu.memref_squeeze %dma_start3A_19 : memref<1x32x128xf32, #tpu.memory_space<vmem>> -> memref<32x128xf32, #tpu.memory_space<vmem>>
    %dma_start3A_21 = arith.constant 32 : i32
    %dma_start3A_22 = tpu.memref_slice %arg5[%dma_start3A_21] : memref<16000xi32, #tpu.memory_space<vmem>> -> memref<32xi32, #tpu.memory_space<vmem>>
    %dma_start3A_23 = arith.constant 0 : i32
    %dma_start3A_24 = arith.constant 0 : i32
    %dma_start3A_25 = tpu.memref_slice %arg2[%dma_start3A_23, %dma_start3A_24] : memref<100000x128xf32, #tpu.memory_space<hbm>> -> memref<100000x128xf32, #tpu.memory_space<hbm>>
    tpu.enqueue_indirect_dma source(%dma_start3A_25 : memref<100000x128xf32, #tpu.memory_space<hbm>>) target(%dma_start3A_20 : memref<32x128xf32, #tpu.memory_space<vmem>>) offsets(%dma_start3A_22 : memref<32xi32, #tpu.memory_space<vmem>>) semaphore(%arg8 : memref<!tpu.dma_semaphore, #tpu.memory_space<semaphore_mem>>)
    %dma_start3A_26 = arith.constant 0 : i32
    %dma_start3A_27 = arith.constant 64 : i32
    %dma_start3A_28 = arith.constant 0 : i32
    %dma_start3A_29 = tpu.memref_slice %arg6[%dma_start3A_26, %dma_start3A_27, %dma_start3A_28] : memref<4x160x128xf32, #tpu.memory_space<vmem>> -> memref<1x32x128xf32, #tpu.memory_space<vmem>>
    %dma_start3A_30 = tpu.memref_squeeze %dma_start3A_29 : memref<1x32x128xf32, #tpu.memory_space<vmem>> -> memref<32x128xf32, #tpu.memory_space<vmem>>
    %dma_start3A_31 = arith.constant 64 : i32
    %dma_start3A_32 = tpu.memref_slice %arg5[%dma_start3A_31] : memref<16000xi32, #tpu.memory_space<vmem>> -> memref<32xi32, #tpu.memory_space<vmem>>
    %dma_start3A_33 = arith.constant 0 : i32
    %dma_start3A_34 = arith.constant 0 : i32
    %dma_start3A_35 = tpu.memref_slice %arg2[%dma_start3A_33, %dma_start3A_34] : memref<100000x128xf32, #tpu.memory_space<hbm>> -> memref<100000x128xf32, #tpu.memory_space<hbm>>
    tpu.enqueue_indirect_dma source(%dma_start3A_35 : memref<100000x128xf32, #tpu.memory_space<hbm>>) target(%dma_start3A_30 : memref<32x128xf32, #tpu.memory_space<vmem>>) offsets(%dma_start3A_32 : memref<32xi32, #tpu.memory_space<vmem>>) semaphore(%arg8 : memref<!tpu.dma_semaphore, #tpu.memory_space<semaphore_mem>>)
    %dma_start3A_36 = arith.constant 0 : i32
    %dma_start3A_37 = arith.constant 96 : i32
    %dma_start3A_38 = arith.constant 0 : i32
    %dma_start3A_39 = tpu.memref_slice %arg6[%dma_start3A_36, %dma_start3A_37, %dma_start3A_38] : memref<4x160x128xf32, #tpu.memory_space<vmem>> -> memref<1x32x128xf32, #tpu.memory_space<vmem>>
    %dma_start3A_40 = tpu.memref_squeeze %dma_start3A_39 : memref<1x32x128xf32, #tpu.memory_space<vmem>> -> memref<32x128xf32, #tpu.memory_space<vmem>>
    %dma_start3A_41 = arith.constant 96 : i32
    %dma_start3A_42 = tpu.memref_slice %arg5[%dma_start3A_41] : memref<16000xi32, #tpu.memory_space<vmem>> -> memref<32xi32, #tpu.memory_space<vmem>>
    %dma_start3A_43 = arith.constant 0 : i32
    %dma_start3A_44 = arith.constant 0 : i32
    %dma_start3A_45 = tpu.memref_slice %arg2[%dma_start3A_43, %dma_start3A_44] : memref<100000x128xf32, #tpu.memory_space<hbm>> -> memref<100000x128xf32, #tpu.memory_space<hbm>>
    tpu.enqueue_indirect_dma source(%dma_start3A_45 : memref<100000x128xf32, #tpu.memory_space<hbm>>) target(%dma_start3A_40 : memref<32x128xf32, #tpu.memory_space<vmem>>) offsets(%dma_start3A_42 : memref<32xi32, #tpu.memory_space<vmem>>) semaphore(%arg8 : memref<!tpu.dma_semaphore, #tpu.memory_space<semaphore_mem>>)
    %dma_start3A_46 = arith.constant 0 : i32
    %dma_start3A_47 = arith.constant 128 : i32
    %dma_start3A_48 = arith.constant 0 : i32
    %dma_start3A_49 = tpu.memref_slice %arg6[%dma_start3A_46, %dma_start3A_47, %dma_start3A_48] : memref<4x160x128xf32, #tpu.memory_space<vmem>> -> memref<1x32x128xf32, #tpu.memory_space<vmem>>
    %dma_start3A_50 = tpu.memref_squeeze %dma_start3A_49 : memref<1x32x128xf32, #tpu.memory_space<vmem>> -> memref<32x128xf32, #tpu.memory_space<vmem>>
    %dma_start3A_51 = arith.constant 128 : i32
    %dma_start3A_52 = tpu.memref_slice %arg5[%dma_start3A_51] : memref<16000xi32, #tpu.memory_space<vmem>> -> memref<32xi32, #tpu.memory_space<vmem>>
    %dma_start3A_53 = arith.constant 0 : i32
    %dma_start3A_54 = arith.constant 0 : i32
    %dma_start3A_55 = tpu.memref_slice %arg2[%dma_start3A_53, %dma_start3A_54] : memref<100000x128xf32, #tpu.memory_space<hbm>> -> memref<100000x128xf32, #tpu.memory_space<hbm>>
    tpu.enqueue_indirect_dma source(%dma_start3A_55 : memref<100000x128xf32, #tpu.memory_space<hbm>>) target(%dma_start3A_50 : memref<32x128xf32, #tpu.memory_space<vmem>>) offsets(%dma_start3A_52 : memref<32xi32, #tpu.memory_space<vmem>>) semaphore(%arg8 : memref<!tpu.dma_semaphore, #tpu.memory_space<semaphore_mem>>)
    %dma_start3A_56 = arith.constant 1 : i32
    %dma_start3A_57 = arith.constant 0 : i32
    %dma_start3A_58 = arith.constant 0 : i32
    %dma_start3A_59 = tpu.memref_slice %arg6[%dma_start3A_56, %dma_start3A_57, %dma_start3A_58] : memref<4x160x128xf32, #tpu.memory_space<vmem>> -> memref<1x32x128xf32, #tpu.memory_space<vmem>>
    %dma_start3A_60 = tpu.memref_squeeze %dma_start3A_59 : memref<1x32x128xf32, #tpu.memory_space<vmem>> -> memref<32x128xf32, #tpu.memory_space<vmem>>
    %dma_start3A_61 = arith.constant 160 : i32
    %dma_start3A_62 = tpu.memref_slice %arg5[%dma_start3A_61] : memref<16000xi32, #tpu.memory_space<vmem>> -> memref<32xi32, #tpu.memory_space<vmem>>
    %dma_start3A_63 = arith.constant 0 : i32
    %dma_start3A_64 = arith.constant 0 : i32
    %dma_start3A_65 = tpu.memref_slice %arg2[%dma_start3A_63, %dma_start3A_64] : memref<100000x128xf32, #tpu.memory_space<hbm>> -> memref<100000x128xf32, #tpu.memory_space<hbm>>
    tpu.enqueue_indirect_dma source(%dma_start3A_65 : memref<100000x128xf32, #tpu.memory_space<hbm>>) target(%dma_start3A_60 : memref<32x128xf32, #tpu.memory_space<vmem>>) offsets(%dma_start3A_62 : memref<32xi32, #tpu.memory_space<vmem>>) semaphore(%arg9 : memref<!tpu.dma_semaphore, #tpu.memory_space<semaphore_mem>>)
    %dma_start3A_66 = arith.constant 1 : i32
    %dma_start3A_67 = arith.constant 32 : i32
    %dma_start3A_68 = arith.constant 0 : i32
    %dma_start3A_69 = tpu.memref_slice %arg6[%dma_start3A_66, %dma_start3A_67, %dma_start3A_68] : memref<4x160x128xf32, #tpu.memory_space<vmem>> -> memref<1x32x128xf32, #tpu.memory_space<vmem>>
    %dma_start3A_70 = tpu.memref_squeeze %dma_start3A_69 : memref<1x32x128xf32, #tpu.memory_space<vmem>> -> memref<32x128xf32, #tpu.memory_space<vmem>>
    %dma_start3A_71 = arith.constant 192 : i32
    %dma_start3A_72 = tpu.memref_slice %arg5[%dma_start3A_71] : memref<16000xi32, #tpu.memory_space<vmem>> -> memref<32xi32, #tpu.memory_space<vmem>>
    %dma_start3A_73 = arith.constant 0 : i32
    %dma_start3A_74 = arith.constant 0 : i32
    %dma_start3A_75 = tpu.memref_slice %arg2[%dma_start3A_73, %dma_start3A_74] : memref<100000x128xf32, #tpu.memory_space<hbm>> -> memref<100000x128xf32, #tpu.memory_space<hbm>>
    tpu.enqueue_indirect_dma source(%dma_start3A_75 : memref<100000x128xf32, #tpu.memory_space<hbm>>) target(%dma_start3A_70 : memref<32x128xf32, #tpu.memory_space<vmem>>) offsets(%dma_start3A_72 : memref<32xi32, #tpu.memory_space<vmem>>) semaphore(%arg9 : memref<!tpu.dma_semaphore, #tpu.memory_space<semaphore_mem>>)
    %dma_start3A_76 = arith.constant 1 : i32
    %dma_start3A_77 = arith.constant 64 : i32
    %dma_start3A_78 = arith.constant 0 : i32
    %dma_start3A_79 = tpu.memref_slice %arg6[%dma_start3A_76, %dma_start3A_77, %dma_start3A_78] : memref<4x160x128xf32, #tpu.memory_space<vmem>> -> memref<1x32x128xf32, #tpu.memory_space<vmem>>
    %dma_start3A_80 = tpu.memref_squeeze %dma_start3A_79 : memref<1x32x128xf32, #tpu.memory_space<vmem>> -> memref<32x128xf32, #tpu.memory_space<vmem>>
    %dma_start3A_81 = arith.constant 224 : i32
    %dma_start3A_82 = tpu.memref_slice %arg5[%dma_start3A_81] : memref<16000xi32, #tpu.memory_space<vmem>> -> memref<32xi32, #tpu.memory_space<vmem>>
    %dma_start3A_83 = arith.constant 0 : i32
    %dma_start3A_84 = arith.constant 0 : i32
    %dma_start3A_85 = tpu.memref_slice %arg2[%dma_start3A_83, %dma_start3A_84] : memref<100000x128xf32, #tpu.memory_space<hbm>> -> memref<100000x128xf32, #tpu.memory_space<hbm>>
    tpu.enqueue_indirect_dma source(%dma_start3A_85 : memref<100000x128xf32, #tpu.memory_space<hbm>>) target(%dma_start3A_80 : memref<32x128xf32, #tpu.memory_space<vmem>>) offsets(%dma_start3A_82 : memref<32xi32, #tpu.memory_space<vmem>>) semaphore(%arg9 : memref<!tpu.dma_semaphore, #tpu.memory_space<semaphore_mem>>)
    %dma_start3A_86 = arith.constant 1 : i32
    %dma_start3A_87 = arith.constant 96 : i32
    %dma_start3A_88 = arith.constant 0 : i32
    %dma_start3A_89 = tpu.memref_slice %arg6[%dma_start3A_86, %dma_start3A_87, %dma_start3A_88] : memref<4x160x128xf32, #tpu.memory_space<vmem>> -> memref<1x32x128xf32, #tpu.memory_space<vmem>>
    %dma_start3A_90 = tpu.memref_squeeze %dma_start3A_89 : memref<1x32x128xf32, #tpu.memory_space<vmem>> -> memref<32x128xf32, #tpu.memory_space<vmem>>
    %dma_start3A_91 = arith.constant 256 : i32
    %dma_start3A_92 = tpu.memref_slice %arg5[%dma_start3A_91] : memref<16000xi32, #tpu.memory_space<vmem>> -> memref<32xi32, #tpu.memory_space<vmem>>
    %dma_start3A_93 = arith.constant 0 : i32
    %dma_start3A_94 = arith.constant 0 : i32
    %dma_start3A_95 = tpu.memref_slice %arg2[%dma_start3A_93, %dma_start3A_94] : memref<100000x128xf32, #tpu.memory_space<hbm>> -> memref<100000x128xf32, #tpu.memory_space<hbm>>
    tpu.enqueue_indirect_dma source(%dma_start3A_95 : memref<100000x128xf32, #tpu.memory_space<hbm>>) target(%dma_start3A_90 : memref<32x128xf32, #tpu.memory_space<vmem>>) offsets(%dma_start3A_92 : memref<32xi32, #tpu.memory_space<vmem>>) semaphore(%arg9 : memref<!tpu.dma_semaphore, #tpu.memory_space<semaphore_mem>>)
    %dma_start3A_96 = arith.constant 1 : i32
    %dma_start3A_97 = arith.constant 128 : i32
    %dma_start3A_98 = arith.constant 0 : i32
    %dma_start3A_99 = tpu.memref_slice %arg6[%dma_start3A_96, %dma_start3A_97, %dma_start3A_98] : memref<4x160x128xf32, #tpu.memory_space<vmem>> -> memref<1x32x128xf32, #tpu.memory_space<vmem>>
    %dma_start3A_100 = tpu.memref_squeeze %dma_start3A_99 : memref<1x32x128xf32, #tpu.memory_space<vmem>> -> memref<32x128xf32, #tpu.memory_space<vmem>>
    %dma_start3A_101 = arith.constant 288 : i32
    %dma_start3A_102 = tpu.memref_slice %arg5[%dma_start3A_101] : memref<16000xi32, #tpu.memory_space<vmem>> -> memref<32xi32, #tpu.memory_space<vmem>>
    %dma_start3A_103 = arith.constant 0 : i32
    %dma_start3A_104 = arith.constant 0 : i32
    %dma_start3A_105 = tpu.memref_slice %arg2[%dma_start3A_103, %dma_start3A_104] : memref<100000x128xf32, #tpu.memory_space<hbm>> -> memref<100000x128xf32, #tpu.memory_space<hbm>>
    tpu.enqueue_indirect_dma source(%dma_start3A_105 : memref<100000x128xf32, #tpu.memory_space<hbm>>) target(%dma_start3A_100 : memref<32x128xf32, #tpu.memory_space<vmem>>) offsets(%dma_start3A_102 : memref<32xi32, #tpu.memory_space<vmem>>) semaphore(%arg9 : memref<!tpu.dma_semaphore, #tpu.memory_space<semaphore_mem>>)
    %dma_start3A_106 = arith.constant 2 : i32
    %dma_start3A_107 = arith.constant 0 : i32
    %dma_start3A_108 = arith.constant 0 : i32
    %dma_start3A_109 = tpu.memref_slice %arg6[%dma_start3A_106, %dma_start3A_107, %dma_start3A_108] : memref<4x160x128xf32, #tpu.memory_space<vmem>> -> memref<1x32x128xf32, #tpu.memory_space<vmem>>
    %dma_start3A_110 = tpu.memref_squeeze %dma_start3A_109 : memref<1x32x128xf32, #tpu.memory_space<vmem>> -> memref<32x128xf32, #tpu.memory_space<vmem>>
    %dma_start3A_111 = arith.constant 320 : i32
    %dma_start3A_112 = tpu.memref_slice %arg5[%dma_start3A_111] : memref<16000xi32, #tpu.memory_space<vmem>> -> memref<32xi32, #tpu.memory_space<vmem>>
    %dma_start3A_113 = arith.constant 0 : i32
    %dma_start3A_114 = arith.constant 0 : i32
    %dma_start3A_115 = tpu.memref_slice %arg2[%dma_start3A_113, %dma_start3A_114] : memref<100000x128xf32, #tpu.memory_space<hbm>> -> memref<100000x128xf32, #tpu.memory_space<hbm>>
    tpu.enqueue_indirect_dma source(%dma_start3A_115 : memref<100000x128xf32, #tpu.memory_space<hbm>>) target(%dma_start3A_110 : memref<32x128xf32, #tpu.memory_space<vmem>>) offsets(%dma_start3A_112 : memref<32xi32, #tpu.memory_space<vmem>>) semaphore(%arg10 : memref<!tpu.dma_semaphore, #tpu.memory_space<semaphore_mem>>)
    %dma_start3A_116 = arith.constant 2 : i32
    %dma_start3A_117 = arith.constant 32 : i32
    %dma_start3A_118 = arith.constant 0 : i32
    %dma_start3A_119 = tpu.memref_slice %arg6[%dma_start3A_116, %dma_start3A_117, %dma_start3A_118] : memref<4x160x128xf32, #tpu.memory_space<vmem>> -> memref<1x32x128xf32, #tpu.memory_space<vmem>>
    %dma_start3A_120 = tpu.memref_squeeze %dma_start3A_119 : memref<1x32x128xf32, #tpu.memory_space<vmem>> -> memref<32x128xf32, #tpu.memory_space<vmem>>
    %dma_start3A_121 = arith.constant 352 : i32
    %dma_start3A_122 = tpu.memref_slice %arg5[%dma_start3A_121] : memref<16000xi32, #tpu.memory_space<vmem>> -> memref<32xi32, #tpu.memory_space<vmem>>
    %dma_start3A_123 = arith.constant 0 : i32
    %dma_start3A_124 = arith.constant 0 : i32
    %dma_start3A_125 = tpu.memref_slice %arg2[%dma_start3A_123, %dma_start3A_124] : memref<100000x128xf32, #tpu.memory_space<hbm>> -> memref<100000x128xf32, #tpu.memory_space<hbm>>
    tpu.enqueue_indirect_dma source(%dma_start3A_125 : memref<100000x128xf32, #tpu.memory_space<hbm>>) target(%dma_start3A_120 : memref<32x128xf32, #tpu.memory_space<vmem>>) offsets(%dma_start3A_122 : memref<32xi32, #tpu.memory_space<vmem>>) semaphore(%arg10 : memref<!tpu.dma_semaphore, #tpu.memory_space<semaphore_mem>>)
    %dma_start3A_126 = arith.constant 2 : i32
    %dma_start3A_127 = arith.constant 64 : i32
    %dma_start3A_128 = arith.constant 0 : i32
    %dma_start3A_129 = tpu.memref_slice %arg6[%dma_start3A_126, %dma_start3A_127, %dma_start3A_128] : memref<4x160x128xf32, #tpu.memory_space<vmem>> -> memref<1x32x128xf32, #tpu.memory_space<vmem>>
    %dma_start3A_130 = tpu.memref_squeeze %dma_start3A_129 : memref<1x32x128xf32, #tpu.memory_space<vmem>> -> memref<32x128xf32, #tpu.memory_space<vmem>>
    %dma_start3A_131 = arith.constant 384 : i32
    %dma_start3A_132 = tpu.memref_slice %arg5[%dma_start3A_131] : memref<16000xi32, #tpu.memory_space<vmem>> -> memref<32xi32, #tpu.memory_space<vmem>>
    %dma_start3A_133 = arith.constant 0 : i32
    %dma_start3A_134 = arith.constant 0 : i32
    %dma_start3A_135 = tpu.memref_slice %arg2[%dma_start3A_133, %dma_start3A_134] : memref<100000x128xf32, #tpu.memory_space<hbm>> -> memref<100000x128xf32, #tpu.memory_space<hbm>>
    tpu.enqueue_indirect_dma source(%dma_start3A_135 : memref<100000x128xf32, #tpu.memory_space<hbm>>) target(%dma_start3A_130 : memref<32x128xf32, #tpu.memory_space<vmem>>) offsets(%dma_start3A_132 : memref<32xi32, #tpu.memory_space<vmem>>) semaphore(%arg10 : memref<!tpu.dma_semaphore, #tpu.memory_space<semaphore_mem>>)
    %dma_start3A_136 = arith.constant 2 : i32
    %dma_start3A_137 = arith.constant 96 : i32
    %dma_start3A_138 = arith.constant 0 : i32
    %dma_start3A_139 = tpu.memref_slice %arg6[%dma_start3A_136, %dma_start3A_137, %dma_start3A_138] : memref<4x160x128xf32, #tpu.memory_space<vmem>> -> memref<1x32x128xf32, #tpu.memory_space<vmem>>
    %dma_start3A_140 = tpu.memref_squeeze %dma_start3A_139 : memref<1x32x128xf32, #tpu.memory_space<vmem>> -> memref<32x128xf32, #tpu.memory_space<vmem>>
    %dma_start3A_141 = arith.constant 416 : i32
    %dma_start3A_142 = tpu.memref_slice %arg5[%dma_start3A_141] : memref<16000xi32, #tpu.memory_space<vmem>> -> memref<32xi32, #tpu.memory_space<vmem>>
    %dma_start3A_143 = arith.constant 0 : i32
    %dma_start3A_144 = arith.constant 0 : i32
    %dma_start3A_145 = tpu.memref_slice %arg2[%dma_start3A_143, %dma_start3A_144] : memref<100000x128xf32, #tpu.memory_space<hbm>> -> memref<100000x128xf32, #tpu.memory_space<hbm>>
    tpu.enqueue_indirect_dma source(%dma_start3A_145 : memref<100000x128xf32, #tpu.memory_space<hbm>>) target(%dma_start3A_140 : memref<32x128xf32, #tpu.memory_space<vmem>>) offsets(%dma_start3A_142 : memref<32xi32, #tpu.memory_space<vmem>>) semaphore(%arg10 : memref<!tpu.dma_semaphore, #tpu.memory_space<semaphore_mem>>)
    %dma_start3A_146 = arith.constant 2 : i32
    %dma_start3A_147 = arith.constant 128 : i32
    %dma_start3A_148 = arith.constant 0 : i32
    %dma_start3A_149 = tpu.memref_slice %arg6[%dma_start3A_146, %dma_start3A_147, %dma_start3A_148] : memref<4x160x128xf32, #tpu.memory_space<vmem>> -> memref<1x32x128xf32, #tpu.memory_space<vmem>>
    %dma_start3A_150 = tpu.memref_squeeze %dma_start3A_149 : memref<1x32x128xf32, #tpu.memory_space<vmem>> -> memref<32x128xf32, #tpu.memory_space<vmem>>
    %dma_start3A_151 = arith.constant 448 : i32
    %dma_start3A_152 = tpu.memref_slice %arg5[%dma_start3A_151] : memref<16000xi32, #tpu.memory_space<vmem>> -> memref<32xi32, #tpu.memory_space<vmem>>
    %dma_start3A_153 = arith.constant 0 : i32
    %dma_start3A_154 = arith.constant 0 : i32
    %dma_start3A_155 = tpu.memref_slice %arg2[%dma_start3A_153, %dma_start3A_154] : memref<100000x128xf32, #tpu.memory_space<hbm>> -> memref<100000x128xf32, #tpu.memory_space<hbm>>
    tpu.enqueue_indirect_dma source(%dma_start3A_155 : memref<100000x128xf32, #tpu.memory_space<hbm>>) target(%dma_start3A_150 : memref<32x128xf32, #tpu.memory_space<vmem>>) offsets(%dma_start3A_152 : memref<32xi32, #tpu.memory_space<vmem>>) semaphore(%arg10 : memref<!tpu.dma_semaphore, #tpu.memory_space<semaphore_mem>>)
    %jit3A_156 = arith.constant 4 : i32
    %div3A = arith.divsi %select_n3A, %jit3A_156 : i32
    %sign3A = arith.constant 0 : i32
    %sign3A_157 = arith.cmpi sgt, %select_n3A, %sign3A : i32
    %sign3A_158 = arith.extui %sign3A_157 : i1 to i32
    %sign3A_159 = arith.constant 0 : i32
    %sign3A_160 = arith.cmpi slt, %select_n3A, %sign3A_159 : i32
    %sign3A_161 = arith.extui %sign3A_160 : i1 to i32
    %sign3A_162 = arith.subi %sign3A_158, %sign3A_161 : i32
    %sign3A_163 = arith.constant 0 : i32
    %sign3A_164 = arith.cmpi sgt, %jit3A_156, %sign3A_163 : i32
    %sign3A_165 = arith.extui %sign3A_164 : i1 to i32
    %sign3A_166 = arith.constant 0 : i32
    %sign3A_167 = arith.cmpi slt, %jit3A_156, %sign3A_166 : i32
    %sign3A_168 = arith.extui %sign3A_167 : i1 to i32
    %sign3A_169 = arith.subi %sign3A_165, %sign3A_168 : i32
    %ne3A = arith.cmpi ne, %sign3A_162, %sign3A_169 : i32
    %rem3A = arith.remsi %select_n3A, %jit3A_156 : i32
    %ne3A_170 = arith.constant 0 : i32
    %ne3A_171 = arith.cmpi ne, %rem3A, %ne3A_170 : i32
    %and3A = arith.andi %ne3A, %ne3A_171 : i1
    %sub3A = arith.constant 1 : i32
    %sub3A_172 = arith.subi %div3A, %sub3A : i32
    %select_n3A_173 = arith.select %and3A, %sub3A_172, %div3A : i32
    %while3A = arith.constant 0 : i32
    %while3A_174 = arith.constant 0 : i32
    %while3A_175 = arith.subi %select_n3A_173, %while3A : i32
    %while3A_176 = arith.addi %while3A, %while3A_175 : i32
    %while3A_177 = arith.constant 1 : i32
    %while3A_178 = arith.divsi %while3A_175, %while3A_177 : i32
    %while3A_179 = arith.muli %while3A_178, %while3A_177 : i32
    %while3A_180 = arith.addi %while3A, %while3A_179 : i32
    %while3A_181 = arith.constant 1 : i32
    %while3A_182 = scf.for %while3A_210 = %while3A to %while3A_180 step %while3A_181 iter_args(%while3A_211 = %while3A_174) -> (i32)  : i32 {
      %mul3A_212 = arith.constant 4 : i32
      %mul3A_213 = arith.muli %mul3A_212, %while3A_210 : i32
      %add3A_214 = arith.constant 0 : i32
      %add3A_215 = arith.addi %mul3A_213, %add3A_214 : i32
      %add3A_216 = arith.constant 4 : i32
      %add3A_217 = arith.addi %add3A_215, %add3A_216 : i32
      %sub3A_218 = arith.constant 1 : i32
      %sub3A_219 = arith.subi %add3A_217, %sub3A_218 : i32
      %lt3A = arith.cmpi slt, %sub3A_219, %select_n3A : i32
      %convert_element_type3A = arith.extui %lt3A : i1 to i32
      %cond3A = arith.constant 0 : i32
      %cond3A_220 = arith.cmpi ne, %convert_element_type3A, %cond3A : i32
      scf.if %cond3A_220 {
        %mul3A_568 = arith.constant 160 : i32
        %mul3A_569 = arith.muli %sub3A_219, %mul3A_568 : i32
        %add3A_570 = arith.constant 0 : i32
        %add3A_571 = arith.addi %mul3A_569, %add3A_570 : i32
        %dma_start3A_572 = arith.constant 3 : i32
        %dma_start3A_573 = arith.constant 0 : i32
        %dma_start3A_574 = arith.constant 0 : i32
        %dma_start3A_575 = tpu.memref_slice %arg6[%dma_start3A_572, %dma_start3A_573, %dma_start3A_574] : memref<4x160x128xf32, #tpu.memory_space<vmem>> -> memref<1x32x128xf32, #tpu.memory_space<vmem>>
        %dma_start3A_576 = tpu.memref_squeeze %dma_start3A_575 : memref<1x32x128xf32, #tpu.memory_space<vmem>> -> memref<32x128xf32, #tpu.memory_space<vmem>>
        %dma_start3A_577 = tpu.memref_slice %arg5[%add3A_571] : memref<16000xi32, #tpu.memory_space<vmem>> -> memref<32xi32, #tpu.memory_space<vmem>>
        %dma_start3A_578 = arith.constant 0 : i32
        %dma_start3A_579 = arith.constant 0 : i32
        %dma_start3A_580 = tpu.memref_slice %arg2[%dma_start3A_578, %dma_start3A_579] : memref<100000x128xf32, #tpu.memory_space<hbm>> -> memref<100000x128xf32, #tpu.memory_space<hbm>>
        tpu.enqueue_indirect_dma source(%dma_start3A_580 : memref<100000x128xf32, #tpu.memory_space<hbm>>) target(%dma_start3A_576 : memref<32x128xf32, #tpu.memory_space<vmem>>) offsets(%dma_start3A_577 : memref<32xi32, #tpu.memory_space<vmem>>) semaphore(%arg11 : memref<!tpu.dma_semaphore, #tpu.memory_space<semaphore_mem>>)
        %mul3A_581 = arith.constant 160 : i32
        %mul3A_582 = arith.muli %sub3A_219, %mul3A_581 : i32
        %add3A_583 = arith.constant 32 : i32
        %add3A_584 = arith.addi %mul3A_582, %add3A_583 : i32
        %dma_start3A_585 = arith.constant 3 : i32
        %dma_start3A_586 = arith.constant 32 : i32
        %dma_start3A_587 = arith.constant 0 : i32
        %dma_start3A_588 = tpu.memref_slice %arg6[%dma_start3A_585, %dma_start3A_586, %dma_start3A_587] : memref<4x160x128xf32, #tpu.memory_space<vmem>> -> memref<1x32x128xf32, #tpu.memory_space<vmem>>
        %dma_start3A_589 = tpu.memref_squeeze %dma_start3A_588 : memref<1x32x128xf32, #tpu.memory_space<vmem>> -> memref<32x128xf32, #tpu.memory_space<vmem>>
        %dma_start3A_590 = tpu.memref_slice %arg5[%add3A_584] : memref<16000xi32, #tpu.memory_space<vmem>> -> memref<32xi32, #tpu.memory_space<vmem>>
        %dma_start3A_591 = arith.constant 0 : i32
        %dma_start3A_592 = arith.constant 0 : i32
        %dma_start3A_593 = tpu.memref_slice %arg2[%dma_start3A_591, %dma_start3A_592] : memref<100000x128xf32, #tpu.memory_space<hbm>> -> memref<100000x128xf32, #tpu.memory_space<hbm>>
        tpu.enqueue_indirect_dma source(%dma_start3A_593 : memref<100000x128xf32, #tpu.memory_space<hbm>>) target(%dma_start3A_589 : memref<32x128xf32, #tpu.memory_space<vmem>>) offsets(%dma_start3A_590 : memref<32xi32, #tpu.memory_space<vmem>>) semaphore(%arg11 : memref<!tpu.dma_semaphore, #tpu.memory_space<semaphore_mem>>)
        %mul3A_594 = arith.constant 160 : i32
        %mul3A_595 = arith.muli %sub3A_219, %mul3A_594 : i32
        %add3A_596 = arith.constant 64 : i32
        %add3A_597 = arith.addi %mul3A_595, %add3A_596 : i32
        %dma_start3A_598 = arith.constant 3 : i32
        %dma_start3A_599 = arith.constant 64 : i32
        %dma_start3A_600 = arith.constant 0 : i32
        %dma_start3A_601 = tpu.memref_slice %arg6[%dma_start3A_598, %dma_start3A_599, %dma_start3A_600] : memref<4x160x128xf32, #tpu.memory_space<vmem>> -> memref<1x32x128xf32, #tpu.memory_space<vmem>>
        %dma_start3A_602 = tpu.memref_squeeze %dma_start3A_601 : memref<1x32x128xf32, #tpu.memory_space<vmem>> -> memref<32x128xf32, #tpu.memory_space<vmem>>
        %dma_start3A_603 = tpu.memref_slice %arg5[%add3A_597] : memref<16000xi32, #tpu.memory_space<vmem>> -> memref<32xi32, #tpu.memory_space<vmem>>
        %dma_start3A_604 = arith.constant 0 : i32
        %dma_start3A_605 = arith.constant 0 : i32
        %dma_start3A_606 = tpu.memref_slice %arg2[%dma_start3A_604, %dma_start3A_605] : memref<100000x128xf32, #tpu.memory_space<hbm>> -> memref<100000x128xf32, #tpu.memory_space<hbm>>
        tpu.enqueue_indirect_dma source(%dma_start3A_606 : memref<100000x128xf32, #tpu.memory_space<hbm>>) target(%dma_start3A_602 : memref<32x128xf32, #tpu.memory_space<vmem>>) offsets(%dma_start3A_603 : memref<32xi32, #tpu.memory_space<vmem>>) semaphore(%arg11 : memref<!tpu.dma_semaphore, #tpu.memory_space<semaphore_mem>>)
        %mul3A_607 = arith.constant 160 : i32
        %mul3A_608 = arith.muli %sub3A_219, %mul3A_607 : i32
        %add3A_609 = arith.constant 96 : i32
        %add3A_610 = arith.addi %mul3A_608, %add3A_609 : i32
        %dma_start3A_611 = arith.constant 3 : i32
        %dma_start3A_612 = arith.constant 96 : i32
        %dma_start3A_613 = arith.constant 0 : i32
        %dma_start3A_614 = tpu.memref_slice %arg6[%dma_start3A_611, %dma_start3A_612, %dma_start3A_613] : memref<4x160x128xf32, #tpu.memory_space<vmem>> -> memref<1x32x128xf32, #tpu.memory_space<vmem>>
        %dma_start3A_615 = tpu.memref_squeeze %dma_start3A_614 : memref<1x32x128xf32, #tpu.memory_space<vmem>> -> memref<32x128xf32, #tpu.memory_space<vmem>>
        %dma_start3A_616 = tpu.memref_slice %arg5[%add3A_610] : memref<16000xi32, #tpu.memory_space<vmem>> -> memref<32xi32, #tpu.memory_space<vmem>>
        %dma_start3A_617 = arith.constant 0 : i32
        %dma_start3A_618 = arith.constant 0 : i32
        %dma_start3A_619 = tpu.memref_slice %arg2[%dma_start3A_617, %dma_start3A_618] : memref<100000x128xf32, #tpu.memory_space<hbm>> -> memref<100000x128xf32, #tpu.memory_space<hbm>>
        tpu.enqueue_indirect_dma source(%dma_start3A_619 : memref<100000x128xf32, #tpu.memory_space<hbm>>) target(%dma_start3A_615 : memref<32x128xf32, #tpu.memory_space<vmem>>) offsets(%dma_start3A_616 : memref<32xi32, #tpu.memory_space<vmem>>) semaphore(%arg11 : memref<!tpu.dma_semaphore, #tpu.memory_space<semaphore_mem>>)
        %mul3A_620 = arith.constant 160 : i32
        %mul3A_621 = arith.muli %sub3A_219, %mul3A_620 : i32
        %add3A_622 = arith.constant 128 : i32
        %add3A_623 = arith.addi %mul3A_621, %add3A_622 : i32
        %dma_start3A_624 = arith.constant 3 : i32
        %dma_start3A_625 = arith.constant 128 : i32
        %dma_start3A_626 = arith.constant 0 : i32
        %dma_start3A_627 = tpu.memref_slice %arg6[%dma_start3A_624, %dma_start3A_625, %dma_start3A_626] : memref<4x160x128xf32, #tpu.memory_space<vmem>> -> memref<1x32x128xf32, #tpu.memory_space<vmem>>
        %dma_start3A_628 = tpu.memref_squeeze %dma_start3A_627 : memref<1x32x128xf32, #tpu.memory_space<vmem>> -> memref<32x128xf32, #tpu.memory_space<vmem>>
        %dma_start3A_629 = tpu.memref_slice %arg5[%add3A_623] : memref<16000xi32, #tpu.memory_space<vmem>> -> memref<32xi32, #tpu.memory_space<vmem>>
        %dma_start3A_630 = arith.constant 0 : i32
        %dma_start3A_631 = arith.constant 0 : i32
        %dma_start3A_632 = tpu.memref_slice %arg2[%dma_start3A_630, %dma_start3A_631] : memref<100000x128xf32, #tpu.memory_space<hbm>> -> memref<100000x128xf32, #tpu.memory_space<hbm>>
        tpu.enqueue_indirect_dma source(%dma_start3A_632 : memref<100000x128xf32, #tpu.memory_space<hbm>>) target(%dma_start3A_628 : memref<32x128xf32, #tpu.memory_space<vmem>>) offsets(%dma_start3A_629 : memref<32xi32, #tpu.memory_space<vmem>>) semaphore(%arg11 : memref<!tpu.dma_semaphore, #tpu.memory_space<semaphore_mem>>)
      } else {
      }
      %dma_wait3A_221 = arith.constant 0 : i32
      %dma_wait3A_222 = arith.constant 0 : i32
      %dma_wait3A_223 = arith.constant 0 : i32
      %dma_wait3A_224 = tpu.memref_slice %arg6[%dma_wait3A_221, %dma_wait3A_222, %dma_wait3A_223] : memref<4x160x128xf32, #tpu.memory_space<vmem>> -> memref<1x32x128xf32, #tpu.memory_space<vmem>>
      %dma_wait3A_225 = tpu.memref_squeeze %dma_wait3A_224 : memref<1x32x128xf32, #tpu.memory_space<vmem>> -> memref<32x128xf32, #tpu.memory_space<vmem>>
      %dma_wait3A_226 = arith.constant 0 : i32
      %dma_wait3A_227 = tpu.memref_slice %arg5[%dma_wait3A_226] : memref<16000xi32, #tpu.memory_space<vmem>> -> memref<32xi32, #tpu.memory_space<vmem>>
      %dma_wait3A_228 = arith.constant 0 : i32
      %dma_wait3A_229 = arith.constant 0 : i32
      %dma_wait3A_230 = tpu.memref_slice %arg2[%dma_wait3A_228, %dma_wait3A_229] : memref<100000x128xf32, #tpu.memory_space<hbm>> -> memref<100000x128xf32, #tpu.memory_space<hbm>>
      tpu.wait_indirect_dma semaphore(%arg8 : memref<!tpu.dma_semaphore, #tpu.memory_space<semaphore_mem>>) src(%dma_wait3A_230 : memref<100000x128xf32, #tpu.memory_space<hbm>>) dst(%dma_wait3A_225 : memref<32x128xf32, #tpu.memory_space<vmem>>)
      %dma_wait3A_231 = arith.constant 0 : i32
      %dma_wait3A_232 = arith.constant 32 : i32
      %dma_wait3A_233 = arith.constant 0 : i32
      %dma_wait3A_234 = tpu.memref_slice %arg6[%dma_wait3A_231, %dma_wait3A_232, %dma_wait3A_233] : memref<4x160x128xf32, #tpu.memory_space<vmem>> -> memref<1x32x128xf32, #tpu.memory_space<vmem>>
      %dma_wait3A_235 = tpu.memref_squeeze %dma_wait3A_234 : memref<1x32x128xf32, #tpu.memory_space<vmem>> -> memref<32x128xf32, #tpu.memory_space<vmem>>
      %dma_wait3A_236 = arith.constant 32 : i32
      %dma_wait3A_237 = tpu.memref_slice %arg5[%dma_wait3A_236] : memref<16000xi32, #tpu.memory_space<vmem>> -> memref<32xi32, #tpu.memory_space<vmem>>
      %dma_wait3A_238 = arith.constant 0 : i32
      %dma_wait3A_239 = arith.constant 0 : i32
      %dma_wait3A_240 = tpu.memref_slice %arg2[%dma_wait3A_238, %dma_wait3A_239] : memref<100000x128xf32, #tpu.memory_space<hbm>> -> memref<100000x128xf32, #tpu.memory_space<hbm>>
      tpu.wait_indirect_dma semaphore(%arg8 : memref<!tpu.dma_semaphore, #tpu.memory_space<semaphore_mem>>) src(%dma_wait3A_240 : memref<100000x128xf32, #tpu.memory_space<hbm>>) dst(%dma_wait3A_235 : memref<32x128xf32, #tpu.memory_space<vmem>>)
      %dma_wait3A_241 = arith.constant 0 : i32
      %dma_wait3A_242 = arith.constant 64 : i32
      %dma_wait3A_243 = arith.constant 0 : i32
      %dma_wait3A_244 = tpu.memref_slice %arg6[%dma_wait3A_241, %dma_wait3A_242, %dma_wait3A_243] : memref<4x160x128xf32, #tpu.memory_space<vmem>> -> memref<1x32x128xf32, #tpu.memory_space<vmem>>
      %dma_wait3A_245 = tpu.memref_squeeze %dma_wait3A_244 : memref<1x32x128xf32, #tpu.memory_space<vmem>> -> memref<32x128xf32, #tpu.memory_space<vmem>>
      %dma_wait3A_246 = arith.constant 64 : i32
      %dma_wait3A_247 = tpu.memref_slice %arg5[%dma_wait3A_246] : memref<16000xi32, #tpu.memory_space<vmem>> -> memref<32xi32, #tpu.memory_space<vmem>>
      %dma_wait3A_248 = arith.constant 0 : i32
      %dma_wait3A_249 = arith.constant 0 : i32
      %dma_wait3A_250 = tpu.memref_slice %arg2[%dma_wait3A_248, %dma_wait3A_249] : memref<100000x128xf32, #tpu.memory_space<hbm>> -> memref<100000x128xf32, #tpu.memory_space<hbm>>
      tpu.wait_indirect_dma semaphore(%arg8 : memref<!tpu.dma_semaphore, #tpu.memory_space<semaphore_mem>>) src(%dma_wait3A_250 : memref<100000x128xf32, #tpu.memory_space<hbm>>) dst(%dma_wait3A_245 : memref<32x128xf32, #tpu.memory_space<vmem>>)
      %dma_wait3A_251 = arith.constant 0 : i32
      %dma_wait3A_252 = arith.constant 96 : i32
      %dma_wait3A_253 = arith.constant 0 : i32
      %dma_wait3A_254 = tpu.memref_slice %arg6[%dma_wait3A_251, %dma_wait3A_252, %dma_wait3A_253] : memref<4x160x128xf32, #tpu.memory_space<vmem>> -> memref<1x32x128xf32, #tpu.memory_space<vmem>>
      %dma_wait3A_255 = tpu.memref_squeeze %dma_wait3A_254 : memref<1x32x128xf32, #tpu.memory_space<vmem>> -> memref<32x128xf32, #tpu.memory_space<vmem>>
      %dma_wait3A_256 = arith.constant 96 : i32
      %dma_wait3A_257 = tpu.memref_slice %arg5[%dma_wait3A_256] : memref<16000xi32, #tpu.memory_space<vmem>> -> memref<32xi32, #tpu.memory_space<vmem>>
      %dma_wait3A_258 = arith.constant 0 : i32
      %dma_wait3A_259 = arith.constant 0 : i32
      %dma_wait3A_260 = tpu.memref_slice %arg2[%dma_wait3A_258, %dma_wait3A_259] : memref<100000x128xf32, #tpu.memory_space<hbm>> -> memref<100000x128xf32, #tpu.memory_space<hbm>>
      tpu.wait_indirect_dma semaphore(%arg8 : memref<!tpu.dma_semaphore, #tpu.memory_space<semaphore_mem>>) src(%dma_wait3A_260 : memref<100000x128xf32, #tpu.memory_space<hbm>>) dst(%dma_wait3A_255 : memref<32x128xf32, #tpu.memory_space<vmem>>)
      %dma_wait3A_261 = arith.constant 0 : i32
      %dma_wait3A_262 = arith.constant 128 : i32
      %dma_wait3A_263 = arith.constant 0 : i32
      %dma_wait3A_264 = tpu.memref_slice %arg6[%dma_wait3A_261, %dma_wait3A_262, %dma_wait3A_263] : memref<4x160x128xf32, #tpu.memory_space<vmem>> -> memref<1x32x128xf32, #tpu.memory_space<vmem>>
      %dma_wait3A_265 = tpu.memref_squeeze %dma_wait3A_264 : memref<1x32x128xf32, #tpu.memory_space<vmem>> -> memref<32x128xf32, #tpu.memory_space<vmem>>
      %dma_wait3A_266 = arith.constant 128 : i32
      %dma_wait3A_267 = tpu.memref_slice %arg5[%dma_wait3A_266] : memref<16000xi32, #tpu.memory_space<vmem>> -> memref<32xi32, #tpu.memory_space<vmem>>
      %dma_wait3A_268 = arith.constant 0 : i32
      %dma_wait3A_269 = arith.constant 0 : i32
      %dma_wait3A_270 = tpu.memref_slice %arg2[%dma_wait3A_268, %dma_wait3A_269] : memref<100000x128xf32, #tpu.memory_space<hbm>> -> memref<100000x128xf32, #tpu.memory_space<hbm>>
      tpu.wait_indirect_dma semaphore(%arg8 : memref<!tpu.dma_semaphore, #tpu.memory_space<semaphore_mem>>) src(%dma_wait3A_270 : memref<100000x128xf32, #tpu.memory_space<hbm>>) dst(%dma_wait3A_265 : memref<32x128xf32, #tpu.memory_space<vmem>>)
      %ge3A = arith.constant 2 : i32
      %ge3A_271 = arith.cmpi sge, %add3A_215, %ge3A : i32
      %convert_element_type3A_272 = arith.extui %ge3A_271 : i1 to i32
      %cond3A_273 = arith.constant 0 : i32
      %cond3A_274 = arith.cmpi ne, %convert_element_type3A_272, %cond3A_273 : i32
      scf.if %cond3A_274 {
        %dma_wait3A_568 = arith.constant 0 : i32
        %dma_wait3A_569 = arith.constant 0 : i32
        %dma_wait3A_570 = arith.constant 0 : i32
        %dma_wait3A_571 = tpu.memref_slice %arg7[%dma_wait3A_568, %dma_wait3A_569, %dma_wait3A_570] : memref<2x32x128xf32, #tpu.memory_space<vmem>> -> memref<1x32x128xf32, #tpu.memory_space<vmem>>
        %dma_wait3A_572 = tpu.memref_squeeze %dma_wait3A_571 : memref<1x32x128xf32, #tpu.memory_space<vmem>> -> memref<32x128xf32, #tpu.memory_space<vmem>>
        %dma_wait3A_573 = arith.constant 0 : i32
        %dma_wait3A_574 = tpu.memref_slice %arg4[%add3A, %dma_wait3A_573] : memref<102400x128xf32, #tpu.memory_space<hbm>> -> memref<32x128xf32, #tpu.memory_space<hbm>>
        %dma_wait3A_575 = arith.constant 0 : i32
        %dma_wait3A_576 = tpu.memref_slice %arg4[%add3A, %dma_wait3A_575] : memref<102400x128xf32, #tpu.memory_space<hbm>> -> memref<32x128xf32, #tpu.memory_space<hbm>>
        %dma_wait3A_577 = arith.constant 0 : i32
        %dma_wait3A_578 = arith.constant 0 : i32
        %dma_wait3A_579 = tpu.memref_slice %arg7[%dma_wait3A_568, %dma_wait3A_577, %dma_wait3A_578] : memref<2x32x128xf32, #tpu.memory_space<vmem>> -> memref<1x32x128xf32, #tpu.memory_space<vmem>>
        %dma_wait3A_580 = tpu.memref_squeeze %dma_wait3A_579 : memref<1x32x128xf32, #tpu.memory_space<vmem>> -> memref<32x128xf32, #tpu.memory_space<vmem>>
        tpu.wait_dma2 semaphore(%arg12 : memref<!tpu.dma_semaphore, #tpu.memory_space<semaphore_mem>>) src(%dma_wait3A_580 : memref<32x128xf32, #tpu.memory_space<vmem>>) dst(%dma_wait3A_576 : memref<32x128xf32, #tpu.memory_space<hbm>>)
      } else {
      }
      %scan3A = arith.constant 0 : i32
      %scan3A_275 = arith.constant 0 : i32
      %scan3A_276 = arith.constant 32 : i32
      %scan3A_277 = arith.addi %scan3A_275, %scan3A_276 : i32
      %scan3A_278 = arith.constant 1 : i32
      %scan3A_279 = scf.for %scan3A_568 = %scan3A_275 to %scan3A_277 step %scan3A_278 iter_args(%scan3A_569 = %scan3A) -> (i32)  : i32 {
        %mul3A_570 = arith.constant 5 : i32
        %mul3A_571 = arith.muli %mul3A_570, %scan3A_568 : i32
        %get3A = arith.constant 0 : i32
        %get3A_572 = arith.index_cast %get3A : i32 to index
        %get3A_573 = arith.index_cast %mul3A_571 : i32 to index
        %get3A_574 = arith.constant 0 : index
        %get3A_575 = tpu.vector_load %arg6[%get3A_572, %get3A_573, %get3A_574] {strides = array<i32>} : memref<4x160x128xf32, #tpu.memory_space<vmem>>, vector<1x1x16xf32>,
        %get3A_576 = vector.shape_cast %get3A_575 : vector<1x1x16xf32> to vector<16xf32>
        %mul3A_577 = arith.constant 5 : i32
        %mul3A_578 = arith.muli %mul3A_577, %scan3A_568 : i32
        %add3A_579 = arith.constant 1 : i32
        %add3A_580 = arith.addi %mul3A_578, %add3A_579 : i32
        %get3A_581 = arith.constant 0 : i32
        %get3A_582 = arith.index_cast %get3A_581 : i32 to index
        %get3A_583 = arith.index_cast %add3A_580 : i32 to index
        %get3A_584 = arith.constant 0 : index
        %get3A_585 = tpu.vector_load %arg6[%get3A_582, %get3A_583, %get3A_584] {strides = array<i32>} : memref<4x160x128xf32, #tpu.memory_space<vmem>>, vector<1x1x16xf32>,
        %get3A_586 = vector.shape_cast %get3A_585 : vector<1x1x16xf32> to vector<16xf32>
        %add3A_587 = arith.addf %get3A_576, %get3A_586 : vector<16xf32>
        %mul3A_588 = arith.constant 5 : i32
        %mul3A_589 = arith.muli %mul3A_588, %scan3A_568 : i32
        %add3A_590 = arith.constant 2 : i32
        %add3A_591 = arith.addi %mul3A_589, %add3A_590 : i32
        %get3A_592 = arith.constant 0 : i32
        %get3A_593 = arith.index_cast %get3A_592 : i32 to index
        %get3A_594 = arith.index_cast %add3A_591 : i32 to index
        %get3A_595 = arith.constant 0 : index
        %get3A_596 = tpu.vector_load %arg6[%get3A_593, %get3A_594, %get3A_595] {strides = array<i32>} : memref<4x160x128xf32, #tpu.memory_space<vmem>>, vector<1x1x16xf32>,
        %get3A_597 = vector.shape_cast %get3A_596 : vector<1x1x16xf32> to vector<16xf32>
        %add3A_598 = arith.addf %add3A_587, %get3A_597 : vector<16xf32>
        %mul3A_599 = arith.constant 5 : i32
        %mul3A_600 = arith.muli %mul3A_599, %scan3A_568 : i32
        %add3A_601 = arith.constant 3 : i32
        %add3A_602 = arith.addi %mul3A_600, %add3A_601 : i32
        %get3A_603 = arith.constant 0 : i32
        %get3A_604 = arith.index_cast %get3A_603 : i32 to index
        %get3A_605 = arith.index_cast %add3A_602 : i32 to index
        %get3A_606 = arith.constant 0 : index
        %get3A_607 = tpu.vector_load %arg6[%get3A_604, %get3A_605, %get3A_606] {strides = array<i32>} : memref<4x160x128xf32, #tpu.memory_space<vmem>>, vector<1x1x16xf32>,
        %get3A_608 = vector.shape_cast %get3A_607 : vector<1x1x16xf32> to vector<16xf32>
        %add3A_609 = arith.addf %add3A_598, %get3A_608 : vector<16xf32>
        %mul3A_610 = arith.constant 5 : i32
        %mul3A_611 = arith.muli %mul3A_610, %scan3A_568 : i32
        %add3A_612 = arith.constant 4 : i32
        %add3A_613 = arith.addi %mul3A_611, %add3A_612 : i32
        %get3A_614 = arith.constant 0 : i32
        %get3A_615 = arith.index_cast %get3A_614 : i32 to index
        %get3A_616 = arith.index_cast %add3A_613 : i32 to index
        %get3A_617 = arith.constant 0 : index
        %get3A_618 = tpu.vector_load %arg6[%get3A_615, %get3A_616, %get3A_617] {strides = array<i32>} : memref<4x160x128xf32, #tpu.memory_space<vmem>>, vector<1x1x16xf32>,
        %get3A_619 = vector.shape_cast %get3A_618 : vector<1x1x16xf32> to vector<16xf32>
        %add3A_620 = arith.addf %add3A_609, %get3A_619 : vector<16xf32>
        %swap3A = arith.constant 0 : i32
        %swap3A_621 = arith.index_cast %swap3A : i32 to index
        %swap3A_622 = arith.index_cast %scan3A_568 : i32 to index
        %swap3A_623 = arith.constant 0 : index
        %swap3A_624 = tpu.vector_load %arg7[%swap3A_621, %swap3A_622, %swap3A_623] {strides = array<i32>} : memref<2x32x128xf32, #tpu.memory_space<vmem>>, vector<1x1x16xf32>,
        %swap3A_625 = vector.shape_cast %swap3A_624 : vector<1x1x16xf32> to vector<16xf32>
        %swap3A_626 = vector.shape_cast %add3A_620 : vector<16xf32> to vector<1x1x16xf32>
        tpu.vector_store %arg7[%swap3A_621, %swap3A_622, %swap3A_623], %swap3A_626 {strides = array<i32>} : memref<2x32x128xf32, #tpu.memory_space<vmem>>, vector<1x1x16xf32>,
        %mul3A_627 = arith.constant 5 : i32
        %mul3A_628 = arith.muli %mul3A_627, %scan3A_568 : i32
        %get3A_629 = arith.constant 0 : i32
        %get3A_630 = arith.index_cast %get3A_629 : i32 to index
        %get3A_631 = arith.index_cast %mul3A_628 : i32 to index
        %get3A_632 = arith.constant 16 : index
        %get3A_633 = tpu.vector_load %arg6[%get3A_630, %get3A_631, %get3A_632] {strides = array<i32>} : memref<4x160x128xf32, #tpu.memory_space<vmem>>, vector<1x1x16xf32>,
        %get3A_634 = vector.shape_cast %get3A_633 : vector<1x1x16xf32> to vector<16xf32>
        %mul3A_635 = arith.constant 5 : i32
        %mul3A_636 = arith.muli %mul3A_635, %scan3A_568 : i32
        %add3A_637 = arith.constant 1 : i32
        %add3A_638 = arith.addi %mul3A_636, %add3A_637 : i32
        %get3A_639 = arith.constant 0 : i32
        %get3A_640 = arith.index_cast %get3A_639 : i32 to index
        %get3A_641 = arith.index_cast %add3A_638 : i32 to index
        %get3A_642 = arith.constant 16 : index
        %get3A_643 = tpu.vector_load %arg6[%get3A_640, %get3A_641, %get3A_642] {strides = array<i32>} : memref<4x160x128xf32, #tpu.memory_space<vmem>>, vector<1x1x16xf32>,
        %get3A_644 = vector.shape_cast %get3A_643 : vector<1x1x16xf32> to vector<16xf32>
        %add3A_645 = arith.addf %get3A_634, %get3A_644 : vector<16xf32>
        %mul3A_646 = arith.constant 5 : i32
        %mul3A_647 = arith.muli %mul3A_646, %scan3A_568 : i32
        %add3A_648 = arith.constant 2 : i32
        %add3A_649 = arith.addi %mul3A_647, %add3A_648 : i32
        %get3A_650 = arith.constant 0 : i32
        %get3A_651 = arith.index_cast %get3A_650 : i32 to index
        %get3A_652 = arith.index_cast %add3A_649 : i32 to index
        %get3A_653 = arith.constant 16 : index
        %get3A_654 = tpu.vector_load %arg6[%get3A_651, %get3A_652, %get3A_653] {strides = array<i32>} : memref<4x160x128xf32, #tpu.memory_space<vmem>>, vector<1x1x16xf32>,
        %get3A_655 = vector.shape_cast %get3A_654 : vector<1x1x16xf32> to vector<16xf32>
        %add3A_656 = arith.addf %add3A_645, %get3A_655 : vector<16xf32>
        %mul3A_657 = arith.constant 5 : i32
        %mul3A_658 = arith.muli %mul3A_657, %scan3A_568 : i32
        %add3A_659 = arith.constant 3 : i32
        %add3A_660 = arith.addi %mul3A_658, %add3A_659 : i32
        %get3A_661 = arith.constant 0 : i32
        %get3A_662 = arith.index_cast %get3A_661 : i32 to index
        %get3A_663 = arith.index_cast %add3A_660 : i32 to index
        %get3A_664 = arith.constant 16 : index
        %get3A_665 = tpu.vector_load %arg6[%get3A_662, %get3A_663, %get3A_664] {strides = array<i32>} : memref<4x160x128xf32, #tpu.memory_space<vmem>>, vector<1x1x16xf32>,
        %get3A_666 = vector.shape_cast %get3A_665 : vector<1x1x16xf32> to vector<16xf32>
        %add3A_667 = arith.addf %add3A_656, %get3A_666 : vector<16xf32>
        %mul3A_668 = arith.constant 5 : i32
        %mul3A_669 = arith.muli %mul3A_668, %scan3A_568 : i32
        %add3A_670 = arith.constant 4 : i32
        %add3A_671 = arith.addi %mul3A_669, %add3A_670 : i32
        %get3A_672 = arith.constant 0 : i32
        %get3A_673 = arith.index_cast %get3A_672 : i32 to index
        %get3A_674 = arith.index_cast %add3A_671 : i32 to index
        %get3A_675 = arith.constant 16 : index
        %get3A_676 = tpu.vector_load %arg6[%get3A_673, %get3A_674, %get3A_675] {strides = array<i32>} : memref<4x160x128xf32, #tpu.memory_space<vmem>>, vector<1x1x16xf32>,
        %get3A_677 = vector.shape_cast %get3A_676 : vector<1x1x16xf32> to vector<16xf32>
        %add3A_678 = arith.addf %add3A_667, %get3A_677 : vector<16xf32>
        %swap3A_679 = arith.constant 0 : i32
        %swap3A_680 = arith.index_cast %swap3A_679 : i32 to index
        %swap3A_681 = arith.index_cast %scan3A_568 : i32 to index
        %swap3A_682 = arith.constant 16 : index
        %swap3A_683 = tpu.vector_load %arg7[%swap3A_680, %swap3A_681, %swap3A_682] {strides = array<i32>} : memref<2x32x128xf32, #tpu.memory_space<vmem>>, vector<1x1x16xf32>,
        %swap3A_684 = vector.shape_cast %swap3A_683 : vector<1x1x16xf32> to vector<16xf32>
        %swap3A_685 = vector.shape_cast %add3A_678 : vector<16xf32> to vector<1x1x16xf32>
        tpu.vector_store %arg7[%swap3A_680, %swap3A_681, %swap3A_682], %swap3A_685 {strides = array<i32>} : memref<2x32x128xf32, #tpu.memory_space<vmem>>, vector<1x1x16xf32>,
        %mul3A_686 = arith.constant 5 : i32
        %mul3A_687 = arith.muli %mul3A_686, %scan3A_568 : i32
        %get3A_688 = arith.constant 0 : i32
        %get3A_689 = arith.index_cast %get3A_688 : i32 to index
        %get3A_690 = arith.index_cast %mul3A_687 : i32 to index
        %get3A_691 = arith.constant 32 : index
        %get3A_692 = tpu.vector_load %arg6[%get3A_689, %get3A_690, %get3A_691] {strides = array<i32>} : memref<4x160x128xf32, #tpu.memory_space<vmem>>, vector<1x1x16xf32>,
        %get3A_693 = vector.shape_cast %get3A_692 : vector<1x1x16xf32> to vector<16xf32>
        %mul3A_694 = arith.constant 5 : i32
        %mul3A_695 = arith.muli %mul3A_694, %scan3A_568 : i32
        %add3A_696 = arith.constant 1 : i32
        %add3A_697 = arith.addi %mul3A_695, %add3A_696 : i32
        %get3A_698 = arith.constant 0 : i32
        %get3A_699 = arith.index_cast %get3A_698 : i32 to index
        %get3A_700 = arith.index_cast %add3A_697 : i32 to index
        %get3A_701 = arith.constant 32 : index
        %get3A_702 = tpu.vector_load %arg6[%get3A_699, %get3A_700, %get3A_701] {strides = array<i32>} : memref<4x160x128xf32, #tpu.memory_space<vmem>>, vector<1x1x16xf32>,
        %get3A_703 = vector.shape_cast %get3A_702 : vector<1x1x16xf32> to vector<16xf32>
        %add3A_704 = arith.addf %get3A_693, %get3A_703 : vector<16xf32>
        %mul3A_705 = arith.constant 5 : i32
        %mul3A_706 = arith.muli %mul3A_705, %scan3A_568 : i32
        %add3A_707 = arith.constant 2 : i32
        %add3A_708 = arith.addi %mul3A_706, %add3A_707 : i32
        %get3A_709 = arith.constant 0 : i32
        %get3A_710 = arith.index_cast %get3A_709 : i32 to index
        %get3A_711 = arith.index_cast %add3A_708 : i32 to index
        %get3A_712 = arith.constant 32 : index
        %get3A_713 = tpu.vector_load %arg6[%get3A_710, %get3A_711, %get3A_712] {strides = array<i32>} : memref<4x160x128xf32, #tpu.memory_space<vmem>>, vector<1x1x16xf32>,
        %get3A_714 = vector.shape_cast %get3A_713 : vector<1x1x16xf32> to vector<16xf32>
        %add3A_715 = arith.addf %add3A_704, %get3A_714 : vector<16xf32>
        %mul3A_716 = arith.constant 5 : i32
        %mul3A_717 = arith.muli %mul3A_716, %scan3A_568 : i32
        %add3A_718 = arith.constant 3 : i32
        %add3A_719 = arith.addi %mul3A_717, %add3A_718 : i32
        %get3A_720 = arith.constant 0 : i32
        %get3A_721 = arith.index_cast %get3A_720 : i32 to index
        %get3A_722 = arith.index_cast %add3A_719 : i32 to index
        %get3A_723 = arith.constant 32 : index
        %get3A_724 = tpu.vector_load %arg6[%get3A_721, %get3A_722, %get3A_723] {strides = array<i32>} : memref<4x160x128xf32, #tpu.memory_space<vmem>>, vector<1x1x16xf32>,
        %get3A_725 = vector.shape_cast %get3A_724 : vector<1x1x16xf32> to vector<16xf32>
        %add3A_726 = arith.addf %add3A_715, %get3A_725 : vector<16xf32>
        %mul3A_727 = arith.constant 5 : i32
        %mul3A_728 = arith.muli %mul3A_727, %scan3A_568 : i32
        %add3A_729 = arith.constant 4 : i32
        %add3A_730 = arith.addi %mul3A_728, %add3A_729 : i32
        %get3A_731 = arith.constant 0 : i32
        %get3A_732 = arith.index_cast %get3A_731 : i32 to index
        %get3A_733 = arith.index_cast %add3A_730 : i32 to index
        %get3A_734 = arith.constant 32 : index
        %get3A_735 = tpu.vector_load %arg6[%get3A_732, %get3A_733, %get3A_734] {strides = array<i32>} : memref<4x160x128xf32, #tpu.memory_space<vmem>>, vector<1x1x16xf32>,
        %get3A_736 = vector.shape_cast %get3A_735 : vector<1x1x16xf32> to vector<16xf32>
        %add3A_737 = arith.addf %add3A_726, %get3A_736 : vector<16xf32>
        %swap3A_738 = arith.constant 0 : i32
        %swap3A_739 = arith.index_cast %swap3A_738 : i32 to index
        %swap3A_740 = arith.index_cast %scan3A_568 : i32 to index
        %swap3A_741 = arith.constant 32 : index
        %swap3A_742 = tpu.vector_load %arg7[%swap3A_739, %swap3A_740, %swap3A_741] {strides = array<i32>} : memref<2x32x128xf32, #tpu.memory_space<vmem>>, vector<1x1x16xf32>,
        %swap3A_743 = vector.shape_cast %swap3A_742 : vector<1x1x16xf32> to vector<16xf32>
        %swap3A_744 = vector.shape_cast %add3A_737 : vector<16xf32> to vector<1x1x16xf32>
        tpu.vector_store %arg7[%swap3A_739, %swap3A_740, %swap3A_741], %swap3A_744 {strides = array<i32>} : memref<2x32x128xf32, #tpu.memory_space<vmem>>, vector<1x1x16xf32>,
        %mul3A_745 = arith.constant 5 : i32
        %mul3A_746 = arith.muli %mul3A_745, %scan3A_568 : i32
        %get3A_747 = arith.constant 0 : i32
        %get3A_748 = arith.index_cast %get3A_747 : i32 to index
        %get3A_749 = arith.index_cast %mul3A_746 : i32 to index
        %get3A_750 = arith.constant 48 : index
        %get3A_751 = tpu.vector_load %arg6[%get3A_748, %get3A_749, %get3A_750] {strides = array<i32>} : memref<4x160x128xf32, #tpu.memory_space<vmem>>, vector<1x1x16xf32>,
        %get3A_752 = vector.shape_cast %get3A_751 : vector<1x1x16xf32> to vector<16xf32>
        %mul3A_753 = arith.constant 5 : i32
        %mul3A_754 = arith.muli %mul3A_753, %scan3A_568 : i32
        %add3A_755 = arith.constant 1 : i32
        %add3A_756 = arith.addi %mul3A_754, %add3A_755 : i32
        %get3A_757 = arith.constant 0 : i32
        %get3A_758 = arith.index_cast %get3A_757 : i32 to index
        %get3A_759 = arith.index_cast %add3A_756 : i32 to index
        %get3A_760 = arith.constant 48 : index
        %get3A_761 = tpu.vector_load %arg6[%get3A_758, %get3A_759, %get3A_760] {strides = array<i32>} : memref<4x160x128xf32, #tpu.memory_space<vmem>>, vector<1x1x16xf32>,
        %get3A_762 = vector.shape_cast %get3A_761 : vector<1x1x16xf32> to vector<16xf32>
        %add3A_763 = arith.addf %get3A_752, %get3A_762 : vector<16xf32>
        %mul3A_764 = arith.constant 5 : i32
        %mul3A_765 = arith.muli %mul3A_764, %scan3A_568 : i32
        %add3A_766 = arith.constant 2 : i32
        %add3A_767 = arith.addi %mul3A_765, %add3A_766 : i32
        %get3A_768 = arith.constant 0 : i32
        %get3A_769 = arith.index_cast %get3A_768 : i32 to index
        %get3A_770 = arith.index_cast %add3A_767 : i32 to index
        %get3A_771 = arith.constant 48 : index
        %get3A_772 = tpu.vector_load %arg6[%get3A_769, %get3A_770, %get3A_771] {strides = array<i32>} : memref<4x160x128xf32, #tpu.memory_space<vmem>>, vector<1x1x16xf32>,
        %get3A_773 = vector.shape_cast %get3A_772 : vector<1x1x16xf32> to vector<16xf32>
        %add3A_774 = arith.addf %add3A_763, %get3A_773 : vector<16xf32>
        %mul3A_775 = arith.constant 5 : i32
        %mul3A_776 = arith.muli %mul3A_775, %scan3A_568 : i32
        %add3A_777 = arith.constant 3 : i32
        %add3A_778 = arith.addi %mul3A_776, %add3A_777 : i32
        %get3A_779 = arith.constant 0 : i32
        %get3A_780 = arith.index_cast %get3A_779 : i32 to index
        %get3A_781 = arith.index_cast %add3A_778 : i32 to index
        %get3A_782 = arith.constant 48 : index
        %get3A_783 = tpu.vector_load %arg6[%get3A_780, %get3A_781, %get3A_782] {strides = array<i32>} : memref<4x160x128xf32, #tpu.memory_space<vmem>>, vector<1x1x16xf32>,
        %get3A_784 = vector.shape_cast %get3A_783 : vector<1x1x16xf32> to vector<16xf32>
        %add3A_785 = arith.addf %add3A_774, %get3A_784 : vector<16xf32>
        %mul3A_786 = arith.constant 5 : i32
        %mul3A_787 = arith.muli %mul3A_786, %scan3A_568 : i32
        %add3A_788 = arith.constant 4 : i32
        %add3A_789 = arith.addi %mul3A_787, %add3A_788 : i32
        %get3A_790 = arith.constant 0 : i32
        %get3A_791 = arith.index_cast %get3A_790 : i32 to index
        %get3A_792 = arith.index_cast %add3A_789 : i32 to index
        %get3A_793 = arith.constant 48 : index
        %get3A_794 = tpu.vector_load %arg6[%get3A_791, %get3A_792, %get3A_793] {strides = array<i32>} : memref<4x160x128xf32, #tpu.memory_space<vmem>>, vector<1x1x16xf32>,
        %get3A_795 = vector.shape_cast %get3A_794 : vector<1x1x16xf32> to vector<16xf32>
        %add3A_796 = arith.addf %add3A_785, %get3A_795 : vector<16xf32>
        %swap3A_797 = arith.constant 0 : i32
        %swap3A_798 = arith.index_cast %swap3A_797 : i32 to index
        %swap3A_799 = arith.index_cast %scan3A_568 : i32 to index
        %swap3A_800 = arith.constant 48 : index
        %swap3A_801 = tpu.vector_load %arg7[%swap3A_798, %swap3A_799, %swap3A_800] {strides = array<i32>} : memref<2x32x128xf32, #tpu.memory_space<vmem>>, vector<1x1x16xf32>,
        %swap3A_802 = vector.shape_cast %swap3A_801 : vector<1x1x16xf32> to vector<16xf32>
        %swap3A_803 = vector.shape_cast %add3A_796 : vector<16xf32> to vector<1x1x16xf32>
        tpu.vector_store %arg7[%swap3A_798, %swap3A_799, %swap3A_800], %swap3A_803 {strides = array<i32>} : memref<2x32x128xf32, #tpu.memory_space<vmem>>, vector<1x1x16xf32>,
        %mul3A_804 = arith.constant 5 : i32
        %mul3A_805 = arith.muli %mul3A_804, %scan3A_568 : i32
        %get3A_806 = arith.constant 0 : i32
        %get3A_807 = arith.index_cast %get3A_806 : i32 to index
        %get3A_808 = arith.index_cast %mul3A_805 : i32 to index
        %get3A_809 = arith.constant 64 : index
        %get3A_810 = tpu.vector_load %arg6[%get3A_807, %get3A_808, %get3A_809] {strides = array<i32>} : memref<4x160x128xf32, #tpu.memory_space<vmem>>, vector<1x1x16xf32>,
        %get3A_811 = vector.shape_cast %get3A_810 : vector<1x1x16xf32> to vector<16xf32>
        %mul3A_812 = arith.constant 5 : i32
        %mul3A_813 = arith.muli %mul3A_812, %scan3A_568 : i32
        %add3A_814 = arith.constant 1 : i32
        %add3A_815 = arith.addi %mul3A_813, %add3A_814 : i32
        %get3A_816 = arith.constant 0 : i32
        %get3A_817 = arith.index_cast %get3A_816 : i32 to index
        %get3A_818 = arith.index_cast %add3A_815 : i32 to index
        %get3A_819 = arith.constant 64 : index
        %get3A_820 = tpu.vector_load %arg6[%get3A_817, %get3A_818, %get3A_819] {strides = array<i32>} : memref<4x160x128xf32, #tpu.memory_space<vmem>>, vector<1x1x16xf32>,
        %get3A_821 = vector.shape_cast %get3A_820 : vector<1x1x16xf32> to vector<16xf32>
        %add3A_822 = arith.addf %get3A_811, %get3A_821 : vector<16xf32>
        %mul3A_823 = arith.constant 5 : i32
        %mul3A_824 = arith.muli %mul3A_823, %scan3A_568 : i32
        %add3A_825 = arith.constant 2 : i32
        %add3A_826 = arith.addi %mul3A_824, %add3A_825 : i32
        %get3A_827 = arith.constant 0 : i32
        %get3A_828 = arith.index_cast %get3A_827 : i32 to index
        %get3A_829 = arith.index_cast %add3A_826 : i32 to index
        %get3A_830 = arith.constant 64 : index
        %get3A_831 = tpu.vector_load %arg6[%get3A_828, %get3A_829, %get3A_830] {strides = array<i32>} : memref<4x160x128xf32, #tpu.memory_space<vmem>>, vector<1x1x16xf32>,
        %get3A_832 = vector.shape_cast %get3A_831 : vector<1x1x16xf32> to vector<16xf32>
        %add3A_833 = arith.addf %add3A_822, %get3A_832 : vector<16xf32>
        %mul3A_834 = arith.constant 5 : i32
        %mul3A_835 = arith.muli %mul3A_834, %scan3A_568 : i32
        %add3A_836 = arith.constant 3 : i32
        %add3A_837 = arith.addi %mul3A_835, %add3A_836 : i32
        %get3A_838 = arith.constant 0 : i32
        %get3A_839 = arith.index_cast %get3A_838 : i32 to index
        %get3A_840 = arith.index_cast %add3A_837 : i32 to index
        %get3A_841 = arith.constant 64 : index
        %get3A_842 = tpu.vector_load %arg6[%get3A_839, %get3A_840, %get3A_841] {strides = array<i32>} : memref<4x160x128xf32, #tpu.memory_space<vmem>>, vector<1x1x16xf32>,
        %get3A_843 = vector.shape_cast %get3A_842 : vector<1x1x16xf32> to vector<16xf32>
        %add3A_844 = arith.addf %add3A_833, %get3A_843 : vector<16xf32>
        %mul3A_845 = arith.constant 5 : i32
        %mul3A_846 = arith.muli %mul3A_845, %scan3A_568 : i32
        %add3A_847 = arith.constant 4 : i32
        %add3A_848 = arith.addi %mul3A_846, %add3A_847 : i32
        %get3A_849 = arith.constant 0 : i32
        %get3A_850 = arith.index_cast %get3A_849 : i32 to index
        %get3A_851 = arith.index_cast %add3A_848 : i32 to index
        %get3A_852 = arith.constant 64 : index
        %get3A_853 = tpu.vector_load %arg6[%get3A_850, %get3A_851, %get3A_852] {strides = array<i32>} : memref<4x160x128xf32, #tpu.memory_space<vmem>>, vector<1x1x16xf32>,
        %get3A_854 = vector.shape_cast %get3A_853 : vector<1x1x16xf32> to vector<16xf32>
        %add3A_855 = arith.addf %add3A_844, %get3A_854 : vector<16xf32>
        %swap3A_856 = arith.constant 0 : i32
        %swap3A_857 = arith.index_cast %swap3A_856 : i32 to index
        %swap3A_858 = arith.index_cast %scan3A_568 : i32 to index
        %swap3A_859 = arith.constant 64 : index
        %swap3A_860 = tpu.vector_load %arg7[%swap3A_857, %swap3A_858, %swap3A_859] {strides = array<i32>} : memref<2x32x128xf32, #tpu.memory_space<vmem>>, vector<1x1x16xf32>,
        %swap3A_861 = vector.shape_cast %swap3A_860 : vector<1x1x16xf32> to vector<16xf32>
        %swap3A_862 = vector.shape_cast %add3A_855 : vector<16xf32> to vector<1x1x16xf32>
        tpu.vector_store %arg7[%swap3A_857, %swap3A_858, %swap3A_859], %swap3A_862 {strides = array<i32>} : memref<2x32x128xf32, #tpu.memory_space<vmem>>, vector<1x1x16xf32>,
        %mul3A_863 = arith.constant 5 : i32
        %mul3A_864 = arith.muli %mul3A_863, %scan3A_568 : i32
        %get3A_865 = arith.constant 0 : i32
        %get3A_866 = arith.index_cast %get3A_865 : i32 to index
        %get3A_867 = arith.index_cast %mul3A_864 : i32 to index
        %get3A_868 = arith.constant 80 : index
        %get3A_869 = tpu.vector_load %arg6[%get3A_866, %get3A_867, %get3A_868] {strides = array<i32>} : memref<4x160x128xf32, #tpu.memory_space<vmem>>, vector<1x1x16xf32>,
        %get3A_870 = vector.shape_cast %get3A_869 : vector<1x1x16xf32> to vector<16xf32>
        %mul3A_871 = arith.constant 5 : i32
        %mul3A_872 = arith.muli %mul3A_871, %scan3A_568 : i32
        %add3A_873 = arith.constant 1 : i32
        %add3A_874 = arith.addi %mul3A_872, %add3A_873 : i32
        %get3A_875 = arith.constant 0 : i32
        %get3A_876 = arith.index_cast %get3A_875 : i32 to index
        %get3A_877 = arith.index_cast %add3A_874 : i32 to index
        %get3A_878 = arith.constant 80 : index
        %get3A_879 = tpu.vector_load %arg6[%get3A_876, %get3A_877, %get3A_878] {strides = array<i32>} : memref<4x160x128xf32, #tpu.memory_space<vmem>>, vector<1x1x16xf32>,
        %get3A_880 = vector.shape_cast %get3A_879 : vector<1x1x16xf32> to vector<16xf32>
        %add3A_881 = arith.addf %get3A_870, %get3A_880 : vector<16xf32>
        %mul3A_882 = arith.constant 5 : i32
        %mul3A_883 = arith.muli %mul3A_882, %scan3A_568 : i32
        %add3A_884 = arith.constant 2 : i32
        %add3A_885 = arith.addi %mul3A_883, %add3A_884 : i32
        %get3A_886 = arith.constant 0 : i32
        %get3A_887 = arith.index_cast %get3A_886 : i32 to index
        %get3A_888 = arith.index_cast %add3A_885 : i32 to index
        %get3A_889 = arith.constant 80 : index
        %get3A_890 = tpu.vector_load %arg6[%get3A_887, %get3A_888, %get3A_889] {strides = array<i32>} : memref<4x160x128xf32, #tpu.memory_space<vmem>>, vector<1x1x16xf32>,
        %get3A_891 = vector.shape_cast %get3A_890 : vector<1x1x16xf32> to vector<16xf32>
        %add3A_892 = arith.addf %add3A_881, %get3A_891 : vector<16xf32>
        %mul3A_893 = arith.constant 5 : i32
        %mul3A_894 = arith.muli %mul3A_893, %scan3A_568 : i32
        %add3A_895 = arith.constant 3 : i32
        %add3A_896 = arith.addi %mul3A_894, %add3A_895 : i32
        %get3A_897 = arith.constant 0 : i32
        %get3A_898 = arith.index_cast %get3A_897 : i32 to index
        %get3A_899 = arith.index_cast %add3A_896 : i32 to index
        %get3A_900 = arith.constant 80 : index
        %get3A_901 = tpu.vector_load %arg6[%get3A_898, %get3A_899, %get3A_900] {strides = array<i32>} : memref<4x160x128xf32, #tpu.memory_space<vmem>>, vector<1x1x16xf32>,
        %get3A_902 = vector.shape_cast %get3A_901 : vector<1x1x16xf32> to vector<16xf32>
        %add3A_903 = arith.addf %add3A_892, %get3A_902 : vector<16xf32>
        %mul3A_904 = arith.constant 5 : i32
        %mul3A_905 = arith.muli %mul3A_904, %scan3A_568 : i32
        %add3A_906 = arith.constant 4 : i32
        %add3A_907 = arith.addi %mul3A_905, %add3A_906 : i32
        %get3A_908 = arith.constant 0 : i32
        %get3A_909 = arith.index_cast %get3A_908 : i32 to index
        %get3A_910 = arith.index_cast %add3A_907 : i32 to index
        %get3A_911 = arith.constant 80 : index
        %get3A_912 = tpu.vector_load %arg6[%get3A_909, %get3A_910, %get3A_911] {strides = array<i32>} : memref<4x160x128xf32, #tpu.memory_space<vmem>>, vector<1x1x16xf32>,
        %get3A_913 = vector.shape_cast %get3A_912 : vector<1x1x16xf32> to vector<16xf32>
        %add3A_914 = arith.addf %add3A_903, %get3A_913 : vector<16xf32>
        %swap3A_915 = arith.constant 0 : i32
        %swap3A_916 = arith.index_cast %swap3A_915 : i32 to index
        %swap3A_917 = arith.index_cast %scan3A_568 : i32 to index
        %swap3A_918 = arith.constant 80 : index
        %swap3A_919 = tpu.vector_load %arg7[%swap3A_916, %swap3A_917, %swap3A_918] {strides = array<i32>} : memref<2x32x128xf32, #tpu.memory_space<vmem>>, vector<1x1x16xf32>,
        %swap3A_920 = vector.shape_cast %swap3A_919 : vector<1x1x16xf32> to vector<16xf32>
        %swap3A_921 = vector.shape_cast %add3A_914 : vector<16xf32> to vector<1x1x16xf32>
        tpu.vector_store %arg7[%swap3A_916, %swap3A_917, %swap3A_918], %swap3A_921 {strides = array<i32>} : memref<2x32x128xf32, #tpu.memory_space<vmem>>, vector<1x1x16xf32>,
        %mul3A_922 = arith.constant 5 : i32
        %mul3A_923 = arith.muli %mul3A_922, %scan3A_568 : i32
        %get3A_924 = arith.constant 0 : i32
        %get3A_925 = arith.index_cast %get3A_924 : i32 to index
        %get3A_926 = arith.index_cast %mul3A_923 : i32 to index
        %get3A_927 = arith.constant 96 : index
        %get3A_928 = tpu.vector_load %arg6[%get3A_925, %get3A_926, %get3A_927] {strides = array<i32>} : memref<4x160x128xf32, #tpu.memory_space<vmem>>, vector<1x1x16xf32>,
        %get3A_929 = vector.shape_cast %get3A_928 : vector<1x1x16xf32> to vector<16xf32>
        %mul3A_930 = arith.constant 5 : i32
        %mul3A_931 = arith.muli %mul3A_930, %scan3A_568 : i32
        %add3A_932 = arith.constant 1 : i32
        %add3A_933 = arith.addi %mul3A_931, %add3A_932 : i32
        %get3A_934 = arith.constant 0 : i32
        %get3A_935 = arith.index_cast %get3A_934 : i32 to index
        %get3A_936 = arith.index_cast %add3A_933 : i32 to index
        %get3A_937 = arith.constant 96 : index
        %get3A_938 = tpu.vector_load %arg6[%get3A_935, %get3A_936, %get3A_937] {strides = array<i32>} : memref<4x160x128xf32, #tpu.memory_space<vmem>>, vector<1x1x16xf32>,
        %get3A_939 = vector.shape_cast %get3A_938 : vector<1x1x16xf32> to vector<16xf32>
        %add3A_940 = arith.addf %get3A_929, %get3A_939 : vector<16xf32>
        %mul3A_941 = arith.constant 5 : i32
        %mul3A_942 = arith.muli %mul3A_941, %scan3A_568 : i32
        %add3A_943 = arith.constant 2 : i32
        %add3A_944 = arith.addi %mul3A_942, %add3A_943 : i32
        %get3A_945 = arith.constant 0 : i32
        %get3A_946 = arith.index_cast %get3A_945 : i32 to index
        %get3A_947 = arith.index_cast %add3A_944 : i32 to index
        %get3A_948 = arith.constant 96 : index
        %get3A_949 = tpu.vector_load %arg6[%get3A_946, %get3A_947, %get3A_948] {strides = array<i32>} : memref<4x160x128xf32, #tpu.memory_space<vmem>>, vector<1x1x16xf32>,
        %get3A_950 = vector.shape_cast %get3A_949 : vector<1x1x16xf32> to vector<16xf32>
        %add3A_951 = arith.addf %add3A_940, %get3A_950 : vector<16xf32>
        %mul3A_952 = arith.constant 5 : i32
        %mul3A_953 = arith.muli %mul3A_952, %scan3A_568 : i32
        %add3A_954 = arith.constant 3 : i32
        %add3A_955 = arith.addi %mul3A_953, %add3A_954 : i32
        %get3A_956 = arith.constant 0 : i32
        %get3A_957 = arith.index_cast %get3A_956 : i32 to index
        %get3A_958 = arith.index_cast %add3A_955 : i32 to index
        %get3A_959 = arith.constant 96 : index
        %get3A_960 = tpu.vector_load %arg6[%get3A_957, %get3A_958, %get3A_959] {strides = array<i32>} : memref<4x160x128xf32, #tpu.memory_space<vmem>>, vector<1x1x16xf32>,
        %get3A_961 = vector.shape_cast %get3A_960 : vector<1x1x16xf32> to vector<16xf32>
        %add3A_962 = arith.addf %add3A_951, %get3A_961 : vector<16xf32>
        %mul3A_963 = arith.constant 5 : i32
        %mul3A_964 = arith.muli %mul3A_963, %scan3A_568 : i32
        %add3A_965 = arith.constant 4 : i32
        %add3A_966 = arith.addi %mul3A_964, %add3A_965 : i32
        %get3A_967 = arith.constant 0 : i32
        %get3A_968 = arith.index_cast %get3A_967 : i32 to index
        %get3A_969 = arith.index_cast %add3A_966 : i32 to index
        %get3A_970 = arith.constant 96 : index
        %get3A_971 = tpu.vector_load %arg6[%get3A_968, %get3A_969, %get3A_970] {strides = array<i32>} : memref<4x160x128xf32, #tpu.memory_space<vmem>>, vector<1x1x16xf32>,
        %get3A_972 = vector.shape_cast %get3A_971 : vector<1x1x16xf32> to vector<16xf32>
        %add3A_973 = arith.addf %add3A_962, %get3A_972 : vector<16xf32>
        %swap3A_974 = arith.constant 0 : i32
        %swap3A_975 = arith.index_cast %swap3A_974 : i32 to index
        %swap3A_976 = arith.index_cast %scan3A_568 : i32 to index
        %swap3A_977 = arith.constant 96 : index
        %swap3A_978 = tpu.vector_load %arg7[%swap3A_975, %swap3A_976, %swap3A_977] {strides = array<i32>} : memref<2x32x128xf32, #tpu.memory_space<vmem>>, vector<1x1x16xf32>,
        %swap3A_979 = vector.shape_cast %swap3A_978 : vector<1x1x16xf32> to vector<16xf32>
        %swap3A_980 = vector.shape_cast %add3A_973 : vector<16xf32> to vector<1x1x16xf32>
        tpu.vector_store %arg7[%swap3A_975, %swap3A_976, %swap3A_977], %swap3A_980 {strides = array<i32>} : memref<2x32x128xf32, #tpu.memory_space<vmem>>, vector<1x1x16xf32>,
        %mul3A_981 = arith.constant 5 : i32
        %mul3A_982 = arith.muli %mul3A_981, %scan3A_568 : i32
        %get3A_983 = arith.constant 0 : i32
        %get3A_984 = arith.index_cast %get3A_983 : i32 to index
        %get3A_985 = arith.index_cast %mul3A_982 : i32 to index
        %get3A_986 = arith.constant 112 : index
        %get3A_987 = tpu.vector_load %arg6[%get3A_984, %get3A_985, %get3A_986] {strides = array<i32>} : memref<4x160x128xf32, #tpu.memory_space<vmem>>, vector<1x1x16xf32>,
        %get3A_988 = vector.shape_cast %get3A_987 : vector<1x1x16xf32> to vector<16xf32>
        %mul3A_989 = arith.constant 5 : i32
        %mul3A_990 = arith.muli %mul3A_989, %scan3A_568 : i32
        %add3A_991 = arith.constant 1 : i32
        %add3A_992 = arith.addi %mul3A_990, %add3A_991 : i32
        %get3A_993 = arith.constant 0 : i32
        %get3A_994 = arith.index_cast %get3A_993 : i32 to index
        %get3A_995 = arith.index_cast %add3A_992 : i32 to index
        %get3A_996 = arith.constant 112 : index
        %get3A_997 = tpu.vector_load %arg6[%get3A_994, %get3A_995, %get3A_996] {strides = array<i32>} : memref<4x160x128xf32, #tpu.memory_space<vmem>>, vector<1x1x16xf32>,
        %get3A_998 = vector.shape_cast %get3A_997 : vector<1x1x16xf32> to vector<16xf32>
        %add3A_999 = arith.addf %get3A_988, %get3A_998 : vector<16xf32>
        %mul3A_1000 = arith.constant 5 : i32
        %mul3A_1001 = arith.muli %mul3A_1000, %scan3A_568 : i32
        %add3A_1002 = arith.constant 2 : i32
        %add3A_1003 = arith.addi %mul3A_1001, %add3A_1002 : i32
        %get3A_1004 = arith.constant 0 : i32
        %get3A_1005 = arith.index_cast %get3A_1004 : i32 to index
        %get3A_1006 = arith.index_cast %add3A_1003 : i32 to index
        %get3A_1007 = arith.constant 112 : index
        %get3A_1008 = tpu.vector_load %arg6[%get3A_1005, %get3A_1006, %get3A_1007] {strides = array<i32>} : memref<4x160x128xf32, #tpu.memory_space<vmem>>, vector<1x1x16xf32>,
        %get3A_1009 = vector.shape_cast %get3A_1008 : vector<1x1x16xf32> to vector<16xf32>
        %add3A_1010 = arith.addf %add3A_999, %get3A_1009 : vector<16xf32>
        %mul3A_1011 = arith.constant 5 : i32
        %mul3A_1012 = arith.muli %mul3A_1011, %scan3A_568 : i32
        %add3A_1013 = arith.constant 3 : i32
        %add3A_1014 = arith.addi %mul3A_1012, %add3A_1013 : i32
        %get3A_1015 = arith.constant 0 : i32
        %get3A_1016 = arith.index_cast %get3A_1015 : i32 to index
        %get3A_1017 = arith.index_cast %add3A_1014 : i32 to index
        %get3A_1018 = arith.constant 112 : index
        %get3A_1019 = tpu.vector_load %arg6[%get3A_1016, %get3A_1017, %get3A_1018] {strides = array<i32>} : memref<4x160x128xf32, #tpu.memory_space<vmem>>, vector<1x1x16xf32>,
        %get3A_1020 = vector.shape_cast %get3A_1019 : vector<1x1x16xf32> to vector<16xf32>
        %add3A_1021 = arith.addf %add3A_1010, %get3A_1020 : vector<16xf32>
        %mul3A_1022 = arith.constant 5 : i32
        %mul3A_1023 = arith.muli %mul3A_1022, %scan3A_568 : i32
        %add3A_1024 = arith.constant 4 : i32
        %add3A_1025 = arith.addi %mul3A_1023, %add3A_1024 : i32
        %get3A_1026 = arith.constant 0 : i32
        %get3A_1027 = arith.index_cast %get3A_1026 : i32 to index
        %get3A_1028 = arith.index_cast %add3A_1025 : i32 to index
        %get3A_1029 = arith.constant 112 : index
        %get3A_1030 = tpu.vector_load %arg6[%get3A_1027, %get3A_1028, %get3A_1029] {strides = array<i32>} : memref<4x160x128xf32, #tpu.memory_space<vmem>>, vector<1x1x16xf32>,
        %get3A_1031 = vector.shape_cast %get3A_1030 : vector<1x1x16xf32> to vector<16xf32>
        %add3A_1032 = arith.addf %add3A_1021, %get3A_1031 : vector<16xf32>
        %swap3A_1033 = arith.constant 0 : i32
        %swap3A_1034 = arith.index_cast %swap3A_1033 : i32 to index
        %swap3A_1035 = arith.index_cast %scan3A_568 : i32 to index
        %swap3A_1036 = arith.constant 112 : index
        %swap3A_1037 = tpu.vector_load %arg7[%swap3A_1034, %swap3A_1035, %swap3A_1036] {strides = array<i32>} : memref<2x32x128xf32, #tpu.memory_space<vmem>>, vector<1x1x16xf32>,
        %swap3A_1038 = vector.shape_cast %swap3A_1037 : vector<1x1x16xf32> to vector<16xf32>
        %swap3A_1039 = vector.shape_cast %add3A_1032 : vector<16xf32> to vector<1x1x16xf32>
        tpu.vector_store %arg7[%swap3A_1034, %swap3A_1035, %swap3A_1036], %swap3A_1039 {strides = array<i32>} : memref<2x32x128xf32, #tpu.memory_space<vmem>>, vector<1x1x16xf32>,
        %scan3A_1040 = arith.constant 0 : i32
        scf.yield %scan3A_1040 : i32
      }
      %scan3A_280 = arith.constant 32 : i32
      %mul3A_281 = arith.constant 32 : i32
      %mul3A_282 = arith.muli %add3A_215, %mul3A_281 : i32
      %add3A_283 = arith.addi %add3A, %mul3A_282 : i32
      %dma_start3A_284 = arith.constant 0 : i32
      %dma_start3A_285 = arith.constant 0 : i32
      %dma_start3A_286 = arith.constant 0 : i32
      %dma_start3A_287 = tpu.memref_slice %arg7[%dma_start3A_284, %dma_start3A_285, %dma_start3A_286] : memref<2x32x128xf32, #tpu.memory_space<vmem>> -> memref<1x32x128xf32, #tpu.memory_space<vmem>>
      %dma_start3A_288 = tpu.memref_squeeze %dma_start3A_287 : memref<1x32x128xf32, #tpu.memory_space<vmem>> -> memref<32x128xf32, #tpu.memory_space<vmem>>
      %dma_start3A_289 = arith.constant 0 : i32
      %dma_start3A_290 = tpu.memref_slice %arg4[%add3A_283, %dma_start3A_289] : memref<102400x128xf32, #tpu.memory_space<hbm>> -> memref<32x128xf32, #tpu.memory_space<hbm>>
      %dma_start3A_291 = arith.constant 0 : i32
      %dma_start3A_292 = tpu.memref_slice %arg4[%add3A_283, %dma_start3A_291] : memref<102400x128xf32, #tpu.memory_space<hbm>> -> memref<32x128xf32, #tpu.memory_space<hbm>>
      %dma_start3A_293 = arith.constant 0 : i32
      %dma_start3A_294 = arith.constant 0 : i32
      %dma_start3A_295 = tpu.memref_slice %arg7[%dma_start3A_284, %dma_start3A_293, %dma_start3A_294] : memref<2x32x128xf32, #tpu.memory_space<vmem>> -> memref<1x32x128xf32, #tpu.memory_space<vmem>>
      %dma_start3A_296 = tpu.memref_squeeze %dma_start3A_295 : memref<1x32x128xf32, #tpu.memory_space<vmem>> -> memref<32x128xf32, #tpu.memory_space<vmem>>
      tpu.enqueue_dma source(%dma_start3A_296 : memref<32x128xf32, #tpu.memory_space<vmem>>) target(%dma_start3A_292 : memref<32x128xf32, #tpu.memory_space<hbm>>) target_semaphore(%arg12 : memref<!tpu.dma_semaphore, #tpu.memory_space<semaphore_mem>>)
      %mul3A_297 = arith.constant 4 : i32
      %mul3A_298 = arith.muli %mul3A_297, %while3A_210 : i32
      %add3A_299 = arith.constant 1 : i32
      %add3A_300 = arith.addi %mul3A_298, %add3A_299 : i32
      %add3A_301 = arith.constant 4 : i32
      %add3A_302 = arith.addi %add3A_300, %add3A_301 : i32
      %sub3A_303 = arith.constant 1 : i32
      %sub3A_304 = arith.subi %add3A_302, %sub3A_303 : i32
      %lt3A_305 = arith.cmpi slt, %sub3A_304, %select_n3A : i32
      %convert_element_type3A_306 = arith.extui %lt3A_305 : i1 to i32
      %cond3A_307 = arith.constant 0 : i32
      %cond3A_308 = arith.cmpi ne, %convert_element_type3A_306, %cond3A_307 : i32
      scf.if %cond3A_308 {
        %mul3A_568 = arith.constant 160 : i32
        %mul3A_569 = arith.muli %sub3A_304, %mul3A_568 : i32
        %add3A_570 = arith.constant 0 : i32
        %add3A_571 = arith.addi %mul3A_569, %add3A_570 : i32
        %dma_start3A_572 = arith.constant 0 : i32
        %dma_start3A_573 = arith.constant 0 : i32
        %dma_start3A_574 = arith.constant 0 : i32
        %dma_start3A_575 = tpu.memref_slice %arg6[%dma_start3A_572, %dma_start3A_573, %dma_start3A_574] : memref<4x160x128xf32, #tpu.memory_space<vmem>> -> memref<1x32x128xf32, #tpu.memory_space<vmem>>
        %dma_start3A_576 = tpu.memref_squeeze %dma_start3A_575 : memref<1x32x128xf32, #tpu.memory_space<vmem>> -> memref<32x128xf32, #tpu.memory_space<vmem>>
        %dma_start3A_577 = tpu.memref_slice %arg5[%add3A_571] : memref<16000xi32, #tpu.memory_space<vmem>> -> memref<32xi32, #tpu.memory_space<vmem>>
        %dma_start3A_578 = arith.constant 0 : i32
        %dma_start3A_579 = arith.constant 0 : i32
        %dma_start3A_580 = tpu.memref_slice %arg2[%dma_start3A_578, %dma_start3A_579] : memref<100000x128xf32, #tpu.memory_space<hbm>> -> memref<100000x128xf32, #tpu.memory_space<hbm>>
        tpu.enqueue_indirect_dma source(%dma_start3A_580 : memref<100000x128xf32, #tpu.memory_space<hbm>>) target(%dma_start3A_576 : memref<32x128xf32, #tpu.memory_space<vmem>>) offsets(%dma_start3A_577 : memref<32xi32, #tpu.memory_space<vmem>>) semaphore(%arg8 : memref<!tpu.dma_semaphore, #tpu.memory_space<semaphore_mem>>)
        %mul3A_581 = arith.constant 160 : i32
        %mul3A_582 = arith.muli %sub3A_304, %mul3A_581 : i32
        %add3A_583 = arith.constant 32 : i32
        %add3A_584 = arith.addi %mul3A_582, %add3A_583 : i32
        %dma_start3A_585 = arith.constant 0 : i32
        %dma_start3A_586 = arith.constant 32 : i32
        %dma_start3A_587 = arith.constant 0 : i32
        %dma_start3A_588 = tpu.memref_slice %arg6[%dma_start3A_585, %dma_start3A_586, %dma_start3A_587] : memref<4x160x128xf32, #tpu.memory_space<vmem>> -> memref<1x32x128xf32, #tpu.memory_space<vmem>>
        %dma_start3A_589 = tpu.memref_squeeze %dma_start3A_588 : memref<1x32x128xf32, #tpu.memory_space<vmem>> -> memref<32x128xf32, #tpu.memory_space<vmem>>
        %dma_start3A_590 = tpu.memref_slice %arg5[%add3A_584] : memref<16000xi32, #tpu.memory_space<vmem>> -> memref<32xi32, #tpu.memory_space<vmem>>
        %dma_start3A_591 = arith.constant 0 : i32
        %dma_start3A_592 = arith.constant 0 : i32
        %dma_start3A_593 = tpu.memref_slice %arg2[%dma_start3A_591, %dma_start3A_592] : memref<100000x128xf32, #tpu.memory_space<hbm>> -> memref<100000x128xf32, #tpu.memory_space<hbm>>
        tpu.enqueue_indirect_dma source(%dma_start3A_593 : memref<100000x128xf32, #tpu.memory_space<hbm>>) target(%dma_start3A_589 : memref<32x128xf32, #tpu.memory_space<vmem>>) offsets(%dma_start3A_590 : memref<32xi32, #tpu.memory_space<vmem>>) semaphore(%arg8 : memref<!tpu.dma_semaphore, #tpu.memory_space<semaphore_mem>>)
        %mul3A_594 = arith.constant 160 : i32
        %mul3A_595 = arith.muli %sub3A_304, %mul3A_594 : i32
        %add3A_596 = arith.constant 64 : i32
        %add3A_597 = arith.addi %mul3A_595, %add3A_596 : i32
        %dma_start3A_598 = arith.constant 0 : i32
        %dma_start3A_599 = arith.constant 64 : i32
        %dma_start3A_600 = arith.constant 0 : i32
        %dma_start3A_601 = tpu.memref_slice %arg6[%dma_start3A_598, %dma_start3A_599, %dma_start3A_600] : memref<4x160x128xf32, #tpu.memory_space<vmem>> -> memref<1x32x128xf32, #tpu.memory_space<vmem>>
        %dma_start3A_602 = tpu.memref_squeeze %dma_start3A_601 : memref<1x32x128xf32, #tpu.memory_space<vmem>> -> memref<32x128xf32, #tpu.memory_space<vmem>>
        %dma_start3A_603 = tpu.memref_slice %arg5[%add3A_597] : memref<16000xi32, #tpu.memory_space<vmem>> -> memref<32xi32, #tpu.memory_space<vmem>>
        %dma_start3A_604 = arith.constant 0 : i32
        %dma_start3A_605 = arith.constant 0 : i32
        %dma_start3A_606 = tpu.memref_slice %arg2[%dma_start3A_604, %dma_start3A_605] : memref<100000x128xf32, #tpu.memory_space<hbm>> -> memref<100000x128xf32, #tpu.memory_space<hbm>>
        tpu.enqueue_indirect_dma source(%dma_start3A_606 : memref<100000x128xf32, #tpu.memory_space<hbm>>) target(%dma_start3A_602 : memref<32x128xf32, #tpu.memory_space<vmem>>) offsets(%dma_start3A_603 : memref<32xi32, #tpu.memory_space<vmem>>) semaphore(%arg8 : memref<!tpu.dma_semaphore, #tpu.memory_space<semaphore_mem>>)
        %mul3A_607 = arith.constant 160 : i32
        %mul3A_608 = arith.muli %sub3A_304, %mul3A_607 : i32
        %add3A_609 = arith.constant 96 : i32
        %add3A_610 = arith.addi %mul3A_608, %add3A_609 : i32
        %dma_start3A_611 = arith.constant 0 : i32
        %dma_start3A_612 = arith.constant 96 : i32
        %dma_start3A_613 = arith.constant 0 : i32
        %dma_start3A_614 = tpu.memref_slice %arg6[%dma_start3A_611, %dma_start3A_612, %dma_start3A_613] : memref<4x160x128xf32, #tpu.memory_space<vmem>> -> memref<1x32x128xf32, #tpu.memory_space<vmem>>
        %dma_start3A_615 = tpu.memref_squeeze %dma_start3A_614 : memref<1x32x128xf32, #tpu.memory_space<vmem>> -> memref<32x128xf32, #tpu.memory_space<vmem>>
        %dma_start3A_616 = tpu.memref_slice %arg5[%add3A_610] : memref<16000xi32, #tpu.memory_space<vmem>> -> memref<32xi32, #tpu.memory_space<vmem>>
        %dma_start3A_617 = arith.constant 0 : i32
        %dma_start3A_618 = arith.constant 0 : i32
        %dma_start3A_619 = tpu.memref_slice %arg2[%dma_start3A_617, %dma_start3A_618] : memref<100000x128xf32, #tpu.memory_space<hbm>> -> memref<100000x128xf32, #tpu.memory_space<hbm>>
        tpu.enqueue_indirect_dma source(%dma_start3A_619 : memref<100000x128xf32, #tpu.memory_space<hbm>>) target(%dma_start3A_615 : memref<32x128xf32, #tpu.memory_space<vmem>>) offsets(%dma_start3A_616 : memref<32xi32, #tpu.memory_space<vmem>>) semaphore(%arg8 : memref<!tpu.dma_semaphore, #tpu.memory_space<semaphore_mem>>)
        %mul3A_620 = arith.constant 160 : i32
        %mul3A_621 = arith.muli %sub3A_304, %mul3A_620 : i32
        %add3A_622 = arith.constant 128 : i32
        %add3A_623 = arith.addi %mul3A_621, %add3A_622 : i32
        %dma_start3A_624 = arith.constant 0 : i32
        %dma_start3A_625 = arith.constant 128 : i32
        %dma_start3A_626 = arith.constant 0 : i32
        %dma_start3A_627 = tpu.memref_slice %arg6[%dma_start3A_624, %dma_start3A_625, %dma_start3A_626] : memref<4x160x128xf32, #tpu.memory_space<vmem>> -> memref<1x32x128xf32, #tpu.memory_space<vmem>>
        %dma_start3A_628 = tpu.memref_squeeze %dma_start3A_627 : memref<1x32x128xf32, #tpu.memory_space<vmem>> -> memref<32x128xf32, #tpu.memory_space<vmem>>
        %dma_start3A_629 = tpu.memref_slice %arg5[%add3A_623] : memref<16000xi32, #tpu.memory_space<vmem>> -> memref<32xi32, #tpu.memory_space<vmem>>
        %dma_start3A_630 = arith.constant 0 : i32
        %dma_start3A_631 = arith.constant 0 : i32
        %dma_start3A_632 = tpu.memref_slice %arg2[%dma_start3A_630, %dma_start3A_631] : memref<100000x128xf32, #tpu.memory_space<hbm>> -> memref<100000x128xf32, #tpu.memory_space<hbm>>
        tpu.enqueue_indirect_dma source(%dma_start3A_632 : memref<100000x128xf32, #tpu.memory_space<hbm>>) target(%dma_start3A_628 : memref<32x128xf32, #tpu.memory_space<vmem>>) offsets(%dma_start3A_629 : memref<32xi32, #tpu.memory_space<vmem>>) semaphore(%arg8 : memref<!tpu.dma_semaphore, #tpu.memory_space<semaphore_mem>>)
      } else {
      }
      %dma_wait3A_309 = arith.constant 1 : i32
      %dma_wait3A_310 = arith.constant 0 : i32
      %dma_wait3A_311 = arith.constant 0 : i32
      %dma_wait3A_312 = tpu.memref_slice %arg6[%dma_wait3A_309, %dma_wait3A_310, %dma_wait3A_311] : memref<4x160x128xf32, #tpu.memory_space<vmem>> -> memref<1x32x128xf32, #tpu.memory_space<vmem>>
      %dma_wait3A_313 = tpu.memref_squeeze %dma_wait3A_312 : memref<1x32x128xf32, #tpu.memory_space<vmem>> -> memref<32x128xf32, #tpu.memory_space<vmem>>
      %dma_wait3A_314 = arith.constant 0 : i32
      %dma_wait3A_315 = tpu.memref_slice %arg5[%dma_wait3A_314] : memref<16000xi32, #tpu.memory_space<vmem>> -> memref<32xi32, #tpu.memory_space<vmem>>
      %dma_wait3A_316 = arith.constant 0 : i32
      %dma_wait3A_317 = arith.constant 0 : i32
      %dma_wait3A_318 = tpu.memref_slice %arg2[%dma_wait3A_316, %dma_wait3A_317] : memref<100000x128xf32, #tpu.memory_space<hbm>> -> memref<100000x128xf32, #tpu.memory_space<hbm>>
      tpu.wait_indirect_dma semaphore(%arg9 : memref<!tpu.dma_semaphore, #tpu.memory_space<semaphore_mem>>) src(%dma_wait3A_318 : memref<100000x128xf32, #tpu.memory_space<hbm>>) dst(%dma_wait3A_313 : memref<32x128xf32, #tpu.memory_space<vmem>>)
      %dma_wait3A_319 = arith.constant 1 : i32
      %dma_wait3A_320 = arith.constant 32 : i32
      %dma_wait3A_321 = arith.constant 0 : i32
      %dma_wait3A_322 = tpu.memref_slice %arg6[%dma_wait3A_319, %dma_wait3A_320, %dma_wait3A_321] : memref<4x160x128xf32, #tpu.memory_space<vmem>> -> memref<1x32x128xf32, #tpu.memory_space<vmem>>
      %dma_wait3A_323 = tpu.memref_squeeze %dma_wait3A_322 : memref<1x32x128xf32, #tpu.memory_space<vmem>> -> memref<32x128xf32, #tpu.memory_space<vmem>>
      %dma_wait3A_324 = arith.constant 32 : i32
      %dma_wait3A_325 = tpu.memref_slice %arg5[%dma_wait3A_324] : memref<16000xi32, #tpu.memory_space<vmem>> -> memref<32xi32, #tpu.memory_space<vmem>>
      %dma_wait3A_326 = arith.constant 0 : i32
      %dma_wait3A_327 = arith.constant 0 : i32
      %dma_wait3A_328 = tpu.memref_slice %arg2[%dma_wait3A_326, %dma_wait3A_327] : memref<100000x128xf32, #tpu.memory_space<hbm>> -> memref<100000x128xf32, #tpu.memory_space<hbm>>
      tpu.wait_indirect_dma semaphore(%arg9 : memref<!tpu.dma_semaphore, #tpu.memory_space<semaphore_mem>>) src(%dma_wait3A_328 : memref<100000x128xf32, #tpu.memory_space<hbm>>) dst(%dma_wait3A_323 : memref<32x128xf32, #tpu.memory_space<vmem>>)
      %dma_wait3A_329 = arith.constant 1 : i32
      %dma_wait3A_330 = arith.constant 64 : i32
      %dma_wait3A_331 = arith.constant 0 : i32
      %dma_wait3A_332 = tpu.memref_slice %arg6[%dma_wait3A_329, %dma_wait3A_330, %dma_wait3A_331] : memref<4x160x128xf32, #tpu.memory_space<vmem>> -> memref<1x32x128xf32, #tpu.memory_space<vmem>>
      %dma_wait3A_333 = tpu.memref_squeeze %dma_wait3A_332 : memref<1x32x128xf32, #tpu.memory_space<vmem>> -> memref<32x128xf32, #tpu.memory_space<vmem>>
      %dma_wait3A_334 = arith.constant 64 : i32
      %dma_wait3A_335 = tpu.memref_slice %arg5[%dma_wait3A_334] : memref<16000xi32, #tpu.memory_space<vmem>> -> memref<32xi32, #tpu.memory_space<vmem>>
      %dma_wait3A_336 = arith.constant 0 : i32
      %dma_wait3A_337 = arith.constant 0 : i32
      %dma_wait3A_338 = tpu.memref_slice %arg2[%dma_wait3A_336, %dma_wait3A_337] : memref<100000x128xf32, #tpu.memory_space<hbm>> -> memref<100000x128xf32, #tpu.memory_space<hbm>>
      tpu.wait_indirect_dma semaphore(%arg9 : memref<!tpu.dma_semaphore, #tpu.memory_space<semaphore_mem>>) src(%dma_wait3A_338 : memref<100000x128xf32, #tpu.memory_space<hbm>>) dst(%dma_wait3A_333 : memref<32x128xf32, #tpu.memory_space<vmem>>)
      %dma_wait3A_339 = arith.constant 1 : i32
      %dma_wait3A_340 = arith.constant 96 : i32
      %dma_wait3A_341 = arith.constant 0 : i32
      %dma_wait3A_342 = tpu.memref_slice %arg6[%dma_wait3A_339, %dma_wait3A_340, %dma_wait3A_341] : memref<4x160x128xf32, #tpu.memory_space<vmem>> -> memref<1x32x128xf32, #tpu.memory_space<vmem>>
      %dma_wait3A_343 = tpu.memref_squeeze %dma_wait3A_342 : memref<1x32x128xf32, #tpu.memory_space<vmem>> -> memref<32x128xf32, #tpu.memory_space<vmem>>
      %dma_wait3A_344 = arith.constant 96 : i32
      %dma_wait3A_345 = tpu.memref_slice %arg5[%dma_wait3A_344] : memref<16000xi32, #tpu.memory_space<vmem>> -> memref<32xi32, #tpu.memory_space<vmem>>
      %dma_wait3A_346 = arith.constant 0 : i32
      %dma_wait3A_347 = arith.constant 0 : i32
      %dma_wait3A_348 = tpu.memref_slice %arg2[%dma_wait3A_346, %dma_wait3A_347] : memref<100000x128xf32, #tpu.memory_space<hbm>> -> memref<100000x128xf32, #tpu.memory_space<hbm>>
      tpu.wait_indirect_dma semaphore(%arg9 : memref<!tpu.dma_semaphore, #tpu.memory_space<semaphore_mem>>) src(%dma_wait3A_348 : memref<100000x128xf32, #tpu.memory_space<hbm>>) dst(%dma_wait3A_343 : memref<32x128xf32, #tpu.memory_space<vmem>>)
      %dma_wait3A_349 = arith.constant 1 : i32
      %dma_wait3A_350 = arith.constant 128 : i32
      %dma_wait3A_351 = arith.constant 0 : i32
      %dma_wait3A_352 = tpu.memref_slice %arg6[%dma_wait3A_349, %dma_wait3A_350, %dma_wait3A_351] : memref<4x160x128xf32, #tpu.memory_space<vmem>> -> memref<1x32x128xf32, #tpu.memory_space<vmem>>
      %dma_wait3A_353 = tpu.memref_squeeze %dma_wait3A_352 : memref<1x32x128xf32, #tpu.memory_space<vmem>> -> memref<32x128xf32, #tpu.memory_space<vmem>>
      %dma_wait3A_354 = arith.constant 128 : i32
      %dma_wait3A_355 = tpu.memref_slice %arg5[%dma_wait3A_354] : memref<16000xi32, #tpu.memory_space<vmem>> -> memref<32xi32, #tpu.memory_space<vmem>>
      %dma_wait3A_356 = arith.constant 0 : i32
      %dma_wait3A_357 = arith.constant 0 : i32
      %dma_wait3A_358 = tpu.memref_slice %arg2[%dma_wait3A_356, %dma_wait3A_357] : memref<100000x128xf32, #tpu.memory_space<hbm>> -> memref<100000x128xf32, #tpu.memory_space<hbm>>
      tpu.wait_indirect_dma semaphore(%arg9 : memref<!tpu.dma_semaphore, #tpu.memory_space<semaphore_mem>>) src(%dma_wait3A_358 : memref<100000x128xf32, #tpu.memory_space<hbm>>) dst(%dma_wait3A_353 : memref<32x128xf32, #tpu.memory_space<vmem>>)
      %ge3A_359 = arith.constant 2 : i32
      %ge3A_360 = arith.cmpi sge, %add3A_300, %ge3A_359 : i32
      %convert_element_type3A_361 = arith.extui %ge3A_360 : i1 to i32
      %cond3A_362 = arith.constant 0 : i32
      %cond3A_363 = arith.cmpi ne, %convert_element_type3A_361, %cond3A_362 : i32
      scf.if %cond3A_363 {
        %dma_wait3A_568 = arith.constant 1 : i32
        %dma_wait3A_569 = arith.constant 0 : i32
        %dma_wait3A_570 = arith.constant 0 : i32
        %dma_wait3A_571 = tpu.memref_slice %arg7[%dma_wait3A_568, %dma_wait3A_569, %dma_wait3A_570] : memref<2x32x128xf32, #tpu.memory_space<vmem>> -> memref<1x32x128xf32, #tpu.memory_space<vmem>>
        %dma_wait3A_572 = tpu.memref_squeeze %dma_wait3A_571 : memref<1x32x128xf32, #tpu.memory_space<vmem>> -> memref<32x128xf32, #tpu.memory_space<vmem>>
        %dma_wait3A_573 = arith.constant 0 : i32
        %dma_wait3A_574 = tpu.memref_slice %arg4[%add3A, %dma_wait3A_573] : memref<102400x128xf32, #tpu.memory_space<hbm>> -> memref<32x128xf32, #tpu.memory_space<hbm>>
        %dma_wait3A_575 = arith.constant 0 : i32
        %dma_wait3A_576 = tpu.memref_slice %arg4[%add3A, %dma_wait3A_575] : memref<102400x128xf32, #tpu.memory_space<hbm>> -> memref<32x128xf32, #tpu.memory_space<hbm>>
        %dma_wait3A_577 = arith.constant 0 : i32
        %dma_wait3A_578 = arith.constant 0 : i32
        %dma_wait3A_579 = tpu.memref_slice %arg7[%dma_wait3A_568, %dma_wait3A_577, %dma_wait3A_578] : memref<2x32x128xf32, #tpu.memory_space<vmem>> -> memref<1x32x128xf32, #tpu.memory_space<vmem>>
        %dma_wait3A_580 = tpu.memref_squeeze %dma_wait3A_579 : memref<1x32x128xf32, #tpu.memory_space<vmem>> -> memref<32x128xf32, #tpu.memory_space<vmem>>
        tpu.wait_dma2 semaphore(%arg13 : memref<!tpu.dma_semaphore, #tpu.memory_space<semaphore_mem>>) src(%dma_wait3A_580 : memref<32x128xf32, #tpu.memory_space<vmem>>) dst(%dma_wait3A_576 : memref<32x128xf32, #tpu.memory_space<hbm>>)
      } else {
      }
      %scan3A_364 = arith.constant 0 : i32
      %scan3A_365 = arith.constant 0 : i32
      %scan3A_366 = arith.constant 32 : i32
      %scan3A_367 = arith.addi %scan3A_365, %scan3A_366 : i32
      %scan3A_368 = arith.constant 1 : i32
      %scan3A_369 = scf.for %scan3A_568 = %scan3A_365 to %scan3A_367 step %scan3A_368 iter_args(%scan3A_569 = %scan3A_364) -> (i32)  : i32 {
        %mul3A_570 = arith.constant 5 : i32
        %mul3A_571 = arith.muli %mul3A_570, %scan3A_568 : i32
        %get3A = arith.constant 1 : i32
        %get3A_572 = arith.index_cast %get3A : i32 to index
        %get3A_573 = arith.index_cast %mul3A_571 : i32 to index
        %get3A_574 = arith.constant 0 : index
        %get3A_575 = tpu.vector_load %arg6[%get3A_572, %get3A_573, %get3A_574] {strides = array<i32>} : memref<4x160x128xf32, #tpu.memory_space<vmem>>, vector<1x1x16xf32>,
        %get3A_576 = vector.shape_cast %get3A_575 : vector<1x1x16xf32> to vector<16xf32>
        %mul3A_577 = arith.constant 5 : i32
        %mul3A_578 = arith.muli %mul3A_577, %scan3A_568 : i32
        %add3A_579 = arith.constant 1 : i32
        %add3A_580 = arith.addi %mul3A_578, %add3A_579 : i32
        %get3A_581 = arith.constant 1 : i32
        %get3A_582 = arith.index_cast %get3A_581 : i32 to index
        %get3A_583 = arith.index_cast %add3A_580 : i32 to index
        %get3A_584 = arith.constant 0 : index
        %get3A_585 = tpu.vector_load %arg6[%get3A_582, %get3A_583, %get3A_584] {strides = array<i32>} : memref<4x160x128xf32, #tpu.memory_space<vmem>>, vector<1x1x16xf32>,
        %get3A_586 = vector.shape_cast %get3A_585 : vector<1x1x16xf32> to vector<16xf32>
        %add3A_587 = arith.addf %get3A_576, %get3A_586 : vector<16xf32>
        %mul3A_588 = arith.constant 5 : i32
        %mul3A_589 = arith.muli %mul3A_588, %scan3A_568 : i32
        %add3A_590 = arith.constant 2 : i32
        %add3A_591 = arith.addi %mul3A_589, %add3A_590 : i32
        %get3A_592 = arith.constant 1 : i32
        %get3A_593 = arith.index_cast %get3A_592 : i32 to index
        %get3A_594 = arith.index_cast %add3A_591 : i32 to index
        %get3A_595 = arith.constant 0 : index
        %get3A_596 = tpu.vector_load %arg6[%get3A_593, %get3A_594, %get3A_595] {strides = array<i32>} : memref<4x160x128xf32, #tpu.memory_space<vmem>>, vector<1x1x16xf32>,
        %get3A_597 = vector.shape_cast %get3A_596 : vector<1x1x16xf32> to vector<16xf32>
        %add3A_598 = arith.addf %add3A_587, %get3A_597 : vector<16xf32>
        %mul3A_599 = arith.constant 5 : i32
        %mul3A_600 = arith.muli %mul3A_599, %scan3A_568 : i32
        %add3A_601 = arith.constant 3 : i32
        %add3A_602 = arith.addi %mul3A_600, %add3A_601 : i32
        %get3A_603 = arith.constant 1 : i32
        %get3A_604 = arith.index_cast %get3A_603 : i32 to index
        %get3A_605 = arith.index_cast %add3A_602 : i32 to index
        %get3A_606 = arith.constant 0 : index
        %get3A_607 = tpu.vector_load %arg6[%get3A_604, %get3A_605, %get3A_606] {strides = array<i32>} : memref<4x160x128xf32, #tpu.memory_space<vmem>>, vector<1x1x16xf32>,
        %get3A_608 = vector.shape_cast %get3A_607 : vector<1x1x16xf32> to vector<16xf32>
        %add3A_609 = arith.addf %add3A_598, %get3A_608 : vector<16xf32>
        %mul3A_610 = arith.constant 5 : i32
        %mul3A_611 = arith.muli %mul3A_610, %scan3A_568 : i32
        %add3A_612 = arith.constant 4 : i32
        %add3A_613 = arith.addi %mul3A_611, %add3A_612 : i32
        %get3A_614 = arith.constant 1 : i32
        %get3A_615 = arith.index_cast %get3A_614 : i32 to index
        %get3A_616 = arith.index_cast %add3A_613 : i32 to index
        %get3A_617 = arith.constant 0 : index
        %get3A_618 = tpu.vector_load %arg6[%get3A_615, %get3A_616, %get3A_617] {strides = array<i32>} : memref<4x160x128xf32, #tpu.memory_space<vmem>>, vector<1x1x16xf32>,
        %get3A_619 = vector.shape_cast %get3A_618 : vector<1x1x16xf32> to vector<16xf32>
        %add3A_620 = arith.addf %add3A_609, %get3A_619 : vector<16xf32>
        %swap3A = arith.constant 1 : i32
        %swap3A_621 = arith.index_cast %swap3A : i32 to index
        %swap3A_622 = arith.index_cast %scan3A_568 : i32 to index
        %swap3A_623 = arith.constant 0 : index
        %swap3A_624 = tpu.vector_load %arg7[%swap3A_621, %swap3A_622, %swap3A_623] {strides = array<i32>} : memref<2x32x128xf32, #tpu.memory_space<vmem>>, vector<1x1x16xf32>,
        %swap3A_625 = vector.shape_cast %swap3A_624 : vector<1x1x16xf32> to vector<16xf32>
        %swap3A_626 = vector.shape_cast %add3A_620 : vector<16xf32> to vector<1x1x16xf32>
        tpu.vector_store %arg7[%swap3A_621, %swap3A_622, %swap3A_623], %swap3A_626 {strides = array<i32>} : memref<2x32x128xf32, #tpu.memory_space<vmem>>, vector<1x1x16xf32>,
        %mul3A_627 = arith.constant 5 : i32
        %mul3A_628 = arith.muli %mul3A_627, %scan3A_568 : i32
        %get3A_629 = arith.constant 1 : i32
        %get3A_630 = arith.index_cast %get3A_629 : i32 to index
        %get3A_631 = arith.index_cast %mul3A_628 : i32 to index
        %get3A_632 = arith.constant 16 : index
        %get3A_633 = tpu.vector_load %arg6[%get3A_630, %get3A_631, %get3A_632] {strides = array<i32>} : memref<4x160x128xf32, #tpu.memory_space<vmem>>, vector<1x1x16xf32>,
        %get3A_634 = vector.shape_cast %get3A_633 : vector<1x1x16xf32> to vector<16xf32>
        %mul3A_635 = arith.constant 5 : i32
        %mul3A_636 = arith.muli %mul3A_635, %scan3A_568 : i32
        %add3A_637 = arith.constant 1 : i32
        %add3A_638 = arith.addi %mul3A_636, %add3A_637 : i32
        %get3A_639 = arith.constant 1 : i32
        %get3A_640 = arith.index_cast %get3A_639 : i32 to index
        %get3A_641 = arith.index_cast %add3A_638 : i32 to index
        %get3A_642 = arith.constant 16 : index
        %get3A_643 = tpu.vector_load %arg6[%get3A_640, %get3A_641, %get3A_642] {strides = array<i32>} : memref<4x160x128xf32, #tpu.memory_space<vmem>>, vector<1x1x16xf32>,
        %get3A_644 = vector.shape_cast %get3A_643 : vector<1x1x16xf32> to vector<16xf32>
        %add3A_645 = arith.addf %get3A_634, %get3A_644 : vector<16xf32>
        %mul3A_646 = arith.constant 5 : i32
        %mul3A_647 = arith.muli %mul3A_646, %scan3A_568 : i32
        %add3A_648 = arith.constant 2 : i32
        %add3A_649 = arith.addi %mul3A_647, %add3A_648 : i32
        %get3A_650 = arith.constant 1 : i32
        %get3A_651 = arith.index_cast %get3A_650 : i32 to index
        %get3A_652 = arith.index_cast %add3A_649 : i32 to index
        %get3A_653 = arith.constant 16 : index
        %get3A_654 = tpu.vector_load %arg6[%get3A_651, %get3A_652, %get3A_653] {strides = array<i32>} : memref<4x160x128xf32, #tpu.memory_space<vmem>>, vector<1x1x16xf32>,
        %get3A_655 = vector.shape_cast %get3A_654 : vector<1x1x16xf32> to vector<16xf32>
        %add3A_656 = arith.addf %add3A_645, %get3A_655 : vector<16xf32>
        %mul3A_657 = arith.constant 5 : i32
        %mul3A_658 = arith.muli %mul3A_657, %scan3A_568 : i32
        %add3A_659 = arith.constant 3 : i32
        %add3A_660 = arith.addi %mul3A_658, %add3A_659 : i32
        %get3A_661 = arith.constant 1 : i32
        %get3A_662 = arith.index_cast %get3A_661 : i32 to index
        %get3A_663 = arith.index_cast %add3A_660 : i32 to index
        %get3A_664 = arith.constant 16 : index
        %get3A_665 = tpu.vector_load %arg6[%get3A_662, %get3A_663, %get3A_664] {strides = array<i32>} : memref<4x160x128xf32, #tpu.memory_space<vmem>>, vector<1x1x16xf32>,
        %get3A_666 = vector.shape_cast %get3A_665 : vector<1x1x16xf32> to vector<16xf32>
        %add3A_667 = arith.addf %add3A_656, %get3A_666 : vector<16xf32>
        %mul3A_668 = arith.constant 5 : i32
        %mul3A_669 = arith.muli %mul3A_668, %scan3A_568 : i32
        %add3A_670 = arith.constant 4 : i32
        %add3A_671 = arith.addi %mul3A_669, %add3A_670 : i32
        %get3A_672 = arith.constant 1 : i32
        %get3A_673 = arith.index_cast %get3A_672 : i32 to index
        %get3A_674 = arith.index_cast %add3A_671 : i32 to index
        %get3A_675 = arith.constant 16 : index
        %get3A_676 = tpu.vector_load %arg6[%get3A_673, %get3A_674, %get3A_675] {strides = array<i32>} : memref<4x160x128xf32, #tpu.memory_space<vmem>>, vector<1x1x16xf32>,
        %get3A_677 = vector.shape_cast %get3A_676 : vector<1x1x16xf32> to vector<16xf32>
        %add3A_678 = arith.addf %add3A_667, %get3A_677 : vector<16xf32>
        %swap3A_679 = arith.constant 1 : i32
        %swap3A_680 = arith.index_cast %swap3A_679 : i32 to index
        %swap3A_681 = arith.index_cast %scan3A_568 : i32 to index
        %swap3A_682 = arith.constant 16 : index
        %swap3A_683 = tpu.vector_load %arg7[%swap3A_680, %swap3A_681, %swap3A_682] {strides = array<i32>} : memref<2x32x128xf32, #tpu.memory_space<vmem>>, vector<1x1x16xf32>,
        %swap3A_684 = vector.shape_cast %swap3A_683 : vector<1x1x16xf32> to vector<16xf32>
        %swap3A_685 = vector.shape_cast %add3A_678 : vector<16xf32> to vector<1x1x16xf32>
        tpu.vector_store %arg7[%swap3A_680, %swap3A_681, %swap3A_682], %swap3A_685 {strides = array<i32>} : memref<2x32x128xf32, #tpu.memory_space<vmem>>, vector<1x1x16xf32>,
        %mul3A_686 = arith.constant 5 : i32
        %mul3A_687 = arith.muli %mul3A_686, %scan3A_568 : i32
        %get3A_688 = arith.constant 1 : i32
        %get3A_689 = arith.index_cast %get3A_688 : i32 to index
        %get3A_690 = arith.index_cast %mul3A_687 : i32 to index
        %get3A_691 = arith.constant 32 : index
        %get3A_692 = tpu.vector_load %arg6[%get3A_689, %get3A_690, %get3A_691] {strides = array<i32>} : memref<4x160x128xf32, #tpu.memory_space<vmem>>, vector<1x1x16xf32>,
        %get3A_693 = vector.shape_cast %get3A_692 : vector<1x1x16xf32> to vector<16xf32>
        %mul3A_694 = arith.constant 5 : i32
        %mul3A_695 = arith.muli %mul3A_694, %scan3A_568 : i32
        %add3A_696 = arith.constant 1 : i32
        %add3A_697 = arith.addi %mul3A_695, %add3A_696 : i32
        %get3A_698 = arith.constant 1 : i32
        %get3A_699 = arith.index_cast %get3A_698 : i32 to index
        %get3A_700 = arith.index_cast %add3A_697 : i32 to index
        %get3A_701 = arith.constant 32 : index
        %get3A_702 = tpu.vector_load %arg6[%get3A_699, %get3A_700, %get3A_701] {strides = array<i32>} : memref<4x160x128xf32, #tpu.memory_space<vmem>>, vector<1x1x16xf32>,
        %get3A_703 = vector.shape_cast %get3A_702 : vector<1x1x16xf32> to vector<16xf32>
        %add3A_704 = arith.addf %get3A_693, %get3A_703 : vector<16xf32>
        %mul3A_705 = arith.constant 5 : i32
        %mul3A_706 = arith.muli %mul3A_705, %scan3A_568 : i32
        %add3A_707 = arith.constant 2 : i32
        %add3A_708 = arith.addi %mul3A_706, %add3A_707 : i32
        %get3A_709 = arith.constant 1 : i32
        %get3A_710 = arith.index_cast %get3A_709 : i32 to index
        %get3A_711 = arith.index_cast %add3A_708 : i32 to index
        %get3A_712 = arith.constant 32 : index
        %get3A_713 = tpu.vector_load %arg6[%get3A_710, %get3A_711, %get3A_712] {strides = array<i32>} : memref<4x160x128xf32, #tpu.memory_space<vmem>>, vector<1x1x16xf32>,
        %get3A_714 = vector.shape_cast %get3A_713 : vector<1x1x16xf32> to vector<16xf32>
        %add3A_715 = arith.addf %add3A_704, %get3A_714 : vector<16xf32>
        %mul3A_716 = arith.constant 5 : i32
        %mul3A_717 = arith.muli %mul3A_716, %scan3A_568 : i32
        %add3A_718 = arith.constant 3 : i32
        %add3A_719 = arith.addi %mul3A_717, %add3A_718 : i32
        %get3A_720 = arith.constant 1 : i32
        %get3A_721 = arith.index_cast %get3A_720 : i32 to index
        %get3A_722 = arith.index_cast %add3A_719 : i32 to index
        %get3A_723 = arith.constant 32 : index
        %get3A_724 = tpu.vector_load %arg6[%get3A_721, %get3A_722, %get3A_723] {strides = array<i32>} : memref<4x160x128xf32, #tpu.memory_space<vmem>>, vector<1x1x16xf32>,
        %get3A_725 = vector.shape_cast %get3A_724 : vector<1x1x16xf32> to vector<16xf32>
        %add3A_726 = arith.addf %add3A_715, %get3A_725 : vector<16xf32>
        %mul3A_727 = arith.constant 5 : i32
        %mul3A_728 = arith.muli %mul3A_727, %scan3A_568 : i32
        %add3A_729 = arith.constant 4 : i32
        %add3A_730 = arith.addi %mul3A_728, %add3A_729 : i32
        %get3A_731 = arith.constant 1 : i32
        %get3A_732 = arith.index_cast %get3A_731 : i32 to index
        %get3A_733 = arith.index_cast %add3A_730 : i32 to index
        %get3A_734 = arith.constant 32 : index
        %get3A_735 = tpu.vector_load %arg6[%get3A_732, %get3A_733, %get3A_734] {strides = array<i32>} : memref<4x160x128xf32, #tpu.memory_space<vmem>>, vector<1x1x16xf32>,
        %get3A_736 = vector.shape_cast %get3A_735 : vector<1x1x16xf32> to vector<16xf32>
        %add3A_737 = arith.addf %add3A_726, %get3A_736 : vector<16xf32>
        %swap3A_738 = arith.constant 1 : i32
        %swap3A_739 = arith.index_cast %swap3A_738 : i32 to index
        %swap3A_740 = arith.index_cast %scan3A_568 : i32 to index
        %swap3A_741 = arith.constant 32 : index
        %swap3A_742 = tpu.vector_load %arg7[%swap3A_739, %swap3A_740, %swap3A_741] {strides = array<i32>} : memref<2x32x128xf32, #tpu.memory_space<vmem>>, vector<1x1x16xf32>,
        %swap3A_743 = vector.shape_cast %swap3A_742 : vector<1x1x16xf32> to vector<16xf32>
        %swap3A_744 = vector.shape_cast %add3A_737 : vector<16xf32> to vector<1x1x16xf32>
        tpu.vector_store %arg7[%swap3A_739, %swap3A_740, %swap3A_741], %swap3A_744 {strides = array<i32>} : memref<2x32x128xf32, #tpu.memory_space<vmem>>, vector<1x1x16xf32>,
        %mul3A_745 = arith.constant 5 : i32
        %mul3A_746 = arith.muli %mul3A_745, %scan3A_568 : i32
        %get3A_747 = arith.constant 1 : i32
        %get3A_748 = arith.index_cast %get3A_747 : i32 to index
        %get3A_749 = arith.index_cast %mul3A_746 : i32 to index
        %get3A_750 = arith.constant 48 : index
        %get3A_751 = tpu.vector_load %arg6[%get3A_748, %get3A_749, %get3A_750] {strides = array<i32>} : memref<4x160x128xf32, #tpu.memory_space<vmem>>, vector<1x1x16xf32>,
        %get3A_752 = vector.shape_cast %get3A_751 : vector<1x1x16xf32> to vector<16xf32>
        %mul3A_753 = arith.constant 5 : i32
        %mul3A_754 = arith.muli %mul3A_753, %scan3A_568 : i32
        %add3A_755 = arith.constant 1 : i32
        %add3A_756 = arith.addi %mul3A_754, %add3A_755 : i32
        %get3A_757 = arith.constant 1 : i32
        %get3A_758 = arith.index_cast %get3A_757 : i32 to index
        %get3A_759 = arith.index_cast %add3A_756 : i32 to index
        %get3A_760 = arith.constant 48 : index
        %get3A_761 = tpu.vector_load %arg6[%get3A_758, %get3A_759, %get3A_760] {strides = array<i32>} : memref<4x160x128xf32, #tpu.memory_space<vmem>>, vector<1x1x16xf32>,
        %get3A_762 = vector.shape_cast %get3A_761 : vector<1x1x16xf32> to vector<16xf32>
        %add3A_763 = arith.addf %get3A_752, %get3A_762 : vector<16xf32>
        %mul3A_764 = arith.constant 5 : i32
        %mul3A_765 = arith.muli %mul3A_764, %scan3A_568 : i32
        %add3A_766 = arith.constant 2 : i32
        %add3A_767 = arith.addi %mul3A_765, %add3A_766 : i32
        %get3A_768 = arith.constant 1 : i32
        %get3A_769 = arith.index_cast %get3A_768 : i32 to index
        %get3A_770 = arith.index_cast %add3A_767 : i32 to index
        %get3A_771 = arith.constant 48 : index
        %get3A_772 = tpu.vector_load %arg6[%get3A_769, %get3A_770, %get3A_771] {strides = array<i32>} : memref<4x160x128xf32, #tpu.memory_space<vmem>>, vector<1x1x16xf32>,
        %get3A_773 = vector.shape_cast %get3A_772 : vector<1x1x16xf32> to vector<16xf32>
        %add3A_774 = arith.addf %add3A_763, %get3A_773 : vector<16xf32>
        %mul3A_775 = arith.constant 5 : i32
        %mul3A_776 = arith.muli %mul3A_775, %scan3A_568 : i32
        %add3A_777 = arith.constant 3 : i32
        %add3A_778 = arith.addi %mul3A_776, %add3A_777 : i32
        %get3A_779 = arith.constant 1 : i32
        %get3A_780 = arith.index_cast %get3A_779 : i32 to index
        %get3A_781 = arith.index_cast %add3A_778 : i32 to index
        %get3A_782 = arith.constant 48 : index
        %get3A_783 = tpu.vector_load %arg6[%get3A_780, %get3A_781, %get3A_782] {strides = array<i32>} : memref<4x160x128xf32, #tpu.memory_space<vmem>>, vector<1x1x16xf32>,
        %get3A_784 = vector.shape_cast %get3A_783 : vector<1x1x16xf32> to vector<16xf32>
        %add3A_785 = arith.addf %add3A_774, %get3A_784 : vector<16xf32>
        %mul3A_786 = arith.constant 5 : i32
        %mul3A_787 = arith.muli %mul3A_786, %scan3A_568 : i32
        %add3A_788 = arith.constant 4 : i32
        %add3A_789 = arith.addi %mul3A_787, %add3A_788 : i32
        %get3A_790 = arith.constant 1 : i32
        %get3A_791 = arith.index_cast %get3A_790 : i32 to index
        %get3A_792 = arith.index_cast %add3A_789 : i32 to index
        %get3A_793 = arith.constant 48 : index
        %get3A_794 = tpu.vector_load %arg6[%get3A_791, %get3A_792, %get3A_793] {strides = array<i32>} : memref<4x160x128xf32, #tpu.memory_space<vmem>>, vector<1x1x16xf32>,
        %get3A_795 = vector.shape_cast %get3A_794 : vector<1x1x16xf32> to vector<16xf32>
        %add3A_796 = arith.addf %add3A_785, %get3A_795 : vector<16xf32>
        %swap3A_797 = arith.constant 1 : i32
        %swap3A_798 = arith.index_cast %swap3A_797 : i32 to index
        %swap3A_799 = arith.index_cast %scan3A_568 : i32 to index
        %swap3A_800 = arith.constant 48 : index
        %swap3A_801 = tpu.vector_load %arg7[%swap3A_798, %swap3A_799, %swap3A_800] {strides = array<i32>} : memref<2x32x128xf32, #tpu.memory_space<vmem>>, vector<1x1x16xf32>,
        %swap3A_802 = vector.shape_cast %swap3A_801 : vector<1x1x16xf32> to vector<16xf32>
        %swap3A_803 = vector.shape_cast %add3A_796 : vector<16xf32> to vector<1x1x16xf32>
        tpu.vector_store %arg7[%swap3A_798, %swap3A_799, %swap3A_800], %swap3A_803 {strides = array<i32>} : memref<2x32x128xf32, #tpu.memory_space<vmem>>, vector<1x1x16xf32>,
        %mul3A_804 = arith.constant 5 : i32
        %mul3A_805 = arith.muli %mul3A_804, %scan3A_568 : i32
        %get3A_806 = arith.constant 1 : i32
        %get3A_807 = arith.index_cast %get3A_806 : i32 to index
        %get3A_808 = arith.index_cast %mul3A_805 : i32 to index
        %get3A_809 = arith.constant 64 : index
        %get3A_810 = tpu.vector_load %arg6[%get3A_807, %get3A_808, %get3A_809] {strides = array<i32>} : memref<4x160x128xf32, #tpu.memory_space<vmem>>, vector<1x1x16xf32>,
        %get3A_811 = vector.shape_cast %get3A_810 : vector<1x1x16xf32> to vector<16xf32>
        %mul3A_812 = arith.constant 5 : i32
        %mul3A_813 = arith.muli %mul3A_812, %scan3A_568 : i32
        %add3A_814 = arith.constant 1 : i32
        %add3A_815 = arith.addi %mul3A_813, %add3A_814 : i32
        %get3A_816 = arith.constant 1 : i32
        %get3A_817 = arith.index_cast %get3A_816 : i32 to index
        %get3A_818 = arith.index_cast %add3A_815 : i32 to index
        %get3A_819 = arith.constant 64 : index
        %get3A_820 = tpu.vector_load %arg6[%get3A_817, %get3A_818, %get3A_819] {strides = array<i32>} : memref<4x160x128xf32, #tpu.memory_space<vmem>>, vector<1x1x16xf32>,
        %get3A_821 = vector.shape_cast %get3A_820 : vector<1x1x16xf32> to vector<16xf32>
        %add3A_822 = arith.addf %get3A_811, %get3A_821 : vector<16xf32>
        %mul3A_823 = arith.constant 5 : i32
        %mul3A_824 = arith.muli %mul3A_823, %scan3A_568 : i32
        %add3A_825 = arith.constant 2 : i32
        %add3A_826 = arith.addi %mul3A_824, %add3A_825 : i32
        %get3A_827 = arith.constant 1 : i32
        %get3A_828 = arith.index_cast %get3A_827 : i32 to index
        %get3A_829 = arith.index_cast %add3A_826 : i32 to index
        %get3A_830 = arith.constant 64 : index
        %get3A_831 = tpu.vector_load %arg6[%get3A_828, %get3A_829, %get3A_830] {strides = array<i32>} : memref<4x160x128xf32, #tpu.memory_space<vmem>>, vector<1x1x16xf32>,
        %get3A_832 = vector.shape_cast %get3A_831 : vector<1x1x16xf32> to vector<16xf32>
        %add3A_833 = arith.addf %add3A_822, %get3A_832 : vector<16xf32>
        %mul3A_834 = arith.constant 5 : i32
        %mul3A_835 = arith.muli %mul3A_834, %scan3A_568 : i32
        %add3A_836 = arith.constant 3 : i32
        %add3A_837 = arith.addi %mul3A_835, %add3A_836 : i32
        %get3A_838 = arith.constant 1 : i32
        %get3A_839 = arith.index_cast %get3A_838 : i32 to index
        %get3A_840 = arith.index_cast %add3A_837 : i32 to index
        %get3A_841 = arith.constant 64 : index
        %get3A_842 = tpu.vector_load %arg6[%get3A_839, %get3A_840, %get3A_841] {strides = array<i32>} : memref<4x160x128xf32, #tpu.memory_space<vmem>>, vector<1x1x16xf32>,
        %get3A_843 = vector.shape_cast %get3A_842 : vector<1x1x16xf32> to vector<16xf32>
        %add3A_844 = arith.addf %add3A_833, %get3A_843 : vector<16xf32>
        %mul3A_845 = arith.constant 5 : i32
        %mul3A_846 = arith.muli %mul3A_845, %scan3A_568 : i32
        %add3A_847 = arith.constant 4 : i32
        %add3A_848 = arith.addi %mul3A_846, %add3A_847 : i32
        %get3A_849 = arith.constant 1 : i32
        %get3A_850 = arith.index_cast %get3A_849 : i32 to index
        %get3A_851 = arith.index_cast %add3A_848 : i32 to index
        %get3A_852 = arith.constant 64 : index
        %get3A_853 = tpu.vector_load %arg6[%get3A_850, %get3A_851, %get3A_852] {strides = array<i32>} : memref<4x160x128xf32, #tpu.memory_space<vmem>>, vector<1x1x16xf32>,
        %get3A_854 = vector.shape_cast %get3A_853 : vector<1x1x16xf32> to vector<16xf32>
        %add3A_855 = arith.addf %add3A_844, %get3A_854 : vector<16xf32>
        %swap3A_856 = arith.constant 1 : i32
        %swap3A_857 = arith.index_cast %swap3A_856 : i32 to index
        %swap3A_858 = arith.index_cast %scan3A_568 : i32 to index
        %swap3A_859 = arith.constant 64 : index
        %swap3A_860 = tpu.vector_load %arg7[%swap3A_857, %swap3A_858, %swap3A_859] {strides = array<i32>} : memref<2x32x128xf32, #tpu.memory_space<vmem>>, vector<1x1x16xf32>,
        %swap3A_861 = vector.shape_cast %swap3A_860 : vector<1x1x16xf32> to vector<16xf32>
        %swap3A_862 = vector.shape_cast %add3A_855 : vector<16xf32> to vector<1x1x16xf32>
        tpu.vector_store %arg7[%swap3A_857, %swap3A_858, %swap3A_859], %swap3A_862 {strides = array<i32>} : memref<2x32x128xf32, #tpu.memory_space<vmem>>, vector<1x1x16xf32>,
        %mul3A_863 = arith.constant 5 : i32
        %mul3A_864 = arith.muli %mul3A_863, %scan3A_568 : i32
        %get3A_865 = arith.constant 1 : i32
        %get3A_866 = arith.index_cast %get3A_865 : i32 to index
        %get3A_867 = arith.index_cast %mul3A_864 : i32 to index
        %get3A_868 = arith.constant 80 : index
        %get3A_869 = tpu.vector_load %arg6[%get3A_866, %get3A_867, %get3A_868] {strides = array<i32>} : memref<4x160x128xf32, #tpu.memory_space<vmem>>, vector<1x1x16xf32>,
        %get3A_870 = vector.shape_cast %get3A_869 : vector<1x1x16xf32> to vector<16xf32>
        %mul3A_871 = arith.constant 5 : i32
        %mul3A_872 = arith.muli %mul3A_871, %scan3A_568 : i32
        %add3A_873 = arith.constant 1 : i32
        %add3A_874 = arith.addi %mul3A_872, %add3A_873 : i32
        %get3A_875 = arith.constant 1 : i32
        %get3A_876 = arith.index_cast %get3A_875 : i32 to index
        %get3A_877 = arith.index_cast %add3A_874 : i32 to index
        %get3A_878 = arith.constant 80 : index
        %get3A_879 = tpu.vector_load %arg6[%get3A_876, %get3A_877, %get3A_878] {strides = array<i32>} : memref<4x160x128xf32, #tpu.memory_space<vmem>>, vector<1x1x16xf32>,
        %get3A_880 = vector.shape_cast %get3A_879 : vector<1x1x16xf32> to vector<16xf32>
        %add3A_881 = arith.addf %get3A_870, %get3A_880 : vector<16xf32>
        %mul3A_882 = arith.constant 5 : i32
        %mul3A_883 = arith.muli %mul3A_882, %scan3A_568 : i32
        %add3A_884 = arith.constant 2 : i32
        %add3A_885 = arith.addi %mul3A_883, %add3A_884 : i32
        %get3A_886 = arith.constant 1 : i32
        %get3A_887 = arith.index_cast %get3A_886 : i32 to index
        %get3A_888 = arith.index_cast %add3A_885 : i32 to index
        %get3A_889 = arith.constant 80 : index
        %get3A_890 = tpu.vector_load %arg6[%get3A_887, %get3A_888, %get3A_889] {strides = array<i32>} : memref<4x160x128xf32, #tpu.memory_space<vmem>>, vector<1x1x16xf32>,
        %get3A_891 = vector.shape_cast %get3A_890 : vector<1x1x16xf32> to vector<16xf32>
        %add3A_892 = arith.addf %add3A_881, %get3A_891 : vector<16xf32>
        %mul3A_893 = arith.constant 5 : i32
        %mul3A_894 = arith.muli %mul3A_893, %scan3A_568 : i32
        %add3A_895 = arith.constant 3 : i32
        %add3A_896 = arith.addi %mul3A_894, %add3A_895 : i32
        %get3A_897 = arith.constant 1 : i32
        %get3A_898 = arith.index_cast %get3A_897 : i32 to index
        %get3A_899 = arith.index_cast %add3A_896 : i32 to index
        %get3A_900 = arith.constant 80 : index
        %get3A_901 = tpu.vector_load %arg6[%get3A_898, %get3A_899, %get3A_900] {strides = array<i32>} : memref<4x160x128xf32, #tpu.memory_space<vmem>>, vector<1x1x16xf32>,
        %get3A_902 = vector.shape_cast %get3A_901 : vector<1x1x16xf32> to vector<16xf32>
        %add3A_903 = arith.addf %add3A_892, %get3A_902 : vector<16xf32>
        %mul3A_904 = arith.constant 5 : i32
        %mul3A_905 = arith.muli %mul3A_904, %scan3A_568 : i32
        %add3A_906 = arith.constant 4 : i32
        %add3A_907 = arith.addi %mul3A_905, %add3A_906 : i32
        %get3A_908 = arith.constant 1 : i32
        %get3A_909 = arith.index_cast %get3A_908 : i32 to index
        %get3A_910 = arith.index_cast %add3A_907 : i32 to index
        %get3A_911 = arith.constant 80 : index
        %get3A_912 = tpu.vector_load %arg6[%get3A_909, %get3A_910, %get3A_911] {strides = array<i32>} : memref<4x160x128xf32, #tpu.memory_space<vmem>>, vector<1x1x16xf32>,
        %get3A_913 = vector.shape_cast %get3A_912 : vector<1x1x16xf32> to vector<16xf32>
        %add3A_914 = arith.addf %add3A_903, %get3A_913 : vector<16xf32>
        %swap3A_915 = arith.constant 1 : i32
        %swap3A_916 = arith.index_cast %swap3A_915 : i32 to index
        %swap3A_917 = arith.index_cast %scan3A_568 : i32 to index
        %swap3A_918 = arith.constant 80 : index
        %swap3A_919 = tpu.vector_load %arg7[%swap3A_916, %swap3A_917, %swap3A_918] {strides = array<i32>} : memref<2x32x128xf32, #tpu.memory_space<vmem>>, vector<1x1x16xf32>,
        %swap3A_920 = vector.shape_cast %swap3A_919 : vector<1x1x16xf32> to vector<16xf32>
        %swap3A_921 = vector.shape_cast %add3A_914 : vector<16xf32> to vector<1x1x16xf32>
        tpu.vector_store %arg7[%swap3A_916, %swap3A_917, %swap3A_918], %swap3A_921 {strides = array<i32>} : memref<2x32x128xf32, #tpu.memory_space<vmem>>, vector<1x1x16xf32>,
        %mul3A_922 = arith.constant 5 : i32
        %mul3A_923 = arith.muli %mul3A_922, %scan3A_568 : i32
        %get3A_924 = arith.constant 1 : i32
        %get3A_925 = arith.index_cast %get3A_924 : i32 to index
        %get3A_926 = arith.index_cast %mul3A_923 : i32 to index
        %get3A_927 = arith.constant 96 : index
        %get3A_928 = tpu.vector_load %arg6[%get3A_925, %get3A_926, %get3A_927] {strides = array<i32>} : memref<4x160x128xf32, #tpu.memory_space<vmem>>, vector<1x1x16xf32>,
        %get3A_929 = vector.shape_cast %get3A_928 : vector<1x1x16xf32> to vector<16xf32>
        %mul3A_930 = arith.constant 5 : i32
        %mul3A_931 = arith.muli %mul3A_930, %scan3A_568 : i32
        %add3A_932 = arith.constant 1 : i32
        %add3A_933 = arith.addi %mul3A_931, %add3A_932 : i32
        %get3A_934 = arith.constant 1 : i32
        %get3A_935 = arith.index_cast %get3A_934 : i32 to index
        %get3A_936 = arith.index_cast %add3A_933 : i32 to index
        %get3A_937 = arith.constant 96 : index
        %get3A_938 = tpu.vector_load %arg6[%get3A_935, %get3A_936, %get3A_937] {strides = array<i32>} : memref<4x160x128xf32, #tpu.memory_space<vmem>>, vector<1x1x16xf32>,
        %get3A_939 = vector.shape_cast %get3A_938 : vector<1x1x16xf32> to vector<16xf32>
        %add3A_940 = arith.addf %get3A_929, %get3A_939 : vector<16xf32>
        %mul3A_941 = arith.constant 5 : i32
        %mul3A_942 = arith.muli %mul3A_941, %scan3A_568 : i32
        %add3A_943 = arith.constant 2 : i32
        %add3A_944 = arith.addi %mul3A_942, %add3A_943 : i32
        %get3A_945 = arith.constant 1 : i32
        %get3A_946 = arith.index_cast %get3A_945 : i32 to index
        %get3A_947 = arith.index_cast %add3A_944 : i32 to index
        %get3A_948 = arith.constant 96 : index
        %get3A_949 = tpu.vector_load %arg6[%get3A_946, %get3A_947, %get3A_948] {strides = array<i32>} : memref<4x160x128xf32, #tpu.memory_space<vmem>>, vector<1x1x16xf32>,
        %get3A_950 = vector.shape_cast %get3A_949 : vector<1x1x16xf32> to vector<16xf32>
        %add3A_951 = arith.addf %add3A_940, %get3A_950 : vector<16xf32>
        %mul3A_952 = arith.constant 5 : i32
        %mul3A_953 = arith.muli %mul3A_952, %scan3A_568 : i32
        %add3A_954 = arith.constant 3 : i32
        %add3A_955 = arith.addi %mul3A_953, %add3A_954 : i32
        %get3A_956 = arith.constant 1 : i32
        %get3A_957 = arith.index_cast %get3A_956 : i32 to index
        %get3A_958 = arith.index_cast %add3A_955 : i32 to index
        %get3A_959 = arith.constant 96 : index
        %get3A_960 = tpu.vector_load %arg6[%get3A_957, %get3A_958, %get3A_959] {strides = array<i32>} : memref<4x160x128xf32, #tpu.memory_space<vmem>>, vector<1x1x16xf32>,
        %get3A_961 = vector.shape_cast %get3A_960 : vector<1x1x16xf32> to vector<16xf32>
        %add3A_962 = arith.addf %add3A_951, %get3A_961 : vector<16xf32>
        %mul3A_963 = arith.constant 5 : i32
        %mul3A_964 = arith.muli %mul3A_963, %scan3A_568 : i32
        %add3A_965 = arith.constant 4 : i32
        %add3A_966 = arith.addi %mul3A_964, %add3A_965 : i32
        %get3A_967 = arith.constant 1 : i32
        %get3A_968 = arith.index_cast %get3A_967 : i32 to index
        %get3A_969 = arith.index_cast %add3A_966 : i32 to index
        %get3A_970 = arith.constant 96 : index
        %get3A_971 = tpu.vector_load %arg6[%get3A_968, %get3A_969, %get3A_970] {strides = array<i32>} : memref<4x160x128xf32, #tpu.memory_space<vmem>>, vector<1x1x16xf32>,
        %get3A_972 = vector.shape_cast %get3A_971 : vector<1x1x16xf32> to vector<16xf32>
        %add3A_973 = arith.addf %add3A_962, %get3A_972 : vector<16xf32>
        %swap3A_974 = arith.constant 1 : i32
        %swap3A_975 = arith.index_cast %swap3A_974 : i32 to index
        %swap3A_976 = arith.index_cast %scan3A_568 : i32 to index
        %swap3A_977 = arith.constant 96 : index
        %swap3A_978 = tpu.vector_load %arg7[%swap3A_975, %swap3A_976, %swap3A_977] {strides = array<i32>} : memref<2x32x128xf32, #tpu.memory_space<vmem>>, vector<1x1x16xf32>,
        %swap3A_979 = vector.shape_cast %swap3A_978 : vector<1x1x16xf32> to vector<16xf32>
        %swap3A_980 = vector.shape_cast %add3A_973 : vector<16xf32> to vector<1x1x16xf32>
        tpu.vector_store %arg7[%swap3A_975, %swap3A_976, %swap3A_977], %swap3A_980 {strides = array<i32>} : memref<2x32x128xf32, #tpu.memory_space<vmem>>, vector<1x1x16xf32>,
        %mul3A_981 = arith.constant 5 : i32
        %mul3A_982 = arith.muli %mul3A_981, %scan3A_568 : i32
        %get3A_983 = arith.constant 1 : i32
        %get3A_984 = arith.index_cast %get3A_983 : i32 to index
        %get3A_985 = arith.index_cast %mul3A_982 : i32 to index
        %get3A_986 = arith.constant 112 : index
        %get3A_987 = tpu.vector_load %arg6[%get3A_984, %get3A_985, %get3A_986] {strides = array<i32>} : memref<4x160x128xf32, #tpu.memory_space<vmem>>, vector<1x1x16xf32>,
        %get3A_988 = vector.shape_cast %get3A_987 : vector<1x1x16xf32> to vector<16xf32>
        %mul3A_989 = arith.constant 5 : i32
        %mul3A_990 = arith.muli %mul3A_989, %scan3A_568 : i32
        %add3A_991 = arith.constant 1 : i32
        %add3A_992 = arith.addi %mul3A_990, %add3A_991 : i32
        %get3A_993 = arith.constant 1 : i32
        %get3A_994 = arith.index_cast %get3A_993 : i32 to index
        %get3A_995 = arith.index_cast %add3A_992 : i32 to index
        %get3A_996 = arith.constant 112 : index
        %get3A_997 = tpu.vector_load %arg6[%get3A_994, %get3A_995, %get3A_996] {strides = array<i32>} : memref<4x160x128xf32, #tpu.memory_space<vmem>>, vector<1x1x16xf32>,
        %get3A_998 = vector.shape_cast %get3A_997 : vector<1x1x16xf32> to vector<16xf32>
        %add3A_999 = arith.addf %get3A_988, %get3A_998 : vector<16xf32>
        %mul3A_1000 = arith.constant 5 : i32
        %mul3A_1001 = arith.muli %mul3A_1000, %scan3A_568 : i32
        %add3A_1002 = arith.constant 2 : i32
        %add3A_1003 = arith.addi %mul3A_1001, %add3A_1002 : i32
        %get3A_1004 = arith.constant 1 : i32
        %get3A_1005 = arith.index_cast %get3A_1004 : i32 to index
        %get3A_1006 = arith.index_cast %add3A_1003 : i32 to index
        %get3A_1007 = arith.constant 112 : index
        %get3A_1008 = tpu.vector_load %arg6[%get3A_1005, %get3A_1006, %get3A_1007] {strides = array<i32>} : memref<4x160x128xf32, #tpu.memory_space<vmem>>, vector<1x1x16xf32>,
        %get3A_1009 = vector.shape_cast %get3A_1008 : vector<1x1x16xf32> to vector<16xf32>
        %add3A_1010 = arith.addf %add3A_999, %get3A_1009 : vector<16xf32>
        %mul3A_1011 = arith.constant 5 : i32
        %mul3A_1012 = arith.muli %mul3A_1011, %scan3A_568 : i32
        %add3A_1013 = arith.constant 3 : i32
        %add3A_1014 = arith.addi %mul3A_1012, %add3A_1013 : i32
        %get3A_1015 = arith.constant 1 : i32
        %get3A_1016 = arith.index_cast %get3A_1015 : i32 to index
        %get3A_1017 = arith.index_cast %add3A_1014 : i32 to index
        %get3A_1018 = arith.constant 112 : index
        %get3A_1019 = tpu.vector_load %arg6[%get3A_1016, %get3A_1017, %get3A_1018] {strides = array<i32>} : memref<4x160x128xf32, #tpu.memory_space<vmem>>, vector<1x1x16xf32>,
        %get3A_1020 = vector.shape_cast %get3A_1019 : vector<1x1x16xf32> to vector<16xf32>
        %add3A_1021 = arith.addf %add3A_1010, %get3A_1020 : vector<16xf32>
        %mul3A_1022 = arith.constant 5 : i32
        %mul3A_1023 = arith.muli %mul3A_1022, %scan3A_568 : i32
        %add3A_1024 = arith.constant 4 : i32
        %add3A_1025 = arith.addi %mul3A_1023, %add3A_1024 : i32
        %get3A_1026 = arith.constant 1 : i32
        %get3A_1027 = arith.index_cast %get3A_1026 : i32 to index
        %get3A_1028 = arith.index_cast %add3A_1025 : i32 to index
        %get3A_1029 = arith.constant 112 : index
        %get3A_1030 = tpu.vector_load %arg6[%get3A_1027, %get3A_1028, %get3A_1029] {strides = array<i32>} : memref<4x160x128xf32, #tpu.memory_space<vmem>>, vector<1x1x16xf32>,
        %get3A_1031 = vector.shape_cast %get3A_1030 : vector<1x1x16xf32> to vector<16xf32>
        %add3A_1032 = arith.addf %add3A_1021, %get3A_1031 : vector<16xf32>
        %swap3A_1033 = arith.constant 1 : i32
        %swap3A_1034 = arith.index_cast %swap3A_1033 : i32 to index
        %swap3A_1035 = arith.index_cast %scan3A_568 : i32 to index
        %swap3A_1036 = arith.constant 112 : index
        %swap3A_1037 = tpu.vector_load %arg7[%swap3A_1034, %swap3A_1035, %swap3A_1036] {strides = array<i32>} : memref<2x32x128xf32, #tpu.memory_space<vmem>>, vector<1x1x16xf32>,
        %swap3A_1038 = vector.shape_cast %swap3A_1037 : vector<1x1x16xf32> to vector<16xf32>
        %swap3A_1039 = vector.shape_cast %add3A_1032 : vector<16xf32> to vector<1x1x16xf32>
        tpu.vector_store %arg7[%swap3A_1034, %swap3A_1035, %swap3A_1036], %swap3A_1039 {strides = array<i32>} : memref<2x32x128xf32, #tpu.memory_space<vmem>>, vector<1x1x16xf32>,
        %scan3A_1040 = arith.constant 0 : i32
        scf.yield %scan3A_1040 : i32
      }
      %scan3A_370 = arith.constant 32 : i32
      %mul3A_371 = arith.constant 32 : i32
      %mul3A_372 = arith.muli %add3A_300, %mul3A_371 : i32
      %add3A_373 = arith.addi %add3A, %mul3A_372 : i32
      %dma_start3A_374 = arith.constant 1 : i32
      %dma_start3A_375 = arith.constant 0 : i32
      %dma_start3A_376 = arith.constant 0 : i32
      %dma_start3A_377 = tpu.memref_slice %arg7[%dma_start3A_374, %dma_start3A_375, %dma_start3A_376] : memref<2x32x128xf32, #tpu.memory_space<vmem>> -> memref<1x32x128xf32, #tpu.memory_space<vmem>>
      %dma_start3A_378 = tpu.memref_squeeze %dma_start3A_377 : memref<1x32x128xf32, #tpu.memory_space<vmem>> -> memref<32x128xf32, #tpu.memory_space<vmem>>
      %dma_start3A_379 = arith.constant 0 : i32
      %dma_start3A_380 = tpu.memref_slice %arg4[%add3A_373, %dma_start3A_379] : memref<102400x128xf32, #tpu.memory_space<hbm>> -> memref<32x128xf32, #tpu.memory_space<hbm>>
      %dma_start3A_381 = arith.constant 0 : i32
      %dma_start3A_382 = tpu.memref_slice %arg4[%add3A_373, %dma_start3A_381] : memref<102400x128xf32, #tpu.memory_space<hbm>> -> memref<32x128xf32, #tpu.memory_space<hbm>>
      %dma_start3A_383 = arith.constant 0 : i32
      %dma_start3A_384 = arith.constant 0 : i32
      %dma_start3A_385 = tpu.memref_slice %arg7[%dma_start3A_374, %dma_start3A_383, %dma_start3A_384] : memref<2x32x128xf32, #tpu.memory_space<vmem>> -> memref<1x32x128xf32, #tpu.memory_space<vmem>>
      %dma_start3A_386 = tpu.memref_squeeze %dma_start3A_385 : memref<1x32x128xf32, #tpu.memory_space<vmem>> -> memref<32x128xf32, #tpu.memory_space<vmem>>
      tpu.enqueue_dma source(%dma_start3A_386 : memref<32x128xf32, #tpu.memory_space<vmem>>) target(%dma_start3A_382 : memref<32x128xf32, #tpu.memory_space<hbm>>) target_semaphore(%arg13 : memref<!tpu.dma_semaphore, #tpu.memory_space<semaphore_mem>>)
      %mul3A_387 = arith.constant 4 : i32
      %mul3A_388 = arith.muli %mul3A_387, %while3A_210 : i32
      %add3A_389 = arith.constant 2 : i32
      %add3A_390 = arith.addi %mul3A_388, %add3A_389 : i32
      %add3A_391 = arith.constant 4 : i32
      %add3A_392 = arith.addi %add3A_390, %add3A_391 : i32
      %sub3A_393 = arith.constant 1 : i32
      %sub3A_394 = arith.subi %add3A_392, %sub3A_393 : i32
      %lt3A_395 = arith.cmpi slt, %sub3A_394, %select_n3A : i32
      %convert_element_type3A_396 = arith.extui %lt3A_395 : i1 to i32
      %cond3A_397 = arith.constant 0 : i32
      %cond3A_398 = arith.cmpi ne, %convert_element_type3A_396, %cond3A_397 : i32
      scf.if %cond3A_398 {
        %mul3A_568 = arith.constant 160 : i32
        %mul3A_569 = arith.muli %sub3A_394, %mul3A_568 : i32
        %add3A_570 = arith.constant 0 : i32
        %add3A_571 = arith.addi %mul3A_569, %add3A_570 : i32
        %dma_start3A_572 = arith.constant 1 : i32
        %dma_start3A_573 = arith.constant 0 : i32
        %dma_start3A_574 = arith.constant 0 : i32
        %dma_start3A_575 = tpu.memref_slice %arg6[%dma_start3A_572, %dma_start3A_573, %dma_start3A_574] : memref<4x160x128xf32, #tpu.memory_space<vmem>> -> memref<1x32x128xf32, #tpu.memory_space<vmem>>
        %dma_start3A_576 = tpu.memref_squeeze %dma_start3A_575 : memref<1x32x128xf32, #tpu.memory_space<vmem>> -> memref<32x128xf32, #tpu.memory_space<vmem>>
        %dma_start3A_577 = tpu.memref_slice %arg5[%add3A_571] : memref<16000xi32, #tpu.memory_space<vmem>> -> memref<32xi32, #tpu.memory_space<vmem>>
        %dma_start3A_578 = arith.constant 0 : i32
        %dma_start3A_579 = arith.constant 0 : i32
        %dma_start3A_580 = tpu.memref_slice %arg2[%dma_start3A_578, %dma_start3A_579] : memref<100000x128xf32, #tpu.memory_space<hbm>> -> memref<100000x128xf32, #tpu.memory_space<hbm>>
        tpu.enqueue_indirect_dma source(%dma_start3A_580 : memref<100000x128xf32, #tpu.memory_space<hbm>>) target(%dma_start3A_576 : memref<32x128xf32, #tpu.memory_space<vmem>>) offsets(%dma_start3A_577 : memref<32xi32, #tpu.memory_space<vmem>>) semaphore(%arg9 : memref<!tpu.dma_semaphore, #tpu.memory_space<semaphore_mem>>)
        %mul3A_581 = arith.constant 160 : i32
        %mul3A_582 = arith.muli %sub3A_394, %mul3A_581 : i32
        %add3A_583 = arith.constant 32 : i32
        %add3A_584 = arith.addi %mul3A_582, %add3A_583 : i32
        %dma_start3A_585 = arith.constant 1 : i32
        %dma_start3A_586 = arith.constant 32 : i32
        %dma_start3A_587 = arith.constant 0 : i32
        %dma_start3A_588 = tpu.memref_slice %arg6[%dma_start3A_585, %dma_start3A_586, %dma_start3A_587] : memref<4x160x128xf32, #tpu.memory_space<vmem>> -> memref<1x32x128xf32, #tpu.memory_space<vmem>>
        %dma_start3A_589 = tpu.memref_squeeze %dma_start3A_588 : memref<1x32x128xf32, #tpu.memory_space<vmem>> -> memref<32x128xf32, #tpu.memory_space<vmem>>
        %dma_start3A_590 = tpu.memref_slice %arg5[%add3A_584] : memref<16000xi32, #tpu.memory_space<vmem>> -> memref<32xi32, #tpu.memory_space<vmem>>
        %dma_start3A_591 = arith.constant 0 : i32
        %dma_start3A_592 = arith.constant 0 : i32
        %dma_start3A_593 = tpu.memref_slice %arg2[%dma_start3A_591, %dma_start3A_592] : memref<100000x128xf32, #tpu.memory_space<hbm>> -> memref<100000x128xf32, #tpu.memory_space<hbm>>
        tpu.enqueue_indirect_dma source(%dma_start3A_593 : memref<100000x128xf32, #tpu.memory_space<hbm>>) target(%dma_start3A_589 : memref<32x128xf32, #tpu.memory_space<vmem>>) offsets(%dma_start3A_590 : memref<32xi32, #tpu.memory_space<vmem>>) semaphore(%arg9 : memref<!tpu.dma_semaphore, #tpu.memory_space<semaphore_mem>>)
        %mul3A_594 = arith.constant 160 : i32
        %mul3A_595 = arith.muli %sub3A_394, %mul3A_594 : i32
        %add3A_596 = arith.constant 64 : i32
        %add3A_597 = arith.addi %mul3A_595, %add3A_596 : i32
        %dma_start3A_598 = arith.constant 1 : i32
        %dma_start3A_599 = arith.constant 64 : i32
        %dma_start3A_600 = arith.constant 0 : i32
        %dma_start3A_601 = tpu.memref_slice %arg6[%dma_start3A_598, %dma_start3A_599, %dma_start3A_600] : memref<4x160x128xf32, #tpu.memory_space<vmem>> -> memref<1x32x128xf32, #tpu.memory_space<vmem>>
        %dma_start3A_602 = tpu.memref_squeeze %dma_start3A_601 : memref<1x32x128xf32, #tpu.memory_space<vmem>> -> memref<32x128xf32, #tpu.memory_space<vmem>>
        %dma_start3A_603 = tpu.memref_slice %arg5[%add3A_597] : memref<16000xi32, #tpu.memory_space<vmem>> -> memref<32xi32, #tpu.memory_space<vmem>>
        %dma_start3A_604 = arith.constant 0 : i32
        %dma_start3A_605 = arith.constant 0 : i32
        %dma_start3A_606 = tpu.memref_slice %arg2[%dma_start3A_604, %dma_start3A_605] : memref<100000x128xf32, #tpu.memory_space<hbm>> -> memref<100000x128xf32, #tpu.memory_space<hbm>>
        tpu.enqueue_indirect_dma source(%dma_start3A_606 : memref<100000x128xf32, #tpu.memory_space<hbm>>) target(%dma_start3A_602 : memref<32x128xf32, #tpu.memory_space<vmem>>) offsets(%dma_start3A_603 : memref<32xi32, #tpu.memory_space<vmem>>) semaphore(%arg9 : memref<!tpu.dma_semaphore, #tpu.memory_space<semaphore_mem>>)
        %mul3A_607 = arith.constant 160 : i32
        %mul3A_608 = arith.muli %sub3A_394, %mul3A_607 : i32
        %add3A_609 = arith.constant 96 : i32
        %add3A_610 = arith.addi %mul3A_608, %add3A_609 : i32
        %dma_start3A_611 = arith.constant 1 : i32
        %dma_start3A_612 = arith.constant 96 : i32
        %dma_start3A_613 = arith.constant 0 : i32
        %dma_start3A_614 = tpu.memref_slice %arg6[%dma_start3A_611, %dma_start3A_612, %dma_start3A_613] : memref<4x160x128xf32, #tpu.memory_space<vmem>> -> memref<1x32x128xf32, #tpu.memory_space<vmem>>
        %dma_start3A_615 = tpu.memref_squeeze %dma_start3A_614 : memref<1x32x128xf32, #tpu.memory_space<vmem>> -> memref<32x128xf32, #tpu.memory_space<vmem>>
        %dma_start3A_616 = tpu.memref_slice %arg5[%add3A_610] : memref<16000xi32, #tpu.memory_space<vmem>> -> memref<32xi32, #tpu.memory_space<vmem>>
        %dma_start3A_617 = arith.constant 0 : i32
        %dma_start3A_618 = arith.constant 0 : i32
        %dma_start3A_619 = tpu.memref_slice %arg2[%dma_start3A_617, %dma_start3A_618] : memref<100000x128xf32, #tpu.memory_space<hbm>> -> memref<100000x128xf32, #tpu.memory_space<hbm>>
        tpu.enqueue_indirect_dma source(%dma_start3A_619 : memref<100000x128xf32, #tpu.memory_space<hbm>>) target(%dma_start3A_615 : memref<32x128xf32, #tpu.memory_space<vmem>>) offsets(%dma_start3A_616 : memref<32xi32, #tpu.memory_space<vmem>>) semaphore(%arg9 : memref<!tpu.dma_semaphore, #tpu.memory_space<semaphore_mem>>)
        %mul3A_620 = arith.constant 160 : i32
        %mul3A_621 = arith.muli %sub3A_394, %mul3A_620 : i32
        %add3A_622 = arith.constant 128 : i32
        %add3A_623 = arith.addi %mul3A_621, %add3A_622 : i32
        %dma_start3A_624 = arith.constant 1 : i32
        %dma_start3A_625 = arith.constant 128 : i32
        %dma_start3A_626 = arith.constant 0 : i32
        %dma_start3A_627 = tpu.memref_slice %arg6[%dma_start3A_624, %dma_start3A_625, %dma_start3A_626] : memref<4x160x128xf32, #tpu.memory_space<vmem>> -> memref<1x32x128xf32, #tpu.memory_space<vmem>>
        %dma_start3A_628 = tpu.memref_squeeze %dma_start3A_627 : memref<1x32x128xf32, #tpu.memory_space<vmem>> -> memref<32x128xf32, #tpu.memory_space<vmem>>
        %dma_start3A_629 = tpu.memref_slice %arg5[%add3A_623] : memref<16000xi32, #tpu.memory_space<vmem>> -> memref<32xi32, #tpu.memory_space<vmem>>
        %dma_start3A_630 = arith.constant 0 : i32
        %dma_start3A_631 = arith.constant 0 : i32
        %dma_start3A_632 = tpu.memref_slice %arg2[%dma_start3A_630, %dma_start3A_631] : memref<100000x128xf32, #tpu.memory_space<hbm>> -> memref<100000x128xf32, #tpu.memory_space<hbm>>
        tpu.enqueue_indirect_dma source(%dma_start3A_632 : memref<100000x128xf32, #tpu.memory_space<hbm>>) target(%dma_start3A_628 : memref<32x128xf32, #tpu.memory_space<vmem>>) offsets(%dma_start3A_629 : memref<32xi32, #tpu.memory_space<vmem>>) semaphore(%arg9 : memref<!tpu.dma_semaphore, #tpu.memory_space<semaphore_mem>>)
      } else {
      }
      %dma_wait3A_399 = arith.constant 2 : i32
      %dma_wait3A_400 = arith.constant 0 : i32
      %dma_wait3A_401 = arith.constant 0 : i32
      %dma_wait3A_402 = tpu.memref_slice %arg6[%dma_wait3A_399, %dma_wait3A_400, %dma_wait3A_401] : memref<4x160x128xf32, #tpu.memory_space<vmem>> -> memref<1x32x128xf32, #tpu.memory_space<vmem>>
      %dma_wait3A_403 = tpu.memref_squeeze %dma_wait3A_402 : memref<1x32x128xf32, #tpu.memory_space<vmem>> -> memref<32x128xf32, #tpu.memory_space<vmem>>
      %dma_wait3A_404 = arith.constant 0 : i32
      %dma_wait3A_405 = tpu.memref_slice %arg5[%dma_wait3A_404] : memref<16000xi32, #tpu.memory_space<vmem>> -> memref<32xi32, #tpu.memory_space<vmem>>
      %dma_wait3A_406 = arith.constant 0 : i32
      %dma_wait3A_407 = arith.constant 0 : i32
      %dma_wait3A_408 = tpu.memref_slice %arg2[%dma_wait3A_406, %dma_wait3A_407] : memref<100000x128xf32, #tpu.memory_space<hbm>> -> memref<100000x128xf32, #tpu.memory_space<hbm>>
      tpu.wait_indirect_dma semaphore(%arg10 : memref<!tpu.dma_semaphore, #tpu.memory_space<semaphore_mem>>) src(%dma_wait3A_408 : memref<100000x128xf32, #tpu.memory_space<hbm>>) dst(%dma_wait3A_403 : memref<32x128xf32, #tpu.memory_space<vmem>>)
      %dma_wait3A_409 = arith.constant 2 : i32
      %dma_wait3A_410 = arith.constant 32 : i32
      %dma_wait3A_411 = arith.constant 0 : i32
      %dma_wait3A_412 = tpu.memref_slice %arg6[%dma_wait3A_409, %dma_wait3A_410, %dma_wait3A_411] : memref<4x160x128xf32, #tpu.memory_space<vmem>> -> memref<1x32x128xf32, #tpu.memory_space<vmem>>
      %dma_wait3A_413 = tpu.memref_squeeze %dma_wait3A_412 : memref<1x32x128xf32, #tpu.memory_space<vmem>> -> memref<32x128xf32, #tpu.memory_space<vmem>>
      %dma_wait3A_414 = arith.constant 32 : i32
      %dma_wait3A_415 = tpu.memref_slice %arg5[%dma_wait3A_414] : memref<16000xi32, #tpu.memory_space<vmem>> -> memref<32xi32, #tpu.memory_space<vmem>>
      %dma_wait3A_416 = arith.constant 0 : i32
      %dma_wait3A_417 = arith.constant 0 : i32
      %dma_wait3A_418 = tpu.memref_slice %arg2[%dma_wait3A_416, %dma_wait3A_417] : memref<100000x128xf32, #tpu.memory_space<hbm>> -> memref<100000x128xf32, #tpu.memory_space<hbm>>
      tpu.wait_indirect_dma semaphore(%arg10 : memref<!tpu.dma_semaphore, #tpu.memory_space<semaphore_mem>>) src(%dma_wait3A_418 : memref<100000x128xf32, #tpu.memory_space<hbm>>) dst(%dma_wait3A_413 : memref<32x128xf32, #tpu.memory_space<vmem>>)
      %dma_wait3A_419 = arith.constant 2 : i32
      %dma_wait3A_420 = arith.constant 64 : i32
      %dma_wait3A_421 = arith.constant 0 : i32
      %dma_wait3A_422 = tpu.memref_slice %arg6[%dma_wait3A_419, %dma_wait3A_420, %dma_wait3A_421] : memref<4x160x128xf32, #tpu.memory_space<vmem>> -> memref<1x32x128xf32, #tpu.memory_space<vmem>>
      %dma_wait3A_423 = tpu.memref_squeeze %dma_wait3A_422 : memref<1x32x128xf32, #tpu.memory_space<vmem>> -> memref<32x128xf32, #tpu.memory_space<vmem>>
      %dma_wait3A_424 = arith.constant 64 : i32
      %dma_wait3A_425 = tpu.memref_slice %arg5[%dma_wait3A_424] : memref<16000xi32, #tpu.memory_space<vmem>> -> memref<32xi32, #tpu.memory_space<vmem>>
      %dma_wait3A_426 = arith.constant 0 : i32
      %dma_wait3A_427 = arith.constant 0 : i32
      %dma_wait3A_428 = tpu.memref_slice %arg2[%dma_wait3A_426, %dma_wait3A_427] : memref<100000x128xf32, #tpu.memory_space<hbm>> -> memref<100000x128xf32, #tpu.memory_space<hbm>>
      tpu.wait_indirect_dma semaphore(%arg10 : memref<!tpu.dma_semaphore, #tpu.memory_space<semaphore_mem>>) src(%dma_wait3A_428 : memref<100000x128xf32, #tpu.memory_space<hbm>>) dst(%dma_wait3A_423 : memref<32x128xf32, #tpu.memory_space<vmem>>)
      %dma_wait3A_429 = arith.constant 2 : i32
      %dma_wait3A_430 = arith.constant 96 : i32
      %dma_wait3A_431 = arith.constant 0 : i32
      %dma_wait3A_432 = tpu.memref_slice %arg6[%dma_wait3A_429, %dma_wait3A_430, %dma_wait3A_431] : memref<4x160x128xf32, #tpu.memory_space<vmem>> -> memref<1x32x128xf32, #tpu.memory_space<vmem>>
      %dma_wait3A_433 = tpu.memref_squeeze %dma_wait3A_432 : memref<1x32x128xf32, #tpu.memory_space<vmem>> -> memref<32x128xf32, #tpu.memory_space<vmem>>
      %dma_wait3A_434 = arith.constant 96 : i32
      %dma_wait3A_435 = tpu.memref_slice %arg5[%dma_wait3A_434] : memref<16000xi32, #tpu.memory_space<vmem>> -> memref<32xi32, #tpu.memory_space<vmem>>
      %dma_wait3A_436 = arith.constant 0 : i32
      %dma_wait3A_437 = arith.constant 0 : i32
      %dma_wait3A_438 = tpu.memref_slice %arg2[%dma_wait3A_436, %dma_wait3A_437] : memref<100000x128xf32, #tpu.memory_space<hbm>> -> memref<100000x128xf32, #tpu.memory_space<hbm>>
      tpu.wait_indirect_dma semaphore(%arg10 : memref<!tpu.dma_semaphore, #tpu.memory_space<semaphore_mem>>) src(%dma_wait3A_438 : memref<100000x128xf32, #tpu.memory_space<hbm>>) dst(%dma_wait3A_433 : memref<32x128xf32, #tpu.memory_space<vmem>>)
      %dma_wait3A_439 = arith.constant 2 : i32
      %dma_wait3A_440 = arith.constant 128 : i32
      %dma_wait3A_441 = arith.constant 0 : i32
      %dma_wait3A_442 = tpu.memref_slice %arg6[%dma_wait3A_439, %dma_wait3A_440, %dma_wait3A_441] : memref<4x160x128xf32, #tpu.memory_space<vmem>> -> memref<1x32x128xf32, #tpu.memory_space<vmem>>
      %dma_wait3A_443 = tpu.memref_squeeze %dma_wait3A_442 : memref<1x32x128xf32, #tpu.memory_space<vmem>> -> memref<32x128xf32, #tpu.memory_space<vmem>>
      %dma_wait3A_444 = arith.constant 128 : i32
      %dma_wait3A_445 = tpu.memref_slice %arg5[%dma_wait3A_444] : memref<16000xi32, #tpu.memory_space<vmem>> -> memref<32xi32, #tpu.memory_space<vmem>>
      %dma_wait3A_446 = arith.constant 0 : i32
      %dma_wait3A_447 = arith.constant 0 : i32
      %dma_wait3A_448 = tpu.memref_slice %arg2[%dma_wait3A_446, %dma_wait3A_447] : memref<100000x128xf32, #tpu.memory_space<hbm>> -> memref<100000x128xf32, #tpu.memory_space<hbm>>
      tpu.wait_indirect_dma semaphore(%arg10 : memref<!tpu.dma_semaphore, #tpu.memory_space<semaphore_mem>>) src(%dma_wait3A_448 : memref<100000x128xf32, #tpu.memory_space<hbm>>) dst(%dma_wait3A_443 : memref<32x128xf32, #tpu.memory_space<vmem>>)
      %ge3A_449 = arith.constant 2 : i32
      %ge3A_450 = arith.cmpi sge, %add3A_390, %ge3A_449 : i32
      %convert_element_type3A_451 = arith.extui %ge3A_450 : i1 to i32
      %cond3A_452 = arith.constant 0 : i32
      %cond3A_453 = arith.cmpi ne, %convert_element_type3A_451, %cond3A_452 : i32
      scf.if %cond3A_453 {
        %dma_wait3A_568 = arith.constant 0 : i32
        %dma_wait3A_569 = arith.constant 0 : i32
        %dma_wait3A_570 = arith.constant 0 : i32
        %dma_wait3A_571 = tpu.memref_slice %arg7[%dma_wait3A_568, %dma_wait3A_569, %dma_wait3A_570] : memref<2x32x128xf32, #tpu.memory_space<vmem>> -> memref<1x32x128xf32, #tpu.memory_space<vmem>>
        %dma_wait3A_572 = tpu.memref_squeeze %dma_wait3A_571 : memref<1x32x128xf32, #tpu.memory_space<vmem>> -> memref<32x128xf32, #tpu.memory_space<vmem>>
        %dma_wait3A_573 = arith.constant 0 : i32
        %dma_wait3A_574 = tpu.memref_slice %arg4[%add3A, %dma_wait3A_573] : memref<102400x128xf32, #tpu.memory_space<hbm>> -> memref<32x128xf32, #tpu.memory_space<hbm>>
        %dma_wait3A_575 = arith.constant 0 : i32
        %dma_wait3A_576 = tpu.memref_slice %arg4[%add3A, %dma_wait3A_575] : memref<102400x128xf32, #tpu.memory_space<hbm>> -> memref<32x128xf32, #tpu.memory_space<hbm>>
        %dma_wait3A_577 = arith.constant 0 : i32
        %dma_wait3A_578 = arith.constant 0 : i32
        %dma_wait3A_579 = tpu.memref_slice %arg7[%dma_wait3A_568, %dma_wait3A_577, %dma_wait3A_578] : memref<2x32x128xf32, #tpu.memory_space<vmem>> -> memref<1x32x128xf32, #tpu.memory_space<vmem>>
        %dma_wait3A_580 = tpu.memref_squeeze %dma_wait3A_579 : memref<1x32x128xf32, #tpu.memory_space<vmem>> -> memref<32x128xf32, #tpu.memory_space<vmem>>
        tpu.wait_dma2 semaphore(%arg12 : memref<!tpu.dma_semaphore, #tpu.memory_space<semaphore_mem>>) src(%dma_wait3A_580 : memref<32x128xf32, #tpu.memory_space<vmem>>) dst(%dma_wait3A_576 : memref<32x128xf32, #tpu.memory_space<hbm>>)
      } else {
      }
      %scan3A_454 = arith.constant 0 : i32
      %scan3A_455 = arith.constant 0 : i32
      %scan3A_456 = arith.constant 32 : i32
      %scan3A_457 = arith.addi %scan3A_455, %scan3A_456 : i32
      %scan3A_458 = arith.constant 1 : i32
      %scan3A_459 = scf.for %scan3A_568 = %scan3A_455 to %scan3A_457 step %scan3A_458 iter_args(%scan3A_569 = %scan3A_454) -> (i32)  : i32 {
        %mul3A_570 = arith.constant 5 : i32
        %mul3A_571 = arith.muli %mul3A_570, %scan3A_568 : i32
        %get3A = arith.constant 2 : i32
        %get3A_572 = arith.index_cast %get3A : i32 to index
        %get3A_573 = arith.index_cast %mul3A_571 : i32 to index
        %get3A_574 = arith.constant 0 : index
        %get3A_575 = tpu.vector_load %arg6[%get3A_572, %get3A_573, %get3A_574] {strides = array<i32>} : memref<4x160x128xf32, #tpu.memory_space<vmem>>, vector<1x1x16xf32>,
        %get3A_576 = vector.shape_cast %get3A_575 : vector<1x1x16xf32> to vector<16xf32>
        %mul3A_577 = arith.constant 5 : i32
        %mul3A_578 = arith.muli %mul3A_577, %scan3A_568 : i32
        %add3A_579 = arith.constant 1 : i32
        %add3A_580 = arith.addi %mul3A_578, %add3A_579 : i32
        %get3A_581 = arith.constant 2 : i32
        %get3A_582 = arith.index_cast %get3A_581 : i32 to index
        %get3A_583 = arith.index_cast %add3A_580 : i32 to index
        %get3A_584 = arith.constant 0 : index
        %get3A_585 = tpu.vector_load %arg6[%get3A_582, %get3A_583, %get3A_584] {strides = array<i32>} : memref<4x160x128xf32, #tpu.memory_space<vmem>>, vector<1x1x16xf32>,
        %get3A_586 = vector.shape_cast %get3A_585 : vector<1x1x16xf32> to vector<16xf32>
        %add3A_587 = arith.addf %get3A_576, %get3A_586 : vector<16xf32>
        %mul3A_588 = arith.constant 5 : i32
        %mul3A_589 = arith.muli %mul3A_588, %scan3A_568 : i32
        %add3A_590 = arith.constant 2 : i32
        %add3A_591 = arith.addi %mul3A_589, %add3A_590 : i32
        %get3A_592 = arith.constant 2 : i32
        %get3A_593 = arith.index_cast %get3A_592 : i32 to index
        %get3A_594 = arith.index_cast %add3A_591 : i32 to index
        %get3A_595 = arith.constant 0 : index
        %get3A_596 = tpu.vector_load %arg6[%get3A_593, %get3A_594, %get3A_595] {strides = array<i32>} : memref<4x160x128xf32, #tpu.memory_space<vmem>>, vector<1x1x16xf32>,
        %get3A_597 = vector.shape_cast %get3A_596 : vector<1x1x16xf32> to vector<16xf32>
        %add3A_598 = arith.addf %add3A_587, %get3A_597 : vector<16xf32>
        %mul3A_599 = arith.constant 5 : i32
        %mul3A_600 = arith.muli %mul3A_599, %scan3A_568 : i32
        %add3A_601 = arith.constant 3 : i32
        %add3A_602 = arith.addi %mul3A_600, %add3A_601 : i32
        %get3A_603 = arith.constant 2 : i32
        %get3A_604 = arith.index_cast %get3A_603 : i32 to index
        %get3A_605 = arith.index_cast %add3A_602 : i32 to index
        %get3A_606 = arith.constant 0 : index
        %get3A_607 = tpu.vector_load %arg6[%get3A_604, %get3A_605, %get3A_606] {strides = array<i32>} : memref<4x160x128xf32, #tpu.memory_space<vmem>>, vector<1x1x16xf32>,
        %get3A_608 = vector.shape_cast %get3A_607 : vector<1x1x16xf32> to vector<16xf32>
        %add3A_609 = arith.addf %add3A_598, %get3A_608 : vector<16xf32>
        %mul3A_610 = arith.constant 5 : i32
        %mul3A_611 = arith.muli %mul3A_610, %scan3A_568 : i32
        %add3A_612 = arith.constant 4 : i32
        %add3A_613 = arith.addi %mul3A_611, %add3A_612 : i32
        %get3A_614 = arith.constant 2 : i32
        %get3A_615 = arith.index_cast %get3A_614 : i32 to index
        %get3A_616 = arith.index_cast %add3A_613 : i32 to index
        %get3A_617 = arith.constant 0 : index
        %get3A_618 = tpu.vector_load %arg6[%get3A_615, %get3A_616, %get3A_617] {strides = array<i32>} : memref<4x160x128xf32, #tpu.memory_space<vmem>>, vector<1x1x16xf32>,
        %get3A_619 = vector.shape_cast %get3A_618 : vector<1x1x16xf32> to vector<16xf32>
        %add3A_620 = arith.addf %add3A_609, %get3A_619 : vector<16xf32>
        %swap3A = arith.constant 0 : i32
        %swap3A_621 = arith.index_cast %swap3A : i32 to index
        %swap3A_622 = arith.index_cast %scan3A_568 : i32 to index
        %swap3A_623 = arith.constant 0 : index
        %swap3A_624 = tpu.vector_load %arg7[%swap3A_621, %swap3A_622, %swap3A_623] {strides = array<i32>} : memref<2x32x128xf32, #tpu.memory_space<vmem>>, vector<1x1x16xf32>,
        %swap3A_625 = vector.shape_cast %swap3A_624 : vector<1x1x16xf32> to vector<16xf32>
        %swap3A_626 = vector.shape_cast %add3A_620 : vector<16xf32> to vector<1x1x16xf32>
        tpu.vector_store %arg7[%swap3A_621, %swap3A_622, %swap3A_623], %swap3A_626 {strides = array<i32>} : memref<2x32x128xf32, #tpu.memory_space<vmem>>, vector<1x1x16xf32>,
        %mul3A_627 = arith.constant 5 : i32
        %mul3A_628 = arith.muli %mul3A_627, %scan3A_568 : i32
        %get3A_629 = arith.constant 2 : i32
        %get3A_630 = arith.index_cast %get3A_629 : i32 to index
        %get3A_631 = arith.index_cast %mul3A_628 : i32 to index
        %get3A_632 = arith.constant 16 : index
        %get3A_633 = tpu.vector_load %arg6[%get3A_630, %get3A_631, %get3A_632] {strides = array<i32>} : memref<4x160x128xf32, #tpu.memory_space<vmem>>, vector<1x1x16xf32>,
        %get3A_634 = vector.shape_cast %get3A_633 : vector<1x1x16xf32> to vector<16xf32>
        %mul3A_635 = arith.constant 5 : i32
        %mul3A_636 = arith.muli %mul3A_635, %scan3A_568 : i32
        %add3A_637 = arith.constant 1 : i32
        %add3A_638 = arith.addi %mul3A_636, %add3A_637 : i32
        %get3A_639 = arith.constant 2 : i32
        %get3A_640 = arith.index_cast %get3A_639 : i32 to index
        %get3A_641 = arith.index_cast %add3A_638 : i32 to index
        %get3A_642 = arith.constant 16 : index
        %get3A_643 = tpu.vector_load %arg6[%get3A_640, %get3A_641, %get3A_642] {strides = array<i32>} : memref<4x160x128xf32, #tpu.memory_space<vmem>>, vector<1x1x16xf32>,
        %get3A_644 = vector.shape_cast %get3A_643 : vector<1x1x16xf32> to vector<16xf32>
        %add3A_645 = arith.addf %get3A_634, %get3A_644 : vector<16xf32>
        %mul3A_646 = arith.constant 5 : i32
        %mul3A_647 = arith.muli %mul3A_646, %scan3A_568 : i32
        %add3A_648 = arith.constant 2 : i32
        %add3A_649 = arith.addi %mul3A_647, %add3A_648 : i32
        %get3A_650 = arith.constant 2 : i32
        %get3A_651 = arith.index_cast %get3A_650 : i32 to index
        %get3A_652 = arith.index_cast %add3A_649 : i32 to index
        %get3A_653 = arith.constant 16 : index
        %get3A_654 = tpu.vector_load %arg6[%get3A_651, %get3A_652, %get3A_653] {strides = array<i32>} : memref<4x160x128xf32, #tpu.memory_space<vmem>>, vector<1x1x16xf32>,
        %get3A_655 = vector.shape_cast %get3A_654 : vector<1x1x16xf32> to vector<16xf32>
        %add3A_656 = arith.addf %add3A_645, %get3A_655 : vector<16xf32>
        %mul3A_657 = arith.constant 5 : i32
        %mul3A_658 = arith.muli %mul3A_657, %scan3A_568 : i32
        %add3A_659 = arith.constant 3 : i32
        %add3A_660 = arith.addi %mul3A_658, %add3A_659 : i32
        %get3A_661 = arith.constant 2 : i32
        %get3A_662 = arith.index_cast %get3A_661 : i32 to index
        %get3A_663 = arith.index_cast %add3A_660 : i32 to index
        %get3A_664 = arith.constant 16 : index
        %get3A_665 = tpu.vector_load %arg6[%get3A_662, %get3A_663, %get3A_664] {strides = array<i32>} : memref<4x160x128xf32, #tpu.memory_space<vmem>>, vector<1x1x16xf32>,
        %get3A_666 = vector.shape_cast %get3A_665 : vector<1x1x16xf32> to vector<16xf32>
        %add3A_667 = arith.addf %add3A_656, %get3A_666 : vector<16xf32>
        %mul3A_668 = arith.constant 5 : i32
        %mul3A_669 = arith.muli %mul3A_668, %scan3A_568 : i32
        %add3A_670 = arith.constant 4 : i32
        %add3A_671 = arith.addi %mul3A_669, %add3A_670 : i32
        %get3A_672 = arith.constant 2 : i32
        %get3A_673 = arith.index_cast %get3A_672 : i32 to index
        %get3A_674 = arith.index_cast %add3A_671 : i32 to index
        %get3A_675 = arith.constant 16 : index
        %get3A_676 = tpu.vector_load %arg6[%get3A_673, %get3A_674, %get3A_675] {strides = array<i32>} : memref<4x160x128xf32, #tpu.memory_space<vmem>>, vector<1x1x16xf32>,
        %get3A_677 = vector.shape_cast %get3A_676 : vector<1x1x16xf32> to vector<16xf32>
        %add3A_678 = arith.addf %add3A_667, %get3A_677 : vector<16xf32>
        %swap3A_679 = arith.constant 0 : i32
        %swap3A_680 = arith.index_cast %swap3A_679 : i32 to index
        %swap3A_681 = arith.index_cast %scan3A_568 : i32 to index
        %swap3A_682 = arith.constant 16 : index
        %swap3A_683 = tpu.vector_load %arg7[%swap3A_680, %swap3A_681, %swap3A_682] {strides = array<i32>} : memref<2x32x128xf32, #tpu.memory_space<vmem>>, vector<1x1x16xf32>,
        %swap3A_684 = vector.shape_cast %swap3A_683 : vector<1x1x16xf32> to vector<16xf32>
        %swap3A_685 = vector.shape_cast %add3A_678 : vector<16xf32> to vector<1x1x16xf32>
        tpu.vector_store %arg7[%swap3A_680, %swap3A_681, %swap3A_682], %swap3A_685 {strides = array<i32>} : memref<2x32x128xf32, #tpu.memory_space<vmem>>, vector<1x1x16xf32>,
        %mul3A_686 = arith.constant 5 : i32
        %mul3A_687 = arith.muli %mul3A_686, %scan3A_568 : i32
        %get3A_688 = arith.constant 2 : i32
        %get3A_689 = arith.index_cast %get3A_688 : i32 to index
        %get3A_690 = arith.index_cast %mul3A_687 : i32 to index
        %get3A_691 = arith.constant 32 : index
        %get3A_692 = tpu.vector_load %arg6[%get3A_689, %get3A_690, %get3A_691] {strides = array<i32>} : memref<4x160x128xf32, #tpu.memory_space<vmem>>, vector<1x1x16xf32>,
        %get3A_693 = vector.shape_cast %get3A_692 : vector<1x1x16xf32> to vector<16xf32>
        %mul3A_694 = arith.constant 5 : i32
        %mul3A_695 = arith.muli %mul3A_694, %scan3A_568 : i32
        %add3A_696 = arith.constant 1 : i32
        %add3A_697 = arith.addi %mul3A_695, %add3A_696 : i32
        %get3A_698 = arith.constant 2 : i32
        %get3A_699 = arith.index_cast %get3A_698 : i32 to index
        %get3A_700 = arith.index_cast %add3A_697 : i32 to index
        %get3A_701 = arith.constant 32 : index
        %get3A_702 = tpu.vector_load %arg6[%get3A_699, %get3A_700, %get3A_701] {strides = array<i32>} : memref<4x160x128xf32, #tpu.memory_space<vmem>>, vector<1x1x16xf32>,
        %get3A_703 = vector.shape_cast %get3A_702 : vector<1x1x16xf32> to vector<16xf32>
        %add3A_704 = arith.addf %get3A_693, %get3A_703 : vector<16xf32>
        %mul3A_705 = arith.constant 5 : i32
        %mul3A_706 = arith.muli %mul3A_705, %scan3A_568 : i32
        %add3A_707 = arith.constant 2 : i32
        %add3A_708 = arith.addi %mul3A_706, %add3A_707 : i32
        %get3A_709 = arith.constant 2 : i32
        %get3A_710 = arith.index_cast %get3A_709 : i32 to index
        %get3A_711 = arith.index_cast %add3A_708 : i32 to index
        %get3A_712 = arith.constant 32 : index
        %get3A_713 = tpu.vector_load %arg6[%get3A_710, %get3A_711, %get3A_712] {strides = array<i32>} : memref<4x160x128xf32, #tpu.memory_space<vmem>>, vector<1x1x16xf32>,
        %get3A_714 = vector.shape_cast %get3A_713 : vector<1x1x16xf32> to vector<16xf32>
        %add3A_715 = arith.addf %add3A_704, %get3A_714 : vector<16xf32>
        %mul3A_716 = arith.constant 5 : i32
        %mul3A_717 = arith.muli %mul3A_716, %scan3A_568 : i32
        %add3A_718 = arith.constant 3 : i32
        %add3A_719 = arith.addi %mul3A_717, %add3A_718 : i32
        %get3A_720 = arith.constant 2 : i32
        %get3A_721 = arith.index_cast %get3A_720 : i32 to index
        %get3A_722 = arith.index_cast %add3A_719 : i32 to index
        %get3A_723 = arith.constant 32 : index
        %get3A_724 = tpu.vector_load %arg6[%get3A_721, %get3A_722, %get3A_723] {strides = array<i32>} : memref<4x160x128xf32, #tpu.memory_space<vmem>>, vector<1x1x16xf32>,
        %get3A_725 = vector.shape_cast %get3A_724 : vector<1x1x16xf32> to vector<16xf32>
        %add3A_726 = arith.addf %add3A_715, %get3A_725 : vector<16xf32>
        %mul3A_727 = arith.constant 5 : i32
        %mul3A_728 = arith.muli %mul3A_727, %scan3A_568 : i32
        %add3A_729 = arith.constant 4 : i32
        %add3A_730 = arith.addi %mul3A_728, %add3A_729 : i32
        %get3A_731 = arith.constant 2 : i32
        %get3A_732 = arith.index_cast %get3A_731 : i32 to index
        %get3A_733 = arith.index_cast %add3A_730 : i32 to index
        %get3A_734 = arith.constant 32 : index
        %get3A_735 = tpu.vector_load %arg6[%get3A_732, %get3A_733, %get3A_734] {strides = array<i32>} : memref<4x160x128xf32, #tpu.memory_space<vmem>>, vector<1x1x16xf32>,
        %get3A_736 = vector.shape_cast %get3A_735 : vector<1x1x16xf32> to vector<16xf32>
        %add3A_737 = arith.addf %add3A_726, %get3A_736 : vector<16xf32>
        %swap3A_738 = arith.constant 0 : i32
        %swap3A_739 = arith.index_cast %swap3A_738 : i32 to index
        %swap3A_740 = arith.index_cast %scan3A_568 : i32 to index
        %swap3A_741 = arith.constant 32 : index
        %swap3A_742 = tpu.vector_load %arg7[%swap3A_739, %swap3A_740, %swap3A_741] {strides = array<i32>} : memref<2x32x128xf32, #tpu.memory_space<vmem>>, vector<1x1x16xf32>,
        %swap3A_743 = vector.shape_cast %swap3A_742 : vector<1x1x16xf32> to vector<16xf32>
        %swap3A_744 = vector.shape_cast %add3A_737 : vector<16xf32> to vector<1x1x16xf32>
        tpu.vector_store %arg7[%swap3A_739, %swap3A_740, %swap3A_741], %swap3A_744 {strides = array<i32>} : memref<2x32x128xf32, #tpu.memory_space<vmem>>, vector<1x1x16xf32>,
        %mul3A_745 = arith.constant 5 : i32
        %mul3A_746 = arith.muli %mul3A_745, %scan3A_568 : i32
        %get3A_747 = arith.constant 2 : i32
        %get3A_748 = arith.index_cast %get3A_747 : i32 to index
        %get3A_749 = arith.index_cast %mul3A_746 : i32 to index
        %get3A_750 = arith.constant 48 : index
        %get3A_751 = tpu.vector_load %arg6[%get3A_748, %get3A_749, %get3A_750] {strides = array<i32>} : memref<4x160x128xf32, #tpu.memory_space<vmem>>, vector<1x1x16xf32>,
        %get3A_752 = vector.shape_cast %get3A_751 : vector<1x1x16xf32> to vector<16xf32>
        %mul3A_753 = arith.constant 5 : i32
        %mul3A_754 = arith.muli %mul3A_753, %scan3A_568 : i32
        %add3A_755 = arith.constant 1 : i32
        %add3A_756 = arith.addi %mul3A_754, %add3A_755 : i32
        %get3A_757 = arith.constant 2 : i32
        %get3A_758 = arith.index_cast %get3A_757 : i32 to index
        %get3A_759 = arith.index_cast %add3A_756 : i32 to index
        %get3A_760 = arith.constant 48 : index
        %get3A_761 = tpu.vector_load %arg6[%get3A_758, %get3A_759, %get3A_760] {strides = array<i32>} : memref<4x160x128xf32, #tpu.memory_space<vmem>>, vector<1x1x16xf32>,
        %get3A_762 = vector.shape_cast %get3A_761 : vector<1x1x16xf32> to vector<16xf32>
        %add3A_763 = arith.addf %get3A_752, %get3A_762 : vector<16xf32>
        %mul3A_764 = arith.constant 5 : i32
        %mul3A_765 = arith.muli %mul3A_764, %scan3A_568 : i32
        %add3A_766 = arith.constant 2 : i32
        %add3A_767 = arith.addi %mul3A_765, %add3A_766 : i32
        %get3A_768 = arith.constant 2 : i32
        %get3A_769 = arith.index_cast %get3A_768 : i32 to index
        %get3A_770 = arith.index_cast %add3A_767 : i32 to index
        %get3A_771 = arith.constant 48 : index
        %get3A_772 = tpu.vector_load %arg6[%get3A_769, %get3A_770, %get3A_771] {strides = array<i32>} : memref<4x160x128xf32, #tpu.memory_space<vmem>>, vector<1x1x16xf32>,
        %get3A_773 = vector.shape_cast %get3A_772 : vector<1x1x16xf32> to vector<16xf32>
        %add3A_774 = arith.addf %add3A_763, %get3A_773 : vector<16xf32>
        %mul3A_775 = arith.constant 5 : i32
        %mul3A_776 = arith.muli %mul3A_775, %scan3A_568 : i32
        %add3A_777 = arith.constant 3 : i32
        %add3A_778 = arith.addi %mul3A_776, %add3A_777 : i32
        %get3A_779 = arith.constant 2 : i32
        %get3A_780 = arith.index_cast %get3A_779 : i32 to index
        %get3A_781 = arith.index_cast %add3A_778 : i32 to index
        %get3A_782 = arith.constant 48 : index
        %get3A_783 = tpu.vector_load %arg6[%get3A_780, %get3A_781, %get3A_782] {strides = array<i32>} : memref<4x160x128xf32, #tpu.memory_space<vmem>>, vector<1x1x16xf32>,
        %get3A_784 = vector.shape_cast %get3A_783 : vector<1x1x16xf32> to vector<16xf32>
        %add3A_785 = arith.addf %add3A_774, %get3A_784 : vector<16xf32>
        %mul3A_786 = arith.constant 5 : i32
        %mul3A_787 = arith.muli %mul3A_786, %scan3A_568 : i32
        %add3A_788 = arith.constant 4 : i32
        %add3A_789 = arith.addi %mul3A_787, %add3A_788 : i32
        %get3A_790 = arith.constant 2 : i32
        %get3A_791 = arith.index_cast %get3A_790 : i32 to index
        %get3A_792 = arith.index_cast %add3A_789 : i32 to index
        %get3A_793 = arith.constant 48 : index
        %get3A_794 = tpu.vector_load %arg6[%get3A_791, %get3A_792, %get3A_793] {strides = array<i32>} : memref<4x160x128xf32, #tpu.memory_space<vmem>>, vector<1x1x16xf32>,
        %get3A_795 = vector.shape_cast %get3A_794 : vector<1x1x16xf32> to vector<16xf32>
        %add3A_796 = arith.addf %add3A_785, %get3A_795 : vector<16xf32>
        %swap3A_797 = arith.constant 0 : i32
        %swap3A_798 = arith.index_cast %swap3A_797 : i32 to index
        %swap3A_799 = arith.index_cast %scan3A_568 : i32 to index
        %swap3A_800 = arith.constant 48 : index
        %swap3A_801 = tpu.vector_load %arg7[%swap3A_798, %swap3A_799, %swap3A_800] {strides = array<i32>} : memref<2x32x128xf32, #tpu.memory_space<vmem>>, vector<1x1x16xf32>,
        %swap3A_802 = vector.shape_cast %swap3A_801 : vector<1x1x16xf32> to vector<16xf32>
        %swap3A_803 = vector.shape_cast %add3A_796 : vector<16xf32> to vector<1x1x16xf32>
        tpu.vector_store %arg7[%swap3A_798, %swap3A_799, %swap3A_800], %swap3A_803 {strides = array<i32>} : memref<2x32x128xf32, #tpu.memory_space<vmem>>, vector<1x1x16xf32>,
        %mul3A_804 = arith.constant 5 : i32
        %mul3A_805 = arith.muli %mul3A_804, %scan3A_568 : i32
        %get3A_806 = arith.constant 2 : i32
        %get3A_807 = arith.index_cast %get3A_806 : i32 to index
        %get3A_808 = arith.index_cast %mul3A_805 : i32 to index
        %get3A_809 = arith.constant 64 : index
        %get3A_810 = tpu.vector_load %arg6[%get3A_807, %get3A_808, %get3A_809] {strides = array<i32>} : memref<4x160x128xf32, #tpu.memory_space<vmem>>, vector<1x1x16xf32>,
        %get3A_811 = vector.shape_cast %get3A_810 : vector<1x1x16xf32> to vector<16xf32>
        %mul3A_812 = arith.constant 5 : i32
        %mul3A_813 = arith.muli %mul3A_812, %scan3A_568 : i32
        %add3A_814 = arith.constant 1 : i32
        %add3A_815 = arith.addi %mul3A_813, %add3A_814 : i32
        %get3A_816 = arith.constant 2 : i32
        %get3A_817 = arith.index_cast %get3A_816 : i32 to index
        %get3A_818 = arith.index_cast %add3A_815 : i32 to index
        %get3A_819 = arith.constant 64 : index
        %get3A_820 = tpu.vector_load %arg6[%get3A_817, %get3A_818, %get3A_819] {strides = array<i32>} : memref<4x160x128xf32, #tpu.memory_space<vmem>>, vector<1x1x16xf32>,
        %get3A_821 = vector.shape_cast %get3A_820 : vector<1x1x16xf32> to vector<16xf32>
        %add3A_822 = arith.addf %get3A_811, %get3A_821 : vector<16xf32>
        %mul3A_823 = arith.constant 5 : i32
        %mul3A_824 = arith.muli %mul3A_823, %scan3A_568 : i32
        %add3A_825 = arith.constant 2 : i32
        %add3A_826 = arith.addi %mul3A_824, %add3A_825 : i32
        %get3A_827 = arith.constant 2 : i32
        %get3A_828 = arith.index_cast %get3A_827 : i32 to index
        %get3A_829 = arith.index_cast %add3A_826 : i32 to index
        %get3A_830 = arith.constant 64 : index
        %get3A_831 = tpu.vector_load %arg6[%get3A_828, %get3A_829, %get3A_830] {strides = array<i32>} : memref<4x160x128xf32, #tpu.memory_space<vmem>>, vector<1x1x16xf32>,
        %get3A_832 = vector.shape_cast %get3A_831 : vector<1x1x16xf32> to vector<16xf32>
        %add3A_833 = arith.addf %add3A_822, %get3A_832 : vector<16xf32>
        %mul3A_834 = arith.constant 5 : i32
        %mul3A_835 = arith.muli %mul3A_834, %scan3A_568 : i32
        %add3A_836 = arith.constant 3 : i32
        %add3A_837 = arith.addi %mul3A_835, %add3A_836 : i32
        %get3A_838 = arith.constant 2 : i32
        %get3A_839 = arith.index_cast %get3A_838 : i32 to index
        %get3A_840 = arith.index_cast %add3A_837 : i32 to index
        %get3A_841 = arith.constant 64 : index
        %get3A_842 = tpu.vector_load %arg6[%get3A_839, %get3A_840, %get3A_841] {strides = array<i32>} : memref<4x160x128xf32, #tpu.memory_space<vmem>>, vector<1x1x16xf32>,
        %get3A_843 = vector.shape_cast %get3A_842 : vector<1x1x16xf32> to vector<16xf32>
        %add3A_844 = arith.addf %add3A_833, %get3A_843 : vector<16xf32>
        %mul3A_845 = arith.constant 5 : i32
        %mul3A_846 = arith.muli %mul3A_845, %scan3A_568 : i32
        %add3A_847 = arith.constant 4 : i32
        %add3A_848 = arith.addi %mul3A_846, %add3A_847 : i32
        %get3A_849 = arith.constant 2 : i32
        %get3A_850 = arith.index_cast %get3A_849 : i32 to index
        %get3A_851 = arith.index_cast %add3A_848 : i32 to index
        %get3A_852 = arith.constant 64 : index
        %get3A_853 = tpu.vector_load %arg6[%get3A_850, %get3A_851, %get3A_852] {strides = array<i32>} : memref<4x160x128xf32, #tpu.memory_space<vmem>>, vector<1x1x16xf32>,
        %get3A_854 = vector.shape_cast %get3A_853 : vector<1x1x16xf32> to vector<16xf32>
        %add3A_855 = arith.addf %add3A_844, %get3A_854 : vector<16xf32>
        %swap3A_856 = arith.constant 0 : i32
        %swap3A_857 = arith.index_cast %swap3A_856 : i32 to index
        %swap3A_858 = arith.index_cast %scan3A_568 : i32 to index
        %swap3A_859 = arith.constant 64 : index
        %swap3A_860 = tpu.vector_load %arg7[%swap3A_857, %swap3A_858, %swap3A_859] {strides = array<i32>} : memref<2x32x128xf32, #tpu.memory_space<vmem>>, vector<1x1x16xf32>,
        %swap3A_861 = vector.shape_cast %swap3A_860 : vector<1x1x16xf32> to vector<16xf32>
        %swap3A_862 = vector.shape_cast %add3A_855 : vector<16xf32> to vector<1x1x16xf32>
        tpu.vector_store %arg7[%swap3A_857, %swap3A_858, %swap3A_859], %swap3A_862 {strides = array<i32>} : memref<2x32x128xf32, #tpu.memory_space<vmem>>, vector<1x1x16xf32>,
        %mul3A_863 = arith.constant 5 : i32
        %mul3A_864 = arith.muli %mul3A_863, %scan3A_568 : i32
        %get3A_865 = arith.constant 2 : i32
        %get3A_866 = arith.index_cast %get3A_865 : i32 to index
        %get3A_867 = arith.index_cast %mul3A_864 : i32 to index
        %get3A_868 = arith.constant 80 : index
        %get3A_869 = tpu.vector_load %arg6[%get3A_866, %get3A_867, %get3A_868] {strides = array<i32>} : memref<4x160x128xf32, #tpu.memory_space<vmem>>, vector<1x1x16xf32>,
        %get3A_870 = vector.shape_cast %get3A_869 : vector<1x1x16xf32> to vector<16xf32>
        %mul3A_871 = arith.constant 5 : i32
        %mul3A_872 = arith.muli %mul3A_871, %scan3A_568 : i32
        %add3A_873 = arith.constant 1 : i32
        %add3A_874 = arith.addi %mul3A_872, %add3A_873 : i32
        %get3A_875 = arith.constant 2 : i32
        %get3A_876 = arith.index_cast %get3A_875 : i32 to index
        %get3A_877 = arith.index_cast %add3A_874 : i32 to index
        %get3A_878 = arith.constant 80 : index
        %get3A_879 = tpu.vector_load %arg6[%get3A_876, %get3A_877, %get3A_878] {strides = array<i32>} : memref<4x160x128xf32, #tpu.memory_space<vmem>>, vector<1x1x16xf32>,
        %get3A_880 = vector.shape_cast %get3A_879 : vector<1x1x16xf32> to vector<16xf32>
        %add3A_881 = arith.addf %get3A_870, %get3A_880 : vector<16xf32>
        %mul3A_882 = arith.constant 5 : i32
        %mul3A_883 = arith.muli %mul3A_882, %scan3A_568 : i32
        %add3A_884 = arith.constant 2 : i32
        %add3A_885 = arith.addi %mul3A_883, %add3A_884 : i32
        %get3A_886 = arith.constant 2 : i32
        %get3A_887 = arith.index_cast %get3A_886 : i32 to index
        %get3A_888 = arith.index_cast %add3A_885 : i32 to index
        %get3A_889 = arith.constant 80 : index
        %get3A_890 = tpu.vector_load %arg6[%get3A_887, %get3A_888, %get3A_889] {strides = array<i32>} : memref<4x160x128xf32, #tpu.memory_space<vmem>>, vector<1x1x16xf32>,
        %get3A_891 = vector.shape_cast %get3A_890 : vector<1x1x16xf32> to vector<16xf32>
        %add3A_892 = arith.addf %add3A_881, %get3A_891 : vector<16xf32>
        %mul3A_893 = arith.constant 5 : i32
        %mul3A_894 = arith.muli %mul3A_893, %scan3A_568 : i32
        %add3A_895 = arith.constant 3 : i32
        %add3A_896 = arith.addi %mul3A_894, %add3A_895 : i32
        %get3A_897 = arith.constant 2 : i32
        %get3A_898 = arith.index_cast %get3A_897 : i32 to index
        %get3A_899 = arith.index_cast %add3A_896 : i32 to index
        %get3A_900 = arith.constant 80 : index
        %get3A_901 = tpu.vector_load %arg6[%get3A_898, %get3A_899, %get3A_900] {strides = array<i32>} : memref<4x160x128xf32, #tpu.memory_space<vmem>>, vector<1x1x16xf32>,
        %get3A_902 = vector.shape_cast %get3A_901 : vector<1x1x16xf32> to vector<16xf32>
        %add3A_903 = arith.addf %add3A_892, %get3A_902 : vector<16xf32>
        %mul3A_904 = arith.constant 5 : i32
        %mul3A_905 = arith.muli %mul3A_904, %scan3A_568 : i32
        %add3A_906 = arith.constant 4 : i32
        %add3A_907 = arith.addi %mul3A_905, %add3A_906 : i32
        %get3A_908 = arith.constant 2 : i32
        %get3A_909 = arith.index_cast %get3A_908 : i32 to index
        %get3A_910 = arith.index_cast %add3A_907 : i32 to index
        %get3A_911 = arith.constant 80 : index
        %get3A_912 = tpu.vector_load %arg6[%get3A_909, %get3A_910, %get3A_911] {strides = array<i32>} : memref<4x160x128xf32, #tpu.memory_space<vmem>>, vector<1x1x16xf32>,
        %get3A_913 = vector.shape_cast %get3A_912 : vector<1x1x16xf32> to vector<16xf32>
        %add3A_914 = arith.addf %add3A_903, %get3A_913 : vector<16xf32>
        %swap3A_915 = arith.constant 0 : i32
        %swap3A_916 = arith.index_cast %swap3A_915 : i32 to index
        %swap3A_917 = arith.index_cast %scan3A_568 : i32 to index
        %swap3A_918 = arith.constant 80 : index
        %swap3A_919 = tpu.vector_load %arg7[%swap3A_916, %swap3A_917, %swap3A_918] {strides = array<i32>} : memref<2x32x128xf32, #tpu.memory_space<vmem>>, vector<1x1x16xf32>,
        %swap3A_920 = vector.shape_cast %swap3A_919 : vector<1x1x16xf32> to vector<16xf32>
        %swap3A_921 = vector.shape_cast %add3A_914 : vector<16xf32> to vector<1x1x16xf32>
        tpu.vector_store %arg7[%swap3A_916, %swap3A_917, %swap3A_918], %swap3A_921 {strides = array<i32>} : memref<2x32x128xf32, #tpu.memory_space<vmem>>, vector<1x1x16xf32>,
        %mul3A_922 = arith.constant 5 : i32
        %mul3A_923 = arith.muli %mul3A_922, %scan3A_568 : i32
        %get3A_924 = arith.constant 2 : i32
        %get3A_925 = arith.index_cast %get3A_924 : i32 to index
        %get3A_926 = arith.index_cast %mul3A_923 : i32 to index
        %get3A_927 = arith.constant 96 : index
        %get3A_928 = tpu.vector_load %arg6[%get3A_925, %get3A_926, %get3A_927] {strides = array<i32>} : memref<4x160x128xf32, #tpu.memory_space<vmem>>, vector<1x1x16xf32>,
        %get3A_929 = vector.shape_cast %get3A_928 : vector<1x1x16xf32> to vector<16xf32>
        %mul3A_930 = arith.constant 5 : i32
        %mul3A_931 = arith.muli %mul3A_930, %scan3A_568 : i32
        %add3A_932 = arith.constant 1 : i32
        %add3A_933 = arith.addi %mul3A_931, %add3A_932 : i32
        %get3A_934 = arith.constant 2 : i32
        %get3A_935 = arith.index_cast %get3A_934 : i32 to index
        %get3A_936 = arith.index_cast %add3A_933 : i32 to index
        %get3A_937 = arith.constant 96 : index
        %get3A_938 = tpu.vector_load %arg6[%get3A_935, %get3A_936, %get3A_937] {strides = array<i32>} : memref<4x160x128xf32, #tpu.memory_space<vmem>>, vector<1x1x16xf32>,
        %get3A_939 = vector.shape_cast %get3A_938 : vector<1x1x16xf32> to vector<16xf32>
        %add3A_940 = arith.addf %get3A_929, %get3A_939 : vector<16xf32>
        %mul3A_941 = arith.constant 5 : i32
        %mul3A_942 = arith.muli %mul3A_941, %scan3A_568 : i32
        %add3A_943 = arith.constant 2 : i32
        %add3A_944 = arith.addi %mul3A_942, %add3A_943 : i32
        %get3A_945 = arith.constant 2 : i32
        %get3A_946 = arith.index_cast %get3A_945 : i32 to index
        %get3A_947 = arith.index_cast %add3A_944 : i32 to index
        %get3A_948 = arith.constant 96 : index
        %get3A_949 = tpu.vector_load %arg6[%get3A_946, %get3A_947, %get3A_948] {strides = array<i32>} : memref<4x160x128xf32, #tpu.memory_space<vmem>>, vector<1x1x16xf32>,
        %get3A_950 = vector.shape_cast %get3A_949 : vector<1x1x16xf32> to vector<16xf32>
        %add3A_951 = arith.addf %add3A_940, %get3A_950 : vector<16xf32>
        %mul3A_952 = arith.constant 5 : i32
        %mul3A_953 = arith.muli %mul3A_952, %scan3A_568 : i32
        %add3A_954 = arith.constant 3 : i32
        %add3A_955 = arith.addi %mul3A_953, %add3A_954 : i32
        %get3A_956 = arith.constant 2 : i32
        %get3A_957 = arith.index_cast %get3A_956 : i32 to index
        %get3A_958 = arith.index_cast %add3A_955 : i32 to index
        %get3A_959 = arith.constant 96 : index
        %get3A_960 = tpu.vector_load %arg6[%get3A_957, %get3A_958, %get3A_959] {strides = array<i32>} : memref<4x160x128xf32, #tpu.memory_space<vmem>>, vector<1x1x16xf32>,
        %get3A_961 = vector.shape_cast %get3A_960 : vector<1x1x16xf32> to vector<16xf32>
        %add3A_962 = arith.addf %add3A_951, %get3A_961 : vector<16xf32>
        %mul3A_963 = arith.constant 5 : i32
        %mul3A_964 = arith.muli %mul3A_963, %scan3A_568 : i32
        %add3A_965 = arith.constant 4 : i32
        %add3A_966 = arith.addi %mul3A_964, %add3A_965 : i32
        %get3A_967 = arith.constant 2 : i32
        %get3A_968 = arith.index_cast %get3A_967 : i32 to index
        %get3A_969 = arith.index_cast %add3A_966 : i32 to index
        %get3A_970 = arith.constant 96 : index
        %get3A_971 = tpu.vector_load %arg6[%get3A_968, %get3A_969, %get3A_970] {strides = array<i32>} : memref<4x160x128xf32, #tpu.memory_space<vmem>>, vector<1x1x16xf32>,
        %get3A_972 = vector.shape_cast %get3A_971 : vector<1x1x16xf32> to vector<16xf32>
        %add3A_973 = arith.addf %add3A_962, %get3A_972 : vector<16xf32>
        %swap3A_974 = arith.constant 0 : i32
        %swap3A_975 = arith.index_cast %swap3A_974 : i32 to index
        %swap3A_976 = arith.index_cast %scan3A_568 : i32 to index
        %swap3A_977 = arith.constant 96 : index
        %swap3A_978 = tpu.vector_load %arg7[%swap3A_975, %swap3A_976, %swap3A_977] {strides = array<i32>} : memref<2x32x128xf32, #tpu.memory_space<vmem>>, vector<1x1x16xf32>,
        %swap3A_979 = vector.shape_cast %swap3A_978 : vector<1x1x16xf32> to vector<16xf32>
        %swap3A_980 = vector.shape_cast %add3A_973 : vector<16xf32> to vector<1x1x16xf32>
        tpu.vector_store %arg7[%swap3A_975, %swap3A_976, %swap3A_977], %swap3A_980 {strides = array<i32>} : memref<2x32x128xf32, #tpu.memory_space<vmem>>, vector<1x1x16xf32>,
        %mul3A_981 = arith.constant 5 : i32
        %mul3A_982 = arith.muli %mul3A_981, %scan3A_568 : i32
        %get3A_983 = arith.constant 2 : i32
        %get3A_984 = arith.index_cast %get3A_983 : i32 to index
        %get3A_985 = arith.index_cast %mul3A_982 : i32 to index
        %get3A_986 = arith.constant 112 : index
        %get3A_987 = tpu.vector_load %arg6[%get3A_984, %get3A_985, %get3A_986] {strides = array<i32>} : memref<4x160x128xf32, #tpu.memory_space<vmem>>, vector<1x1x16xf32>,
        %get3A_988 = vector.shape_cast %get3A_987 : vector<1x1x16xf32> to vector<16xf32>
        %mul3A_989 = arith.constant 5 : i32
        %mul3A_990 = arith.muli %mul3A_989, %scan3A_568 : i32
        %add3A_991 = arith.constant 1 : i32
        %add3A_992 = arith.addi %mul3A_990, %add3A_991 : i32
        %get3A_993 = arith.constant 2 : i32
        %get3A_994 = arith.index_cast %get3A_993 : i32 to index
        %get3A_995 = arith.index_cast %add3A_992 : i32 to index
        %get3A_996 = arith.constant 112 : index
        %get3A_997 = tpu.vector_load %arg6[%get3A_994, %get3A_995, %get3A_996] {strides = array<i32>} : memref<4x160x128xf32, #tpu.memory_space<vmem>>, vector<1x1x16xf32>,
        %get3A_998 = vector.shape_cast %get3A_997 : vector<1x1x16xf32> to vector<16xf32>
        %add3A_999 = arith.addf %get3A_988, %get3A_998 : vector<16xf32>
        %mul3A_1000 = arith.constant 5 : i32
        %mul3A_1001 = arith.muli %mul3A_1000, %scan3A_568 : i32
        %add3A_1002 = arith.constant 2 : i32
        %add3A_1003 = arith.addi %mul3A_1001, %add3A_1002 : i32
        %get3A_1004 = arith.constant 2 : i32
        %get3A_1005 = arith.index_cast %get3A_1004 : i32 to index
        %get3A_1006 = arith.index_cast %add3A_1003 : i32 to index
        %get3A_1007 = arith.constant 112 : index
        %get3A_1008 = tpu.vector_load %arg6[%get3A_1005, %get3A_1006, %get3A_1007] {strides = array<i32>} : memref<4x160x128xf32, #tpu.memory_space<vmem>>, vector<1x1x16xf32>,
        %get3A_1009 = vector.shape_cast %get3A_1008 : vector<1x1x16xf32> to vector<16xf32>
        %add3A_1010 = arith.addf %add3A_999, %get3A_1009 : vector<16xf32>
        %mul3A_1011 = arith.constant 5 : i32
        %mul3A_1012 = arith.muli %mul3A_1011, %scan3A_568 : i32
        %add3A_1013 = arith.constant 3 : i32
        %add3A_1014 = arith.addi %mul3A_1012, %add3A_1013 : i32
        %get3A_1015 = arith.constant 2 : i32
        %get3A_1016 = arith.index_cast %get3A_1015 : i32 to index
        %get3A_1017 = arith.index_cast %add3A_1014 : i32 to index
        %get3A_1018 = arith.constant 112 : index
        %get3A_1019 = tpu.vector_load %arg6[%get3A_1016, %get3A_1017, %get3A_1018] {strides = array<i32>} : memref<4x160x128xf32, #tpu.memory_space<vmem>>, vector<1x1x16xf32>,
        %get3A_1020 = vector.shape_cast %get3A_1019 : vector<1x1x16xf32> to vector<16xf32>
        %add3A_1021 = arith.addf %add3A_1010, %get3A_1020 : vector<16xf32>
        %mul3A_1022 = arith.constant 5 : i32
        %mul3A_1023 = arith.muli %mul3A_1022, %scan3A_568 : i32
        %add3A_1024 = arith.constant 4 : i32
        %add3A_1025 = arith.addi %mul3A_1023, %add3A_1024 : i32
        %get3A_1026 = arith.constant 2 : i32
        %get3A_1027 = arith.index_cast %get3A_1026 : i32 to index
        %get3A_1028 = arith.index_cast %add3A_1025 : i32 to index
        %get3A_1029 = arith.constant 112 : index
        %get3A_1030 = tpu.vector_load %arg6[%get3A_1027, %get3A_1028, %get3A_1029] {strides = array<i32>} : memref<4x160x128xf32, #tpu.memory_space<vmem>>, vector<1x1x16xf32>,
        %get3A_1031 = vector.shape_cast %get3A_1030 : vector<1x1x16xf32> to vector<16xf32>
        %add3A_1032 = arith.addf %add3A_1021, %get3A_1031 : vector<16xf32>
        %swap3A_1033 = arith.constant 0 : i32
        %swap3A_1034 = arith.index_cast %swap3A_1033 : i32 to index
        %swap3A_1035 = arith.index_cast %scan3A_568 : i32 to index
        %swap3A_1036 = arith.constant 112 : index
        %swap3A_1037 = tpu.vector_load %arg7[%swap3A_1034, %swap3A_1035, %swap3A_1036] {strides = array<i32>} : memref<2x32x128xf32, #tpu.memory_space<vmem>>, vector<1x1x16xf32>,
        %swap3A_1038 = vector.shape_cast %swap3A_1037 : vector<1x1x16xf32> to vector<16xf32>
        %swap3A_1039 = vector.shape_cast %add3A_1032 : vector<16xf32> to vector<1x1x16xf32>
        tpu.vector_store %arg7[%swap3A_1034, %swap3A_1035, %swap3A_1036], %swap3A_1039 {strides = array<i32>} : memref<2x32x128xf32, #tpu.memory_space<vmem>>, vector<1x1x16xf32>,
        %scan3A_1040 = arith.constant 0 : i32
        scf.yield %scan3A_1040 : i32
      }
      %scan3A_460 = arith.constant 32 : i32
      %mul3A_461 = arith.constant 32 : i32
      %mul3A_462 = arith.muli %add3A_390, %mul3A_461 : i32
      %add3A_463 = arith.addi %add3A, %mul3A_462 : i32
      %dma_start3A_464 = arith.constant 0 : i32
      %dma_start3A_465 = arith.constant 0 : i32
      %dma_start3A_466 = arith.constant 0 : i32
      %dma_start3A_467 = tpu.memref_slice %arg7[%dma_start3A_464, %dma_start3A_465, %dma_start3A_466] : memref<2x32x128xf32, #tpu.memory_space<vmem>> -> memref<1x32x128xf32, #tpu.memory_space<vmem>>
      %dma_start3A_468 = tpu.memref_squeeze %dma_start3A_467 : memref<1x32x128xf32, #tpu.memory_space<vmem>> -> memref<32x128xf32, #tpu.memory_space<vmem>>
      %dma_start3A_469 = arith.constant 0 : i32
      %dma_start3A_470 = tpu.memref_slice %arg4[%add3A_463, %dma_start3A_469] : memref<102400x128xf32, #tpu.memory_space<hbm>> -> memref<32x128xf32, #tpu.memory_space<hbm>>
      %dma_start3A_471 = arith.constant 0 : i32
      %dma_start3A_472 = tpu.memref_slice %arg4[%add3A_463, %dma_start3A_471] : memref<102400x128xf32, #tpu.memory_space<hbm>> -> memref<32x128xf32, #tpu.memory_space<hbm>>
      %dma_start3A_473 = arith.constant 0 : i32
      %dma_start3A_474 = arith.constant 0 : i32
      %dma_start3A_475 = tpu.memref_slice %arg7[%dma_start3A_464, %dma_start3A_473, %dma_start3A_474] : memref<2x32x128xf32, #tpu.memory_space<vmem>> -> memref<1x32x128xf32, #tpu.memory_space<vmem>>
      %dma_start3A_476 = tpu.memref_squeeze %dma_start3A_475 : memref<1x32x128xf32, #tpu.memory_space<vmem>> -> memref<32x128xf32, #tpu.memory_space<vmem>>
      tpu.enqueue_dma source(%dma_start3A_476 : memref<32x128xf32, #tpu.memory_space<vmem>>) target(%dma_start3A_472 : memref<32x128xf32, #tpu.memory_space<hbm>>) target_semaphore(%arg12 : memref<!tpu.dma_semaphore, #tpu.memory_space<semaphore_mem>>)
      %mul3A_477 = arith.constant 4 : i32
      %mul3A_478 = arith.muli %mul3A_477, %while3A_210 : i32
      %add3A_479 = arith.constant 3 : i32
      %add3A_480 = arith.addi %mul3A_478, %add3A_479 : i32
      %add3A_481 = arith.constant 4 : i32
      %add3A_482 = arith.addi %add3A_480, %add3A_481 : i32
      %sub3A_483 = arith.constant 1 : i32
      %sub3A_484 = arith.subi %add3A_482, %sub3A_483 : i32
      %lt3A_485 = arith.cmpi slt, %sub3A_484, %select_n3A : i32
      %convert_element_type3A_486 = arith.extui %lt3A_485 : i1 to i32
      %cond3A_487 = arith.constant 0 : i32
      %cond3A_488 = arith.cmpi ne, %convert_element_type3A_486, %cond3A_487 : i32
      scf.if %cond3A_488 {
        %mul3A_568 = arith.constant 160 : i32
        %mul3A_569 = arith.muli %sub3A_484, %mul3A_568 : i32
        %add3A_570 = arith.constant 0 : i32
        %add3A_571 = arith.addi %mul3A_569, %add3A_570 : i32
        %dma_start3A_572 = arith.constant 2 : i32
        %dma_start3A_573 = arith.constant 0 : i32
        %dma_start3A_574 = arith.constant 0 : i32
        %dma_start3A_575 = tpu.memref_slice %arg6[%dma_start3A_572, %dma_start3A_573, %dma_start3A_574] : memref<4x160x128xf32, #tpu.memory_space<vmem>> -> memref<1x32x128xf32, #tpu.memory_space<vmem>>
        %dma_start3A_576 = tpu.memref_squeeze %dma_start3A_575 : memref<1x32x128xf32, #tpu.memory_space<vmem>> -> memref<32x128xf32, #tpu.memory_space<vmem>>
        %dma_start3A_577 = tpu.memref_slice %arg5[%add3A_571] : memref<16000xi32, #tpu.memory_space<vmem>> -> memref<32xi32, #tpu.memory_space<vmem>>
        %dma_start3A_578 = arith.constant 0 : i32
        %dma_start3A_579 = arith.constant 0 : i32
        %dma_start3A_580 = tpu.memref_slice %arg2[%dma_start3A_578, %dma_start3A_579] : memref<100000x128xf32, #tpu.memory_space<hbm>> -> memref<100000x128xf32, #tpu.memory_space<hbm>>
        tpu.enqueue_indirect_dma source(%dma_start3A_580 : memref<100000x128xf32, #tpu.memory_space<hbm>>) target(%dma_start3A_576 : memref<32x128xf32, #tpu.memory_space<vmem>>) offsets(%dma_start3A_577 : memref<32xi32, #tpu.memory_space<vmem>>) semaphore(%arg10 : memref<!tpu.dma_semaphore, #tpu.memory_space<semaphore_mem>>)
        %mul3A_581 = arith.constant 160 : i32
        %mul3A_582 = arith.muli %sub3A_484, %mul3A_581 : i32
        %add3A_583 = arith.constant 32 : i32
        %add3A_584 = arith.addi %mul3A_582, %add3A_583 : i32
        %dma_start3A_585 = arith.constant 2 : i32
        %dma_start3A_586 = arith.constant 32 : i32
        %dma_start3A_587 = arith.constant 0 : i32
        %dma_start3A_588 = tpu.memref_slice %arg6[%dma_start3A_585, %dma_start3A_586, %dma_start3A_587] : memref<4x160x128xf32, #tpu.memory_space<vmem>> -> memref<1x32x128xf32, #tpu.memory_space<vmem>>
        %dma_start3A_589 = tpu.memref_squeeze %dma_start3A_588 : memref<1x32x128xf32, #tpu.memory_space<vmem>> -> memref<32x128xf32, #tpu.memory_space<vmem>>
        %dma_start3A_590 = tpu.memref_slice %arg5[%add3A_584] : memref<16000xi32, #tpu.memory_space<vmem>> -> memref<32xi32, #tpu.memory_space<vmem>>
        %dma_start3A_591 = arith.constant 0 : i32
        %dma_start3A_592 = arith.constant 0 : i32
        %dma_start3A_593 = tpu.memref_slice %arg2[%dma_start3A_591, %dma_start3A_592] : memref<100000x128xf32, #tpu.memory_space<hbm>> -> memref<100000x128xf32, #tpu.memory_space<hbm>>
        tpu.enqueue_indirect_dma source(%dma_start3A_593 : memref<100000x128xf32, #tpu.memory_space<hbm>>) target(%dma_start3A_589 : memref<32x128xf32, #tpu.memory_space<vmem>>) offsets(%dma_start3A_590 : memref<32xi32, #tpu.memory_space<vmem>>) semaphore(%arg10 : memref<!tpu.dma_semaphore, #tpu.memory_space<semaphore_mem>>)
        %mul3A_594 = arith.constant 160 : i32
        %mul3A_595 = arith.muli %sub3A_484, %mul3A_594 : i32
        %add3A_596 = arith.constant 64 : i32
        %add3A_597 = arith.addi %mul3A_595, %add3A_596 : i32
        %dma_start3A_598 = arith.constant 2 : i32
        %dma_start3A_599 = arith.constant 64 : i32
        %dma_start3A_600 = arith.constant 0 : i32
        %dma_start3A_601 = tpu.memref_slice %arg6[%dma_start3A_598, %dma_start3A_599, %dma_start3A_600] : memref<4x160x128xf32, #tpu.memory_space<vmem>> -> memref<1x32x128xf32, #tpu.memory_space<vmem>>
        %dma_start3A_602 = tpu.memref_squeeze %dma_start3A_601 : memref<1x32x128xf32, #tpu.memory_space<vmem>> -> memref<32x128xf32, #tpu.memory_space<vmem>>
        %dma_start3A_603 = tpu.memref_slice %arg5[%add3A_597] : memref<16000xi32, #tpu.memory_space<vmem>> -> memref<32xi32, #tpu.memory_space<vmem>>
        %dma_start3A_604 = arith.constant 0 : i32
        %dma_start3A_605 = arith.constant 0 : i32
        %dma_start3A_606 = tpu.memref_slice %arg2[%dma_start3A_604, %dma_start3A_605] : memref<100000x128xf32, #tpu.memory_space<hbm>> -> memref<100000x128xf32, #tpu.memory_space<hbm>>
        tpu.enqueue_indirect_dma source(%dma_start3A_606 : memref<100000x128xf32, #tpu.memory_space<hbm>>) target(%dma_start3A_602 : memref<32x128xf32, #tpu.memory_space<vmem>>) offsets(%dma_start3A_603 : memref<32xi32, #tpu.memory_space<vmem>>) semaphore(%arg10 : memref<!tpu.dma_semaphore, #tpu.memory_space<semaphore_mem>>)
        %mul3A_607 = arith.constant 160 : i32
        %mul3A_608 = arith.muli %sub3A_484, %mul3A_607 : i32
        %add3A_609 = arith.constant 96 : i32
        %add3A_610 = arith.addi %mul3A_608, %add3A_609 : i32
        %dma_start3A_611 = arith.constant 2 : i32
        %dma_start3A_612 = arith.constant 96 : i32
        %dma_start3A_613 = arith.constant 0 : i32
        %dma_start3A_614 = tpu.memref_slice %arg6[%dma_start3A_611, %dma_start3A_612, %dma_start3A_613] : memref<4x160x128xf32, #tpu.memory_space<vmem>> -> memref<1x32x128xf32, #tpu.memory_space<vmem>>
        %dma_start3A_615 = tpu.memref_squeeze %dma_start3A_614 : memref<1x32x128xf32, #tpu.memory_space<vmem>> -> memref<32x128xf32, #tpu.memory_space<vmem>>
        %dma_start3A_616 = tpu.memref_slice %arg5[%add3A_610] : memref<16000xi32, #tpu.memory_space<vmem>> -> memref<32xi32, #tpu.memory_space<vmem>>
        %dma_start3A_617 = arith.constant 0 : i32
        %dma_start3A_618 = arith.constant 0 : i32
        %dma_start3A_619 = tpu.memref_slice %arg2[%dma_start3A_617, %dma_start3A_618] : memref<100000x128xf32, #tpu.memory_space<hbm>> -> memref<100000x128xf32, #tpu.memory_space<hbm>>
        tpu.enqueue_indirect_dma source(%dma_start3A_619 : memref<100000x128xf32, #tpu.memory_space<hbm>>) target(%dma_start3A_615 : memref<32x128xf32, #tpu.memory_space<vmem>>) offsets(%dma_start3A_616 : memref<32xi32, #tpu.memory_space<vmem>>) semaphore(%arg10 : memref<!tpu.dma_semaphore, #tpu.memory_space<semaphore_mem>>)
        %mul3A_620 = arith.constant 160 : i32
        %mul3A_621 = arith.muli %sub3A_484, %mul3A_620 : i32
        %add3A_622 = arith.constant 128 : i32
        %add3A_623 = arith.addi %mul3A_621, %add3A_622 : i32
        %dma_start3A_624 = arith.constant 2 : i32
        %dma_start3A_625 = arith.constant 128 : i32
        %dma_start3A_626 = arith.constant 0 : i32
        %dma_start3A_627 = tpu.memref_slice %arg6[%dma_start3A_624, %dma_start3A_625, %dma_start3A_626] : memref<4x160x128xf32, #tpu.memory_space<vmem>> -> memref<1x32x128xf32, #tpu.memory_space<vmem>>
        %dma_start3A_628 = tpu.memref_squeeze %dma_start3A_627 : memref<1x32x128xf32, #tpu.memory_space<vmem>> -> memref<32x128xf32, #tpu.memory_space<vmem>>
        %dma_start3A_629 = tpu.memref_slice %arg5[%add3A_623] : memref<16000xi32, #tpu.memory_space<vmem>> -> memref<32xi32, #tpu.memory_space<vmem>>
        %dma_start3A_630 = arith.constant 0 : i32
        %dma_start3A_631 = arith.constant 0 : i32
        %dma_start3A_632 = tpu.memref_slice %arg2[%dma_start3A_630, %dma_start3A_631] : memref<100000x128xf32, #tpu.memory_space<hbm>> -> memref<100000x128xf32, #tpu.memory_space<hbm>>
        tpu.enqueue_indirect_dma source(%dma_start3A_632 : memref<100000x128xf32, #tpu.memory_space<hbm>>) target(%dma_start3A_628 : memref<32x128xf32, #tpu.memory_space<vmem>>) offsets(%dma_start3A_629 : memref<32xi32, #tpu.memory_space<vmem>>) semaphore(%arg10 : memref<!tpu.dma_semaphore, #tpu.memory_space<semaphore_mem>>)
      } else {
      }
      %dma_wait3A_489 = arith.constant 3 : i32
      %dma_wait3A_490 = arith.constant 0 : i32
      %dma_wait3A_491 = arith.constant 0 : i32
      %dma_wait3A_492 = tpu.memref_slice %arg6[%dma_wait3A_489, %dma_wait3A_490, %dma_wait3A_491] : memref<4x160x128xf32, #tpu.memory_space<vmem>> -> memref<1x32x128xf32, #tpu.memory_space<vmem>>
      %dma_wait3A_493 = tpu.memref_squeeze %dma_wait3A_492 : memref<1x32x128xf32, #tpu.memory_space<vmem>> -> memref<32x128xf32, #tpu.memory_space<vmem>>
      %dma_wait3A_494 = arith.constant 0 : i32
      %dma_wait3A_495 = tpu.memref_slice %arg5[%dma_wait3A_494] : memref<16000xi32, #tpu.memory_space<vmem>> -> memref<32xi32, #tpu.memory_space<vmem>>
      %dma_wait3A_496 = arith.constant 0 : i32
      %dma_wait3A_497 = arith.constant 0 : i32
      %dma_wait3A_498 = tpu.memref_slice %arg2[%dma_wait3A_496, %dma_wait3A_497] : memref<100000x128xf32, #tpu.memory_space<hbm>> -> memref<100000x128xf32, #tpu.memory_space<hbm>>
      tpu.wait_indirect_dma semaphore(%arg11 : memref<!tpu.dma_semaphore, #tpu.memory_space<semaphore_mem>>) src(%dma_wait3A_498 : memref<100000x128xf32, #tpu.memory_space<hbm>>) dst(%dma_wait3A_493 : memref<32x128xf32, #tpu.memory_space<vmem>>)
      %dma_wait3A_499 = arith.constant 3 : i32
      %dma_wait3A_500 = arith.constant 32 : i32
      %dma_wait3A_501 = arith.constant 0 : i32
      %dma_wait3A_502 = tpu.memref_slice %arg6[%dma_wait3A_499, %dma_wait3A_500, %dma_wait3A_501] : memref<4x160x128xf32, #tpu.memory_space<vmem>> -> memref<1x32x128xf32, #tpu.memory_space<vmem>>
      %dma_wait3A_503 = tpu.memref_squeeze %dma_wait3A_502 : memref<1x32x128xf32, #tpu.memory_space<vmem>> -> memref<32x128xf32, #tpu.memory_space<vmem>>
      %dma_wait3A_504 = arith.constant 32 : i32
      %dma_wait3A_505 = tpu.memref_slice %arg5[%dma_wait3A_504] : memref<16000xi32, #tpu.memory_space<vmem>> -> memref<32xi32, #tpu.memory_space<vmem>>
      %dma_wait3A_506 = arith.constant 0 : i32
      %dma_wait3A_507 = arith.constant 0 : i32
      %dma_wait3A_508 = tpu.memref_slice %arg2[%dma_wait3A_506, %dma_wait3A_507] : memref<100000x128xf32, #tpu.memory_space<hbm>> -> memref<100000x128xf32, #tpu.memory_space<hbm>>
      tpu.wait_indirect_dma semaphore(%arg11 : memref<!tpu.dma_semaphore, #tpu.memory_space<semaphore_mem>>) src(%dma_wait3A_508 : memref<100000x128xf32, #tpu.memory_space<hbm>>) dst(%dma_wait3A_503 : memref<32x128xf32, #tpu.memory_space<vmem>>)
      %dma_wait3A_509 = arith.constant 3 : i32
      %dma_wait3A_510 = arith.constant 64 : i32
      %dma_wait3A_511 = arith.constant 0 : i32
      %dma_wait3A_512 = tpu.memref_slice %arg6[%dma_wait3A_509, %dma_wait3A_510, %dma_wait3A_511] : memref<4x160x128xf32, #tpu.memory_space<vmem>> -> memref<1x32x128xf32, #tpu.memory_space<vmem>>
      %dma_wait3A_513 = tpu.memref_squeeze %dma_wait3A_512 : memref<1x32x128xf32, #tpu.memory_space<vmem>> -> memref<32x128xf32, #tpu.memory_space<vmem>>
      %dma_wait3A_514 = arith.constant 64 : i32
      %dma_wait3A_515 = tpu.memref_slice %arg5[%dma_wait3A_514] : memref<16000xi32, #tpu.memory_space<vmem>> -> memref<32xi32, #tpu.memory_space<vmem>>
      %dma_wait3A_516 = arith.constant 0 : i32
      %dma_wait3A_517 = arith.constant 0 : i32
      %dma_wait3A_518 = tpu.memref_slice %arg2[%dma_wait3A_516, %dma_wait3A_517] : memref<100000x128xf32, #tpu.memory_space<hbm>> -> memref<100000x128xf32, #tpu.memory_space<hbm>>
      tpu.wait_indirect_dma semaphore(%arg11 : memref<!tpu.dma_semaphore, #tpu.memory_space<semaphore_mem>>) src(%dma_wait3A_518 : memref<100000x128xf32, #tpu.memory_space<hbm>>) dst(%dma_wait3A_513 : memref<32x128xf32, #tpu.memory_space<vmem>>)
      %dma_wait3A_519 = arith.constant 3 : i32
      %dma_wait3A_520 = arith.constant 96 : i32
      %dma_wait3A_521 = arith.constant 0 : i32
      %dma_wait3A_522 = tpu.memref_slice %arg6[%dma_wait3A_519, %dma_wait3A_520, %dma_wait3A_521] : memref<4x160x128xf32, #tpu.memory_space<vmem>> -> memref<1x32x128xf32, #tpu.memory_space<vmem>>
      %dma_wait3A_523 = tpu.memref_squeeze %dma_wait3A_522 : memref<1x32x128xf32, #tpu.memory_space<vmem>> -> memref<32x128xf32, #tpu.memory_space<vmem>>
      %dma_wait3A_524 = arith.constant 96 : i32
      %dma_wait3A_525 = tpu.memref_slice %arg5[%dma_wait3A_524] : memref<16000xi32, #tpu.memory_space<vmem>> -> memref<32xi32, #tpu.memory_space<vmem>>
      %dma_wait3A_526 = arith.constant 0 : i32
      %dma_wait3A_527 = arith.constant 0 : i32
      %dma_wait3A_528 = tpu.memref_slice %arg2[%dma_wait3A_526, %dma_wait3A_527] : memref<100000x128xf32, #tpu.memory_space<hbm>> -> memref<100000x128xf32, #tpu.memory_space<hbm>>
      tpu.wait_indirect_dma semaphore(%arg11 : memref<!tpu.dma_semaphore, #tpu.memory_space<semaphore_mem>>) src(%dma_wait3A_528 : memref<100000x128xf32, #tpu.memory_space<hbm>>) dst(%dma_wait3A_523 : memref<32x128xf32, #tpu.memory_space<vmem>>)
      %dma_wait3A_529 = arith.constant 3 : i32
      %dma_wait3A_530 = arith.constant 128 : i32
      %dma_wait3A_531 = arith.constant 0 : i32
      %dma_wait3A_532 = tpu.memref_slice %arg6[%dma_wait3A_529, %dma_wait3A_530, %dma_wait3A_531] : memref<4x160x128xf32, #tpu.memory_space<vmem>> -> memref<1x32x128xf32, #tpu.memory_space<vmem>>
      %dma_wait3A_533 = tpu.memref_squeeze %dma_wait3A_532 : memref<1x32x128xf32, #tpu.memory_space<vmem>> -> memref<32x128xf32, #tpu.memory_space<vmem>>
      %dma_wait3A_534 = arith.constant 128 : i32
      %dma_wait3A_535 = tpu.memref_slice %arg5[%dma_wait3A_534] : memref<16000xi32, #tpu.memory_space<vmem>> -> memref<32xi32, #tpu.memory_space<vmem>>
      %dma_wait3A_536 = arith.constant 0 : i32
      %dma_wait3A_537 = arith.constant 0 : i32
      %dma_wait3A_538 = tpu.memref_slice %arg2[%dma_wait3A_536, %dma_wait3A_537] : memref<100000x128xf32, #tpu.memory_space<hbm>> -> memref<100000x128xf32, #tpu.memory_space<hbm>>
      tpu.wait_indirect_dma semaphore(%arg11 : memref<!tpu.dma_semaphore, #tpu.memory_space<semaphore_mem>>) src(%dma_wait3A_538 : memref<100000x128xf32, #tpu.memory_space<hbm>>) dst(%dma_wait3A_533 : memref<32x128xf32, #tpu.memory_space<vmem>>)
      %ge3A_539 = arith.constant 2 : i32
      %ge3A_540 = arith.cmpi sge, %add3A_480, %ge3A_539 : i32
      %convert_element_type3A_541 = arith.extui %ge3A_540 : i1 to i32
      %cond3A_542 = arith.constant 0 : i32
      %cond3A_543 = arith.cmpi ne, %convert_element_type3A_541, %cond3A_542 : i32
      scf.if %cond3A_543 {
        %dma_wait3A_568 = arith.constant 1 : i32
        %dma_wait3A_569 = arith.constant 0 : i32
        %dma_wait3A_570 = arith.constant 0 : i32
        %dma_wait3A_571 = tpu.memref_slice %arg7[%dma_wait3A_568, %dma_wait3A_569, %dma_wait3A_570] : memref<2x32x128xf32, #tpu.memory_space<vmem>> -> memref<1x32x128xf32, #tpu.memory_space<vmem>>
        %dma_wait3A_572 = tpu.memref_squeeze %dma_wait3A_571 : memref<1x32x128xf32, #tpu.memory_space<vmem>> -> memref<32x128xf32, #tpu.memory_space<vmem>>
        %dma_wait3A_573 = arith.constant 0 : i32
        %dma_wait3A_574 = tpu.memref_slice %arg4[%add3A, %dma_wait3A_573] : memref<102400x128xf32, #tpu.memory_space<hbm>> -> memref<32x128xf32, #tpu.memory_space<hbm>>
        %dma_wait3A_575 = arith.constant 0 : i32
        %dma_wait3A_576 = tpu.memref_slice %arg4[%add3A, %dma_wait3A_575] : memref<102400x128xf32, #tpu.memory_space<hbm>> -> memref<32x128xf32, #tpu.memory_space<hbm>>
        %dma_wait3A_577 = arith.constant 0 : i32
        %dma_wait3A_578 = arith.constant 0 : i32
        %dma_wait3A_579 = tpu.memref_slice %arg7[%dma_wait3A_568, %dma_wait3A_577, %dma_wait3A_578] : memref<2x32x128xf32, #tpu.memory_space<vmem>> -> memref<1x32x128xf32, #tpu.memory_space<vmem>>
        %dma_wait3A_580 = tpu.memref_squeeze %dma_wait3A_579 : memref<1x32x128xf32, #tpu.memory_space<vmem>> -> memref<32x128xf32, #tpu.memory_space<vmem>>
        tpu.wait_dma2 semaphore(%arg13 : memref<!tpu.dma_semaphore, #tpu.memory_space<semaphore_mem>>) src(%dma_wait3A_580 : memref<32x128xf32, #tpu.memory_space<vmem>>) dst(%dma_wait3A_576 : memref<32x128xf32, #tpu.memory_space<hbm>>)
      } else {
      }
      %scan3A_544 = arith.constant 0 : i32
      %scan3A_545 = arith.constant 0 : i32
      %scan3A_546 = arith.constant 32 : i32
      %scan3A_547 = arith.addi %scan3A_545, %scan3A_546 : i32
      %scan3A_548 = arith.constant 1 : i32
      %scan3A_549 = scf.for %scan3A_568 = %scan3A_545 to %scan3A_547 step %scan3A_548 iter_args(%scan3A_569 = %scan3A_544) -> (i32)  : i32 {
        %mul3A_570 = arith.constant 5 : i32
        %mul3A_571 = arith.muli %mul3A_570, %scan3A_568 : i32
        %get3A = arith.constant 3 : i32
        %get3A_572 = arith.index_cast %get3A : i32 to index
        %get3A_573 = arith.index_cast %mul3A_571 : i32 to index
        %get3A_574 = arith.constant 0 : index
        %get3A_575 = tpu.vector_load %arg6[%get3A_572, %get3A_573, %get3A_574] {strides = array<i32>} : memref<4x160x128xf32, #tpu.memory_space<vmem>>, vector<1x1x16xf32>,
        %get3A_576 = vector.shape_cast %get3A_575 : vector<1x1x16xf32> to vector<16xf32>
        %mul3A_577 = arith.constant 5 : i32
        %mul3A_578 = arith.muli %mul3A_577, %scan3A_568 : i32
        %add3A_579 = arith.constant 1 : i32
        %add3A_580 = arith.addi %mul3A_578, %add3A_579 : i32
        %get3A_581 = arith.constant 3 : i32
        %get3A_582 = arith.index_cast %get3A_581 : i32 to index
        %get3A_583 = arith.index_cast %add3A_580 : i32 to index
        %get3A_584 = arith.constant 0 : index
        %get3A_585 = tpu.vector_load %arg6[%get3A_582, %get3A_583, %get3A_584] {strides = array<i32>} : memref<4x160x128xf32, #tpu.memory_space<vmem>>, vector<1x1x16xf32>,
        %get3A_586 = vector.shape_cast %get3A_585 : vector<1x1x16xf32> to vector<16xf32>
        %add3A_587 = arith.addf %get3A_576, %get3A_586 : vector<16xf32>
        %mul3A_588 = arith.constant 5 : i32
        %mul3A_589 = arith.muli %mul3A_588, %scan3A_568 : i32
        %add3A_590 = arith.constant 2 : i32
        %add3A_591 = arith.addi %mul3A_589, %add3A_590 : i32
        %get3A_592 = arith.constant 3 : i32
        %get3A_593 = arith.index_cast %get3A_592 : i32 to index
        %get3A_594 = arith.index_cast %add3A_591 : i32 to index
        %get3A_595 = arith.constant 0 : index
        %get3A_596 = tpu.vector_load %arg6[%get3A_593, %get3A_594, %get3A_595] {strides = array<i32>} : memref<4x160x128xf32, #tpu.memory_space<vmem>>, vector<1x1x16xf32>,
        %get3A_597 = vector.shape_cast %get3A_596 : vector<1x1x16xf32> to vector<16xf32>
        %add3A_598 = arith.addf %add3A_587, %get3A_597 : vector<16xf32>
        %mul3A_599 = arith.constant 5 : i32
        %mul3A_600 = arith.muli %mul3A_599, %scan3A_568 : i32
        %add3A_601 = arith.constant 3 : i32
        %add3A_602 = arith.addi %mul3A_600, %add3A_601 : i32
        %get3A_603 = arith.constant 3 : i32
        %get3A_604 = arith.index_cast %get3A_603 : i32 to index
        %get3A_605 = arith.index_cast %add3A_602 : i32 to index
        %get3A_606 = arith.constant 0 : index
        %get3A_607 = tpu.vector_load %arg6[%get3A_604, %get3A_605, %get3A_606] {strides = array<i32>} : memref<4x160x128xf32, #tpu.memory_space<vmem>>, vector<1x1x16xf32>,
        %get3A_608 = vector.shape_cast %get3A_607 : vector<1x1x16xf32> to vector<16xf32>
        %add3A_609 = arith.addf %add3A_598, %get3A_608 : vector<16xf32>
        %mul3A_610 = arith.constant 5 : i32
        %mul3A_611 = arith.muli %mul3A_610, %scan3A_568 : i32
        %add3A_612 = arith.constant 4 : i32
        %add3A_613 = arith.addi %mul3A_611, %add3A_612 : i32
        %get3A_614 = arith.constant 3 : i32
        %get3A_615 = arith.index_cast %get3A_614 : i32 to index
        %get3A_616 = arith.index_cast %add3A_613 : i32 to index
        %get3A_617 = arith.constant 0 : index
        %get3A_618 = tpu.vector_load %arg6[%get3A_615, %get3A_616, %get3A_617] {strides = array<i32>} : memref<4x160x128xf32, #tpu.memory_space<vmem>>, vector<1x1x16xf32>,
        %get3A_619 = vector.shape_cast %get3A_618 : vector<1x1x16xf32> to vector<16xf32>
        %add3A_620 = arith.addf %add3A_609, %get3A_619 : vector<16xf32>
        %swap3A = arith.constant 1 : i32
        %swap3A_621 = arith.index_cast %swap3A : i32 to index
        %swap3A_622 = arith.index_cast %scan3A_568 : i32 to index
        %swap3A_623 = arith.constant 0 : index
        %swap3A_624 = tpu.vector_load %arg7[%swap3A_621, %swap3A_622, %swap3A_623] {strides = array<i32>} : memref<2x32x128xf32, #tpu.memory_space<vmem>>, vector<1x1x16xf32>,
        %swap3A_625 = vector.shape_cast %swap3A_624 : vector<1x1x16xf32> to vector<16xf32>
        %swap3A_626 = vector.shape_cast %add3A_620 : vector<16xf32> to vector<1x1x16xf32>
        tpu.vector_store %arg7[%swap3A_621, %swap3A_622, %swap3A_623], %swap3A_626 {strides = array<i32>} : memref<2x32x128xf32, #tpu.memory_space<vmem>>, vector<1x1x16xf32>,
        %mul3A_627 = arith.constant 5 : i32
        %mul3A_628 = arith.muli %mul3A_627, %scan3A_568 : i32
        %get3A_629 = arith.constant 3 : i32
        %get3A_630 = arith.index_cast %get3A_629 : i32 to index
        %get3A_631 = arith.index_cast %mul3A_628 : i32 to index
        %get3A_632 = arith.constant 16 : index
        %get3A_633 = tpu.vector_load %arg6[%get3A_630, %get3A_631, %get3A_632] {strides = array<i32>} : memref<4x160x128xf32, #tpu.memory_space<vmem>>, vector<1x1x16xf32>,
        %get3A_634 = vector.shape_cast %get3A_633 : vector<1x1x16xf32> to vector<16xf32>
        %mul3A_635 = arith.constant 5 : i32
        %mul3A_636 = arith.muli %mul3A_635, %scan3A_568 : i32
        %add3A_637 = arith.constant 1 : i32
        %add3A_638 = arith.addi %mul3A_636, %add3A_637 : i32
        %get3A_639 = arith.constant 3 : i32
        %get3A_640 = arith.index_cast %get3A_639 : i32 to index
        %get3A_641 = arith.index_cast %add3A_638 : i32 to index
        %get3A_642 = arith.constant 16 : index
        %get3A_643 = tpu.vector_load %arg6[%get3A_640, %get3A_641, %get3A_642] {strides = array<i32>} : memref<4x160x128xf32, #tpu.memory_space<vmem>>, vector<1x1x16xf32>,
        %get3A_644 = vector.shape_cast %get3A_643 : vector<1x1x16xf32> to vector<16xf32>
        %add3A_645 = arith.addf %get3A_634, %get3A_644 : vector<16xf32>
        %mul3A_646 = arith.constant 5 : i32
        %mul3A_647 = arith.muli %mul3A_646, %scan3A_568 : i32
        %add3A_648 = arith.constant 2 : i32
        %add3A_649 = arith.addi %mul3A_647, %add3A_648 : i32
        %get3A_650 = arith.constant 3 : i32
        %get3A_651 = arith.index_cast %get3A_650 : i32 to index
        %get3A_652 = arith.index_cast %add3A_649 : i32 to index
        %get3A_653 = arith.constant 16 : index
        %get3A_654 = tpu.vector_load %arg6[%get3A_651, %get3A_652, %get3A_653] {strides = array<i32>} : memref<4x160x128xf32, #tpu.memory_space<vmem>>, vector<1x1x16xf32>,
        %get3A_655 = vector.shape_cast %get3A_654 : vector<1x1x16xf32> to vector<16xf32>
        %add3A_656 = arith.addf %add3A_645, %get3A_655 : vector<16xf32>
        %mul3A_657 = arith.constant 5 : i32
        %mul3A_658 = arith.muli %mul3A_657, %scan3A_568 : i32
        %add3A_659 = arith.constant 3 : i32
        %add3A_660 = arith.addi %mul3A_658, %add3A_659 : i32
        %get3A_661 = arith.constant 3 : i32
        %get3A_662 = arith.index_cast %get3A_661 : i32 to index
        %get3A_663 = arith.index_cast %add3A_660 : i32 to index
        %get3A_664 = arith.constant 16 : index
        %get3A_665 = tpu.vector_load %arg6[%get3A_662, %get3A_663, %get3A_664] {strides = array<i32>} : memref<4x160x128xf32, #tpu.memory_space<vmem>>, vector<1x1x16xf32>,
        %get3A_666 = vector.shape_cast %get3A_665 : vector<1x1x16xf32> to vector<16xf32>
        %add3A_667 = arith.addf %add3A_656, %get3A_666 : vector<16xf32>
        %mul3A_668 = arith.constant 5 : i32
        %mul3A_669 = arith.muli %mul3A_668, %scan3A_568 : i32
        %add3A_670 = arith.constant 4 : i32
        %add3A_671 = arith.addi %mul3A_669, %add3A_670 : i32
        %get3A_672 = arith.constant 3 : i32
        %get3A_673 = arith.index_cast %get3A_672 : i32 to index
        %get3A_674 = arith.index_cast %add3A_671 : i32 to index
        %get3A_675 = arith.constant 16 : index
        %get3A_676 = tpu.vector_load %arg6[%get3A_673, %get3A_674, %get3A_675] {strides = array<i32>} : memref<4x160x128xf32, #tpu.memory_space<vmem>>, vector<1x1x16xf32>,
        %get3A_677 = vector.shape_cast %get3A_676 : vector<1x1x16xf32> to vector<16xf32>
        %add3A_678 = arith.addf %add3A_667, %get3A_677 : vector<16xf32>
        %swap3A_679 = arith.constant 1 : i32
        %swap3A_680 = arith.index_cast %swap3A_679 : i32 to index
        %swap3A_681 = arith.index_cast %scan3A_568 : i32 to index
        %swap3A_682 = arith.constant 16 : index
        %swap3A_683 = tpu.vector_load %arg7[%swap3A_680, %swap3A_681, %swap3A_682] {strides = array<i32>} : memref<2x32x128xf32, #tpu.memory_space<vmem>>, vector<1x1x16xf32>,
        %swap3A_684 = vector.shape_cast %swap3A_683 : vector<1x1x16xf32> to vector<16xf32>
        %swap3A_685 = vector.shape_cast %add3A_678 : vector<16xf32> to vector<1x1x16xf32>
        tpu.vector_store %arg7[%swap3A_680, %swap3A_681, %swap3A_682], %swap3A_685 {strides = array<i32>} : memref<2x32x128xf32, #tpu.memory_space<vmem>>, vector<1x1x16xf32>,
        %mul3A_686 = arith.constant 5 : i32
        %mul3A_687 = arith.muli %mul3A_686, %scan3A_568 : i32
        %get3A_688 = arith.constant 3 : i32
        %get3A_689 = arith.index_cast %get3A_688 : i32 to index
        %get3A_690 = arith.index_cast %mul3A_687 : i32 to index
        %get3A_691 = arith.constant 32 : index
        %get3A_692 = tpu.vector_load %arg6[%get3A_689, %get3A_690, %get3A_691] {strides = array<i32>} : memref<4x160x128xf32, #tpu.memory_space<vmem>>, vector<1x1x16xf32>,
        %get3A_693 = vector.shape_cast %get3A_692 : vector<1x1x16xf32> to vector<16xf32>
        %mul3A_694 = arith.constant 5 : i32
        %mul3A_695 = arith.muli %mul3A_694, %scan3A_568 : i32
        %add3A_696 = arith.constant 1 : i32
        %add3A_697 = arith.addi %mul3A_695, %add3A_696 : i32
        %get3A_698 = arith.constant 3 : i32
        %get3A_699 = arith.index_cast %get3A_698 : i32 to index
        %get3A_700 = arith.index_cast %add3A_697 : i32 to index
        %get3A_701 = arith.constant 32 : index
        %get3A_702 = tpu.vector_load %arg6[%get3A_699, %get3A_700, %get3A_701] {strides = array<i32>} : memref<4x160x128xf32, #tpu.memory_space<vmem>>, vector<1x1x16xf32>,
        %get3A_703 = vector.shape_cast %get3A_702 : vector<1x1x16xf32> to vector<16xf32>
        %add3A_704 = arith.addf %get3A_693, %get3A_703 : vector<16xf32>
        %mul3A_705 = arith.constant 5 : i32
        %mul3A_706 = arith.muli %mul3A_705, %scan3A_568 : i32
        %add3A_707 = arith.constant 2 : i32
        %add3A_708 = arith.addi %mul3A_706, %add3A_707 : i32
        %get3A_709 = arith.constant 3 : i32
        %get3A_710 = arith.index_cast %get3A_709 : i32 to index
        %get3A_711 = arith.index_cast %add3A_708 : i32 to index
        %get3A_712 = arith.constant 32 : index
        %get3A_713 = tpu.vector_load %arg6[%get3A_710, %get3A_711, %get3A_712] {strides = array<i32>} : memref<4x160x128xf32, #tpu.memory_space<vmem>>, vector<1x1x16xf32>,
        %get3A_714 = vector.shape_cast %get3A_713 : vector<1x1x16xf32> to vector<16xf32>
        %add3A_715 = arith.addf %add3A_704, %get3A_714 : vector<16xf32>
        %mul3A_716 = arith.constant 5 : i32
        %mul3A_717 = arith.muli %mul3A_716, %scan3A_568 : i32
        %add3A_718 = arith.constant 3 : i32
        %add3A_719 = arith.addi %mul3A_717, %add3A_718 : i32
        %get3A_720 = arith.constant 3 : i32
        %get3A_721 = arith.index_cast %get3A_720 : i32 to index
        %get3A_722 = arith.index_cast %add3A_719 : i32 to index
        %get3A_723 = arith.constant 32 : index
        %get3A_724 = tpu.vector_load %arg6[%get3A_721, %get3A_722, %get3A_723] {strides = array<i32>} : memref<4x160x128xf32, #tpu.memory_space<vmem>>, vector<1x1x16xf32>,
        %get3A_725 = vector.shape_cast %get3A_724 : vector<1x1x16xf32> to vector<16xf32>
        %add3A_726 = arith.addf %add3A_715, %get3A_725 : vector<16xf32>
        %mul3A_727 = arith.constant 5 : i32
        %mul3A_728 = arith.muli %mul3A_727, %scan3A_568 : i32
        %add3A_729 = arith.constant 4 : i32
        %add3A_730 = arith.addi %mul3A_728, %add3A_729 : i32
        %get3A_731 = arith.constant 3 : i32
        %get3A_732 = arith.index_cast %get3A_731 : i32 to index
        %get3A_733 = arith.index_cast %add3A_730 : i32 to index
        %get3A_734 = arith.constant 32 : index
        %get3A_735 = tpu.vector_load %arg6[%get3A_732, %get3A_733, %get3A_734] {strides = array<i32>} : memref<4x160x128xf32, #tpu.memory_space<vmem>>, vector<1x1x16xf32>,
        %get3A_736 = vector.shape_cast %get3A_735 : vector<1x1x16xf32> to vector<16xf32>
        %add3A_737 = arith.addf %add3A_726, %get3A_736 : vector<16xf32>
        %swap3A_738 = arith.constant 1 : i32
        %swap3A_739 = arith.index_cast %swap3A_738 : i32 to index
        %swap3A_740 = arith.index_cast %scan3A_568 : i32 to index
        %swap3A_741 = arith.constant 32 : index
        %swap3A_742 = tpu.vector_load %arg7[%swap3A_739, %swap3A_740, %swap3A_741] {strides = array<i32>} : memref<2x32x128xf32, #tpu.memory_space<vmem>>, vector<1x1x16xf32>,
        %swap3A_743 = vector.shape_cast %swap3A_742 : vector<1x1x16xf32> to vector<16xf32>
        %swap3A_744 = vector.shape_cast %add3A_737 : vector<16xf32> to vector<1x1x16xf32>
        tpu.vector_store %arg7[%swap3A_739, %swap3A_740, %swap3A_741], %swap3A_744 {strides = array<i32>} : memref<2x32x128xf32, #tpu.memory_space<vmem>>, vector<1x1x16xf32>,
        %mul3A_745 = arith.constant 5 : i32
        %mul3A_746 = arith.muli %mul3A_745, %scan3A_568 : i32
        %get3A_747 = arith.constant 3 : i32
        %get3A_748 = arith.index_cast %get3A_747 : i32 to index
        %get3A_749 = arith.index_cast %mul3A_746 : i32 to index
        %get3A_750 = arith.constant 48 : index
        %get3A_751 = tpu.vector_load %arg6[%get3A_748, %get3A_749, %get3A_750] {strides = array<i32>} : memref<4x160x128xf32, #tpu.memory_space<vmem>>, vector<1x1x16xf32>,
        %get3A_752 = vector.shape_cast %get3A_751 : vector<1x1x16xf32> to vector<16xf32>
        %mul3A_753 = arith.constant 5 : i32
        %mul3A_754 = arith.muli %mul3A_753, %scan3A_568 : i32
        %add3A_755 = arith.constant 1 : i32
        %add3A_756 = arith.addi %mul3A_754, %add3A_755 : i32
        %get3A_757 = arith.constant 3 : i32
        %get3A_758 = arith.index_cast %get3A_757 : i32 to index
        %get3A_759 = arith.index_cast %add3A_756 : i32 to index
        %get3A_760 = arith.constant 48 : index
        %get3A_761 = tpu.vector_load %arg6[%get3A_758, %get3A_759, %get3A_760] {strides = array<i32>} : memref<4x160x128xf32, #tpu.memory_space<vmem>>, vector<1x1x16xf32>,
        %get3A_762 = vector.shape_cast %get3A_761 : vector<1x1x16xf32> to vector<16xf32>
        %add3A_763 = arith.addf %get3A_752, %get3A_762 : vector<16xf32>
        %mul3A_764 = arith.constant 5 : i32
        %mul3A_765 = arith.muli %mul3A_764, %scan3A_568 : i32
        %add3A_766 = arith.constant 2 : i32
        %add3A_767 = arith.addi %mul3A_765, %add3A_766 : i32
        %get3A_768 = arith.constant 3 : i32
        %get3A_769 = arith.index_cast %get3A_768 : i32 to index
        %get3A_770 = arith.index_cast %add3A_767 : i32 to index
        %get3A_771 = arith.constant 48 : index
        %get3A_772 = tpu.vector_load %arg6[%get3A_769, %get3A_770, %get3A_771] {strides = array<i32>} : memref<4x160x128xf32, #tpu.memory_space<vmem>>, vector<1x1x16xf32>,
        %get3A_773 = vector.shape_cast %get3A_772 : vector<1x1x16xf32> to vector<16xf32>
        %add3A_774 = arith.addf %add3A_763, %get3A_773 : vector<16xf32>
        %mul3A_775 = arith.constant 5 : i32
        %mul3A_776 = arith.muli %mul3A_775, %scan3A_568 : i32
        %add3A_777 = arith.constant 3 : i32
        %add3A_778 = arith.addi %mul3A_776, %add3A_777 : i32
        %get3A_779 = arith.constant 3 : i32
        %get3A_780 = arith.index_cast %get3A_779 : i32 to index
        %get3A_781 = arith.index_cast %add3A_778 : i32 to index
        %get3A_782 = arith.constant 48 : index
        %get3A_783 = tpu.vector_load %arg6[%get3A_780, %get3A_781, %get3A_782] {strides = array<i32>} : memref<4x160x128xf32, #tpu.memory_space<vmem>>, vector<1x1x16xf32>,
        %get3A_784 = vector.shape_cast %get3A_783 : vector<1x1x16xf32> to vector<16xf32>
        %add3A_785 = arith.addf %add3A_774, %get3A_784 : vector<16xf32>
        %mul3A_786 = arith.constant 5 : i32
        %mul3A_787 = arith.muli %mul3A_786, %scan3A_568 : i32
        %add3A_788 = arith.constant 4 : i32
        %add3A_789 = arith.addi %mul3A_787, %add3A_788 : i32
        %get3A_790 = arith.constant 3 : i32
        %get3A_791 = arith.index_cast %get3A_790 : i32 to index
        %get3A_792 = arith.index_cast %add3A_789 : i32 to index
        %get3A_793 = arith.constant 48 : index
        %get3A_794 = tpu.vector_load %arg6[%get3A_791, %get3A_792, %get3A_793] {strides = array<i32>} : memref<4x160x128xf32, #tpu.memory_space<vmem>>, vector<1x1x16xf32>,
        %get3A_795 = vector.shape_cast %get3A_794 : vector<1x1x16xf32> to vector<16xf32>
        %add3A_796 = arith.addf %add3A_785, %get3A_795 : vector<16xf32>
        %swap3A_797 = arith.constant 1 : i32
        %swap3A_798 = arith.index_cast %swap3A_797 : i32 to index
        %swap3A_799 = arith.index_cast %scan3A_568 : i32 to index
        %swap3A_800 = arith.constant 48 : index
        %swap3A_801 = tpu.vector_load %arg7[%swap3A_798, %swap3A_799, %swap3A_800] {strides = array<i32>} : memref<2x32x128xf32, #tpu.memory_space<vmem>>, vector<1x1x16xf32>,
        %swap3A_802 = vector.shape_cast %swap3A_801 : vector<1x1x16xf32> to vector<16xf32>
        %swap3A_803 = vector.shape_cast %add3A_796 : vector<16xf32> to vector<1x1x16xf32>
        tpu.vector_store %arg7[%swap3A_798, %swap3A_799, %swap3A_800], %swap3A_803 {strides = array<i32>} : memref<2x32x128xf32, #tpu.memory_space<vmem>>, vector<1x1x16xf32>,
        %mul3A_804 = arith.constant 5 : i32
        %mul3A_805 = arith.muli %mul3A_804, %scan3A_568 : i32
        %get3A_806 = arith.constant 3 : i32
        %get3A_807 = arith.index_cast %get3A_806 : i32 to index
        %get3A_808 = arith.index_cast %mul3A_805 : i32 to index
        %get3A_809 = arith.constant 64 : index
        %get3A_810 = tpu.vector_load %arg6[%get3A_807, %get3A_808, %get3A_809] {strides = array<i32>} : memref<4x160x128xf32, #tpu.memory_space<vmem>>, vector<1x1x16xf32>,
        %get3A_811 = vector.shape_cast %get3A_810 : vector<1x1x16xf32> to vector<16xf32>
        %mul3A_812 = arith.constant 5 : i32
        %mul3A_813 = arith.muli %mul3A_812, %scan3A_568 : i32
        %add3A_814 = arith.constant 1 : i32
        %add3A_815 = arith.addi %mul3A_813, %add3A_814 : i32
        %get3A_816 = arith.constant 3 : i32
        %get3A_817 = arith.index_cast %get3A_816 : i32 to index
        %get3A_818 = arith.index_cast %add3A_815 : i32 to index
        %get3A_819 = arith.constant 64 : index
        %get3A_820 = tpu.vector_load %arg6[%get3A_817, %get3A_818, %get3A_819] {strides = array<i32>} : memref<4x160x128xf32, #tpu.memory_space<vmem>>, vector<1x1x16xf32>,
        %get3A_821 = vector.shape_cast %get3A_820 : vector<1x1x16xf32> to vector<16xf32>
        %add3A_822 = arith.addf %get3A_811, %get3A_821 : vector<16xf32>
        %mul3A_823 = arith.constant 5 : i32
        %mul3A_824 = arith.muli %mul3A_823, %scan3A_568 : i32
        %add3A_825 = arith.constant 2 : i32
        %add3A_826 = arith.addi %mul3A_824, %add3A_825 : i32
        %get3A_827 = arith.constant 3 : i32
        %get3A_828 = arith.index_cast %get3A_827 : i32 to index
        %get3A_829 = arith.index_cast %add3A_826 : i32 to index
        %get3A_830 = arith.constant 64 : index
        %get3A_831 = tpu.vector_load %arg6[%get3A_828, %get3A_829, %get3A_830] {strides = array<i32>} : memref<4x160x128xf32, #tpu.memory_space<vmem>>, vector<1x1x16xf32>,
        %get3A_832 = vector.shape_cast %get3A_831 : vector<1x1x16xf32> to vector<16xf32>
        %add3A_833 = arith.addf %add3A_822, %get3A_832 : vector<16xf32>
        %mul3A_834 = arith.constant 5 : i32
        %mul3A_835 = arith.muli %mul3A_834, %scan3A_568 : i32
        %add3A_836 = arith.constant 3 : i32
        %add3A_837 = arith.addi %mul3A_835, %add3A_836 : i32
        %get3A_838 = arith.constant 3 : i32
        %get3A_839 = arith.index_cast %get3A_838 : i32 to index
        %get3A_840 = arith.index_cast %add3A_837 : i32 to index
        %get3A_841 = arith.constant 64 : index
        %get3A_842 = tpu.vector_load %arg6[%get3A_839, %get3A_840, %get3A_841] {strides = array<i32>} : memref<4x160x128xf32, #tpu.memory_space<vmem>>, vector<1x1x16xf32>,
        %get3A_843 = vector.shape_cast %get3A_842 : vector<1x1x16xf32> to vector<16xf32>
        %add3A_844 = arith.addf %add3A_833, %get3A_843 : vector<16xf32>
        %mul3A_845 = arith.constant 5 : i32
        %mul3A_846 = arith.muli %mul3A_845, %scan3A_568 : i32
        %add3A_847 = arith.constant 4 : i32
        %add3A_848 = arith.addi %mul3A_846, %add3A_847 : i32
        %get3A_849 = arith.constant 3 : i32
        %get3A_850 = arith.index_cast %get3A_849 : i32 to index
        %get3A_851 = arith.index_cast %add3A_848 : i32 to index
        %get3A_852 = arith.constant 64 : index
        %get3A_853 = tpu.vector_load %arg6[%get3A_850, %get3A_851, %get3A_852] {strides = array<i32>} : memref<4x160x128xf32, #tpu.memory_space<vmem>>, vector<1x1x16xf32>,
        %get3A_854 = vector.shape_cast %get3A_853 : vector<1x1x16xf32> to vector<16xf32>
        %add3A_855 = arith.addf %add3A_844, %get3A_854 : vector<16xf32>
        %swap3A_856 = arith.constant 1 : i32
        %swap3A_857 = arith.index_cast %swap3A_856 : i32 to index
        %swap3A_858 = arith.index_cast %scan3A_568 : i32 to index
        %swap3A_859 = arith.constant 64 : index
        %swap3A_860 = tpu.vector_load %arg7[%swap3A_857, %swap3A_858, %swap3A_859] {strides = array<i32>} : memref<2x32x128xf32, #tpu.memory_space<vmem>>, vector<1x1x16xf32>,
        %swap3A_861 = vector.shape_cast %swap3A_860 : vector<1x1x16xf32> to vector<16xf32>
        %swap3A_862 = vector.shape_cast %add3A_855 : vector<16xf32> to vector<1x1x16xf32>
        tpu.vector_store %arg7[%swap3A_857, %swap3A_858, %swap3A_859], %swap3A_862 {strides = array<i32>} : memref<2x32x128xf32, #tpu.memory_space<vmem>>, vector<1x1x16xf32>,
        %mul3A_863 = arith.constant 5 : i32
        %mul3A_864 = arith.muli %mul3A_863, %scan3A_568 : i32
        %get3A_865 = arith.constant 3 : i32
        %get3A_866 = arith.index_cast %get3A_865 : i32 to index
        %get3A_867 = arith.index_cast %mul3A_864 : i32 to index
        %get3A_868 = arith.constant 80 : index
        %get3A_869 = tpu.vector_load %arg6[%get3A_866, %get3A_867, %get3A_868] {strides = array<i32>} : memref<4x160x128xf32, #tpu.memory_space<vmem>>, vector<1x1x16xf32>,
        %get3A_870 = vector.shape_cast %get3A_869 : vector<1x1x16xf32> to vector<16xf32>
        %mul3A_871 = arith.constant 5 : i32
        %mul3A_872 = arith.muli %mul3A_871, %scan3A_568 : i32
        %add3A_873 = arith.constant 1 : i32
        %add3A_874 = arith.addi %mul3A_872, %add3A_873 : i32
        %get3A_875 = arith.constant 3 : i32
        %get3A_876 = arith.index_cast %get3A_875 : i32 to index
        %get3A_877 = arith.index_cast %add3A_874 : i32 to index
        %get3A_878 = arith.constant 80 : index
        %get3A_879 = tpu.vector_load %arg6[%get3A_876, %get3A_877, %get3A_878] {strides = array<i32>} : memref<4x160x128xf32, #tpu.memory_space<vmem>>, vector<1x1x16xf32>,
        %get3A_880 = vector.shape_cast %get3A_879 : vector<1x1x16xf32> to vector<16xf32>
        %add3A_881 = arith.addf %get3A_870, %get3A_880 : vector<16xf32>
        %mul3A_882 = arith.constant 5 : i32
        %mul3A_883 = arith.muli %mul3A_882, %scan3A_568 : i32
        %add3A_884 = arith.constant 2 : i32
        %add3A_885 = arith.addi %mul3A_883, %add3A_884 : i32
        %get3A_886 = arith.constant 3 : i32
        %get3A_887 = arith.index_cast %get3A_886 : i32 to index
        %get3A_888 = arith.index_cast %add3A_885 : i32 to index
        %get3A_889 = arith.constant 80 : index
        %get3A_890 = tpu.vector_load %arg6[%get3A_887, %get3A_888, %get3A_889] {strides = array<i32>} : memref<4x160x128xf32, #tpu.memory_space<vmem>>, vector<1x1x16xf32>,
        %get3A_891 = vector.shape_cast %get3A_890 : vector<1x1x16xf32> to vector<16xf32>
        %add3A_892 = arith.addf %add3A_881, %get3A_891 : vector<16xf32>
        %mul3A_893 = arith.constant 5 : i32
        %mul3A_894 = arith.muli %mul3A_893, %scan3A_568 : i32
        %add3A_895 = arith.constant 3 : i32
        %add3A_896 = arith.addi %mul3A_894, %add3A_895 : i32
        %get3A_897 = arith.constant 3 : i32
        %get3A_898 = arith.index_cast %get3A_897 : i32 to index
        %get3A_899 = arith.index_cast %add3A_896 : i32 to index
        %get3A_900 = arith.constant 80 : index
        %get3A_901 = tpu.vector_load %arg6[%get3A_898, %get3A_899, %get3A_900] {strides = array<i32>} : memref<4x160x128xf32, #tpu.memory_space<vmem>>, vector<1x1x16xf32>,
        %get3A_902 = vector.shape_cast %get3A_901 : vector<1x1x16xf32> to vector<16xf32>
        %add3A_903 = arith.addf %add3A_892, %get3A_902 : vector<16xf32>
        %mul3A_904 = arith.constant 5 : i32
        %mul3A_905 = arith.muli %mul3A_904, %scan3A_568 : i32
        %add3A_906 = arith.constant 4 : i32
        %add3A_907 = arith.addi %mul3A_905, %add3A_906 : i32
        %get3A_908 = arith.constant 3 : i32
        %get3A_909 = arith.index_cast %get3A_908 : i32 to index
        %get3A_910 = arith.index_cast %add3A_907 : i32 to index
        %get3A_911 = arith.constant 80 : index
        %get3A_912 = tpu.vector_load %arg6[%get3A_909, %get3A_910, %get3A_911] {strides = array<i32>} : memref<4x160x128xf32, #tpu.memory_space<vmem>>, vector<1x1x16xf32>,
        %get3A_913 = vector.shape_cast %get3A_912 : vector<1x1x16xf32> to vector<16xf32>
        %add3A_914 = arith.addf %add3A_903, %get3A_913 : vector<16xf32>
        %swap3A_915 = arith.constant 1 : i32
        %swap3A_916 = arith.index_cast %swap3A_915 : i32 to index
        %swap3A_917 = arith.index_cast %scan3A_568 : i32 to index
        %swap3A_918 = arith.constant 80 : index
        %swap3A_919 = tpu.vector_load %arg7[%swap3A_916, %swap3A_917, %swap3A_918] {strides = array<i32>} : memref<2x32x128xf32, #tpu.memory_space<vmem>>, vector<1x1x16xf32>,
        %swap3A_920 = vector.shape_cast %swap3A_919 : vector<1x1x16xf32> to vector<16xf32>
        %swap3A_921 = vector.shape_cast %add3A_914 : vector<16xf32> to vector<1x1x16xf32>
        tpu.vector_store %arg7[%swap3A_916, %swap3A_917, %swap3A_918], %swap3A_921 {strides = array<i32>} : memref<2x32x128xf32, #tpu.memory_space<vmem>>, vector<1x1x16xf32>,
        %mul3A_922 = arith.constant 5 : i32
        %mul3A_923 = arith.muli %mul3A_922, %scan3A_568 : i32
        %get3A_924 = arith.constant 3 : i32
        %get3A_925 = arith.index_cast %get3A_924 : i32 to index
        %get3A_926 = arith.index_cast %mul3A_923 : i32 to index
        %get3A_927 = arith.constant 96 : index
        %get3A_928 = tpu.vector_load %arg6[%get3A_925, %get3A_926, %get3A_927] {strides = array<i32>} : memref<4x160x128xf32, #tpu.memory_space<vmem>>, vector<1x1x16xf32>,
        %get3A_929 = vector.shape_cast %get3A_928 : vector<1x1x16xf32> to vector<16xf32>
        %mul3A_930 = arith.constant 5 : i32
        %mul3A_931 = arith.muli %mul3A_930, %scan3A_568 : i32
        %add3A_932 = arith.constant 1 : i32
        %add3A_933 = arith.addi %mul3A_931, %add3A_932 : i32
        %get3A_934 = arith.constant 3 : i32
        %get3A_935 = arith.index_cast %get3A_934 : i32 to index
        %get3A_936 = arith.index_cast %add3A_933 : i32 to index
        %get3A_937 = arith.constant 96 : index
        %get3A_938 = tpu.vector_load %arg6[%get3A_935, %get3A_936, %get3A_937] {strides = array<i32>} : memref<4x160x128xf32, #tpu.memory_space<vmem>>, vector<1x1x16xf32>,
        %get3A_939 = vector.shape_cast %get3A_938 : vector<1x1x16xf32> to vector<16xf32>
        %add3A_940 = arith.addf %get3A_929, %get3A_939 : vector<16xf32>
        %mul3A_941 = arith.constant 5 : i32
        %mul3A_942 = arith.muli %mul3A_941, %scan3A_568 : i32
        %add3A_943 = arith.constant 2 : i32
        %add3A_944 = arith.addi %mul3A_942, %add3A_943 : i32
        %get3A_945 = arith.constant 3 : i32
        %get3A_946 = arith.index_cast %get3A_945 : i32 to index
        %get3A_947 = arith.index_cast %add3A_944 : i32 to index
        %get3A_948 = arith.constant 96 : index
        %get3A_949 = tpu.vector_load %arg6[%get3A_946, %get3A_947, %get3A_948] {strides = array<i32>} : memref<4x160x128xf32, #tpu.memory_space<vmem>>, vector<1x1x16xf32>,
        %get3A_950 = vector.shape_cast %get3A_949 : vector<1x1x16xf32> to vector<16xf32>
        %add3A_951 = arith.addf %add3A_940, %get3A_950 : vector<16xf32>
        %mul3A_952 = arith.constant 5 : i32
        %mul3A_953 = arith.muli %mul3A_952, %scan3A_568 : i32
        %add3A_954 = arith.constant 3 : i32
        %add3A_955 = arith.addi %mul3A_953, %add3A_954 : i32
        %get3A_956 = arith.constant 3 : i32
        %get3A_957 = arith.index_cast %get3A_956 : i32 to index
        %get3A_958 = arith.index_cast %add3A_955 : i32 to index
        %get3A_959 = arith.constant 96 : index
        %get3A_960 = tpu.vector_load %arg6[%get3A_957, %get3A_958, %get3A_959] {strides = array<i32>} : memref<4x160x128xf32, #tpu.memory_space<vmem>>, vector<1x1x16xf32>,
        %get3A_961 = vector.shape_cast %get3A_960 : vector<1x1x16xf32> to vector<16xf32>
        %add3A_962 = arith.addf %add3A_951, %get3A_961 : vector<16xf32>
        %mul3A_963 = arith.constant 5 : i32
        %mul3A_964 = arith.muli %mul3A_963, %scan3A_568 : i32
        %add3A_965 = arith.constant 4 : i32
        %add3A_966 = arith.addi %mul3A_964, %add3A_965 : i32
        %get3A_967 = arith.constant 3 : i32
        %get3A_968 = arith.index_cast %get3A_967 : i32 to index
        %get3A_969 = arith.index_cast %add3A_966 : i32 to index
        %get3A_970 = arith.constant 96 : index
        %get3A_971 = tpu.vector_load %arg6[%get3A_968, %get3A_969, %get3A_970] {strides = array<i32>} : memref<4x160x128xf32, #tpu.memory_space<vmem>>, vector<1x1x16xf32>,
        %get3A_972 = vector.shape_cast %get3A_971 : vector<1x1x16xf32> to vector<16xf32>
        %add3A_973 = arith.addf %add3A_962, %get3A_972 : vector<16xf32>
        %swap3A_974 = arith.constant 1 : i32
        %swap3A_975 = arith.index_cast %swap3A_974 : i32 to index
        %swap3A_976 = arith.index_cast %scan3A_568 : i32 to index
        %swap3A_977 = arith.constant 96 : index
        %swap3A_978 = tpu.vector_load %arg7[%swap3A_975, %swap3A_976, %swap3A_977] {strides = array<i32>} : memref<2x32x128xf32, #tpu.memory_space<vmem>>, vector<1x1x16xf32>,
        %swap3A_979 = vector.shape_cast %swap3A_978 : vector<1x1x16xf32> to vector<16xf32>
        %swap3A_980 = vector.shape_cast %add3A_973 : vector<16xf32> to vector<1x1x16xf32>
        tpu.vector_store %arg7[%swap3A_975, %swap3A_976, %swap3A_977], %swap3A_980 {strides = array<i32>} : memref<2x32x128xf32, #tpu.memory_space<vmem>>, vector<1x1x16xf32>,
        %mul3A_981 = arith.constant 5 : i32
        %mul3A_982 = arith.muli %mul3A_981, %scan3A_568 : i32
        %get3A_983 = arith.constant 3 : i32
        %get3A_984 = arith.index_cast %get3A_983 : i32 to index
        %get3A_985 = arith.index_cast %mul3A_982 : i32 to index
        %get3A_986 = arith.constant 112 : index
        %get3A_987 = tpu.vector_load %arg6[%get3A_984, %get3A_985, %get3A_986] {strides = array<i32>} : memref<4x160x128xf32, #tpu.memory_space<vmem>>, vector<1x1x16xf32>,
        %get3A_988 = vector.shape_cast %get3A_987 : vector<1x1x16xf32> to vector<16xf32>
        %mul3A_989 = arith.constant 5 : i32
        %mul3A_990 = arith.muli %mul3A_989, %scan3A_568 : i32
        %add3A_991 = arith.constant 1 : i32
        %add3A_992 = arith.addi %mul3A_990, %add3A_991 : i32
        %get3A_993 = arith.constant 3 : i32
        %get3A_994 = arith.index_cast %get3A_993 : i32 to index
        %get3A_995 = arith.index_cast %add3A_992 : i32 to index
        %get3A_996 = arith.constant 112 : index
        %get3A_997 = tpu.vector_load %arg6[%get3A_994, %get3A_995, %get3A_996] {strides = array<i32>} : memref<4x160x128xf32, #tpu.memory_space<vmem>>, vector<1x1x16xf32>,
        %get3A_998 = vector.shape_cast %get3A_997 : vector<1x1x16xf32> to vector<16xf32>
        %add3A_999 = arith.addf %get3A_988, %get3A_998 : vector<16xf32>
        %mul3A_1000 = arith.constant 5 : i32
        %mul3A_1001 = arith.muli %mul3A_1000, %scan3A_568 : i32
        %add3A_1002 = arith.constant 2 : i32
        %add3A_1003 = arith.addi %mul3A_1001, %add3A_1002 : i32
        %get3A_1004 = arith.constant 3 : i32
        %get3A_1005 = arith.index_cast %get3A_1004 : i32 to index
        %get3A_1006 = arith.index_cast %add3A_1003 : i32 to index
        %get3A_1007 = arith.constant 112 : index
        %get3A_1008 = tpu.vector_load %arg6[%get3A_1005, %get3A_1006, %get3A_1007] {strides = array<i32>} : memref<4x160x128xf32, #tpu.memory_space<vmem>>, vector<1x1x16xf32>,
        %get3A_1009 = vector.shape_cast %get3A_1008 : vector<1x1x16xf32> to vector<16xf32>
        %add3A_1010 = arith.addf %add3A_999, %get3A_1009 : vector<16xf32>
        %mul3A_1011 = arith.constant 5 : i32
        %mul3A_1012 = arith.muli %mul3A_1011, %scan3A_568 : i32
        %add3A_1013 = arith.constant 3 : i32
        %add3A_1014 = arith.addi %mul3A_1012, %add3A_1013 : i32
        %get3A_1015 = arith.constant 3 : i32
        %get3A_1016 = arith.index_cast %get3A_1015 : i32 to index
        %get3A_1017 = arith.index_cast %add3A_1014 : i32 to index
        %get3A_1018 = arith.constant 112 : index
        %get3A_1019 = tpu.vector_load %arg6[%get3A_1016, %get3A_1017, %get3A_1018] {strides = array<i32>} : memref<4x160x128xf32, #tpu.memory_space<vmem>>, vector<1x1x16xf32>,
        %get3A_1020 = vector.shape_cast %get3A_1019 : vector<1x1x16xf32> to vector<16xf32>
        %add3A_1021 = arith.addf %add3A_1010, %get3A_1020 : vector<16xf32>
        %mul3A_1022 = arith.constant 5 : i32
        %mul3A_1023 = arith.muli %mul3A_1022, %scan3A_568 : i32
        %add3A_1024 = arith.constant 4 : i32
        %add3A_1025 = arith.addi %mul3A_1023, %add3A_1024 : i32
        %get3A_1026 = arith.constant 3 : i32
        %get3A_1027 = arith.index_cast %get3A_1026 : i32 to index
        %get3A_1028 = arith.index_cast %add3A_1025 : i32 to index
        %get3A_1029 = arith.constant 112 : index
        %get3A_1030 = tpu.vector_load %arg6[%get3A_1027, %get3A_1028, %get3A_1029] {strides = array<i32>} : memref<4x160x128xf32, #tpu.memory_space<vmem>>, vector<1x1x16xf32>,
        %get3A_1031 = vector.shape_cast %get3A_1030 : vector<1x1x16xf32> to vector<16xf32>
        %add3A_1032 = arith.addf %add3A_1021, %get3A_1031 : vector<16xf32>
        %swap3A_1033 = arith.constant 1 : i32
        %swap3A_1034 = arith.index_cast %swap3A_1033 : i32 to index
        %swap3A_1035 = arith.index_cast %scan3A_568 : i32 to index
        %swap3A_1036 = arith.constant 112 : index
        %swap3A_1037 = tpu.vector_load %arg7[%swap3A_1034, %swap3A_1035, %swap3A_1036] {strides = array<i32>} : memref<2x32x128xf32, #tpu.memory_space<vmem>>, vector<1x1x16xf32>,
        %swap3A_1038 = vector.shape_cast %swap3A_1037 : vector<1x1x16xf32> to vector<16xf32>
        %swap3A_1039 = vector.shape_cast %add3A_1032 : vector<16xf32> to vector<1x1x16xf32>
        tpu.vector_store %arg7[%swap3A_1034, %swap3A_1035, %swap3A_1036], %swap3A_1039 {strides = array<i32>} : memref<2x32x128xf32, #tpu.memory_space<vmem>>, vector<1x1x16xf32>,
        %scan3A_1040 = arith.constant 0 : i32
        scf.yield %scan3A_1040 : i32
      }
      %scan3A_550 = arith.constant 32 : i32
      %mul3A_551 = arith.constant 32 : i32
      %mul3A_552 = arith.muli %add3A_480, %mul3A_551 : i32
      %add3A_553 = arith.addi %add3A, %mul3A_552 : i32
      %dma_start3A_554 = arith.constant 1 : i32
      %dma_start3A_555 = arith.constant 0 : i32
      %dma_start3A_556 = arith.constant 0 : i32
      %dma_start3A_557 = tpu.memref_slice %arg7[%dma_start3A_554, %dma_start3A_555, %dma_start3A_556] : memref<2x32x128xf32, #tpu.memory_space<vmem>> -> memref<1x32x128xf32, #tpu.memory_space<vmem>>
      %dma_start3A_558 = tpu.memref_squeeze %dma_start3A_557 : memref<1x32x128xf32, #tpu.memory_space<vmem>> -> memref<32x128xf32, #tpu.memory_space<vmem>>
      %dma_start3A_559 = arith.constant 0 : i32
      %dma_start3A_560 = tpu.memref_slice %arg4[%add3A_553, %dma_start3A_559] : memref<102400x128xf32, #tpu.memory_space<hbm>> -> memref<32x128xf32, #tpu.memory_space<hbm>>
      %dma_start3A_561 = arith.constant 0 : i32
      %dma_start3A_562 = tpu.memref_slice %arg4[%add3A_553, %dma_start3A_561] : memref<102400x128xf32, #tpu.memory_space<hbm>> -> memref<32x128xf32, #tpu.memory_space<hbm>>
      %dma_start3A_563 = arith.constant 0 : i32
      %dma_start3A_564 = arith.constant 0 : i32
      %dma_start3A_565 = tpu.memref_slice %arg7[%dma_start3A_554, %dma_start3A_563, %dma_start3A_564] : memref<2x32x128xf32, #tpu.memory_space<vmem>> -> memref<1x32x128xf32, #tpu.memory_space<vmem>>
      %dma_start3A_566 = tpu.memref_squeeze %dma_start3A_565 : memref<1x32x128xf32, #tpu.memory_space<vmem>> -> memref<32x128xf32, #tpu.memory_space<vmem>>
      tpu.enqueue_dma source(%dma_start3A_566 : memref<32x128xf32, #tpu.memory_space<vmem>>) target(%dma_start3A_562 : memref<32x128xf32, #tpu.memory_space<hbm>>) target_semaphore(%arg13 : memref<!tpu.dma_semaphore, #tpu.memory_space<semaphore_mem>>)
      %while3A_567 = arith.constant 0 : i32
      scf.yield %while3A_567 : i32
    }
    %while3A_183 = arith.constant 1 : i32
    %while3A_184 = scf.for %while3A_210 = %while3A_180 to %while3A_176 step %while3A_183 iter_args(%while3A_211 = %while3A_182) -> (i32)  : i32 {
      %mul3A_212 = arith.constant 4 : i32
      %mul3A_213 = arith.muli %mul3A_212, %while3A_210 : i32
      %add3A_214 = arith.constant 0 : i32
      %add3A_215 = arith.addi %mul3A_213, %add3A_214 : i32
      %add3A_216 = arith.constant 4 : i32
      %add3A_217 = arith.addi %add3A_215, %add3A_216 : i32
      %sub3A_218 = arith.constant 1 : i32
      %sub3A_219 = arith.subi %add3A_217, %sub3A_218 : i32
      %lt3A = arith.cmpi slt, %sub3A_219, %select_n3A : i32
      %convert_element_type3A = arith.extui %lt3A : i1 to i32
      %cond3A = arith.constant 0 : i32
      %cond3A_220 = arith.cmpi ne, %convert_element_type3A, %cond3A : i32
      scf.if %cond3A_220 {
        %mul3A_568 = arith.constant 160 : i32
        %mul3A_569 = arith.muli %sub3A_219, %mul3A_568 : i32
        %add3A_570 = arith.constant 0 : i32
        %add3A_571 = arith.addi %mul3A_569, %add3A_570 : i32
        %dma_start3A_572 = arith.constant 3 : i32
        %dma_start3A_573 = arith.constant 0 : i32
        %dma_start3A_574 = arith.constant 0 : i32
        %dma_start3A_575 = tpu.memref_slice %arg6[%dma_start3A_572, %dma_start3A_573, %dma_start3A_574] : memref<4x160x128xf32, #tpu.memory_space<vmem>> -> memref<1x32x128xf32, #tpu.memory_space<vmem>>
        %dma_start3A_576 = tpu.memref_squeeze %dma_start3A_575 : memref<1x32x128xf32, #tpu.memory_space<vmem>> -> memref<32x128xf32, #tpu.memory_space<vmem>>
        %dma_start3A_577 = tpu.memref_slice %arg5[%add3A_571] : memref<16000xi32, #tpu.memory_space<vmem>> -> memref<32xi32, #tpu.memory_space<vmem>>
        %dma_start3A_578 = arith.constant 0 : i32
        %dma_start3A_579 = arith.constant 0 : i32
        %dma_start3A_580 = tpu.memref_slice %arg2[%dma_start3A_578, %dma_start3A_579] : memref<100000x128xf32, #tpu.memory_space<hbm>> -> memref<100000x128xf32, #tpu.memory_space<hbm>>
        tpu.enqueue_indirect_dma source(%dma_start3A_580 : memref<100000x128xf32, #tpu.memory_space<hbm>>) target(%dma_start3A_576 : memref<32x128xf32, #tpu.memory_space<vmem>>) offsets(%dma_start3A_577 : memref<32xi32, #tpu.memory_space<vmem>>) semaphore(%arg11 : memref<!tpu.dma_semaphore, #tpu.memory_space<semaphore_mem>>)
        %mul3A_581 = arith.constant 160 : i32
        %mul3A_582 = arith.muli %sub3A_219, %mul3A_581 : i32
        %add3A_583 = arith.constant 32 : i32
        %add3A_584 = arith.addi %mul3A_582, %add3A_583 : i32
        %dma_start3A_585 = arith.constant 3 : i32
        %dma_start3A_586 = arith.constant 32 : i32
        %dma_start3A_587 = arith.constant 0 : i32
        %dma_start3A_588 = tpu.memref_slice %arg6[%dma_start3A_585, %dma_start3A_586, %dma_start3A_587] : memref<4x160x128xf32, #tpu.memory_space<vmem>> -> memref<1x32x128xf32, #tpu.memory_space<vmem>>
        %dma_start3A_589 = tpu.memref_squeeze %dma_start3A_588 : memref<1x32x128xf32, #tpu.memory_space<vmem>> -> memref<32x128xf32, #tpu.memory_space<vmem>>
        %dma_start3A_590 = tpu.memref_slice %arg5[%add3A_584] : memref<16000xi32, #tpu.memory_space<vmem>> -> memref<32xi32, #tpu.memory_space<vmem>>
        %dma_start3A_591 = arith.constant 0 : i32
        %dma_start3A_592 = arith.constant 0 : i32
        %dma_start3A_593 = tpu.memref_slice %arg2[%dma_start3A_591, %dma_start3A_592] : memref<100000x128xf32, #tpu.memory_space<hbm>> -> memref<100000x128xf32, #tpu.memory_space<hbm>>
        tpu.enqueue_indirect_dma source(%dma_start3A_593 : memref<100000x128xf32, #tpu.memory_space<hbm>>) target(%dma_start3A_589 : memref<32x128xf32, #tpu.memory_space<vmem>>) offsets(%dma_start3A_590 : memref<32xi32, #tpu.memory_space<vmem>>) semaphore(%arg11 : memref<!tpu.dma_semaphore, #tpu.memory_space<semaphore_mem>>)
        %mul3A_594 = arith.constant 160 : i32
        %mul3A_595 = arith.muli %sub3A_219, %mul3A_594 : i32
        %add3A_596 = arith.constant 64 : i32
        %add3A_597 = arith.addi %mul3A_595, %add3A_596 : i32
        %dma_start3A_598 = arith.constant 3 : i32
        %dma_start3A_599 = arith.constant 64 : i32
        %dma_start3A_600 = arith.constant 0 : i32
        %dma_start3A_601 = tpu.memref_slice %arg6[%dma_start3A_598, %dma_start3A_599, %dma_start3A_600] : memref<4x160x128xf32, #tpu.memory_space<vmem>> -> memref<1x32x128xf32, #tpu.memory_space<vmem>>
        %dma_start3A_602 = tpu.memref_squeeze %dma_start3A_601 : memref<1x32x128xf32, #tpu.memory_space<vmem>> -> memref<32x128xf32, #tpu.memory_space<vmem>>
        %dma_start3A_603 = tpu.memref_slice %arg5[%add3A_597] : memref<16000xi32, #tpu.memory_space<vmem>> -> memref<32xi32, #tpu.memory_space<vmem>>
        %dma_start3A_604 = arith.constant 0 : i32
        %dma_start3A_605 = arith.constant 0 : i32
        %dma_start3A_606 = tpu.memref_slice %arg2[%dma_start3A_604, %dma_start3A_605] : memref<100000x128xf32, #tpu.memory_space<hbm>> -> memref<100000x128xf32, #tpu.memory_space<hbm>>
        tpu.enqueue_indirect_dma source(%dma_start3A_606 : memref<100000x128xf32, #tpu.memory_space<hbm>>) target(%dma_start3A_602 : memref<32x128xf32, #tpu.memory_space<vmem>>) offsets(%dma_start3A_603 : memref<32xi32, #tpu.memory_space<vmem>>) semaphore(%arg11 : memref<!tpu.dma_semaphore, #tpu.memory_space<semaphore_mem>>)
        %mul3A_607 = arith.constant 160 : i32
        %mul3A_608 = arith.muli %sub3A_219, %mul3A_607 : i32
        %add3A_609 = arith.constant 96 : i32
        %add3A_610 = arith.addi %mul3A_608, %add3A_609 : i32
        %dma_start3A_611 = arith.constant 3 : i32
        %dma_start3A_612 = arith.constant 96 : i32
        %dma_start3A_613 = arith.constant 0 : i32
        %dma_start3A_614 = tpu.memref_slice %arg6[%dma_start3A_611, %dma_start3A_612, %dma_start3A_613] : memref<4x160x128xf32, #tpu.memory_space<vmem>> -> memref<1x32x128xf32, #tpu.memory_space<vmem>>
        %dma_start3A_615 = tpu.memref_squeeze %dma_start3A_614 : memref<1x32x128xf32, #tpu.memory_space<vmem>> -> memref<32x128xf32, #tpu.memory_space<vmem>>
        %dma_start3A_616 = tpu.memref_slice %arg5[%add3A_610] : memref<16000xi32, #tpu.memory_space<vmem>> -> memref<32xi32, #tpu.memory_space<vmem>>
        %dma_start3A_617 = arith.constant 0 : i32
        %dma_start3A_618 = arith.constant 0 : i32
        %dma_start3A_619 = tpu.memref_slice %arg2[%dma_start3A_617, %dma_start3A_618] : memref<100000x128xf32, #tpu.memory_space<hbm>> -> memref<100000x128xf32, #tpu.memory_space<hbm>>
        tpu.enqueue_indirect_dma source(%dma_start3A_619 : memref<100000x128xf32, #tpu.memory_space<hbm>>) target(%dma_start3A_615 : memref<32x128xf32, #tpu.memory_space<vmem>>) offsets(%dma_start3A_616 : memref<32xi32, #tpu.memory_space<vmem>>) semaphore(%arg11 : memref<!tpu.dma_semaphore, #tpu.memory_space<semaphore_mem>>)
        %mul3A_620 = arith.constant 160 : i32
        %mul3A_621 = arith.muli %sub3A_219, %mul3A_620 : i32
        %add3A_622 = arith.constant 128 : i32
        %add3A_623 = arith.addi %mul3A_621, %add3A_622 : i32
        %dma_start3A_624 = arith.constant 3 : i32
        %dma_start3A_625 = arith.constant 128 : i32
        %dma_start3A_626 = arith.constant 0 : i32
        %dma_start3A_627 = tpu.memref_slice %arg6[%dma_start3A_624, %dma_start3A_625, %dma_start3A_626] : memref<4x160x128xf32, #tpu.memory_space<vmem>> -> memref<1x32x128xf32, #tpu.memory_space<vmem>>
        %dma_start3A_628 = tpu.memref_squeeze %dma_start3A_627 : memref<1x32x128xf32, #tpu.memory_space<vmem>> -> memref<32x128xf32, #tpu.memory_space<vmem>>
        %dma_start3A_629 = tpu.memref_slice %arg5[%add3A_623] : memref<16000xi32, #tpu.memory_space<vmem>> -> memref<32xi32, #tpu.memory_space<vmem>>
        %dma_start3A_630 = arith.constant 0 : i32
        %dma_start3A_631 = arith.constant 0 : i32
        %dma_start3A_632 = tpu.memref_slice %arg2[%dma_start3A_630, %dma_start3A_631] : memref<100000x128xf32, #tpu.memory_space<hbm>> -> memref<100000x128xf32, #tpu.memory_space<hbm>>
        tpu.enqueue_indirect_dma source(%dma_start3A_632 : memref<100000x128xf32, #tpu.memory_space<hbm>>) target(%dma_start3A_628 : memref<32x128xf32, #tpu.memory_space<vmem>>) offsets(%dma_start3A_629 : memref<32xi32, #tpu.memory_space<vmem>>) semaphore(%arg11 : memref<!tpu.dma_semaphore, #tpu.memory_space<semaphore_mem>>)
      } else {
      }
      %dma_wait3A_221 = arith.constant 0 : i32
      %dma_wait3A_222 = arith.constant 0 : i32
      %dma_wait3A_223 = arith.constant 0 : i32
      %dma_wait3A_224 = tpu.memref_slice %arg6[%dma_wait3A_221, %dma_wait3A_222, %dma_wait3A_223] : memref<4x160x128xf32, #tpu.memory_space<vmem>> -> memref<1x32x128xf32, #tpu.memory_space<vmem>>
      %dma_wait3A_225 = tpu.memref_squeeze %dma_wait3A_224 : memref<1x32x128xf32, #tpu.memory_space<vmem>> -> memref<32x128xf32, #tpu.memory_space<vmem>>
      %dma_wait3A_226 = arith.constant 0 : i32
      %dma_wait3A_227 = tpu.memref_slice %arg5[%dma_wait3A_226] : memref<16000xi32, #tpu.memory_space<vmem>> -> memref<32xi32, #tpu.memory_space<vmem>>
      %dma_wait3A_228 = arith.constant 0 : i32
      %dma_wait3A_229 = arith.constant 0 : i32
      %dma_wait3A_230 = tpu.memref_slice %arg2[%dma_wait3A_228, %dma_wait3A_229] : memref<100000x128xf32, #tpu.memory_space<hbm>> -> memref<100000x128xf32, #tpu.memory_space<hbm>>
      tpu.wait_indirect_dma semaphore(%arg8 : memref<!tpu.dma_semaphore, #tpu.memory_space<semaphore_mem>>) src(%dma_wait3A_230 : memref<100000x128xf32, #tpu.memory_space<hbm>>) dst(%dma_wait3A_225 : memref<32x128xf32, #tpu.memory_space<vmem>>)
      %dma_wait3A_231 = arith.constant 0 : i32
      %dma_wait3A_232 = arith.constant 32 : i32
      %dma_wait3A_233 = arith.constant 0 : i32
      %dma_wait3A_234 = tpu.memref_slice %arg6[%dma_wait3A_231, %dma_wait3A_232, %dma_wait3A_233] : memref<4x160x128xf32, #tpu.memory_space<vmem>> -> memref<1x32x128xf32, #tpu.memory_space<vmem>>
      %dma_wait3A_235 = tpu.memref_squeeze %dma_wait3A_234 : memref<1x32x128xf32, #tpu.memory_space<vmem>> -> memref<32x128xf32, #tpu.memory_space<vmem>>
      %dma_wait3A_236 = arith.constant 32 : i32
      %dma_wait3A_237 = tpu.memref_slice %arg5[%dma_wait3A_236] : memref<16000xi32, #tpu.memory_space<vmem>> -> memref<32xi32, #tpu.memory_space<vmem>>
      %dma_wait3A_238 = arith.constant 0 : i32
      %dma_wait3A_239 = arith.constant 0 : i32
      %dma_wait3A_240 = tpu.memref_slice %arg2[%dma_wait3A_238, %dma_wait3A_239] : memref<100000x128xf32, #tpu.memory_space<hbm>> -> memref<100000x128xf32, #tpu.memory_space<hbm>>
      tpu.wait_indirect_dma semaphore(%arg8 : memref<!tpu.dma_semaphore, #tpu.memory_space<semaphore_mem>>) src(%dma_wait3A_240 : memref<100000x128xf32, #tpu.memory_space<hbm>>) dst(%dma_wait3A_235 : memref<32x128xf32, #tpu.memory_space<vmem>>)
      %dma_wait3A_241 = arith.constant 0 : i32
      %dma_wait3A_242 = arith.constant 64 : i32
      %dma_wait3A_243 = arith.constant 0 : i32
      %dma_wait3A_244 = tpu.memref_slice %arg6[%dma_wait3A_241, %dma_wait3A_242, %dma_wait3A_243] : memref<4x160x128xf32, #tpu.memory_space<vmem>> -> memref<1x32x128xf32, #tpu.memory_space<vmem>>
      %dma_wait3A_245 = tpu.memref_squeeze %dma_wait3A_244 : memref<1x32x128xf32, #tpu.memory_space<vmem>> -> memref<32x128xf32, #tpu.memory_space<vmem>>
      %dma_wait3A_246 = arith.constant 64 : i32
      %dma_wait3A_247 = tpu.memref_slice %arg5[%dma_wait3A_246] : memref<16000xi32, #tpu.memory_space<vmem>> -> memref<32xi32, #tpu.memory_space<vmem>>
      %dma_wait3A_248 = arith.constant 0 : i32
      %dma_wait3A_249 = arith.constant 0 : i32
      %dma_wait3A_250 = tpu.memref_slice %arg2[%dma_wait3A_248, %dma_wait3A_249] : memref<100000x128xf32, #tpu.memory_space<hbm>> -> memref<100000x128xf32, #tpu.memory_space<hbm>>
      tpu.wait_indirect_dma semaphore(%arg8 : memref<!tpu.dma_semaphore, #tpu.memory_space<semaphore_mem>>) src(%dma_wait3A_250 : memref<100000x128xf32, #tpu.memory_space<hbm>>) dst(%dma_wait3A_245 : memref<32x128xf32, #tpu.memory_space<vmem>>)
      %dma_wait3A_251 = arith.constant 0 : i32
      %dma_wait3A_252 = arith.constant 96 : i32
      %dma_wait3A_253 = arith.constant 0 : i32
      %dma_wait3A_254 = tpu.memref_slice %arg6[%dma_wait3A_251, %dma_wait3A_252, %dma_wait3A_253] : memref<4x160x128xf32, #tpu.memory_space<vmem>> -> memref<1x32x128xf32, #tpu.memory_space<vmem>>
      %dma_wait3A_255 = tpu.memref_squeeze %dma_wait3A_254 : memref<1x32x128xf32, #tpu.memory_space<vmem>> -> memref<32x128xf32, #tpu.memory_space<vmem>>
      %dma_wait3A_256 = arith.constant 96 : i32
      %dma_wait3A_257 = tpu.memref_slice %arg5[%dma_wait3A_256] : memref<16000xi32, #tpu.memory_space<vmem>> -> memref<32xi32, #tpu.memory_space<vmem>>
      %dma_wait3A_258 = arith.constant 0 : i32
      %dma_wait3A_259 = arith.constant 0 : i32
      %dma_wait3A_260 = tpu.memref_slice %arg2[%dma_wait3A_258, %dma_wait3A_259] : memref<100000x128xf32, #tpu.memory_space<hbm>> -> memref<100000x128xf32, #tpu.memory_space<hbm>>
      tpu.wait_indirect_dma semaphore(%arg8 : memref<!tpu.dma_semaphore, #tpu.memory_space<semaphore_mem>>) src(%dma_wait3A_260 : memref<100000x128xf32, #tpu.memory_space<hbm>>) dst(%dma_wait3A_255 : memref<32x128xf32, #tpu.memory_space<vmem>>)
      %dma_wait3A_261 = arith.constant 0 : i32
      %dma_wait3A_262 = arith.constant 128 : i32
      %dma_wait3A_263 = arith.constant 0 : i32
      %dma_wait3A_264 = tpu.memref_slice %arg6[%dma_wait3A_261, %dma_wait3A_262, %dma_wait3A_263] : memref<4x160x128xf32, #tpu.memory_space<vmem>> -> memref<1x32x128xf32, #tpu.memory_space<vmem>>
      %dma_wait3A_265 = tpu.memref_squeeze %dma_wait3A_264 : memref<1x32x128xf32, #tpu.memory_space<vmem>> -> memref<32x128xf32, #tpu.memory_space<vmem>>
      %dma_wait3A_266 = arith.constant 128 : i32
      %dma_wait3A_267 = tpu.memref_slice %arg5[%dma_wait3A_266] : memref<16000xi32, #tpu.memory_space<vmem>> -> memref<32xi32, #tpu.memory_space<vmem>>
      %dma_wait3A_268 = arith.constant 0 : i32
      %dma_wait3A_269 = arith.constant 0 : i32
      %dma_wait3A_270 = tpu.memref_slice %arg2[%dma_wait3A_268, %dma_wait3A_269] : memref<100000x128xf32, #tpu.memory_space<hbm>> -> memref<100000x128xf32, #tpu.memory_space<hbm>>
      tpu.wait_indirect_dma semaphore(%arg8 : memref<!tpu.dma_semaphore, #tpu.memory_space<semaphore_mem>>) src(%dma_wait3A_270 : memref<100000x128xf32, #tpu.memory_space<hbm>>) dst(%dma_wait3A_265 : memref<32x128xf32, #tpu.memory_space<vmem>>)
      %ge3A = arith.constant 2 : i32
      %ge3A_271 = arith.cmpi sge, %add3A_215, %ge3A : i32
      %convert_element_type3A_272 = arith.extui %ge3A_271 : i1 to i32
      %cond3A_273 = arith.constant 0 : i32
      %cond3A_274 = arith.cmpi ne, %convert_element_type3A_272, %cond3A_273 : i32
      scf.if %cond3A_274 {
        %dma_wait3A_568 = arith.constant 0 : i32
        %dma_wait3A_569 = arith.constant 0 : i32
        %dma_wait3A_570 = arith.constant 0 : i32
        %dma_wait3A_571 = tpu.memref_slice %arg7[%dma_wait3A_568, %dma_wait3A_569, %dma_wait3A_570] : memref<2x32x128xf32, #tpu.memory_space<vmem>> -> memref<1x32x128xf32, #tpu.memory_space<vmem>>
        %dma_wait3A_572 = tpu.memref_squeeze %dma_wait3A_571 : memref<1x32x128xf32, #tpu.memory_space<vmem>> -> memref<32x128xf32, #tpu.memory_space<vmem>>
        %dma_wait3A_573 = arith.constant 0 : i32
        %dma_wait3A_574 = tpu.memref_slice %arg4[%add3A, %dma_wait3A_573] : memref<102400x128xf32, #tpu.memory_space<hbm>> -> memref<32x128xf32, #tpu.memory_space<hbm>>
        %dma_wait3A_575 = arith.constant 0 : i32
        %dma_wait3A_576 = tpu.memref_slice %arg4[%add3A, %dma_wait3A_575] : memref<102400x128xf32, #tpu.memory_space<hbm>> -> memref<32x128xf32, #tpu.memory_space<hbm>>
        %dma_wait3A_577 = arith.constant 0 : i32
        %dma_wait3A_578 = arith.constant 0 : i32
        %dma_wait3A_579 = tpu.memref_slice %arg7[%dma_wait3A_568, %dma_wait3A_577, %dma_wait3A_578] : memref<2x32x128xf32, #tpu.memory_space<vmem>> -> memref<1x32x128xf32, #tpu.memory_space<vmem>>
        %dma_wait3A_580 = tpu.memref_squeeze %dma_wait3A_579 : memref<1x32x128xf32, #tpu.memory_space<vmem>> -> memref<32x128xf32, #tpu.memory_space<vmem>>
        tpu.wait_dma2 semaphore(%arg12 : memref<!tpu.dma_semaphore, #tpu.memory_space<semaphore_mem>>) src(%dma_wait3A_580 : memref<32x128xf32, #tpu.memory_space<vmem>>) dst(%dma_wait3A_576 : memref<32x128xf32, #tpu.memory_space<hbm>>)
      } else {
      }
      %scan3A = arith.constant 0 : i32
      %scan3A_275 = arith.constant 0 : i32
      %scan3A_276 = arith.constant 32 : i32
      %scan3A_277 = arith.addi %scan3A_275, %scan3A_276 : i32
      %scan3A_278 = arith.constant 1 : i32
      %scan3A_279 = scf.for %scan3A_568 = %scan3A_275 to %scan3A_277 step %scan3A_278 iter_args(%scan3A_569 = %scan3A) -> (i32)  : i32 {
        %mul3A_570 = arith.constant 5 : i32
        %mul3A_571 = arith.muli %mul3A_570, %scan3A_568 : i32
        %get3A = arith.constant 0 : i32
        %get3A_572 = arith.index_cast %get3A : i32 to index
        %get3A_573 = arith.index_cast %mul3A_571 : i32 to index
        %get3A_574 = arith.constant 0 : index
        %get3A_575 = tpu.vector_load %arg6[%get3A_572, %get3A_573, %get3A_574] {strides = array<i32>} : memref<4x160x128xf32, #tpu.memory_space<vmem>>, vector<1x1x16xf32>,
        %get3A_576 = vector.shape_cast %get3A_575 : vector<1x1x16xf32> to vector<16xf32>
        %mul3A_577 = arith.constant 5 : i32
        %mul3A_578 = arith.muli %mul3A_577, %scan3A_568 : i32
        %add3A_579 = arith.constant 1 : i32
        %add3A_580 = arith.addi %mul3A_578, %add3A_579 : i32
        %get3A_581 = arith.constant 0 : i32
        %get3A_582 = arith.index_cast %get3A_581 : i32 to index
        %get3A_583 = arith.index_cast %add3A_580 : i32 to index
        %get3A_584 = arith.constant 0 : index
        %get3A_585 = tpu.vector_load %arg6[%get3A_582, %get3A_583, %get3A_584] {strides = array<i32>} : memref<4x160x128xf32, #tpu.memory_space<vmem>>, vector<1x1x16xf32>,
        %get3A_586 = vector.shape_cast %get3A_585 : vector<1x1x16xf32> to vector<16xf32>
        %add3A_587 = arith.addf %get3A_576, %get3A_586 : vector<16xf32>
        %mul3A_588 = arith.constant 5 : i32
        %mul3A_589 = arith.muli %mul3A_588, %scan3A_568 : i32
        %add3A_590 = arith.constant 2 : i32
        %add3A_591 = arith.addi %mul3A_589, %add3A_590 : i32
        %get3A_592 = arith.constant 0 : i32
        %get3A_593 = arith.index_cast %get3A_592 : i32 to index
        %get3A_594 = arith.index_cast %add3A_591 : i32 to index
        %get3A_595 = arith.constant 0 : index
        %get3A_596 = tpu.vector_load %arg6[%get3A_593, %get3A_594, %get3A_595] {strides = array<i32>} : memref<4x160x128xf32, #tpu.memory_space<vmem>>, vector<1x1x16xf32>,
        %get3A_597 = vector.shape_cast %get3A_596 : vector<1x1x16xf32> to vector<16xf32>
        %add3A_598 = arith.addf %add3A_587, %get3A_597 : vector<16xf32>
        %mul3A_599 = arith.constant 5 : i32
        %mul3A_600 = arith.muli %mul3A_599, %scan3A_568 : i32
        %add3A_601 = arith.constant 3 : i32
        %add3A_602 = arith.addi %mul3A_600, %add3A_601 : i32
        %get3A_603 = arith.constant 0 : i32
        %get3A_604 = arith.index_cast %get3A_603 : i32 to index
        %get3A_605 = arith.index_cast %add3A_602 : i32 to index
        %get3A_606 = arith.constant 0 : index
        %get3A_607 = tpu.vector_load %arg6[%get3A_604, %get3A_605, %get3A_606] {strides = array<i32>} : memref<4x160x128xf32, #tpu.memory_space<vmem>>, vector<1x1x16xf32>,
        %get3A_608 = vector.shape_cast %get3A_607 : vector<1x1x16xf32> to vector<16xf32>
        %add3A_609 = arith.addf %add3A_598, %get3A_608 : vector<16xf32>
        %mul3A_610 = arith.constant 5 : i32
        %mul3A_611 = arith.muli %mul3A_610, %scan3A_568 : i32
        %add3A_612 = arith.constant 4 : i32
        %add3A_613 = arith.addi %mul3A_611, %add3A_612 : i32
        %get3A_614 = arith.constant 0 : i32
        %get3A_615 = arith.index_cast %get3A_614 : i32 to index
        %get3A_616 = arith.index_cast %add3A_613 : i32 to index
        %get3A_617 = arith.constant 0 : index
        %get3A_618 = tpu.vector_load %arg6[%get3A_615, %get3A_616, %get3A_617] {strides = array<i32>} : memref<4x160x128xf32, #tpu.memory_space<vmem>>, vector<1x1x16xf32>,
        %get3A_619 = vector.shape_cast %get3A_618 : vector<1x1x16xf32> to vector<16xf32>
        %add3A_620 = arith.addf %add3A_609, %get3A_619 : vector<16xf32>
        %swap3A = arith.constant 0 : i32
        %swap3A_621 = arith.index_cast %swap3A : i32 to index
        %swap3A_622 = arith.index_cast %scan3A_568 : i32 to index
        %swap3A_623 = arith.constant 0 : index
        %swap3A_624 = tpu.vector_load %arg7[%swap3A_621, %swap3A_622, %swap3A_623] {strides = array<i32>} : memref<2x32x128xf32, #tpu.memory_space<vmem>>, vector<1x1x16xf32>,
        %swap3A_625 = vector.shape_cast %swap3A_624 : vector<1x1x16xf32> to vector<16xf32>
        %swap3A_626 = vector.shape_cast %add3A_620 : vector<16xf32> to vector<1x1x16xf32>
        tpu.vector_store %arg7[%swap3A_621, %swap3A_622, %swap3A_623], %swap3A_626 {strides = array<i32>} : memref<2x32x128xf32, #tpu.memory_space<vmem>>, vector<1x1x16xf32>,
        %mul3A_627 = arith.constant 5 : i32
        %mul3A_628 = arith.muli %mul3A_627, %scan3A_568 : i32
        %get3A_629 = arith.constant 0 : i32
        %get3A_630 = arith.index_cast %get3A_629 : i32 to index
        %get3A_631 = arith.index_cast %mul3A_628 : i32 to index
        %get3A_632 = arith.constant 16 : index
        %get3A_633 = tpu.vector_load %arg6[%get3A_630, %get3A_631, %get3A_632] {strides = array<i32>} : memref<4x160x128xf32, #tpu.memory_space<vmem>>, vector<1x1x16xf32>,
        %get3A_634 = vector.shape_cast %get3A_633 : vector<1x1x16xf32> to vector<16xf32>
        %mul3A_635 = arith.constant 5 : i32
        %mul3A_636 = arith.muli %mul3A_635, %scan3A_568 : i32
        %add3A_637 = arith.constant 1 : i32
        %add3A_638 = arith.addi %mul3A_636, %add3A_637 : i32
        %get3A_639 = arith.constant 0 : i32
        %get3A_640 = arith.index_cast %get3A_639 : i32 to index
        %get3A_641 = arith.index_cast %add3A_638 : i32 to index
        %get3A_642 = arith.constant 16 : index
        %get3A_643 = tpu.vector_load %arg6[%get3A_640, %get3A_641, %get3A_642] {strides = array<i32>} : memref<4x160x128xf32, #tpu.memory_space<vmem>>, vector<1x1x16xf32>,
        %get3A_644 = vector.shape_cast %get3A_643 : vector<1x1x16xf32> to vector<16xf32>
        %add3A_645 = arith.addf %get3A_634, %get3A_644 : vector<16xf32>
        %mul3A_646 = arith.constant 5 : i32
        %mul3A_647 = arith.muli %mul3A_646, %scan3A_568 : i32
        %add3A_648 = arith.constant 2 : i32
        %add3A_649 = arith.addi %mul3A_647, %add3A_648 : i32
        %get3A_650 = arith.constant 0 : i32
        %get3A_651 = arith.index_cast %get3A_650 : i32 to index
        %get3A_652 = arith.index_cast %add3A_649 : i32 to index
        %get3A_653 = arith.constant 16 : index
        %get3A_654 = tpu.vector_load %arg6[%get3A_651, %get3A_652, %get3A_653] {strides = array<i32>} : memref<4x160x128xf32, #tpu.memory_space<vmem>>, vector<1x1x16xf32>,
        %get3A_655 = vector.shape_cast %get3A_654 : vector<1x1x16xf32> to vector<16xf32>
        %add3A_656 = arith.addf %add3A_645, %get3A_655 : vector<16xf32>
        %mul3A_657 = arith.constant 5 : i32
        %mul3A_658 = arith.muli %mul3A_657, %scan3A_568 : i32
        %add3A_659 = arith.constant 3 : i32
        %add3A_660 = arith.addi %mul3A_658, %add3A_659 : i32
        %get3A_661 = arith.constant 0 : i32
        %get3A_662 = arith.index_cast %get3A_661 : i32 to index
        %get3A_663 = arith.index_cast %add3A_660 : i32 to index
        %get3A_664 = arith.constant 16 : index
        %get3A_665 = tpu.vector_load %arg6[%get3A_662, %get3A_663, %get3A_664] {strides = array<i32>} : memref<4x160x128xf32, #tpu.memory_space<vmem>>, vector<1x1x16xf32>,
        %get3A_666 = vector.shape_cast %get3A_665 : vector<1x1x16xf32> to vector<16xf32>
        %add3A_667 = arith.addf %add3A_656, %get3A_666 : vector<16xf32>
        %mul3A_668 = arith.constant 5 : i32
        %mul3A_669 = arith.muli %mul3A_668, %scan3A_568 : i32
        %add3A_670 = arith.constant 4 : i32
        %add3A_671 = arith.addi %mul3A_669, %add3A_670 : i32
        %get3A_672 = arith.constant 0 : i32
        %get3A_673 = arith.index_cast %get3A_672 : i32 to index
        %get3A_674 = arith.index_cast %add3A_671 : i32 to index
        %get3A_675 = arith.constant 16 : index
        %get3A_676 = tpu.vector_load %arg6[%get3A_673, %get3A_674, %get3A_675] {strides = array<i32>} : memref<4x160x128xf32, #tpu.memory_space<vmem>>, vector<1x1x16xf32>,
        %get3A_677 = vector.shape_cast %get3A_676 : vector<1x1x16xf32> to vector<16xf32>
        %add3A_678 = arith.addf %add3A_667, %get3A_677 : vector<16xf32>
        %swap3A_679 = arith.constant 0 : i32
        %swap3A_680 = arith.index_cast %swap3A_679 : i32 to index
        %swap3A_681 = arith.index_cast %scan3A_568 : i32 to index
        %swap3A_682 = arith.constant 16 : index
        %swap3A_683 = tpu.vector_load %arg7[%swap3A_680, %swap3A_681, %swap3A_682] {strides = array<i32>} : memref<2x32x128xf32, #tpu.memory_space<vmem>>, vector<1x1x16xf32>,
        %swap3A_684 = vector.shape_cast %swap3A_683 : vector<1x1x16xf32> to vector<16xf32>
        %swap3A_685 = vector.shape_cast %add3A_678 : vector<16xf32> to vector<1x1x16xf32>
        tpu.vector_store %arg7[%swap3A_680, %swap3A_681, %swap3A_682], %swap3A_685 {strides = array<i32>} : memref<2x32x128xf32, #tpu.memory_space<vmem>>, vector<1x1x16xf32>,
        %mul3A_686 = arith.constant 5 : i32
        %mul3A_687 = arith.muli %mul3A_686, %scan3A_568 : i32
        %get3A_688 = arith.constant 0 : i32
        %get3A_689 = arith.index_cast %get3A_688 : i32 to index
        %get3A_690 = arith.index_cast %mul3A_687 : i32 to index
        %get3A_691 = arith.constant 32 : index
        %get3A_692 = tpu.vector_load %arg6[%get3A_689, %get3A_690, %get3A_691] {strides = array<i32>} : memref<4x160x128xf32, #tpu.memory_space<vmem>>, vector<1x1x16xf32>,
        %get3A_693 = vector.shape_cast %get3A_692 : vector<1x1x16xf32> to vector<16xf32>
        %mul3A_694 = arith.constant 5 : i32
        %mul3A_695 = arith.muli %mul3A_694, %scan3A_568 : i32
        %add3A_696 = arith.constant 1 : i32
        %add3A_697 = arith.addi %mul3A_695, %add3A_696 : i32
        %get3A_698 = arith.constant 0 : i32
        %get3A_699 = arith.index_cast %get3A_698 : i32 to index
        %get3A_700 = arith.index_cast %add3A_697 : i32 to index
        %get3A_701 = arith.constant 32 : index
        %get3A_702 = tpu.vector_load %arg6[%get3A_699, %get3A_700, %get3A_701] {strides = array<i32>} : memref<4x160x128xf32, #tpu.memory_space<vmem>>, vector<1x1x16xf32>,
        %get3A_703 = vector.shape_cast %get3A_702 : vector<1x1x16xf32> to vector<16xf32>
        %add3A_704 = arith.addf %get3A_693, %get3A_703 : vector<16xf32>
        %mul3A_705 = arith.constant 5 : i32
        %mul3A_706 = arith.muli %mul3A_705, %scan3A_568 : i32
        %add3A_707 = arith.constant 2 : i32
        %add3A_708 = arith.addi %mul3A_706, %add3A_707 : i32
        %get3A_709 = arith.constant 0 : i32
        %get3A_710 = arith.index_cast %get3A_709 : i32 to index
        %get3A_711 = arith.index_cast %add3A_708 : i32 to index
        %get3A_712 = arith.constant 32 : index
        %get3A_713 = tpu.vector_load %arg6[%get3A_710, %get3A_711, %get3A_712] {strides = array<i32>} : memref<4x160x128xf32, #tpu.memory_space<vmem>>, vector<1x1x16xf32>,
        %get3A_714 = vector.shape_cast %get3A_713 : vector<1x1x16xf32> to vector<16xf32>
        %add3A_715 = arith.addf %add3A_704, %get3A_714 : vector<16xf32>
        %mul3A_716 = arith.constant 5 : i32
        %mul3A_717 = arith.muli %mul3A_716, %scan3A_568 : i32
        %add3A_718 = arith.constant 3 : i32
        %add3A_719 = arith.addi %mul3A_717, %add3A_718 : i32
        %get3A_720 = arith.constant 0 : i32
        %get3A_721 = arith.index_cast %get3A_720 : i32 to index
        %get3A_722 = arith.index_cast %add3A_719 : i32 to index
        %get3A_723 = arith.constant 32 : index
        %get3A_724 = tpu.vector_load %arg6[%get3A_721, %get3A_722, %get3A_723] {strides = array<i32>} : memref<4x160x128xf32, #tpu.memory_space<vmem>>, vector<1x1x16xf32>,
        %get3A_725 = vector.shape_cast %get3A_724 : vector<1x1x16xf32> to vector<16xf32>
        %add3A_726 = arith.addf %add3A_715, %get3A_725 : vector<16xf32>
        %mul3A_727 = arith.constant 5 : i32
        %mul3A_728 = arith.muli %mul3A_727, %scan3A_568 : i32
        %add3A_729 = arith.constant 4 : i32
        %add3A_730 = arith.addi %mul3A_728, %add3A_729 : i32
        %get3A_731 = arith.constant 0 : i32
        %get3A_732 = arith.index_cast %get3A_731 : i32 to index
        %get3A_733 = arith.index_cast %add3A_730 : i32 to index
        %get3A_734 = arith.constant 32 : index
        %get3A_735 = tpu.vector_load %arg6[%get3A_732, %get3A_733, %get3A_734] {strides = array<i32>} : memref<4x160x128xf32, #tpu.memory_space<vmem>>, vector<1x1x16xf32>,
        %get3A_736 = vector.shape_cast %get3A_735 : vector<1x1x16xf32> to vector<16xf32>
        %add3A_737 = arith.addf %add3A_726, %get3A_736 : vector<16xf32>
        %swap3A_738 = arith.constant 0 : i32
        %swap3A_739 = arith.index_cast %swap3A_738 : i32 to index
        %swap3A_740 = arith.index_cast %scan3A_568 : i32 to index
        %swap3A_741 = arith.constant 32 : index
        %swap3A_742 = tpu.vector_load %arg7[%swap3A_739, %swap3A_740, %swap3A_741] {strides = array<i32>} : memref<2x32x128xf32, #tpu.memory_space<vmem>>, vector<1x1x16xf32>,
        %swap3A_743 = vector.shape_cast %swap3A_742 : vector<1x1x16xf32> to vector<16xf32>
        %swap3A_744 = vector.shape_cast %add3A_737 : vector<16xf32> to vector<1x1x16xf32>
        tpu.vector_store %arg7[%swap3A_739, %swap3A_740, %swap3A_741], %swap3A_744 {strides = array<i32>} : memref<2x32x128xf32, #tpu.memory_space<vmem>>, vector<1x1x16xf32>,
        %mul3A_745 = arith.constant 5 : i32
        %mul3A_746 = arith.muli %mul3A_745, %scan3A_568 : i32
        %get3A_747 = arith.constant 0 : i32
        %get3A_748 = arith.index_cast %get3A_747 : i32 to index
        %get3A_749 = arith.index_cast %mul3A_746 : i32 to index
        %get3A_750 = arith.constant 48 : index
        %get3A_751 = tpu.vector_load %arg6[%get3A_748, %get3A_749, %get3A_750] {strides = array<i32>} : memref<4x160x128xf32, #tpu.memory_space<vmem>>, vector<1x1x16xf32>,
        %get3A_752 = vector.shape_cast %get3A_751 : vector<1x1x16xf32> to vector<16xf32>
        %mul3A_753 = arith.constant 5 : i32
        %mul3A_754 = arith.muli %mul3A_753, %scan3A_568 : i32
        %add3A_755 = arith.constant 1 : i32
        %add3A_756 = arith.addi %mul3A_754, %add3A_755 : i32
        %get3A_757 = arith.constant 0 : i32
        %get3A_758 = arith.index_cast %get3A_757 : i32 to index
        %get3A_759 = arith.index_cast %add3A_756 : i32 to index
        %get3A_760 = arith.constant 48 : index
        %get3A_761 = tpu.vector_load %arg6[%get3A_758, %get3A_759, %get3A_760] {strides = array<i32>} : memref<4x160x128xf32, #tpu.memory_space<vmem>>, vector<1x1x16xf32>,
        %get3A_762 = vector.shape_cast %get3A_761 : vector<1x1x16xf32> to vector<16xf32>
        %add3A_763 = arith.addf %get3A_752, %get3A_762 : vector<16xf32>
        %mul3A_764 = arith.constant 5 : i32
        %mul3A_765 = arith.muli %mul3A_764, %scan3A_568 : i32
        %add3A_766 = arith.constant 2 : i32
        %add3A_767 = arith.addi %mul3A_765, %add3A_766 : i32
        %get3A_768 = arith.constant 0 : i32
        %get3A_769 = arith.index_cast %get3A_768 : i32 to index
        %get3A_770 = arith.index_cast %add3A_767 : i32 to index
        %get3A_771 = arith.constant 48 : index
        %get3A_772 = tpu.vector_load %arg6[%get3A_769, %get3A_770, %get3A_771] {strides = array<i32>} : memref<4x160x128xf32, #tpu.memory_space<vmem>>, vector<1x1x16xf32>,
        %get3A_773 = vector.shape_cast %get3A_772 : vector<1x1x16xf32> to vector<16xf32>
        %add3A_774 = arith.addf %add3A_763, %get3A_773 : vector<16xf32>
        %mul3A_775 = arith.constant 5 : i32
        %mul3A_776 = arith.muli %mul3A_775, %scan3A_568 : i32
        %add3A_777 = arith.constant 3 : i32
        %add3A_778 = arith.addi %mul3A_776, %add3A_777 : i32
        %get3A_779 = arith.constant 0 : i32
        %get3A_780 = arith.index_cast %get3A_779 : i32 to index
        %get3A_781 = arith.index_cast %add3A_778 : i32 to index
        %get3A_782 = arith.constant 48 : index
        %get3A_783 = tpu.vector_load %arg6[%get3A_780, %get3A_781, %get3A_782] {strides = array<i32>} : memref<4x160x128xf32, #tpu.memory_space<vmem>>, vector<1x1x16xf32>,
        %get3A_784 = vector.shape_cast %get3A_783 : vector<1x1x16xf32> to vector<16xf32>
        %add3A_785 = arith.addf %add3A_774, %get3A_784 : vector<16xf32>
        %mul3A_786 = arith.constant 5 : i32
        %mul3A_787 = arith.muli %mul3A_786, %scan3A_568 : i32
        %add3A_788 = arith.constant 4 : i32
        %add3A_789 = arith.addi %mul3A_787, %add3A_788 : i32
        %get3A_790 = arith.constant 0 : i32
        %get3A_791 = arith.index_cast %get3A_790 : i32 to index
        %get3A_792 = arith.index_cast %add3A_789 : i32 to index
        %get3A_793 = arith.constant 48 : index
        %get3A_794 = tpu.vector_load %arg6[%get3A_791, %get3A_792, %get3A_793] {strides = array<i32>} : memref<4x160x128xf32, #tpu.memory_space<vmem>>, vector<1x1x16xf32>,
        %get3A_795 = vector.shape_cast %get3A_794 : vector<1x1x16xf32> to vector<16xf32>
        %add3A_796 = arith.addf %add3A_785, %get3A_795 : vector<16xf32>
        %swap3A_797 = arith.constant 0 : i32
        %swap3A_798 = arith.index_cast %swap3A_797 : i32 to index
        %swap3A_799 = arith.index_cast %scan3A_568 : i32 to index
        %swap3A_800 = arith.constant 48 : index
        %swap3A_801 = tpu.vector_load %arg7[%swap3A_798, %swap3A_799, %swap3A_800] {strides = array<i32>} : memref<2x32x128xf32, #tpu.memory_space<vmem>>, vector<1x1x16xf32>,
        %swap3A_802 = vector.shape_cast %swap3A_801 : vector<1x1x16xf32> to vector<16xf32>
        %swap3A_803 = vector.shape_cast %add3A_796 : vector<16xf32> to vector<1x1x16xf32>
        tpu.vector_store %arg7[%swap3A_798, %swap3A_799, %swap3A_800], %swap3A_803 {strides = array<i32>} : memref<2x32x128xf32, #tpu.memory_space<vmem>>, vector<1x1x16xf32>,
        %mul3A_804 = arith.constant 5 : i32
        %mul3A_805 = arith.muli %mul3A_804, %scan3A_568 : i32
        %get3A_806 = arith.constant 0 : i32
        %get3A_807 = arith.index_cast %get3A_806 : i32 to index
        %get3A_808 = arith.index_cast %mul3A_805 : i32 to index
        %get3A_809 = arith.constant 64 : index
        %get3A_810 = tpu.vector_load %arg6[%get3A_807, %get3A_808, %get3A_809] {strides = array<i32>} : memref<4x160x128xf32, #tpu.memory_space<vmem>>, vector<1x1x16xf32>,
        %get3A_811 = vector.shape_cast %get3A_810 : vector<1x1x16xf32> to vector<16xf32>
        %mul3A_812 = arith.constant 5 : i32
        %mul3A_813 = arith.muli %mul3A_812, %scan3A_568 : i32
        %add3A_814 = arith.constant 1 : i32
        %add3A_815 = arith.addi %mul3A_813, %add3A_814 : i32
        %get3A_816 = arith.constant 0 : i32
        %get3A_817 = arith.index_cast %get3A_816 : i32 to index
        %get3A_818 = arith.index_cast %add3A_815 : i32 to index
        %get3A_819 = arith.constant 64 : index
        %get3A_820 = tpu.vector_load %arg6[%get3A_817, %get3A_818, %get3A_819] {strides = array<i32>} : memref<4x160x128xf32, #tpu.memory_space<vmem>>, vector<1x1x16xf32>,
        %get3A_821 = vector.shape_cast %get3A_820 : vector<1x1x16xf32> to vector<16xf32>
        %add3A_822 = arith.addf %get3A_811, %get3A_821 : vector<16xf32>
        %mul3A_823 = arith.constant 5 : i32
        %mul3A_824 = arith.muli %mul3A_823, %scan3A_568 : i32
        %add3A_825 = arith.constant 2 : i32
        %add3A_826 = arith.addi %mul3A_824, %add3A_825 : i32
        %get3A_827 = arith.constant 0 : i32
        %get3A_828 = arith.index_cast %get3A_827 : i32 to index
        %get3A_829 = arith.index_cast %add3A_826 : i32 to index
        %get3A_830 = arith.constant 64 : index
        %get3A_831 = tpu.vector_load %arg6[%get3A_828, %get3A_829, %get3A_830] {strides = array<i32>} : memref<4x160x128xf32, #tpu.memory_space<vmem>>, vector<1x1x16xf32>,
        %get3A_832 = vector.shape_cast %get3A_831 : vector<1x1x16xf32> to vector<16xf32>
        %add3A_833 = arith.addf %add3A_822, %get3A_832 : vector<16xf32>
        %mul3A_834 = arith.constant 5 : i32
        %mul3A_835 = arith.muli %mul3A_834, %scan3A_568 : i32
        %add3A_836 = arith.constant 3 : i32
        %add3A_837 = arith.addi %mul3A_835, %add3A_836 : i32
        %get3A_838 = arith.constant 0 : i32
        %get3A_839 = arith.index_cast %get3A_838 : i32 to index
        %get3A_840 = arith.index_cast %add3A_837 : i32 to index
        %get3A_841 = arith.constant 64 : index
        %get3A_842 = tpu.vector_load %arg6[%get3A_839, %get3A_840, %get3A_841] {strides = array<i32>} : memref<4x160x128xf32, #tpu.memory_space<vmem>>, vector<1x1x16xf32>,
        %get3A_843 = vector.shape_cast %get3A_842 : vector<1x1x16xf32> to vector<16xf32>
        %add3A_844 = arith.addf %add3A_833, %get3A_843 : vector<16xf32>
        %mul3A_845 = arith.constant 5 : i32
        %mul3A_846 = arith.muli %mul3A_845, %scan3A_568 : i32
        %add3A_847 = arith.constant 4 : i32
        %add3A_848 = arith.addi %mul3A_846, %add3A_847 : i32
        %get3A_849 = arith.constant 0 : i32
        %get3A_850 = arith.index_cast %get3A_849 : i32 to index
        %get3A_851 = arith.index_cast %add3A_848 : i32 to index
        %get3A_852 = arith.constant 64 : index
        %get3A_853 = tpu.vector_load %arg6[%get3A_850, %get3A_851, %get3A_852] {strides = array<i32>} : memref<4x160x128xf32, #tpu.memory_space<vmem>>, vector<1x1x16xf32>,
        %get3A_854 = vector.shape_cast %get3A_853 : vector<1x1x16xf32> to vector<16xf32>
        %add3A_855 = arith.addf %add3A_844, %get3A_854 : vector<16xf32>
        %swap3A_856 = arith.constant 0 : i32
        %swap3A_857 = arith.index_cast %swap3A_856 : i32 to index
        %swap3A_858 = arith.index_cast %scan3A_568 : i32 to index
        %swap3A_859 = arith.constant 64 : index
        %swap3A_860 = tpu.vector_load %arg7[%swap3A_857, %swap3A_858, %swap3A_859] {strides = array<i32>} : memref<2x32x128xf32, #tpu.memory_space<vmem>>, vector<1x1x16xf32>,
        %swap3A_861 = vector.shape_cast %swap3A_860 : vector<1x1x16xf32> to vector<16xf32>
        %swap3A_862 = vector.shape_cast %add3A_855 : vector<16xf32> to vector<1x1x16xf32>
        tpu.vector_store %arg7[%swap3A_857, %swap3A_858, %swap3A_859], %swap3A_862 {strides = array<i32>} : memref<2x32x128xf32, #tpu.memory_space<vmem>>, vector<1x1x16xf32>,
        %mul3A_863 = arith.constant 5 : i32
        %mul3A_864 = arith.muli %mul3A_863, %scan3A_568 : i32
        %get3A_865 = arith.constant 0 : i32
        %get3A_866 = arith.index_cast %get3A_865 : i32 to index
        %get3A_867 = arith.index_cast %mul3A_864 : i32 to index
        %get3A_868 = arith.constant 80 : index
        %get3A_869 = tpu.vector_load %arg6[%get3A_866, %get3A_867, %get3A_868] {strides = array<i32>} : memref<4x160x128xf32, #tpu.memory_space<vmem>>, vector<1x1x16xf32>,
        %get3A_870 = vector.shape_cast %get3A_869 : vector<1x1x16xf32> to vector<16xf32>
        %mul3A_871 = arith.constant 5 : i32
        %mul3A_872 = arith.muli %mul3A_871, %scan3A_568 : i32
        %add3A_873 = arith.constant 1 : i32
        %add3A_874 = arith.addi %mul3A_872, %add3A_873 : i32
        %get3A_875 = arith.constant 0 : i32
        %get3A_876 = arith.index_cast %get3A_875 : i32 to index
        %get3A_877 = arith.index_cast %add3A_874 : i32 to index
        %get3A_878 = arith.constant 80 : index
        %get3A_879 = tpu.vector_load %arg6[%get3A_876, %get3A_877, %get3A_878] {strides = array<i32>} : memref<4x160x128xf32, #tpu.memory_space<vmem>>, vector<1x1x16xf32>,
        %get3A_880 = vector.shape_cast %get3A_879 : vector<1x1x16xf32> to vector<16xf32>
        %add3A_881 = arith.addf %get3A_870, %get3A_880 : vector<16xf32>
        %mul3A_882 = arith.constant 5 : i32
        %mul3A_883 = arith.muli %mul3A_882, %scan3A_568 : i32
        %add3A_884 = arith.constant 2 : i32
        %add3A_885 = arith.addi %mul3A_883, %add3A_884 : i32
        %get3A_886 = arith.constant 0 : i32
        %get3A_887 = arith.index_cast %get3A_886 : i32 to index
        %get3A_888 = arith.index_cast %add3A_885 : i32 to index
        %get3A_889 = arith.constant 80 : index
        %get3A_890 = tpu.vector_load %arg6[%get3A_887, %get3A_888, %get3A_889] {strides = array<i32>} : memref<4x160x128xf32, #tpu.memory_space<vmem>>, vector<1x1x16xf32>,
        %get3A_891 = vector.shape_cast %get3A_890 : vector<1x1x16xf32> to vector<16xf32>
        %add3A_892 = arith.addf %add3A_881, %get3A_891 : vector<16xf32>
        %mul3A_893 = arith.constant 5 : i32
        %mul3A_894 = arith.muli %mul3A_893, %scan3A_568 : i32
        %add3A_895 = arith.constant 3 : i32
        %add3A_896 = arith.addi %mul3A_894, %add3A_895 : i32
        %get3A_897 = arith.constant 0 : i32
        %get3A_898 = arith.index_cast %get3A_897 : i32 to index
        %get3A_899 = arith.index_cast %add3A_896 : i32 to index
        %get3A_900 = arith.constant 80 : index
        %get3A_901 = tpu.vector_load %arg6[%get3A_898, %get3A_899, %get3A_900] {strides = array<i32>} : memref<4x160x128xf32, #tpu.memory_space<vmem>>, vector<1x1x16xf32>,
        %get3A_902 = vector.shape_cast %get3A_901 : vector<1x1x16xf32> to vector<16xf32>
        %add3A_903 = arith.addf %add3A_892, %get3A_902 : vector<16xf32>
        %mul3A_904 = arith.constant 5 : i32
        %mul3A_905 = arith.muli %mul3A_904, %scan3A_568 : i32
        %add3A_906 = arith.constant 4 : i32
        %add3A_907 = arith.addi %mul3A_905, %add3A_906 : i32
        %get3A_908 = arith.constant 0 : i32
        %get3A_909 = arith.index_cast %get3A_908 : i32 to index
        %get3A_910 = arith.index_cast %add3A_907 : i32 to index
        %get3A_911 = arith.constant 80 : index
        %get3A_912 = tpu.vector_load %arg6[%get3A_909, %get3A_910, %get3A_911] {strides = array<i32>} : memref<4x160x128xf32, #tpu.memory_space<vmem>>, vector<1x1x16xf32>,
        %get3A_913 = vector.shape_cast %get3A_912 : vector<1x1x16xf32> to vector<16xf32>
        %add3A_914 = arith.addf %add3A_903, %get3A_913 : vector<16xf32>
        %swap3A_915 = arith.constant 0 : i32
        %swap3A_916 = arith.index_cast %swap3A_915 : i32 to index
        %swap3A_917 = arith.index_cast %scan3A_568 : i32 to index
        %swap3A_918 = arith.constant 80 : index
        %swap3A_919 = tpu.vector_load %arg7[%swap3A_916, %swap3A_917, %swap3A_918] {strides = array<i32>} : memref<2x32x128xf32, #tpu.memory_space<vmem>>, vector<1x1x16xf32>,
        %swap3A_920 = vector.shape_cast %swap3A_919 : vector<1x1x16xf32> to vector<16xf32>
        %swap3A_921 = vector.shape_cast %add3A_914 : vector<16xf32> to vector<1x1x16xf32>
        tpu.vector_store %arg7[%swap3A_916, %swap3A_917, %swap3A_918], %swap3A_921 {strides = array<i32>} : memref<2x32x128xf32, #tpu.memory_space<vmem>>, vector<1x1x16xf32>,
        %mul3A_922 = arith.constant 5 : i32
        %mul3A_923 = arith.muli %mul3A_922, %scan3A_568 : i32
        %get3A_924 = arith.constant 0 : i32
        %get3A_925 = arith.index_cast %get3A_924 : i32 to index
        %get3A_926 = arith.index_cast %mul3A_923 : i32 to index
        %get3A_927 = arith.constant 96 : index
        %get3A_928 = tpu.vector_load %arg6[%get3A_925, %get3A_926, %get3A_927] {strides = array<i32>} : memref<4x160x128xf32, #tpu.memory_space<vmem>>, vector<1x1x16xf32>,
        %get3A_929 = vector.shape_cast %get3A_928 : vector<1x1x16xf32> to vector<16xf32>
        %mul3A_930 = arith.constant 5 : i32
        %mul3A_931 = arith.muli %mul3A_930, %scan3A_568 : i32
        %add3A_932 = arith.constant 1 : i32
        %add3A_933 = arith.addi %mul3A_931, %add3A_932 : i32
        %get3A_934 = arith.constant 0 : i32
        %get3A_935 = arith.index_cast %get3A_934 : i32 to index
        %get3A_936 = arith.index_cast %add3A_933 : i32 to index
        %get3A_937 = arith.constant 96 : index
        %get3A_938 = tpu.vector_load %arg6[%get3A_935, %get3A_936, %get3A_937] {strides = array<i32>} : memref<4x160x128xf32, #tpu.memory_space<vmem>>, vector<1x1x16xf32>,
        %get3A_939 = vector.shape_cast %get3A_938 : vector<1x1x16xf32> to vector<16xf32>
        %add3A_940 = arith.addf %get3A_929, %get3A_939 : vector<16xf32>
        %mul3A_941 = arith.constant 5 : i32
        %mul3A_942 = arith.muli %mul3A_941, %scan3A_568 : i32
        %add3A_943 = arith.constant 2 : i32
        %add3A_944 = arith.addi %mul3A_942, %add3A_943 : i32
        %get3A_945 = arith.constant 0 : i32
        %get3A_946 = arith.index_cast %get3A_945 : i32 to index
        %get3A_947 = arith.index_cast %add3A_944 : i32 to index
        %get3A_948 = arith.constant 96 : index
        %get3A_949 = tpu.vector_load %arg6[%get3A_946, %get3A_947, %get3A_948] {strides = array<i32>} : memref<4x160x128xf32, #tpu.memory_space<vmem>>, vector<1x1x16xf32>,
        %get3A_950 = vector.shape_cast %get3A_949 : vector<1x1x16xf32> to vector<16xf32>
        %add3A_951 = arith.addf %add3A_940, %get3A_950 : vector<16xf32>
        %mul3A_952 = arith.constant 5 : i32
        %mul3A_953 = arith.muli %mul3A_952, %scan3A_568 : i32
        %add3A_954 = arith.constant 3 : i32
        %add3A_955 = arith.addi %mul3A_953, %add3A_954 : i32
        %get3A_956 = arith.constant 0 : i32
        %get3A_957 = arith.index_cast %get3A_956 : i32 to index
        %get3A_958 = arith.index_cast %add3A_955 : i32 to index
        %get3A_959 = arith.constant 96 : index
        %get3A_960 = tpu.vector_load %arg6[%get3A_957, %get3A_958, %get3A_959] {strides = array<i32>} : memref<4x160x128xf32, #tpu.memory_space<vmem>>, vector<1x1x16xf32>,
        %get3A_961 = vector.shape_cast %get3A_960 : vector<1x1x16xf32> to vector<16xf32>
        %add3A_962 = arith.addf %add3A_951, %get3A_961 : vector<16xf32>
        %mul3A_963 = arith.constant 5 : i32
        %mul3A_964 = arith.muli %mul3A_963, %scan3A_568 : i32
        %add3A_965 = arith.constant 4 : i32
        %add3A_966 = arith.addi %mul3A_964, %add3A_965 : i32
        %get3A_967 = arith.constant 0 : i32
        %get3A_968 = arith.index_cast %get3A_967 : i32 to index
        %get3A_969 = arith.index_cast %add3A_966 : i32 to index
        %get3A_970 = arith.constant 96 : index
        %get3A_971 = tpu.vector_load %arg6[%get3A_968, %get3A_969, %get3A_970] {strides = array<i32>} : memref<4x160x128xf32, #tpu.memory_space<vmem>>, vector<1x1x16xf32>,
        %get3A_972 = vector.shape_cast %get3A_971 : vector<1x1x16xf32> to vector<16xf32>
        %add3A_973 = arith.addf %add3A_962, %get3A_972 : vector<16xf32>
        %swap3A_974 = arith.constant 0 : i32
        %swap3A_975 = arith.index_cast %swap3A_974 : i32 to index
        %swap3A_976 = arith.index_cast %scan3A_568 : i32 to index
        %swap3A_977 = arith.constant 96 : index
        %swap3A_978 = tpu.vector_load %arg7[%swap3A_975, %swap3A_976, %swap3A_977] {strides = array<i32>} : memref<2x32x128xf32, #tpu.memory_space<vmem>>, vector<1x1x16xf32>,
        %swap3A_979 = vector.shape_cast %swap3A_978 : vector<1x1x16xf32> to vector<16xf32>
        %swap3A_980 = vector.shape_cast %add3A_973 : vector<16xf32> to vector<1x1x16xf32>
        tpu.vector_store %arg7[%swap3A_975, %swap3A_976, %swap3A_977], %swap3A_980 {strides = array<i32>} : memref<2x32x128xf32, #tpu.memory_space<vmem>>, vector<1x1x16xf32>,
        %mul3A_981 = arith.constant 5 : i32
        %mul3A_982 = arith.muli %mul3A_981, %scan3A_568 : i32
        %get3A_983 = arith.constant 0 : i32
        %get3A_984 = arith.index_cast %get3A_983 : i32 to index
        %get3A_985 = arith.index_cast %mul3A_982 : i32 to index
        %get3A_986 = arith.constant 112 : index
        %get3A_987 = tpu.vector_load %arg6[%get3A_984, %get3A_985, %get3A_986] {strides = array<i32>} : memref<4x160x128xf32, #tpu.memory_space<vmem>>, vector<1x1x16xf32>,
        %get3A_988 = vector.shape_cast %get3A_987 : vector<1x1x16xf32> to vector<16xf32>
        %mul3A_989 = arith.constant 5 : i32
        %mul3A_990 = arith.muli %mul3A_989, %scan3A_568 : i32
        %add3A_991 = arith.constant 1 : i32
        %add3A_992 = arith.addi %mul3A_990, %add3A_991 : i32
        %get3A_993 = arith.constant 0 : i32
        %get3A_994 = arith.index_cast %get3A_993 : i32 to index
        %get3A_995 = arith.index_cast %add3A_992 : i32 to index
        %get3A_996 = arith.constant 112 : index
        %get3A_997 = tpu.vector_load %arg6[%get3A_994, %get3A_995, %get3A_996] {strides = array<i32>} : memref<4x160x128xf32, #tpu.memory_space<vmem>>, vector<1x1x16xf32>,
        %get3A_998 = vector.shape_cast %get3A_997 : vector<1x1x16xf32> to vector<16xf32>
        %add3A_999 = arith.addf %get3A_988, %get3A_998 : vector<16xf32>
        %mul3A_1000 = arith.constant 5 : i32
        %mul3A_1001 = arith.muli %mul3A_1000, %scan3A_568 : i32
        %add3A_1002 = arith.constant 2 : i32
        %add3A_1003 = arith.addi %mul3A_1001, %add3A_1002 : i32
        %get3A_1004 = arith.constant 0 : i32
        %get3A_1005 = arith.index_cast %get3A_1004 : i32 to index
        %get3A_1006 = arith.index_cast %add3A_1003 : i32 to index
        %get3A_1007 = arith.constant 112 : index
        %get3A_1008 = tpu.vector_load %arg6[%get3A_1005, %get3A_1006, %get3A_1007] {strides = array<i32>} : memref<4x160x128xf32, #tpu.memory_space<vmem>>, vector<1x1x16xf32>,
        %get3A_1009 = vector.shape_cast %get3A_1008 : vector<1x1x16xf32> to vector<16xf32>
        %add3A_1010 = arith.addf %add3A_999, %get3A_1009 : vector<16xf32>
        %mul3A_1011 = arith.constant 5 : i32
        %mul3A_1012 = arith.muli %mul3A_1011, %scan3A_568 : i32
        %add3A_1013 = arith.constant 3 : i32
        %add3A_1014 = arith.addi %mul3A_1012, %add3A_1013 : i32
        %get3A_1015 = arith.constant 0 : i32
        %get3A_1016 = arith.index_cast %get3A_1015 : i32 to index
        %get3A_1017 = arith.index_cast %add3A_1014 : i32 to index
        %get3A_1018 = arith.constant 112 : index
        %get3A_1019 = tpu.vector_load %arg6[%get3A_1016, %get3A_1017, %get3A_1018] {strides = array<i32>} : memref<4x160x128xf32, #tpu.memory_space<vmem>>, vector<1x1x16xf32>,
        %get3A_1020 = vector.shape_cast %get3A_1019 : vector<1x1x16xf32> to vector<16xf32>
        %add3A_1021 = arith.addf %add3A_1010, %get3A_1020 : vector<16xf32>
        %mul3A_1022 = arith.constant 5 : i32
        %mul3A_1023 = arith.muli %mul3A_1022, %scan3A_568 : i32
        %add3A_1024 = arith.constant 4 : i32
        %add3A_1025 = arith.addi %mul3A_1023, %add3A_1024 : i32
        %get3A_1026 = arith.constant 0 : i32
        %get3A_1027 = arith.index_cast %get3A_1026 : i32 to index
        %get3A_1028 = arith.index_cast %add3A_1025 : i32 to index
        %get3A_1029 = arith.constant 112 : index
        %get3A_1030 = tpu.vector_load %arg6[%get3A_1027, %get3A_1028, %get3A_1029] {strides = array<i32>} : memref<4x160x128xf32, #tpu.memory_space<vmem>>, vector<1x1x16xf32>,
        %get3A_1031 = vector.shape_cast %get3A_1030 : vector<1x1x16xf32> to vector<16xf32>
        %add3A_1032 = arith.addf %add3A_1021, %get3A_1031 : vector<16xf32>
        %swap3A_1033 = arith.constant 0 : i32
        %swap3A_1034 = arith.index_cast %swap3A_1033 : i32 to index
        %swap3A_1035 = arith.index_cast %scan3A_568 : i32 to index
        %swap3A_1036 = arith.constant 112 : index
        %swap3A_1037 = tpu.vector_load %arg7[%swap3A_1034, %swap3A_1035, %swap3A_1036] {strides = array<i32>} : memref<2x32x128xf32, #tpu.memory_space<vmem>>, vector<1x1x16xf32>,
        %swap3A_1038 = vector.shape_cast %swap3A_1037 : vector<1x1x16xf32> to vector<16xf32>
        %swap3A_1039 = vector.shape_cast %add3A_1032 : vector<16xf32> to vector<1x1x16xf32>
        tpu.vector_store %arg7[%swap3A_1034, %swap3A_1035, %swap3A_1036], %swap3A_1039 {strides = array<i32>} : memref<2x32x128xf32, #tpu.memory_space<vmem>>, vector<1x1x16xf32>,
        %scan3A_1040 = arith.constant 0 : i32
        scf.yield %scan3A_1040 : i32
      }
      %scan3A_280 = arith.constant 32 : i32
      %mul3A_281 = arith.constant 32 : i32
      %mul3A_282 = arith.muli %add3A_215, %mul3A_281 : i32
      %add3A_283 = arith.addi %add3A, %mul3A_282 : i32
      %dma_start3A_284 = arith.constant 0 : i32
      %dma_start3A_285 = arith.constant 0 : i32
      %dma_start3A_286 = arith.constant 0 : i32
      %dma_start3A_287 = tpu.memref_slice %arg7[%dma_start3A_284, %dma_start3A_285, %dma_start3A_286] : memref<2x32x128xf32, #tpu.memory_space<vmem>> -> memref<1x32x128xf32, #tpu.memory_space<vmem>>
      %dma_start3A_288 = tpu.memref_squeeze %dma_start3A_287 : memref<1x32x128xf32, #tpu.memory_space<vmem>> -> memref<32x128xf32, #tpu.memory_space<vmem>>
      %dma_start3A_289 = arith.constant 0 : i32
      %dma_start3A_290 = tpu.memref_slice %arg4[%add3A_283, %dma_start3A_289] : memref<102400x128xf32, #tpu.memory_space<hbm>> -> memref<32x128xf32, #tpu.memory_space<hbm>>
      %dma_start3A_291 = arith.constant 0 : i32
      %dma_start3A_292 = tpu.memref_slice %arg4[%add3A_283, %dma_start3A_291] : memref<102400x128xf32, #tpu.memory_space<hbm>> -> memref<32x128xf32, #tpu.memory_space<hbm>>
      %dma_start3A_293 = arith.constant 0 : i32
      %dma_start3A_294 = arith.constant 0 : i32
      %dma_start3A_295 = tpu.memref_slice %arg7[%dma_start3A_284, %dma_start3A_293, %dma_start3A_294] : memref<2x32x128xf32, #tpu.memory_space<vmem>> -> memref<1x32x128xf32, #tpu.memory_space<vmem>>
      %dma_start3A_296 = tpu.memref_squeeze %dma_start3A_295 : memref<1x32x128xf32, #tpu.memory_space<vmem>> -> memref<32x128xf32, #tpu.memory_space<vmem>>
      tpu.enqueue_dma source(%dma_start3A_296 : memref<32x128xf32, #tpu.memory_space<vmem>>) target(%dma_start3A_292 : memref<32x128xf32, #tpu.memory_space<hbm>>) target_semaphore(%arg12 : memref<!tpu.dma_semaphore, #tpu.memory_space<semaphore_mem>>)
      %mul3A_297 = arith.constant 4 : i32
      %mul3A_298 = arith.muli %mul3A_297, %while3A_210 : i32
      %add3A_299 = arith.constant 1 : i32
      %add3A_300 = arith.addi %mul3A_298, %add3A_299 : i32
      %add3A_301 = arith.constant 4 : i32
      %add3A_302 = arith.addi %add3A_300, %add3A_301 : i32
      %sub3A_303 = arith.constant 1 : i32
      %sub3A_304 = arith.subi %add3A_302, %sub3A_303 : i32
      %lt3A_305 = arith.cmpi slt, %sub3A_304, %select_n3A : i32
      %convert_element_type3A_306 = arith.extui %lt3A_305 : i1 to i32
      %cond3A_307 = arith.constant 0 : i32
      %cond3A_308 = arith.cmpi ne, %convert_element_type3A_306, %cond3A_307 : i32
      scf.if %cond3A_308 {
        %mul3A_568 = arith.constant 160 : i32
        %mul3A_569 = arith.muli %sub3A_304, %mul3A_568 : i32
        %add3A_570 = arith.constant 0 : i32
        %add3A_571 = arith.addi %mul3A_569, %add3A_570 : i32
        %dma_start3A_572 = arith.constant 0 : i32
        %dma_start3A_573 = arith.constant 0 : i32
        %dma_start3A_574 = arith.constant 0 : i32
        %dma_start3A_575 = tpu.memref_slice %arg6[%dma_start3A_572, %dma_start3A_573, %dma_start3A_574] : memref<4x160x128xf32, #tpu.memory_space<vmem>> -> memref<1x32x128xf32, #tpu.memory_space<vmem>>
        %dma_start3A_576 = tpu.memref_squeeze %dma_start3A_575 : memref<1x32x128xf32, #tpu.memory_space<vmem>> -> memref<32x128xf32, #tpu.memory_space<vmem>>
        %dma_start3A_577 = tpu.memref_slice %arg5[%add3A_571] : memref<16000xi32, #tpu.memory_space<vmem>> -> memref<32xi32, #tpu.memory_space<vmem>>
        %dma_start3A_578 = arith.constant 0 : i32
        %dma_start3A_579 = arith.constant 0 : i32
        %dma_start3A_580 = tpu.memref_slice %arg2[%dma_start3A_578, %dma_start3A_579] : memref<100000x128xf32, #tpu.memory_space<hbm>> -> memref<100000x128xf32, #tpu.memory_space<hbm>>
        tpu.enqueue_indirect_dma source(%dma_start3A_580 : memref<100000x128xf32, #tpu.memory_space<hbm>>) target(%dma_start3A_576 : memref<32x128xf32, #tpu.memory_space<vmem>>) offsets(%dma_start3A_577 : memref<32xi32, #tpu.memory_space<vmem>>) semaphore(%arg8 : memref<!tpu.dma_semaphore, #tpu.memory_space<semaphore_mem>>)
        %mul3A_581 = arith.constant 160 : i32
        %mul3A_582 = arith.muli %sub3A_304, %mul3A_581 : i32
        %add3A_583 = arith.constant 32 : i32
        %add3A_584 = arith.addi %mul3A_582, %add3A_583 : i32
        %dma_start3A_585 = arith.constant 0 : i32
        %dma_start3A_586 = arith.constant 32 : i32
        %dma_start3A_587 = arith.constant 0 : i32
        %dma_start3A_588 = tpu.memref_slice %arg6[%dma_start3A_585, %dma_start3A_586, %dma_start3A_587] : memref<4x160x128xf32, #tpu.memory_space<vmem>> -> memref<1x32x128xf32, #tpu.memory_space<vmem>>
        %dma_start3A_589 = tpu.memref_squeeze %dma_start3A_588 : memref<1x32x128xf32, #tpu.memory_space<vmem>> -> memref<32x128xf32, #tpu.memory_space<vmem>>
        %dma_start3A_590 = tpu.memref_slice %arg5[%add3A_584] : memref<16000xi32, #tpu.memory_space<vmem>> -> memref<32xi32, #tpu.memory_space<vmem>>
        %dma_start3A_591 = arith.constant 0 : i32
        %dma_start3A_592 = arith.constant 0 : i32
        %dma_start3A_593 = tpu.memref_slice %arg2[%dma_start3A_591, %dma_start3A_592] : memref<100000x128xf32, #tpu.memory_space<hbm>> -> memref<100000x128xf32, #tpu.memory_space<hbm>>
        tpu.enqueue_indirect_dma source(%dma_start3A_593 : memref<100000x128xf32, #tpu.memory_space<hbm>>) target(%dma_start3A_589 : memref<32x128xf32, #tpu.memory_space<vmem>>) offsets(%dma_start3A_590 : memref<32xi32, #tpu.memory_space<vmem>>) semaphore(%arg8 : memref<!tpu.dma_semaphore, #tpu.memory_space<semaphore_mem>>)
        %mul3A_594 = arith.constant 160 : i32
        %mul3A_595 = arith.muli %sub3A_304, %mul3A_594 : i32
        %add3A_596 = arith.constant 64 : i32
        %add3A_597 = arith.addi %mul3A_595, %add3A_596 : i32
        %dma_start3A_598 = arith.constant 0 : i32
        %dma_start3A_599 = arith.constant 64 : i32
        %dma_start3A_600 = arith.constant 0 : i32
        %dma_start3A_601 = tpu.memref_slice %arg6[%dma_start3A_598, %dma_start3A_599, %dma_start3A_600] : memref<4x160x128xf32, #tpu.memory_space<vmem>> -> memref<1x32x128xf32, #tpu.memory_space<vmem>>
        %dma_start3A_602 = tpu.memref_squeeze %dma_start3A_601 : memref<1x32x128xf32, #tpu.memory_space<vmem>> -> memref<32x128xf32, #tpu.memory_space<vmem>>
        %dma_start3A_603 = tpu.memref_slice %arg5[%add3A_597] : memref<16000xi32, #tpu.memory_space<vmem>> -> memref<32xi32, #tpu.memory_space<vmem>>
        %dma_start3A_604 = arith.constant 0 : i32
        %dma_start3A_605 = arith.constant 0 : i32
        %dma_start3A_606 = tpu.memref_slice %arg2[%dma_start3A_604, %dma_start3A_605] : memref<100000x128xf32, #tpu.memory_space<hbm>> -> memref<100000x128xf32, #tpu.memory_space<hbm>>
        tpu.enqueue_indirect_dma source(%dma_start3A_606 : memref<100000x128xf32, #tpu.memory_space<hbm>>) target(%dma_start3A_602 : memref<32x128xf32, #tpu.memory_space<vmem>>) offsets(%dma_start3A_603 : memref<32xi32, #tpu.memory_space<vmem>>) semaphore(%arg8 : memref<!tpu.dma_semaphore, #tpu.memory_space<semaphore_mem>>)
        %mul3A_607 = arith.constant 160 : i32
        %mul3A_608 = arith.muli %sub3A_304, %mul3A_607 : i32
        %add3A_609 = arith.constant 96 : i32
        %add3A_610 = arith.addi %mul3A_608, %add3A_609 : i32
        %dma_start3A_611 = arith.constant 0 : i32
        %dma_start3A_612 = arith.constant 96 : i32
        %dma_start3A_613 = arith.constant 0 : i32
        %dma_start3A_614 = tpu.memref_slice %arg6[%dma_start3A_611, %dma_start3A_612, %dma_start3A_613] : memref<4x160x128xf32, #tpu.memory_space<vmem>> -> memref<1x32x128xf32, #tpu.memory_space<vmem>>
        %dma_start3A_615 = tpu.memref_squeeze %dma_start3A_614 : memref<1x32x128xf32, #tpu.memory_space<vmem>> -> memref<32x128xf32, #tpu.memory_space<vmem>>
        %dma_start3A_616 = tpu.memref_slice %arg5[%add3A_610] : memref<16000xi32, #tpu.memory_space<vmem>> -> memref<32xi32, #tpu.memory_space<vmem>>
        %dma_start3A_617 = arith.constant 0 : i32
        %dma_start3A_618 = arith.constant 0 : i32
        %dma_start3A_619 = tpu.memref_slice %arg2[%dma_start3A_617, %dma_start3A_618] : memref<100000x128xf32, #tpu.memory_space<hbm>> -> memref<100000x128xf32, #tpu.memory_space<hbm>>
        tpu.enqueue_indirect_dma source(%dma_start3A_619 : memref<100000x128xf32, #tpu.memory_space<hbm>>) target(%dma_start3A_615 : memref<32x128xf32, #tpu.memory_space<vmem>>) offsets(%dma_start3A_616 : memref<32xi32, #tpu.memory_space<vmem>>) semaphore(%arg8 : memref<!tpu.dma_semaphore, #tpu.memory_space<semaphore_mem>>)
        %mul3A_620 = arith.constant 160 : i32
        %mul3A_621 = arith.muli %sub3A_304, %mul3A_620 : i32
        %add3A_622 = arith.constant 128 : i32
        %add3A_623 = arith.addi %mul3A_621, %add3A_622 : i32
        %dma_start3A_624 = arith.constant 0 : i32
        %dma_start3A_625 = arith.constant 128 : i32
        %dma_start3A_626 = arith.constant 0 : i32
        %dma_start3A_627 = tpu.memref_slice %arg6[%dma_start3A_624, %dma_start3A_625, %dma_start3A_626] : memref<4x160x128xf32, #tpu.memory_space<vmem>> -> memref<1x32x128xf32, #tpu.memory_space<vmem>>
        %dma_start3A_628 = tpu.memref_squeeze %dma_start3A_627 : memref<1x32x128xf32, #tpu.memory_space<vmem>> -> memref<32x128xf32, #tpu.memory_space<vmem>>
        %dma_start3A_629 = tpu.memref_slice %arg5[%add3A_623] : memref<16000xi32, #tpu.memory_space<vmem>> -> memref<32xi32, #tpu.memory_space<vmem>>
        %dma_start3A_630 = arith.constant 0 : i32
        %dma_start3A_631 = arith.constant 0 : i32
        %dma_start3A_632 = tpu.memref_slice %arg2[%dma_start3A_630, %dma_start3A_631] : memref<100000x128xf32, #tpu.memory_space<hbm>> -> memref<100000x128xf32, #tpu.memory_space<hbm>>
        tpu.enqueue_indirect_dma source(%dma_start3A_632 : memref<100000x128xf32, #tpu.memory_space<hbm>>) target(%dma_start3A_628 : memref<32x128xf32, #tpu.memory_space<vmem>>) offsets(%dma_start3A_629 : memref<32xi32, #tpu.memory_space<vmem>>) semaphore(%arg8 : memref<!tpu.dma_semaphore, #tpu.memory_space<semaphore_mem>>)
      } else {
      }
      %dma_wait3A_309 = arith.constant 1 : i32
      %dma_wait3A_310 = arith.constant 0 : i32
      %dma_wait3A_311 = arith.constant 0 : i32
      %dma_wait3A_312 = tpu.memref_slice %arg6[%dma_wait3A_309, %dma_wait3A_310, %dma_wait3A_311] : memref<4x160x128xf32, #tpu.memory_space<vmem>> -> memref<1x32x128xf32, #tpu.memory_space<vmem>>
      %dma_wait3A_313 = tpu.memref_squeeze %dma_wait3A_312 : memref<1x32x128xf32, #tpu.memory_space<vmem>> -> memref<32x128xf32, #tpu.memory_space<vmem>>
      %dma_wait3A_314 = arith.constant 0 : i32
      %dma_wait3A_315 = tpu.memref_slice %arg5[%dma_wait3A_314] : memref<16000xi32, #tpu.memory_space<vmem>> -> memref<32xi32, #tpu.memory_space<vmem>>
      %dma_wait3A_316 = arith.constant 0 : i32
      %dma_wait3A_317 = arith.constant 0 : i32
      %dma_wait3A_318 = tpu.memref_slice %arg2[%dma_wait3A_316, %dma_wait3A_317] : memref<100000x128xf32, #tpu.memory_space<hbm>> -> memref<100000x128xf32, #tpu.memory_space<hbm>>
      tpu.wait_indirect_dma semaphore(%arg9 : memref<!tpu.dma_semaphore, #tpu.memory_space<semaphore_mem>>) src(%dma_wait3A_318 : memref<100000x128xf32, #tpu.memory_space<hbm>>) dst(%dma_wait3A_313 : memref<32x128xf32, #tpu.memory_space<vmem>>)
      %dma_wait3A_319 = arith.constant 1 : i32
      %dma_wait3A_320 = arith.constant 32 : i32
      %dma_wait3A_321 = arith.constant 0 : i32
      %dma_wait3A_322 = tpu.memref_slice %arg6[%dma_wait3A_319, %dma_wait3A_320, %dma_wait3A_321] : memref<4x160x128xf32, #tpu.memory_space<vmem>> -> memref<1x32x128xf32, #tpu.memory_space<vmem>>
      %dma_wait3A_323 = tpu.memref_squeeze %dma_wait3A_322 : memref<1x32x128xf32, #tpu.memory_space<vmem>> -> memref<32x128xf32, #tpu.memory_space<vmem>>
      %dma_wait3A_324 = arith.constant 32 : i32
      %dma_wait3A_325 = tpu.memref_slice %arg5[%dma_wait3A_324] : memref<16000xi32, #tpu.memory_space<vmem>> -> memref<32xi32, #tpu.memory_space<vmem>>
      %dma_wait3A_326 = arith.constant 0 : i32
      %dma_wait3A_327 = arith.constant 0 : i32
      %dma_wait3A_328 = tpu.memref_slice %arg2[%dma_wait3A_326, %dma_wait3A_327] : memref<100000x128xf32, #tpu.memory_space<hbm>> -> memref<100000x128xf32, #tpu.memory_space<hbm>>
      tpu.wait_indirect_dma semaphore(%arg9 : memref<!tpu.dma_semaphore, #tpu.memory_space<semaphore_mem>>) src(%dma_wait3A_328 : memref<100000x128xf32, #tpu.memory_space<hbm>>) dst(%dma_wait3A_323 : memref<32x128xf32, #tpu.memory_space<vmem>>)
      %dma_wait3A_329 = arith.constant 1 : i32
      %dma_wait3A_330 = arith.constant 64 : i32
      %dma_wait3A_331 = arith.constant 0 : i32
      %dma_wait3A_332 = tpu.memref_slice %arg6[%dma_wait3A_329, %dma_wait3A_330, %dma_wait3A_331] : memref<4x160x128xf32, #tpu.memory_space<vmem>> -> memref<1x32x128xf32, #tpu.memory_space<vmem>>
      %dma_wait3A_333 = tpu.memref_squeeze %dma_wait3A_332 : memref<1x32x128xf32, #tpu.memory_space<vmem>> -> memref<32x128xf32, #tpu.memory_space<vmem>>
      %dma_wait3A_334 = arith.constant 64 : i32
      %dma_wait3A_335 = tpu.memref_slice %arg5[%dma_wait3A_334] : memref<16000xi32, #tpu.memory_space<vmem>> -> memref<32xi32, #tpu.memory_space<vmem>>
      %dma_wait3A_336 = arith.constant 0 : i32
      %dma_wait3A_337 = arith.constant 0 : i32
      %dma_wait3A_338 = tpu.memref_slice %arg2[%dma_wait3A_336, %dma_wait3A_337] : memref<100000x128xf32, #tpu.memory_space<hbm>> -> memref<100000x128xf32, #tpu.memory_space<hbm>>
      tpu.wait_indirect_dma semaphore(%arg9 : memref<!tpu.dma_semaphore, #tpu.memory_space<semaphore_mem>>) src(%dma_wait3A_338 : memref<100000x128xf32, #tpu.memory_space<hbm>>) dst(%dma_wait3A_333 : memref<32x128xf32, #tpu.memory_space<vmem>>)
      %dma_wait3A_339 = arith.constant 1 : i32
      %dma_wait3A_340 = arith.constant 96 : i32
      %dma_wait3A_341 = arith.constant 0 : i32
      %dma_wait3A_342 = tpu.memref_slice %arg6[%dma_wait3A_339, %dma_wait3A_340, %dma_wait3A_341] : memref<4x160x128xf32, #tpu.memory_space<vmem>> -> memref<1x32x128xf32, #tpu.memory_space<vmem>>
      %dma_wait3A_343 = tpu.memref_squeeze %dma_wait3A_342 : memref<1x32x128xf32, #tpu.memory_space<vmem>> -> memref<32x128xf32, #tpu.memory_space<vmem>>
      %dma_wait3A_344 = arith.constant 96 : i32
      %dma_wait3A_345 = tpu.memref_slice %arg5[%dma_wait3A_344] : memref<16000xi32, #tpu.memory_space<vmem>> -> memref<32xi32, #tpu.memory_space<vmem>>
      %dma_wait3A_346 = arith.constant 0 : i32
      %dma_wait3A_347 = arith.constant 0 : i32
      %dma_wait3A_348 = tpu.memref_slice %arg2[%dma_wait3A_346, %dma_wait3A_347] : memref<100000x128xf32, #tpu.memory_space<hbm>> -> memref<100000x128xf32, #tpu.memory_space<hbm>>
      tpu.wait_indirect_dma semaphore(%arg9 : memref<!tpu.dma_semaphore, #tpu.memory_space<semaphore_mem>>) src(%dma_wait3A_348 : memref<100000x128xf32, #tpu.memory_space<hbm>>) dst(%dma_wait3A_343 : memref<32x128xf32, #tpu.memory_space<vmem>>)
      %dma_wait3A_349 = arith.constant 1 : i32
      %dma_wait3A_350 = arith.constant 128 : i32
      %dma_wait3A_351 = arith.constant 0 : i32
      %dma_wait3A_352 = tpu.memref_slice %arg6[%dma_wait3A_349, %dma_wait3A_350, %dma_wait3A_351] : memref<4x160x128xf32, #tpu.memory_space<vmem>> -> memref<1x32x128xf32, #tpu.memory_space<vmem>>
      %dma_wait3A_353 = tpu.memref_squeeze %dma_wait3A_352 : memref<1x32x128xf32, #tpu.memory_space<vmem>> -> memref<32x128xf32, #tpu.memory_space<vmem>>
      %dma_wait3A_354 = arith.constant 128 : i32
      %dma_wait3A_355 = tpu.memref_slice %arg5[%dma_wait3A_354] : memref<16000xi32, #tpu.memory_space<vmem>> -> memref<32xi32, #tpu.memory_space<vmem>>
      %dma_wait3A_356 = arith.constant 0 : i32
      %dma_wait3A_357 = arith.constant 0 : i32
      %dma_wait3A_358 = tpu.memref_slice %arg2[%dma_wait3A_356, %dma_wait3A_357] : memref<100000x128xf32, #tpu.memory_space<hbm>> -> memref<100000x128xf32, #tpu.memory_space<hbm>>
      tpu.wait_indirect_dma semaphore(%arg9 : memref<!tpu.dma_semaphore, #tpu.memory_space<semaphore_mem>>) src(%dma_wait3A_358 : memref<100000x128xf32, #tpu.memory_space<hbm>>) dst(%dma_wait3A_353 : memref<32x128xf32, #tpu.memory_space<vmem>>)
      %ge3A_359 = arith.constant 2 : i32
      %ge3A_360 = arith.cmpi sge, %add3A_300, %ge3A_359 : i32
      %convert_element_type3A_361 = arith.extui %ge3A_360 : i1 to i32
      %cond3A_362 = arith.constant 0 : i32
      %cond3A_363 = arith.cmpi ne, %convert_element_type3A_361, %cond3A_362 : i32
      scf.if %cond3A_363 {
        %dma_wait3A_568 = arith.constant 1 : i32
        %dma_wait3A_569 = arith.constant 0 : i32
        %dma_wait3A_570 = arith.constant 0 : i32
        %dma_wait3A_571 = tpu.memref_slice %arg7[%dma_wait3A_568, %dma_wait3A_569, %dma_wait3A_570] : memref<2x32x128xf32, #tpu.memory_space<vmem>> -> memref<1x32x128xf32, #tpu.memory_space<vmem>>
        %dma_wait3A_572 = tpu.memref_squeeze %dma_wait3A_571 : memref<1x32x128xf32, #tpu.memory_space<vmem>> -> memref<32x128xf32, #tpu.memory_space<vmem>>
        %dma_wait3A_573 = arith.constant 0 : i32
        %dma_wait3A_574 = tpu.memref_slice %arg4[%add3A, %dma_wait3A_573] : memref<102400x128xf32, #tpu.memory_space<hbm>> -> memref<32x128xf32, #tpu.memory_space<hbm>>
        %dma_wait3A_575 = arith.constant 0 : i32
        %dma_wait3A_576 = tpu.memref_slice %arg4[%add3A, %dma_wait3A_575] : memref<102400x128xf32, #tpu.memory_space<hbm>> -> memref<32x128xf32, #tpu.memory_space<hbm>>
        %dma_wait3A_577 = arith.constant 0 : i32
        %dma_wait3A_578 = arith.constant 0 : i32
        %dma_wait3A_579 = tpu.memref_slice %arg7[%dma_wait3A_568, %dma_wait3A_577, %dma_wait3A_578] : memref<2x32x128xf32, #tpu.memory_space<vmem>> -> memref<1x32x128xf32, #tpu.memory_space<vmem>>
        %dma_wait3A_580 = tpu.memref_squeeze %dma_wait3A_579 : memref<1x32x128xf32, #tpu.memory_space<vmem>> -> memref<32x128xf32, #tpu.memory_space<vmem>>
        tpu.wait_dma2 semaphore(%arg13 : memref<!tpu.dma_semaphore, #tpu.memory_space<semaphore_mem>>) src(%dma_wait3A_580 : memref<32x128xf32, #tpu.memory_space<vmem>>) dst(%dma_wait3A_576 : memref<32x128xf32, #tpu.memory_space<hbm>>)
      } else {
      }
      %scan3A_364 = arith.constant 0 : i32
      %scan3A_365 = arith.constant 0 : i32
      %scan3A_366 = arith.constant 32 : i32
      %scan3A_367 = arith.addi %scan3A_365, %scan3A_366 : i32
      %scan3A_368 = arith.constant 1 : i32
      %scan3A_369 = scf.for %scan3A_568 = %scan3A_365 to %scan3A_367 step %scan3A_368 iter_args(%scan3A_569 = %scan3A_364) -> (i32)  : i32 {
        %mul3A_570 = arith.constant 5 : i32
        %mul3A_571 = arith.muli %mul3A_570, %scan3A_568 : i32
        %get3A = arith.constant 1 : i32
        %get3A_572 = arith.index_cast %get3A : i32 to index
        %get3A_573 = arith.index_cast %mul3A_571 : i32 to index
        %get3A_574 = arith.constant 0 : index
        %get3A_575 = tpu.vector_load %arg6[%get3A_572, %get3A_573, %get3A_574] {strides = array<i32>} : memref<4x160x128xf32, #tpu.memory_space<vmem>>, vector<1x1x16xf32>,
        %get3A_576 = vector.shape_cast %get3A_575 : vector<1x1x16xf32> to vector<16xf32>
        %mul3A_577 = arith.constant 5 : i32
        %mul3A_578 = arith.muli %mul3A_577, %scan3A_568 : i32
        %add3A_579 = arith.constant 1 : i32
        %add3A_580 = arith.addi %mul3A_578, %add3A_579 : i32
        %get3A_581 = arith.constant 1 : i32
        %get3A_582 = arith.index_cast %get3A_581 : i32 to index
        %get3A_583 = arith.index_cast %add3A_580 : i32 to index
        %get3A_584 = arith.constant 0 : index
        %get3A_585 = tpu.vector_load %arg6[%get3A_582, %get3A_583, %get3A_584] {strides = array<i32>} : memref<4x160x128xf32, #tpu.memory_space<vmem>>, vector<1x1x16xf32>,
        %get3A_586 = vector.shape_cast %get3A_585 : vector<1x1x16xf32> to vector<16xf32>
        %add3A_587 = arith.addf %get3A_576, %get3A_586 : vector<16xf32>
        %mul3A_588 = arith.constant 5 : i32
        %mul3A_589 = arith.muli %mul3A_588, %scan3A_568 : i32
        %add3A_590 = arith.constant 2 : i32
        %add3A_591 = arith.addi %mul3A_589, %add3A_590 : i32
        %get3A_592 = arith.constant 1 : i32
        %get3A_593 = arith.index_cast %get3A_592 : i32 to index
        %get3A_594 = arith.index_cast %add3A_591 : i32 to index
        %get3A_595 = arith.constant 0 : index
        %get3A_596 = tpu.vector_load %arg6[%get3A_593, %get3A_594, %get3A_595] {strides = array<i32>} : memref<4x160x128xf32, #tpu.memory_space<vmem>>, vector<1x1x16xf32>,
        %get3A_597 = vector.shape_cast %get3A_596 : vector<1x1x16xf32> to vector<16xf32>
        %add3A_598 = arith.addf %add3A_587, %get3A_597 : vector<16xf32>
        %mul3A_599 = arith.constant 5 : i32
        %mul3A_600 = arith.muli %mul3A_599, %scan3A_568 : i32
        %add3A_601 = arith.constant 3 : i32
        %add3A_602 = arith.addi %mul3A_600, %add3A_601 : i32
        %get3A_603 = arith.constant 1 : i32
        %get3A_604 = arith.index_cast %get3A_603 : i32 to index
        %get3A_605 = arith.index_cast %add3A_602 : i32 to index
        %get3A_606 = arith.constant 0 : index
        %get3A_607 = tpu.vector_load %arg6[%get3A_604, %get3A_605, %get3A_606] {strides = array<i32>} : memref<4x160x128xf32, #tpu.memory_space<vmem>>, vector<1x1x16xf32>,
        %get3A_608 = vector.shape_cast %get3A_607 : vector<1x1x16xf32> to vector<16xf32>
        %add3A_609 = arith.addf %add3A_598, %get3A_608 : vector<16xf32>
        %mul3A_610 = arith.constant 5 : i32
        %mul3A_611 = arith.muli %mul3A_610, %scan3A_568 : i32
        %add3A_612 = arith.constant 4 : i32
        %add3A_613 = arith.addi %mul3A_611, %add3A_612 : i32
        %get3A_614 = arith.constant 1 : i32
        %get3A_615 = arith.index_cast %get3A_614 : i32 to index
        %get3A_616 = arith.index_cast %add3A_613 : i32 to index
        %get3A_617 = arith.constant 0 : index
        %get3A_618 = tpu.vector_load %arg6[%get3A_615, %get3A_616, %get3A_617] {strides = array<i32>} : memref<4x160x128xf32, #tpu.memory_space<vmem>>, vector<1x1x16xf32>,
        %get3A_619 = vector.shape_cast %get3A_618 : vector<1x1x16xf32> to vector<16xf32>
        %add3A_620 = arith.addf %add3A_609, %get3A_619 : vector<16xf32>
        %swap3A = arith.constant 1 : i32
        %swap3A_621 = arith.index_cast %swap3A : i32 to index
        %swap3A_622 = arith.index_cast %scan3A_568 : i32 to index
        %swap3A_623 = arith.constant 0 : index
        %swap3A_624 = tpu.vector_load %arg7[%swap3A_621, %swap3A_622, %swap3A_623] {strides = array<i32>} : memref<2x32x128xf32, #tpu.memory_space<vmem>>, vector<1x1x16xf32>,
        %swap3A_625 = vector.shape_cast %swap3A_624 : vector<1x1x16xf32> to vector<16xf32>
        %swap3A_626 = vector.shape_cast %add3A_620 : vector<16xf32> to vector<1x1x16xf32>
        tpu.vector_store %arg7[%swap3A_621, %swap3A_622, %swap3A_623], %swap3A_626 {strides = array<i32>} : memref<2x32x128xf32, #tpu.memory_space<vmem>>, vector<1x1x16xf32>,
        %mul3A_627 = arith.constant 5 : i32
        %mul3A_628 = arith.muli %mul3A_627, %scan3A_568 : i32
        %get3A_629 = arith.constant 1 : i32
        %get3A_630 = arith.index_cast %get3A_629 : i32 to index
        %get3A_631 = arith.index_cast %mul3A_628 : i32 to index
        %get3A_632 = arith.constant 16 : index
        %get3A_633 = tpu.vector_load %arg6[%get3A_630, %get3A_631, %get3A_632] {strides = array<i32>} : memref<4x160x128xf32, #tpu.memory_space<vmem>>, vector<1x1x16xf32>,
        %get3A_634 = vector.shape_cast %get3A_633 : vector<1x1x16xf32> to vector<16xf32>
        %mul3A_635 = arith.constant 5 : i32
        %mul3A_636 = arith.muli %mul3A_635, %scan3A_568 : i32
        %add3A_637 = arith.constant 1 : i32
        %add3A_638 = arith.addi %mul3A_636, %add3A_637 : i32
        %get3A_639 = arith.constant 1 : i32
        %get3A_640 = arith.index_cast %get3A_639 : i32 to index
        %get3A_641 = arith.index_cast %add3A_638 : i32 to index
        %get3A_642 = arith.constant 16 : index
        %get3A_643 = tpu.vector_load %arg6[%get3A_640, %get3A_641, %get3A_642] {strides = array<i32>} : memref<4x160x128xf32, #tpu.memory_space<vmem>>, vector<1x1x16xf32>,
        %get3A_644 = vector.shape_cast %get3A_643 : vector<1x1x16xf32> to vector<16xf32>
        %add3A_645 = arith.addf %get3A_634, %get3A_644 : vector<16xf32>
        %mul3A_646 = arith.constant 5 : i32
        %mul3A_647 = arith.muli %mul3A_646, %scan3A_568 : i32
        %add3A_648 = arith.constant 2 : i32
        %add3A_649 = arith.addi %mul3A_647, %add3A_648 : i32
        %get3A_650 = arith.constant 1 : i32
        %get3A_651 = arith.index_cast %get3A_650 : i32 to index
        %get3A_652 = arith.index_cast %add3A_649 : i32 to index
        %get3A_653 = arith.constant 16 : index
        %get3A_654 = tpu.vector_load %arg6[%get3A_651, %get3A_652, %get3A_653] {strides = array<i32>} : memref<4x160x128xf32, #tpu.memory_space<vmem>>, vector<1x1x16xf32>,
        %get3A_655 = vector.shape_cast %get3A_654 : vector<1x1x16xf32> to vector<16xf32>
        %add3A_656 = arith.addf %add3A_645, %get3A_655 : vector<16xf32>
        %mul3A_657 = arith.constant 5 : i32
        %mul3A_658 = arith.muli %mul3A_657, %scan3A_568 : i32
        %add3A_659 = arith.constant 3 : i32
        %add3A_660 = arith.addi %mul3A_658, %add3A_659 : i32
        %get3A_661 = arith.constant 1 : i32
        %get3A_662 = arith.index_cast %get3A_661 : i32 to index
        %get3A_663 = arith.index_cast %add3A_660 : i32 to index
        %get3A_664 = arith.constant 16 : index
        %get3A_665 = tpu.vector_load %arg6[%get3A_662, %get3A_663, %get3A_664] {strides = array<i32>} : memref<4x160x128xf32, #tpu.memory_space<vmem>>, vector<1x1x16xf32>,
        %get3A_666 = vector.shape_cast %get3A_665 : vector<1x1x16xf32> to vector<16xf32>
        %add3A_667 = arith.addf %add3A_656, %get3A_666 : vector<16xf32>
        %mul3A_668 = arith.constant 5 : i32
        %mul3A_669 = arith.muli %mul3A_668, %scan3A_568 : i32
        %add3A_670 = arith.constant 4 : i32
        %add3A_671 = arith.addi %mul3A_669, %add3A_670 : i32
        %get3A_672 = arith.constant 1 : i32
        %get3A_673 = arith.index_cast %get3A_672 : i32 to index
        %get3A_674 = arith.index_cast %add3A_671 : i32 to index
        %get3A_675 = arith.constant 16 : index
        %get3A_676 = tpu.vector_load %arg6[%get3A_673, %get3A_674, %get3A_675] {strides = array<i32>} : memref<4x160x128xf32, #tpu.memory_space<vmem>>, vector<1x1x16xf32>,
        %get3A_677 = vector.shape_cast %get3A_676 : vector<1x1x16xf32> to vector<16xf32>
        %add3A_678 = arith.addf %add3A_667, %get3A_677 : vector<16xf32>
        %swap3A_679 = arith.constant 1 : i32
        %swap3A_680 = arith.index_cast %swap3A_679 : i32 to index
        %swap3A_681 = arith.index_cast %scan3A_568 : i32 to index
        %swap3A_682 = arith.constant 16 : index
        %swap3A_683 = tpu.vector_load %arg7[%swap3A_680, %swap3A_681, %swap3A_682] {strides = array<i32>} : memref<2x32x128xf32, #tpu.memory_space<vmem>>, vector<1x1x16xf32>,
        %swap3A_684 = vector.shape_cast %swap3A_683 : vector<1x1x16xf32> to vector<16xf32>
        %swap3A_685 = vector.shape_cast %add3A_678 : vector<16xf32> to vector<1x1x16xf32>
        tpu.vector_store %arg7[%swap3A_680, %swap3A_681, %swap3A_682], %swap3A_685 {strides = array<i32>} : memref<2x32x128xf32, #tpu.memory_space<vmem>>, vector<1x1x16xf32>,
        %mul3A_686 = arith.constant 5 : i32
        %mul3A_687 = arith.muli %mul3A_686, %scan3A_568 : i32
        %get3A_688 = arith.constant 1 : i32
        %get3A_689 = arith.index_cast %get3A_688 : i32 to index
        %get3A_690 = arith.index_cast %mul3A_687 : i32 to index
        %get3A_691 = arith.constant 32 : index
        %get3A_692 = tpu.vector_load %arg6[%get3A_689, %get3A_690, %get3A_691] {strides = array<i32>} : memref<4x160x128xf32, #tpu.memory_space<vmem>>, vector<1x1x16xf32>,
        %get3A_693 = vector.shape_cast %get3A_692 : vector<1x1x16xf32> to vector<16xf32>
        %mul3A_694 = arith.constant 5 : i32
        %mul3A_695 = arith.muli %mul3A_694, %scan3A_568 : i32
        %add3A_696 = arith.constant 1 : i32
        %add3A_697 = arith.addi %mul3A_695, %add3A_696 : i32
        %get3A_698 = arith.constant 1 : i32
        %get3A_699 = arith.index_cast %get3A_698 : i32 to index
        %get3A_700 = arith.index_cast %add3A_697 : i32 to index
        %get3A_701 = arith.constant 32 : index
        %get3A_702 = tpu.vector_load %arg6[%get3A_699, %get3A_700, %get3A_701] {strides = array<i32>} : memref<4x160x128xf32, #tpu.memory_space<vmem>>, vector<1x1x16xf32>,
        %get3A_703 = vector.shape_cast %get3A_702 : vector<1x1x16xf32> to vector<16xf32>
        %add3A_704 = arith.addf %get3A_693, %get3A_703 : vector<16xf32>
        %mul3A_705 = arith.constant 5 : i32
        %mul3A_706 = arith.muli %mul3A_705, %scan3A_568 : i32
        %add3A_707 = arith.constant 2 : i32
        %add3A_708 = arith.addi %mul3A_706, %add3A_707 : i32
        %get3A_709 = arith.constant 1 : i32
        %get3A_710 = arith.index_cast %get3A_709 : i32 to index
        %get3A_711 = arith.index_cast %add3A_708 : i32 to index
        %get3A_712 = arith.constant 32 : index
        %get3A_713 = tpu.vector_load %arg6[%get3A_710, %get3A_711, %get3A_712] {strides = array<i32>} : memref<4x160x128xf32, #tpu.memory_space<vmem>>, vector<1x1x16xf32>,
        %get3A_714 = vector.shape_cast %get3A_713 : vector<1x1x16xf32> to vector<16xf32>
        %add3A_715 = arith.addf %add3A_704, %get3A_714 : vector<16xf32>
        %mul3A_716 = arith.constant 5 : i32
        %mul3A_717 = arith.muli %mul3A_716, %scan3A_568 : i32
        %add3A_718 = arith.constant 3 : i32
        %add3A_719 = arith.addi %mul3A_717, %add3A_718 : i32
        %get3A_720 = arith.constant 1 : i32
        %get3A_721 = arith.index_cast %get3A_720 : i32 to index
        %get3A_722 = arith.index_cast %add3A_719 : i32 to index
        %get3A_723 = arith.constant 32 : index
        %get3A_724 = tpu.vector_load %arg6[%get3A_721, %get3A_722, %get3A_723] {strides = array<i32>} : memref<4x160x128xf32, #tpu.memory_space<vmem>>, vector<1x1x16xf32>,
        %get3A_725 = vector.shape_cast %get3A_724 : vector<1x1x16xf32> to vector<16xf32>
        %add3A_726 = arith.addf %add3A_715, %get3A_725 : vector<16xf32>
        %mul3A_727 = arith.constant 5 : i32
        %mul3A_728 = arith.muli %mul3A_727, %scan3A_568 : i32
        %add3A_729 = arith.constant 4 : i32
        %add3A_730 = arith.addi %mul3A_728, %add3A_729 : i32
        %get3A_731 = arith.constant 1 : i32
        %get3A_732 = arith.index_cast %get3A_731 : i32 to index
        %get3A_733 = arith.index_cast %add3A_730 : i32 to index
        %get3A_734 = arith.constant 32 : index
        %get3A_735 = tpu.vector_load %arg6[%get3A_732, %get3A_733, %get3A_734] {strides = array<i32>} : memref<4x160x128xf32, #tpu.memory_space<vmem>>, vector<1x1x16xf32>,
        %get3A_736 = vector.shape_cast %get3A_735 : vector<1x1x16xf32> to vector<16xf32>
        %add3A_737 = arith.addf %add3A_726, %get3A_736 : vector<16xf32>
        %swap3A_738 = arith.constant 1 : i32
        %swap3A_739 = arith.index_cast %swap3A_738 : i32 to index
        %swap3A_740 = arith.index_cast %scan3A_568 : i32 to index
        %swap3A_741 = arith.constant 32 : index
        %swap3A_742 = tpu.vector_load %arg7[%swap3A_739, %swap3A_740, %swap3A_741] {strides = array<i32>} : memref<2x32x128xf32, #tpu.memory_space<vmem>>, vector<1x1x16xf32>,
        %swap3A_743 = vector.shape_cast %swap3A_742 : vector<1x1x16xf32> to vector<16xf32>
        %swap3A_744 = vector.shape_cast %add3A_737 : vector<16xf32> to vector<1x1x16xf32>
        tpu.vector_store %arg7[%swap3A_739, %swap3A_740, %swap3A_741], %swap3A_744 {strides = array<i32>} : memref<2x32x128xf32, #tpu.memory_space<vmem>>, vector<1x1x16xf32>,
        %mul3A_745 = arith.constant 5 : i32
        %mul3A_746 = arith.muli %mul3A_745, %scan3A_568 : i32
        %get3A_747 = arith.constant 1 : i32
        %get3A_748 = arith.index_cast %get3A_747 : i32 to index
        %get3A_749 = arith.index_cast %mul3A_746 : i32 to index
        %get3A_750 = arith.constant 48 : index
        %get3A_751 = tpu.vector_load %arg6[%get3A_748, %get3A_749, %get3A_750] {strides = array<i32>} : memref<4x160x128xf32, #tpu.memory_space<vmem>>, vector<1x1x16xf32>,
        %get3A_752 = vector.shape_cast %get3A_751 : vector<1x1x16xf32> to vector<16xf32>
        %mul3A_753 = arith.constant 5 : i32
        %mul3A_754 = arith.muli %mul3A_753, %scan3A_568 : i32
        %add3A_755 = arith.constant 1 : i32
        %add3A_756 = arith.addi %mul3A_754, %add3A_755 : i32
        %get3A_757 = arith.constant 1 : i32
        %get3A_758 = arith.index_cast %get3A_757 : i32 to index
        %get3A_759 = arith.index_cast %add3A_756 : i32 to index
        %get3A_760 = arith.constant 48 : index
        %get3A_761 = tpu.vector_load %arg6[%get3A_758, %get3A_759, %get3A_760] {strides = array<i32>} : memref<4x160x128xf32, #tpu.memory_space<vmem>>, vector<1x1x16xf32>,
        %get3A_762 = vector.shape_cast %get3A_761 : vector<1x1x16xf32> to vector<16xf32>
        %add3A_763 = arith.addf %get3A_752, %get3A_762 : vector<16xf32>
        %mul3A_764 = arith.constant 5 : i32
        %mul3A_765 = arith.muli %mul3A_764, %scan3A_568 : i32
        %add3A_766 = arith.constant 2 : i32
        %add3A_767 = arith.addi %mul3A_765, %add3A_766 : i32
        %get3A_768 = arith.constant 1 : i32
        %get3A_769 = arith.index_cast %get3A_768 : i32 to index
        %get3A_770 = arith.index_cast %add3A_767 : i32 to index
        %get3A_771 = arith.constant 48 : index
        %get3A_772 = tpu.vector_load %arg6[%get3A_769, %get3A_770, %get3A_771] {strides = array<i32>} : memref<4x160x128xf32, #tpu.memory_space<vmem>>, vector<1x1x16xf32>,
        %get3A_773 = vector.shape_cast %get3A_772 : vector<1x1x16xf32> to vector<16xf32>
        %add3A_774 = arith.addf %add3A_763, %get3A_773 : vector<16xf32>
        %mul3A_775 = arith.constant 5 : i32
        %mul3A_776 = arith.muli %mul3A_775, %scan3A_568 : i32
        %add3A_777 = arith.constant 3 : i32
        %add3A_778 = arith.addi %mul3A_776, %add3A_777 : i32
        %get3A_779 = arith.constant 1 : i32
        %get3A_780 = arith.index_cast %get3A_779 : i32 to index
        %get3A_781 = arith.index_cast %add3A_778 : i32 to index
        %get3A_782 = arith.constant 48 : index
        %get3A_783 = tpu.vector_load %arg6[%get3A_780, %get3A_781, %get3A_782] {strides = array<i32>} : memref<4x160x128xf32, #tpu.memory_space<vmem>>, vector<1x1x16xf32>,
        %get3A_784 = vector.shape_cast %get3A_783 : vector<1x1x16xf32> to vector<16xf32>
        %add3A_785 = arith.addf %add3A_774, %get3A_784 : vector<16xf32>
        %mul3A_786 = arith.constant 5 : i32
        %mul3A_787 = arith.muli %mul3A_786, %scan3A_568 : i32
        %add3A_788 = arith.constant 4 : i32
        %add3A_789 = arith.addi %mul3A_787, %add3A_788 : i32
        %get3A_790 = arith.constant 1 : i32
        %get3A_791 = arith.index_cast %get3A_790 : i32 to index
        %get3A_792 = arith.index_cast %add3A_789 : i32 to index
        %get3A_793 = arith.constant 48 : index
        %get3A_794 = tpu.vector_load %arg6[%get3A_791, %get3A_792, %get3A_793] {strides = array<i32>} : memref<4x160x128xf32, #tpu.memory_space<vmem>>, vector<1x1x16xf32>,
        %get3A_795 = vector.shape_cast %get3A_794 : vector<1x1x16xf32> to vector<16xf32>
        %add3A_796 = arith.addf %add3A_785, %get3A_795 : vector<16xf32>
        %swap3A_797 = arith.constant 1 : i32
        %swap3A_798 = arith.index_cast %swap3A_797 : i32 to index
        %swap3A_799 = arith.index_cast %scan3A_568 : i32 to index
        %swap3A_800 = arith.constant 48 : index
        %swap3A_801 = tpu.vector_load %arg7[%swap3A_798, %swap3A_799, %swap3A_800] {strides = array<i32>} : memref<2x32x128xf32, #tpu.memory_space<vmem>>, vector<1x1x16xf32>,
        %swap3A_802 = vector.shape_cast %swap3A_801 : vector<1x1x16xf32> to vector<16xf32>
        %swap3A_803 = vector.shape_cast %add3A_796 : vector<16xf32> to vector<1x1x16xf32>
        tpu.vector_store %arg7[%swap3A_798, %swap3A_799, %swap3A_800], %swap3A_803 {strides = array<i32>} : memref<2x32x128xf32, #tpu.memory_space<vmem>>, vector<1x1x16xf32>,
        %mul3A_804 = arith.constant 5 : i32
        %mul3A_805 = arith.muli %mul3A_804, %scan3A_568 : i32
        %get3A_806 = arith.constant 1 : i32
        %get3A_807 = arith.index_cast %get3A_806 : i32 to index
        %get3A_808 = arith.index_cast %mul3A_805 : i32 to index
        %get3A_809 = arith.constant 64 : index
        %get3A_810 = tpu.vector_load %arg6[%get3A_807, %get3A_808, %get3A_809] {strides = array<i32>} : memref<4x160x128xf32, #tpu.memory_space<vmem>>, vector<1x1x16xf32>,
        %get3A_811 = vector.shape_cast %get3A_810 : vector<1x1x16xf32> to vector<16xf32>
        %mul3A_812 = arith.constant 5 : i32
        %mul3A_813 = arith.muli %mul3A_812, %scan3A_568 : i32
        %add3A_814 = arith.constant 1 : i32
        %add3A_815 = arith.addi %mul3A_813, %add3A_814 : i32
        %get3A_816 = arith.constant 1 : i32
        %get3A_817 = arith.index_cast %get3A_816 : i32 to index
        %get3A_818 = arith.index_cast %add3A_815 : i32 to index
        %get3A_819 = arith.constant 64 : index
        %get3A_820 = tpu.vector_load %arg6[%get3A_817, %get3A_818, %get3A_819] {strides = array<i32>} : memref<4x160x128xf32, #tpu.memory_space<vmem>>, vector<1x1x16xf32>,
        %get3A_821 = vector.shape_cast %get3A_820 : vector<1x1x16xf32> to vector<16xf32>
        %add3A_822 = arith.addf %get3A_811, %get3A_821 : vector<16xf32>
        %mul3A_823 = arith.constant 5 : i32
        %mul3A_824 = arith.muli %mul3A_823, %scan3A_568 : i32
        %add3A_825 = arith.constant 2 : i32
        %add3A_826 = arith.addi %mul3A_824, %add3A_825 : i32
        %get3A_827 = arith.constant 1 : i32
        %get3A_828 = arith.index_cast %get3A_827 : i32 to index
        %get3A_829 = arith.index_cast %add3A_826 : i32 to index
        %get3A_830 = arith.constant 64 : index
        %get3A_831 = tpu.vector_load %arg6[%get3A_828, %get3A_829, %get3A_830] {strides = array<i32>} : memref<4x160x128xf32, #tpu.memory_space<vmem>>, vector<1x1x16xf32>,
        %get3A_832 = vector.shape_cast %get3A_831 : vector<1x1x16xf32> to vector<16xf32>
        %add3A_833 = arith.addf %add3A_822, %get3A_832 : vector<16xf32>
        %mul3A_834 = arith.constant 5 : i32
        %mul3A_835 = arith.muli %mul3A_834, %scan3A_568 : i32
        %add3A_836 = arith.constant 3 : i32
        %add3A_837 = arith.addi %mul3A_835, %add3A_836 : i32
        %get3A_838 = arith.constant 1 : i32
        %get3A_839 = arith.index_cast %get3A_838 : i32 to index
        %get3A_840 = arith.index_cast %add3A_837 : i32 to index
        %get3A_841 = arith.constant 64 : index
        %get3A_842 = tpu.vector_load %arg6[%get3A_839, %get3A_840, %get3A_841] {strides = array<i32>} : memref<4x160x128xf32, #tpu.memory_space<vmem>>, vector<1x1x16xf32>,
        %get3A_843 = vector.shape_cast %get3A_842 : vector<1x1x16xf32> to vector<16xf32>
        %add3A_844 = arith.addf %add3A_833, %get3A_843 : vector<16xf32>
        %mul3A_845 = arith.constant 5 : i32
        %mul3A_846 = arith.muli %mul3A_845, %scan3A_568 : i32
        %add3A_847 = arith.constant 4 : i32
        %add3A_848 = arith.addi %mul3A_846, %add3A_847 : i32
        %get3A_849 = arith.constant 1 : i32
        %get3A_850 = arith.index_cast %get3A_849 : i32 to index
        %get3A_851 = arith.index_cast %add3A_848 : i32 to index
        %get3A_852 = arith.constant 64 : index
        %get3A_853 = tpu.vector_load %arg6[%get3A_850, %get3A_851, %get3A_852] {strides = array<i32>} : memref<4x160x128xf32, #tpu.memory_space<vmem>>, vector<1x1x16xf32>,
        %get3A_854 = vector.shape_cast %get3A_853 : vector<1x1x16xf32> to vector<16xf32>
        %add3A_855 = arith.addf %add3A_844, %get3A_854 : vector<16xf32>
        %swap3A_856 = arith.constant 1 : i32
        %swap3A_857 = arith.index_cast %swap3A_856 : i32 to index
        %swap3A_858 = arith.index_cast %scan3A_568 : i32 to index
        %swap3A_859 = arith.constant 64 : index
        %swap3A_860 = tpu.vector_load %arg7[%swap3A_857, %swap3A_858, %swap3A_859] {strides = array<i32>} : memref<2x32x128xf32, #tpu.memory_space<vmem>>, vector<1x1x16xf32>,
        %swap3A_861 = vector.shape_cast %swap3A_860 : vector<1x1x16xf32> to vector<16xf32>
        %swap3A_862 = vector.shape_cast %add3A_855 : vector<16xf32> to vector<1x1x16xf32>
        tpu.vector_store %arg7[%swap3A_857, %swap3A_858, %swap3A_859], %swap3A_862 {strides = array<i32>} : memref<2x32x128xf32, #tpu.memory_space<vmem>>, vector<1x1x16xf32>,
        %mul3A_863 = arith.constant 5 : i32
        %mul3A_864 = arith.muli %mul3A_863, %scan3A_568 : i32
        %get3A_865 = arith.constant 1 : i32
        %get3A_866 = arith.index_cast %get3A_865 : i32 to index
        %get3A_867 = arith.index_cast %mul3A_864 : i32 to index
        %get3A_868 = arith.constant 80 : index
        %get3A_869 = tpu.vector_load %arg6[%get3A_866, %get3A_867, %get3A_868] {strides = array<i32>} : memref<4x160x128xf32, #tpu.memory_space<vmem>>, vector<1x1x16xf32>,
        %get3A_870 = vector.shape_cast %get3A_869 : vector<1x1x16xf32> to vector<16xf32>
        %mul3A_871 = arith.constant 5 : i32
        %mul3A_872 = arith.muli %mul3A_871, %scan3A_568 : i32
        %add3A_873 = arith.constant 1 : i32
        %add3A_874 = arith.addi %mul3A_872, %add3A_873 : i32
        %get3A_875 = arith.constant 1 : i32
        %get3A_876 = arith.index_cast %get3A_875 : i32 to index
        %get3A_877 = arith.index_cast %add3A_874 : i32 to index
        %get3A_878 = arith.constant 80 : index
        %get3A_879 = tpu.vector_load %arg6[%get3A_876, %get3A_877, %get3A_878] {strides = array<i32>} : memref<4x160x128xf32, #tpu.memory_space<vmem>>, vector<1x1x16xf32>,
        %get3A_880 = vector.shape_cast %get3A_879 : vector<1x1x16xf32> to vector<16xf32>
        %add3A_881 = arith.addf %get3A_870, %get3A_880 : vector<16xf32>
        %mul3A_882 = arith.constant 5 : i32
        %mul3A_883 = arith.muli %mul3A_882, %scan3A_568 : i32
        %add3A_884 = arith.constant 2 : i32
        %add3A_885 = arith.addi %mul3A_883, %add3A_884 : i32
        %get3A_886 = arith.constant 1 : i32
        %get3A_887 = arith.index_cast %get3A_886 : i32 to index
        %get3A_888 = arith.index_cast %add3A_885 : i32 to index
        %get3A_889 = arith.constant 80 : index
        %get3A_890 = tpu.vector_load %arg6[%get3A_887, %get3A_888, %get3A_889] {strides = array<i32>} : memref<4x160x128xf32, #tpu.memory_space<vmem>>, vector<1x1x16xf32>,
        %get3A_891 = vector.shape_cast %get3A_890 : vector<1x1x16xf32> to vector<16xf32>
        %add3A_892 = arith.addf %add3A_881, %get3A_891 : vector<16xf32>
        %mul3A_893 = arith.constant 5 : i32
        %mul3A_894 = arith.muli %mul3A_893, %scan3A_568 : i32
        %add3A_895 = arith.constant 3 : i32
        %add3A_896 = arith.addi %mul3A_894, %add3A_895 : i32
        %get3A_897 = arith.constant 1 : i32
        %get3A_898 = arith.index_cast %get3A_897 : i32 to index
        %get3A_899 = arith.index_cast %add3A_896 : i32 to index
        %get3A_900 = arith.constant 80 : index
        %get3A_901 = tpu.vector_load %arg6[%get3A_898, %get3A_899, %get3A_900] {strides = array<i32>} : memref<4x160x128xf32, #tpu.memory_space<vmem>>, vector<1x1x16xf32>,
        %get3A_902 = vector.shape_cast %get3A_901 : vector<1x1x16xf32> to vector<16xf32>
        %add3A_903 = arith.addf %add3A_892, %get3A_902 : vector<16xf32>
        %mul3A_904 = arith.constant 5 : i32
        %mul3A_905 = arith.muli %mul3A_904, %scan3A_568 : i32
        %add3A_906 = arith.constant 4 : i32
        %add3A_907 = arith.addi %mul3A_905, %add3A_906 : i32
        %get3A_908 = arith.constant 1 : i32
        %get3A_909 = arith.index_cast %get3A_908 : i32 to index
        %get3A_910 = arith.index_cast %add3A_907 : i32 to index
        %get3A_911 = arith.constant 80 : index
        %get3A_912 = tpu.vector_load %arg6[%get3A_909, %get3A_910, %get3A_911] {strides = array<i32>} : memref<4x160x128xf32, #tpu.memory_space<vmem>>, vector<1x1x16xf32>,
        %get3A_913 = vector.shape_cast %get3A_912 : vector<1x1x16xf32> to vector<16xf32>
        %add3A_914 = arith.addf %add3A_903, %get3A_913 : vector<16xf32>
        %swap3A_915 = arith.constant 1 : i32
        %swap3A_916 = arith.index_cast %swap3A_915 : i32 to index
        %swap3A_917 = arith.index_cast %scan3A_568 : i32 to index
        %swap3A_918 = arith.constant 80 : index
        %swap3A_919 = tpu.vector_load %arg7[%swap3A_916, %swap3A_917, %swap3A_918] {strides = array<i32>} : memref<2x32x128xf32, #tpu.memory_space<vmem>>, vector<1x1x16xf32>,
        %swap3A_920 = vector.shape_cast %swap3A_919 : vector<1x1x16xf32> to vector<16xf32>
        %swap3A_921 = vector.shape_cast %add3A_914 : vector<16xf32> to vector<1x1x16xf32>
        tpu.vector_store %arg7[%swap3A_916, %swap3A_917, %swap3A_918], %swap3A_921 {strides = array<i32>} : memref<2x32x128xf32, #tpu.memory_space<vmem>>, vector<1x1x16xf32>,
        %mul3A_922 = arith.constant 5 : i32
        %mul3A_923 = arith.muli %mul3A_922, %scan3A_568 : i32
        %get3A_924 = arith.constant 1 : i32
        %get3A_925 = arith.index_cast %get3A_924 : i32 to index
        %get3A_926 = arith.index_cast %mul3A_923 : i32 to index
        %get3A_927 = arith.constant 96 : index
        %get3A_928 = tpu.vector_load %arg6[%get3A_925, %get3A_926, %get3A_927] {strides = array<i32>} : memref<4x160x128xf32, #tpu.memory_space<vmem>>, vector<1x1x16xf32>,
        %get3A_929 = vector.shape_cast %get3A_928 : vector<1x1x16xf32> to vector<16xf32>
        %mul3A_930 = arith.constant 5 : i32
        %mul3A_931 = arith.muli %mul3A_930, %scan3A_568 : i32
        %add3A_932 = arith.constant 1 : i32
        %add3A_933 = arith.addi %mul3A_931, %add3A_932 : i32
        %get3A_934 = arith.constant 1 : i32
        %get3A_935 = arith.index_cast %get3A_934 : i32 to index
        %get3A_936 = arith.index_cast %add3A_933 : i32 to index
        %get3A_937 = arith.constant 96 : index
        %get3A_938 = tpu.vector_load %arg6[%get3A_935, %get3A_936, %get3A_937] {strides = array<i32>} : memref<4x160x128xf32, #tpu.memory_space<vmem>>, vector<1x1x16xf32>,
        %get3A_939 = vector.shape_cast %get3A_938 : vector<1x1x16xf32> to vector<16xf32>
        %add3A_940 = arith.addf %get3A_929, %get3A_939 : vector<16xf32>
        %mul3A_941 = arith.constant 5 : i32
        %mul3A_942 = arith.muli %mul3A_941, %scan3A_568 : i32
        %add3A_943 = arith.constant 2 : i32
        %add3A_944 = arith.addi %mul3A_942, %add3A_943 : i32
        %get3A_945 = arith.constant 1 : i32
        %get3A_946 = arith.index_cast %get3A_945 : i32 to index
        %get3A_947 = arith.index_cast %add3A_944 : i32 to index
        %get3A_948 = arith.constant 96 : index
        %get3A_949 = tpu.vector_load %arg6[%get3A_946, %get3A_947, %get3A_948] {strides = array<i32>} : memref<4x160x128xf32, #tpu.memory_space<vmem>>, vector<1x1x16xf32>,
        %get3A_950 = vector.shape_cast %get3A_949 : vector<1x1x16xf32> to vector<16xf32>
        %add3A_951 = arith.addf %add3A_940, %get3A_950 : vector<16xf32>
        %mul3A_952 = arith.constant 5 : i32
        %mul3A_953 = arith.muli %mul3A_952, %scan3A_568 : i32
        %add3A_954 = arith.constant 3 : i32
        %add3A_955 = arith.addi %mul3A_953, %add3A_954 : i32
        %get3A_956 = arith.constant 1 : i32
        %get3A_957 = arith.index_cast %get3A_956 : i32 to index
        %get3A_958 = arith.index_cast %add3A_955 : i32 to index
        %get3A_959 = arith.constant 96 : index
        %get3A_960 = tpu.vector_load %arg6[%get3A_957, %get3A_958, %get3A_959] {strides = array<i32>} : memref<4x160x128xf32, #tpu.memory_space<vmem>>, vector<1x1x16xf32>,
        %get3A_961 = vector.shape_cast %get3A_960 : vector<1x1x16xf32> to vector<16xf32>
        %add3A_962 = arith.addf %add3A_951, %get3A_961 : vector<16xf32>
        %mul3A_963 = arith.constant 5 : i32
        %mul3A_964 = arith.muli %mul3A_963, %scan3A_568 : i32
        %add3A_965 = arith.constant 4 : i32
        %add3A_966 = arith.addi %mul3A_964, %add3A_965 : i32
        %get3A_967 = arith.constant 1 : i32
        %get3A_968 = arith.index_cast %get3A_967 : i32 to index
        %get3A_969 = arith.index_cast %add3A_966 : i32 to index
        %get3A_970 = arith.constant 96 : index
        %get3A_971 = tpu.vector_load %arg6[%get3A_968, %get3A_969, %get3A_970] {strides = array<i32>} : memref<4x160x128xf32, #tpu.memory_space<vmem>>, vector<1x1x16xf32>,
        %get3A_972 = vector.shape_cast %get3A_971 : vector<1x1x16xf32> to vector<16xf32>
        %add3A_973 = arith.addf %add3A_962, %get3A_972 : vector<16xf32>
        %swap3A_974 = arith.constant 1 : i32
        %swap3A_975 = arith.index_cast %swap3A_974 : i32 to index
        %swap3A_976 = arith.index_cast %scan3A_568 : i32 to index
        %swap3A_977 = arith.constant 96 : index
        %swap3A_978 = tpu.vector_load %arg7[%swap3A_975, %swap3A_976, %swap3A_977] {strides = array<i32>} : memref<2x32x128xf32, #tpu.memory_space<vmem>>, vector<1x1x16xf32>,
        %swap3A_979 = vector.shape_cast %swap3A_978 : vector<1x1x16xf32> to vector<16xf32>
        %swap3A_980 = vector.shape_cast %add3A_973 : vector<16xf32> to vector<1x1x16xf32>
        tpu.vector_store %arg7[%swap3A_975, %swap3A_976, %swap3A_977], %swap3A_980 {strides = array<i32>} : memref<2x32x128xf32, #tpu.memory_space<vmem>>, vector<1x1x16xf32>,
        %mul3A_981 = arith.constant 5 : i32
        %mul3A_982 = arith.muli %mul3A_981, %scan3A_568 : i32
        %get3A_983 = arith.constant 1 : i32
        %get3A_984 = arith.index_cast %get3A_983 : i32 to index
        %get3A_985 = arith.index_cast %mul3A_982 : i32 to index
        %get3A_986 = arith.constant 112 : index
        %get3A_987 = tpu.vector_load %arg6[%get3A_984, %get3A_985, %get3A_986] {strides = array<i32>} : memref<4x160x128xf32, #tpu.memory_space<vmem>>, vector<1x1x16xf32>,
        %get3A_988 = vector.shape_cast %get3A_987 : vector<1x1x16xf32> to vector<16xf32>
        %mul3A_989 = arith.constant 5 : i32
        %mul3A_990 = arith.muli %mul3A_989, %scan3A_568 : i32
        %add3A_991 = arith.constant 1 : i32
        %add3A_992 = arith.addi %mul3A_990, %add3A_991 : i32
        %get3A_993 = arith.constant 1 : i32
        %get3A_994 = arith.index_cast %get3A_993 : i32 to index
        %get3A_995 = arith.index_cast %add3A_992 : i32 to index
        %get3A_996 = arith.constant 112 : index
        %get3A_997 = tpu.vector_load %arg6[%get3A_994, %get3A_995, %get3A_996] {strides = array<i32>} : memref<4x160x128xf32, #tpu.memory_space<vmem>>, vector<1x1x16xf32>,
        %get3A_998 = vector.shape_cast %get3A_997 : vector<1x1x16xf32> to vector<16xf32>
        %add3A_999 = arith.addf %get3A_988, %get3A_998 : vector<16xf32>
        %mul3A_1000 = arith.constant 5 : i32
        %mul3A_1001 = arith.muli %mul3A_1000, %scan3A_568 : i32
        %add3A_1002 = arith.constant 2 : i32
        %add3A_1003 = arith.addi %mul3A_1001, %add3A_1002 : i32
        %get3A_1004 = arith.constant 1 : i32
        %get3A_1005 = arith.index_cast %get3A_1004 : i32 to index
        %get3A_1006 = arith.index_cast %add3A_1003 : i32 to index
        %get3A_1007 = arith.constant 112 : index
        %get3A_1008 = tpu.vector_load %arg6[%get3A_1005, %get3A_1006, %get3A_1007] {strides = array<i32>} : memref<4x160x128xf32, #tpu.memory_space<vmem>>, vector<1x1x16xf32>,
        %get3A_1009 = vector.shape_cast %get3A_1008 : vector<1x1x16xf32> to vector<16xf32>
        %add3A_1010 = arith.addf %add3A_999, %get3A_1009 : vector<16xf32>
        %mul3A_1011 = arith.constant 5 : i32
        %mul3A_1012 = arith.muli %mul3A_1011, %scan3A_568 : i32
        %add3A_1013 = arith.constant 3 : i32
        %add3A_1014 = arith.addi %mul3A_1012, %add3A_1013 : i32
        %get3A_1015 = arith.constant 1 : i32
        %get3A_1016 = arith.index_cast %get3A_1015 : i32 to index
        %get3A_1017 = arith.index_cast %add3A_1014 : i32 to index
        %get3A_1018 = arith.constant 112 : index
        %get3A_1019 = tpu.vector_load %arg6[%get3A_1016, %get3A_1017, %get3A_1018] {strides = array<i32>} : memref<4x160x128xf32, #tpu.memory_space<vmem>>, vector<1x1x16xf32>,
        %get3A_1020 = vector.shape_cast %get3A_1019 : vector<1x1x16xf32> to vector<16xf32>
        %add3A_1021 = arith.addf %add3A_1010, %get3A_1020 : vector<16xf32>
        %mul3A_1022 = arith.constant 5 : i32
        %mul3A_1023 = arith.muli %mul3A_1022, %scan3A_568 : i32
        %add3A_1024 = arith.constant 4 : i32
        %add3A_1025 = arith.addi %mul3A_1023, %add3A_1024 : i32
        %get3A_1026 = arith.constant 1 : i32
        %get3A_1027 = arith.index_cast %get3A_1026 : i32 to index
        %get3A_1028 = arith.index_cast %add3A_1025 : i32 to index
        %get3A_1029 = arith.constant 112 : index
        %get3A_1030 = tpu.vector_load %arg6[%get3A_1027, %get3A_1028, %get3A_1029] {strides = array<i32>} : memref<4x160x128xf32, #tpu.memory_space<vmem>>, vector<1x1x16xf32>,
        %get3A_1031 = vector.shape_cast %get3A_1030 : vector<1x1x16xf32> to vector<16xf32>
        %add3A_1032 = arith.addf %add3A_1021, %get3A_1031 : vector<16xf32>
        %swap3A_1033 = arith.constant 1 : i32
        %swap3A_1034 = arith.index_cast %swap3A_1033 : i32 to index
        %swap3A_1035 = arith.index_cast %scan3A_568 : i32 to index
        %swap3A_1036 = arith.constant 112 : index
        %swap3A_1037 = tpu.vector_load %arg7[%swap3A_1034, %swap3A_1035, %swap3A_1036] {strides = array<i32>} : memref<2x32x128xf32, #tpu.memory_space<vmem>>, vector<1x1x16xf32>,
        %swap3A_1038 = vector.shape_cast %swap3A_1037 : vector<1x1x16xf32> to vector<16xf32>
        %swap3A_1039 = vector.shape_cast %add3A_1032 : vector<16xf32> to vector<1x1x16xf32>
        tpu.vector_store %arg7[%swap3A_1034, %swap3A_1035, %swap3A_1036], %swap3A_1039 {strides = array<i32>} : memref<2x32x128xf32, #tpu.memory_space<vmem>>, vector<1x1x16xf32>,
        %scan3A_1040 = arith.constant 0 : i32
        scf.yield %scan3A_1040 : i32
      }
      %scan3A_370 = arith.constant 32 : i32
      %mul3A_371 = arith.constant 32 : i32
      %mul3A_372 = arith.muli %add3A_300, %mul3A_371 : i32
      %add3A_373 = arith.addi %add3A, %mul3A_372 : i32
      %dma_start3A_374 = arith.constant 1 : i32
      %dma_start3A_375 = arith.constant 0 : i32
      %dma_start3A_376 = arith.constant 0 : i32
      %dma_start3A_377 = tpu.memref_slice %arg7[%dma_start3A_374, %dma_start3A_375, %dma_start3A_376] : memref<2x32x128xf32, #tpu.memory_space<vmem>> -> memref<1x32x128xf32, #tpu.memory_space<vmem>>
      %dma_start3A_378 = tpu.memref_squeeze %dma_start3A_377 : memref<1x32x128xf32, #tpu.memory_space<vmem>> -> memref<32x128xf32, #tpu.memory_space<vmem>>
      %dma_start3A_379 = arith.constant 0 : i32
      %dma_start3A_380 = tpu.memref_slice %arg4[%add3A_373, %dma_start3A_379] : memref<102400x128xf32, #tpu.memory_space<hbm>> -> memref<32x128xf32, #tpu.memory_space<hbm>>
      %dma_start3A_381 = arith.constant 0 : i32
      %dma_start3A_382 = tpu.memref_slice %arg4[%add3A_373, %dma_start3A_381] : memref<102400x128xf32, #tpu.memory_space<hbm>> -> memref<32x128xf32, #tpu.memory_space<hbm>>
      %dma_start3A_383 = arith.constant 0 : i32
      %dma_start3A_384 = arith.constant 0 : i32
      %dma_start3A_385 = tpu.memref_slice %arg7[%dma_start3A_374, %dma_start3A_383, %dma_start3A_384] : memref<2x32x128xf32, #tpu.memory_space<vmem>> -> memref<1x32x128xf32, #tpu.memory_space<vmem>>
      %dma_start3A_386 = tpu.memref_squeeze %dma_start3A_385 : memref<1x32x128xf32, #tpu.memory_space<vmem>> -> memref<32x128xf32, #tpu.memory_space<vmem>>
      tpu.enqueue_dma source(%dma_start3A_386 : memref<32x128xf32, #tpu.memory_space<vmem>>) target(%dma_start3A_382 : memref<32x128xf32, #tpu.memory_space<hbm>>) target_semaphore(%arg13 : memref<!tpu.dma_semaphore, #tpu.memory_space<semaphore_mem>>)
      %mul3A_387 = arith.constant 4 : i32
      %mul3A_388 = arith.muli %mul3A_387, %while3A_210 : i32
      %add3A_389 = arith.constant 2 : i32
      %add3A_390 = arith.addi %mul3A_388, %add3A_389 : i32
      %add3A_391 = arith.constant 4 : i32
      %add3A_392 = arith.addi %add3A_390, %add3A_391 : i32
      %sub3A_393 = arith.constant 1 : i32
      %sub3A_394 = arith.subi %add3A_392, %sub3A_393 : i32
      %lt3A_395 = arith.cmpi slt, %sub3A_394, %select_n3A : i32
      %convert_element_type3A_396 = arith.extui %lt3A_395 : i1 to i32
      %cond3A_397 = arith.constant 0 : i32
      %cond3A_398 = arith.cmpi ne, %convert_element_type3A_396, %cond3A_397 : i32
      scf.if %cond3A_398 {
        %mul3A_568 = arith.constant 160 : i32
        %mul3A_569 = arith.muli %sub3A_394, %mul3A_568 : i32
        %add3A_570 = arith.constant 0 : i32
        %add3A_571 = arith.addi %mul3A_569, %add3A_570 : i32
        %dma_start3A_572 = arith.constant 1 : i32
        %dma_start3A_573 = arith.constant 0 : i32
        %dma_start3A_574 = arith.constant 0 : i32
        %dma_start3A_575 = tpu.memref_slice %arg6[%dma_start3A_572, %dma_start3A_573, %dma_start3A_574] : memref<4x160x128xf32, #tpu.memory_space<vmem>> -> memref<1x32x128xf32, #tpu.memory_space<vmem>>
        %dma_start3A_576 = tpu.memref_squeeze %dma_start3A_575 : memref<1x32x128xf32, #tpu.memory_space<vmem>> -> memref<32x128xf32, #tpu.memory_space<vmem>>
        %dma_start3A_577 = tpu.memref_slice %arg5[%add3A_571] : memref<16000xi32, #tpu.memory_space<vmem>> -> memref<32xi32, #tpu.memory_space<vmem>>
        %dma_start3A_578 = arith.constant 0 : i32
        %dma_start3A_579 = arith.constant 0 : i32
        %dma_start3A_580 = tpu.memref_slice %arg2[%dma_start3A_578, %dma_start3A_579] : memref<100000x128xf32, #tpu.memory_space<hbm>> -> memref<100000x128xf32, #tpu.memory_space<hbm>>
        tpu.enqueue_indirect_dma source(%dma_start3A_580 : memref<100000x128xf32, #tpu.memory_space<hbm>>) target(%dma_start3A_576 : memref<32x128xf32, #tpu.memory_space<vmem>>) offsets(%dma_start3A_577 : memref<32xi32, #tpu.memory_space<vmem>>) semaphore(%arg9 : memref<!tpu.dma_semaphore, #tpu.memory_space<semaphore_mem>>)
        %mul3A_581 = arith.constant 160 : i32
        %mul3A_582 = arith.muli %sub3A_394, %mul3A_581 : i32
        %add3A_583 = arith.constant 32 : i32
        %add3A_584 = arith.addi %mul3A_582, %add3A_583 : i32
        %dma_start3A_585 = arith.constant 1 : i32
        %dma_start3A_586 = arith.constant 32 : i32
        %dma_start3A_587 = arith.constant 0 : i32
        %dma_start3A_588 = tpu.memref_slice %arg6[%dma_start3A_585, %dma_start3A_586, %dma_start3A_587] : memref<4x160x128xf32, #tpu.memory_space<vmem>> -> memref<1x32x128xf32, #tpu.memory_space<vmem>>
        %dma_start3A_589 = tpu.memref_squeeze %dma_start3A_588 : memref<1x32x128xf32, #tpu.memory_space<vmem>> -> memref<32x128xf32, #tpu.memory_space<vmem>>
        %dma_start3A_590 = tpu.memref_slice %arg5[%add3A_584] : memref<16000xi32, #tpu.memory_space<vmem>> -> memref<32xi32, #tpu.memory_space<vmem>>
        %dma_start3A_591 = arith.constant 0 : i32
        %dma_start3A_592 = arith.constant 0 : i32
        %dma_start3A_593 = tpu.memref_slice %arg2[%dma_start3A_591, %dma_start3A_592] : memref<100000x128xf32, #tpu.memory_space<hbm>> -> memref<100000x128xf32, #tpu.memory_space<hbm>>
        tpu.enqueue_indirect_dma source(%dma_start3A_593 : memref<100000x128xf32, #tpu.memory_space<hbm>>) target(%dma_start3A_589 : memref<32x128xf32, #tpu.memory_space<vmem>>) offsets(%dma_start3A_590 : memref<32xi32, #tpu.memory_space<vmem>>) semaphore(%arg9 : memref<!tpu.dma_semaphore, #tpu.memory_space<semaphore_mem>>)
        %mul3A_594 = arith.constant 160 : i32
        %mul3A_595 = arith.muli %sub3A_394, %mul3A_594 : i32
        %add3A_596 = arith.constant 64 : i32
        %add3A_597 = arith.addi %mul3A_595, %add3A_596 : i32
        %dma_start3A_598 = arith.constant 1 : i32
        %dma_start3A_599 = arith.constant 64 : i32
        %dma_start3A_600 = arith.constant 0 : i32
        %dma_start3A_601 = tpu.memref_slice %arg6[%dma_start3A_598, %dma_start3A_599, %dma_start3A_600] : memref<4x160x128xf32, #tpu.memory_space<vmem>> -> memref<1x32x128xf32, #tpu.memory_space<vmem>>
        %dma_start3A_602 = tpu.memref_squeeze %dma_start3A_601 : memref<1x32x128xf32, #tpu.memory_space<vmem>> -> memref<32x128xf32, #tpu.memory_space<vmem>>
        %dma_start3A_603 = tpu.memref_slice %arg5[%add3A_597] : memref<16000xi32, #tpu.memory_space<vmem>> -> memref<32xi32, #tpu.memory_space<vmem>>
        %dma_start3A_604 = arith.constant 0 : i32
        %dma_start3A_605 = arith.constant 0 : i32
        %dma_start3A_606 = tpu.memref_slice %arg2[%dma_start3A_604, %dma_start3A_605] : memref<100000x128xf32, #tpu.memory_space<hbm>> -> memref<100000x128xf32, #tpu.memory_space<hbm>>
        tpu.enqueue_indirect_dma source(%dma_start3A_606 : memref<100000x128xf32, #tpu.memory_space<hbm>>) target(%dma_start3A_602 : memref<32x128xf32, #tpu.memory_space<vmem>>) offsets(%dma_start3A_603 : memref<32xi32, #tpu.memory_space<vmem>>) semaphore(%arg9 : memref<!tpu.dma_semaphore, #tpu.memory_space<semaphore_mem>>)
        %mul3A_607 = arith.constant 160 : i32
        %mul3A_608 = arith.muli %sub3A_394, %mul3A_607 : i32
        %add3A_609 = arith.constant 96 : i32
        %add3A_610 = arith.addi %mul3A_608, %add3A_609 : i32
        %dma_start3A_611 = arith.constant 1 : i32
        %dma_start3A_612 = arith.constant 96 : i32
        %dma_start3A_613 = arith.constant 0 : i32
        %dma_start3A_614 = tpu.memref_slice %arg6[%dma_start3A_611, %dma_start3A_612, %dma_start3A_613] : memref<4x160x128xf32, #tpu.memory_space<vmem>> -> memref<1x32x128xf32, #tpu.memory_space<vmem>>
        %dma_start3A_615 = tpu.memref_squeeze %dma_start3A_614 : memref<1x32x128xf32, #tpu.memory_space<vmem>> -> memref<32x128xf32, #tpu.memory_space<vmem>>
        %dma_start3A_616 = tpu.memref_slice %arg5[%add3A_610] : memref<16000xi32, #tpu.memory_space<vmem>> -> memref<32xi32, #tpu.memory_space<vmem>>
        %dma_start3A_617 = arith.constant 0 : i32
        %dma_start3A_618 = arith.constant 0 : i32
        %dma_start3A_619 = tpu.memref_slice %arg2[%dma_start3A_617, %dma_start3A_618] : memref<100000x128xf32, #tpu.memory_space<hbm>> -> memref<100000x128xf32, #tpu.memory_space<hbm>>
        tpu.enqueue_indirect_dma source(%dma_start3A_619 : memref<100000x128xf32, #tpu.memory_space<hbm>>) target(%dma_start3A_615 : memref<32x128xf32, #tpu.memory_space<vmem>>) offsets(%dma_start3A_616 : memref<32xi32, #tpu.memory_space<vmem>>) semaphore(%arg9 : memref<!tpu.dma_semaphore, #tpu.memory_space<semaphore_mem>>)
        %mul3A_620 = arith.constant 160 : i32
        %mul3A_621 = arith.muli %sub3A_394, %mul3A_620 : i32
        %add3A_622 = arith.constant 128 : i32
        %add3A_623 = arith.addi %mul3A_621, %add3A_622 : i32
        %dma_start3A_624 = arith.constant 1 : i32
        %dma_start3A_625 = arith.constant 128 : i32
        %dma_start3A_626 = arith.constant 0 : i32
        %dma_start3A_627 = tpu.memref_slice %arg6[%dma_start3A_624, %dma_start3A_625, %dma_start3A_626] : memref<4x160x128xf32, #tpu.memory_space<vmem>> -> memref<1x32x128xf32, #tpu.memory_space<vmem>>
        %dma_start3A_628 = tpu.memref_squeeze %dma_start3A_627 : memref<1x32x128xf32, #tpu.memory_space<vmem>> -> memref<32x128xf32, #tpu.memory_space<vmem>>
        %dma_start3A_629 = tpu.memref_slice %arg5[%add3A_623] : memref<16000xi32, #tpu.memory_space<vmem>> -> memref<32xi32, #tpu.memory_space<vmem>>
        %dma_start3A_630 = arith.constant 0 : i32
        %dma_start3A_631 = arith.constant 0 : i32
        %dma_start3A_632 = tpu.memref_slice %arg2[%dma_start3A_630, %dma_start3A_631] : memref<100000x128xf32, #tpu.memory_space<hbm>> -> memref<100000x128xf32, #tpu.memory_space<hbm>>
        tpu.enqueue_indirect_dma source(%dma_start3A_632 : memref<100000x128xf32, #tpu.memory_space<hbm>>) target(%dma_start3A_628 : memref<32x128xf32, #tpu.memory_space<vmem>>) offsets(%dma_start3A_629 : memref<32xi32, #tpu.memory_space<vmem>>) semaphore(%arg9 : memref<!tpu.dma_semaphore, #tpu.memory_space<semaphore_mem>>)
      } else {
      }
      %dma_wait3A_399 = arith.constant 2 : i32
      %dma_wait3A_400 = arith.constant 0 : i32
      %dma_wait3A_401 = arith.constant 0 : i32
      %dma_wait3A_402 = tpu.memref_slice %arg6[%dma_wait3A_399, %dma_wait3A_400, %dma_wait3A_401] : memref<4x160x128xf32, #tpu.memory_space<vmem>> -> memref<1x32x128xf32, #tpu.memory_space<vmem>>
      %dma_wait3A_403 = tpu.memref_squeeze %dma_wait3A_402 : memref<1x32x128xf32, #tpu.memory_space<vmem>> -> memref<32x128xf32, #tpu.memory_space<vmem>>
      %dma_wait3A_404 = arith.constant 0 : i32
      %dma_wait3A_405 = tpu.memref_slice %arg5[%dma_wait3A_404] : memref<16000xi32, #tpu.memory_space<vmem>> -> memref<32xi32, #tpu.memory_space<vmem>>
      %dma_wait3A_406 = arith.constant 0 : i32
      %dma_wait3A_407 = arith.constant 0 : i32
      %dma_wait3A_408 = tpu.memref_slice %arg2[%dma_wait3A_406, %dma_wait3A_407] : memref<100000x128xf32, #tpu.memory_space<hbm>> -> memref<100000x128xf32, #tpu.memory_space<hbm>>
      tpu.wait_indirect_dma semaphore(%arg10 : memref<!tpu.dma_semaphore, #tpu.memory_space<semaphore_mem>>) src(%dma_wait3A_408 : memref<100000x128xf32, #tpu.memory_space<hbm>>) dst(%dma_wait3A_403 : memref<32x128xf32, #tpu.memory_space<vmem>>)
      %dma_wait3A_409 = arith.constant 2 : i32
      %dma_wait3A_410 = arith.constant 32 : i32
      %dma_wait3A_411 = arith.constant 0 : i32
      %dma_wait3A_412 = tpu.memref_slice %arg6[%dma_wait3A_409, %dma_wait3A_410, %dma_wait3A_411] : memref<4x160x128xf32, #tpu.memory_space<vmem>> -> memref<1x32x128xf32, #tpu.memory_space<vmem>>
      %dma_wait3A_413 = tpu.memref_squeeze %dma_wait3A_412 : memref<1x32x128xf32, #tpu.memory_space<vmem>> -> memref<32x128xf32, #tpu.memory_space<vmem>>
      %dma_wait3A_414 = arith.constant 32 : i32
      %dma_wait3A_415 = tpu.memref_slice %arg5[%dma_wait3A_414] : memref<16000xi32, #tpu.memory_space<vmem>> -> memref<32xi32, #tpu.memory_space<vmem>>
      %dma_wait3A_416 = arith.constant 0 : i32
      %dma_wait3A_417 = arith.constant 0 : i32
      %dma_wait3A_418 = tpu.memref_slice %arg2[%dma_wait3A_416, %dma_wait3A_417] : memref<100000x128xf32, #tpu.memory_space<hbm>> -> memref<100000x128xf32, #tpu.memory_space<hbm>>
      tpu.wait_indirect_dma semaphore(%arg10 : memref<!tpu.dma_semaphore, #tpu.memory_space<semaphore_mem>>) src(%dma_wait3A_418 : memref<100000x128xf32, #tpu.memory_space<hbm>>) dst(%dma_wait3A_413 : memref<32x128xf32, #tpu.memory_space<vmem>>)
      %dma_wait3A_419 = arith.constant 2 : i32
      %dma_wait3A_420 = arith.constant 64 : i32
      %dma_wait3A_421 = arith.constant 0 : i32
      %dma_wait3A_422 = tpu.memref_slice %arg6[%dma_wait3A_419, %dma_wait3A_420, %dma_wait3A_421] : memref<4x160x128xf32, #tpu.memory_space<vmem>> -> memref<1x32x128xf32, #tpu.memory_space<vmem>>
      %dma_wait3A_423 = tpu.memref_squeeze %dma_wait3A_422 : memref<1x32x128xf32, #tpu.memory_space<vmem>> -> memref<32x128xf32, #tpu.memory_space<vmem>>
      %dma_wait3A_424 = arith.constant 64 : i32
      %dma_wait3A_425 = tpu.memref_slice %arg5[%dma_wait3A_424] : memref<16000xi32, #tpu.memory_space<vmem>> -> memref<32xi32, #tpu.memory_space<vmem>>
      %dma_wait3A_426 = arith.constant 0 : i32
      %dma_wait3A_427 = arith.constant 0 : i32
      %dma_wait3A_428 = tpu.memref_slice %arg2[%dma_wait3A_426, %dma_wait3A_427] : memref<100000x128xf32, #tpu.memory_space<hbm>> -> memref<100000x128xf32, #tpu.memory_space<hbm>>
      tpu.wait_indirect_dma semaphore(%arg10 : memref<!tpu.dma_semaphore, #tpu.memory_space<semaphore_mem>>) src(%dma_wait3A_428 : memref<100000x128xf32, #tpu.memory_space<hbm>>) dst(%dma_wait3A_423 : memref<32x128xf32, #tpu.memory_space<vmem>>)
      %dma_wait3A_429 = arith.constant 2 : i32
      %dma_wait3A_430 = arith.constant 96 : i32
      %dma_wait3A_431 = arith.constant 0 : i32
      %dma_wait3A_432 = tpu.memref_slice %arg6[%dma_wait3A_429, %dma_wait3A_430, %dma_wait3A_431] : memref<4x160x128xf32, #tpu.memory_space<vmem>> -> memref<1x32x128xf32, #tpu.memory_space<vmem>>
      %dma_wait3A_433 = tpu.memref_squeeze %dma_wait3A_432 : memref<1x32x128xf32, #tpu.memory_space<vmem>> -> memref<32x128xf32, #tpu.memory_space<vmem>>
      %dma_wait3A_434 = arith.constant 96 : i32
      %dma_wait3A_435 = tpu.memref_slice %arg5[%dma_wait3A_434] : memref<16000xi32, #tpu.memory_space<vmem>> -> memref<32xi32, #tpu.memory_space<vmem>>
      %dma_wait3A_436 = arith.constant 0 : i32
      %dma_wait3A_437 = arith.constant 0 : i32
      %dma_wait3A_438 = tpu.memref_slice %arg2[%dma_wait3A_436, %dma_wait3A_437] : memref<100000x128xf32, #tpu.memory_space<hbm>> -> memref<100000x128xf32, #tpu.memory_space<hbm>>
      tpu.wait_indirect_dma semaphore(%arg10 : memref<!tpu.dma_semaphore, #tpu.memory_space<semaphore_mem>>) src(%dma_wait3A_438 : memref<100000x128xf32, #tpu.memory_space<hbm>>) dst(%dma_wait3A_433 : memref<32x128xf32, #tpu.memory_space<vmem>>)
      %dma_wait3A_439 = arith.constant 2 : i32
      %dma_wait3A_440 = arith.constant 128 : i32
      %dma_wait3A_441 = arith.constant 0 : i32
      %dma_wait3A_442 = tpu.memref_slice %arg6[%dma_wait3A_439, %dma_wait3A_440, %dma_wait3A_441] : memref<4x160x128xf32, #tpu.memory_space<vmem>> -> memref<1x32x128xf32, #tpu.memory_space<vmem>>
      %dma_wait3A_443 = tpu.memref_squeeze %dma_wait3A_442 : memref<1x32x128xf32, #tpu.memory_space<vmem>> -> memref<32x128xf32, #tpu.memory_space<vmem>>
      %dma_wait3A_444 = arith.constant 128 : i32
      %dma_wait3A_445 = tpu.memref_slice %arg5[%dma_wait3A_444] : memref<16000xi32, #tpu.memory_space<vmem>> -> memref<32xi32, #tpu.memory_space<vmem>>
      %dma_wait3A_446 = arith.constant 0 : i32
      %dma_wait3A_447 = arith.constant 0 : i32
      %dma_wait3A_448 = tpu.memref_slice %arg2[%dma_wait3A_446, %dma_wait3A_447] : memref<100000x128xf32, #tpu.memory_space<hbm>> -> memref<100000x128xf32, #tpu.memory_space<hbm>>
      tpu.wait_indirect_dma semaphore(%arg10 : memref<!tpu.dma_semaphore, #tpu.memory_space<semaphore_mem>>) src(%dma_wait3A_448 : memref<100000x128xf32, #tpu.memory_space<hbm>>) dst(%dma_wait3A_443 : memref<32x128xf32, #tpu.memory_space<vmem>>)
      %ge3A_449 = arith.constant 2 : i32
      %ge3A_450 = arith.cmpi sge, %add3A_390, %ge3A_449 : i32
      %convert_element_type3A_451 = arith.extui %ge3A_450 : i1 to i32
      %cond3A_452 = arith.constant 0 : i32
      %cond3A_453 = arith.cmpi ne, %convert_element_type3A_451, %cond3A_452 : i32
      scf.if %cond3A_453 {
        %dma_wait3A_568 = arith.constant 0 : i32
        %dma_wait3A_569 = arith.constant 0 : i32
        %dma_wait3A_570 = arith.constant 0 : i32
        %dma_wait3A_571 = tpu.memref_slice %arg7[%dma_wait3A_568, %dma_wait3A_569, %dma_wait3A_570] : memref<2x32x128xf32, #tpu.memory_space<vmem>> -> memref<1x32x128xf32, #tpu.memory_space<vmem>>
        %dma_wait3A_572 = tpu.memref_squeeze %dma_wait3A_571 : memref<1x32x128xf32, #tpu.memory_space<vmem>> -> memref<32x128xf32, #tpu.memory_space<vmem>>
        %dma_wait3A_573 = arith.constant 0 : i32
        %dma_wait3A_574 = tpu.memref_slice %arg4[%add3A, %dma_wait3A_573] : memref<102400x128xf32, #tpu.memory_space<hbm>> -> memref<32x128xf32, #tpu.memory_space<hbm>>
        %dma_wait3A_575 = arith.constant 0 : i32
        %dma_wait3A_576 = tpu.memref_slice %arg4[%add3A, %dma_wait3A_575] : memref<102400x128xf32, #tpu.memory_space<hbm>> -> memref<32x128xf32, #tpu.memory_space<hbm>>
        %dma_wait3A_577 = arith.constant 0 : i32
        %dma_wait3A_578 = arith.constant 0 : i32
        %dma_wait3A_579 = tpu.memref_slice %arg7[%dma_wait3A_568, %dma_wait3A_577, %dma_wait3A_578] : memref<2x32x128xf32, #tpu.memory_space<vmem>> -> memref<1x32x128xf32, #tpu.memory_space<vmem>>
        %dma_wait3A_580 = tpu.memref_squeeze %dma_wait3A_579 : memref<1x32x128xf32, #tpu.memory_space<vmem>> -> memref<32x128xf32, #tpu.memory_space<vmem>>
        tpu.wait_dma2 semaphore(%arg12 : memref<!tpu.dma_semaphore, #tpu.memory_space<semaphore_mem>>) src(%dma_wait3A_580 : memref<32x128xf32, #tpu.memory_space<vmem>>) dst(%dma_wait3A_576 : memref<32x128xf32, #tpu.memory_space<hbm>>)
      } else {
      }
      %scan3A_454 = arith.constant 0 : i32
      %scan3A_455 = arith.constant 0 : i32
      %scan3A_456 = arith.constant 32 : i32
      %scan3A_457 = arith.addi %scan3A_455, %scan3A_456 : i32
      %scan3A_458 = arith.constant 1 : i32
      %scan3A_459 = scf.for %scan3A_568 = %scan3A_455 to %scan3A_457 step %scan3A_458 iter_args(%scan3A_569 = %scan3A_454) -> (i32)  : i32 {
        %mul3A_570 = arith.constant 5 : i32
        %mul3A_571 = arith.muli %mul3A_570, %scan3A_568 : i32
        %get3A = arith.constant 2 : i32
        %get3A_572 = arith.index_cast %get3A : i32 to index
        %get3A_573 = arith.index_cast %mul3A_571 : i32 to index
        %get3A_574 = arith.constant 0 : index
        %get3A_575 = tpu.vector_load %arg6[%get3A_572, %get3A_573, %get3A_574] {strides = array<i32>} : memref<4x160x128xf32, #tpu.memory_space<vmem>>, vector<1x1x16xf32>,
        %get3A_576 = vector.shape_cast %get3A_575 : vector<1x1x16xf32> to vector<16xf32>
        %mul3A_577 = arith.constant 5 : i32
        %mul3A_578 = arith.muli %mul3A_577, %scan3A_568 : i32
        %add3A_579 = arith.constant 1 : i32
        %add3A_580 = arith.addi %mul3A_578, %add3A_579 : i32
        %get3A_581 = arith.constant 2 : i32
        %get3A_582 = arith.index_cast %get3A_581 : i32 to index
        %get3A_583 = arith.index_cast %add3A_580 : i32 to index
        %get3A_584 = arith.constant 0 : index
        %get3A_585 = tpu.vector_load %arg6[%get3A_582, %get3A_583, %get3A_584] {strides = array<i32>} : memref<4x160x128xf32, #tpu.memory_space<vmem>>, vector<1x1x16xf32>,
        %get3A_586 = vector.shape_cast %get3A_585 : vector<1x1x16xf32> to vector<16xf32>
        %add3A_587 = arith.addf %get3A_576, %get3A_586 : vector<16xf32>
        %mul3A_588 = arith.constant 5 : i32
        %mul3A_589 = arith.muli %mul3A_588, %scan3A_568 : i32
        %add3A_590 = arith.constant 2 : i32
        %add3A_591 = arith.addi %mul3A_589, %add3A_590 : i32
        %get3A_592 = arith.constant 2 : i32
        %get3A_593 = arith.index_cast %get3A_592 : i32 to index
        %get3A_594 = arith.index_cast %add3A_591 : i32 to index
        %get3A_595 = arith.constant 0 : index
        %get3A_596 = tpu.vector_load %arg6[%get3A_593, %get3A_594, %get3A_595] {strides = array<i32>} : memref<4x160x128xf32, #tpu.memory_space<vmem>>, vector<1x1x16xf32>,
        %get3A_597 = vector.shape_cast %get3A_596 : vector<1x1x16xf32> to vector<16xf32>
        %add3A_598 = arith.addf %add3A_587, %get3A_597 : vector<16xf32>
        %mul3A_599 = arith.constant 5 : i32
        %mul3A_600 = arith.muli %mul3A_599, %scan3A_568 : i32
        %add3A_601 = arith.constant 3 : i32
        %add3A_602 = arith.addi %mul3A_600, %add3A_601 : i32
        %get3A_603 = arith.constant 2 : i32
        %get3A_604 = arith.index_cast %get3A_603 : i32 to index
        %get3A_605 = arith.index_cast %add3A_602 : i32 to index
        %get3A_606 = arith.constant 0 : index
        %get3A_607 = tpu.vector_load %arg6[%get3A_604, %get3A_605, %get3A_606] {strides = array<i32>} : memref<4x160x128xf32, #tpu.memory_space<vmem>>, vector<1x1x16xf32>,
        %get3A_608 = vector.shape_cast %get3A_607 : vector<1x1x16xf32> to vector<16xf32>
        %add3A_609 = arith.addf %add3A_598, %get3A_608 : vector<16xf32>
        %mul3A_610 = arith.constant 5 : i32
        %mul3A_611 = arith.muli %mul3A_610, %scan3A_568 : i32
        %add3A_612 = arith.constant 4 : i32
        %add3A_613 = arith.addi %mul3A_611, %add3A_612 : i32
        %get3A_614 = arith.constant 2 : i32
        %get3A_615 = arith.index_cast %get3A_614 : i32 to index
        %get3A_616 = arith.index_cast %add3A_613 : i32 to index
        %get3A_617 = arith.constant 0 : index
        %get3A_618 = tpu.vector_load %arg6[%get3A_615, %get3A_616, %get3A_617] {strides = array<i32>} : memref<4x160x128xf32, #tpu.memory_space<vmem>>, vector<1x1x16xf32>,
        %get3A_619 = vector.shape_cast %get3A_618 : vector<1x1x16xf32> to vector<16xf32>
        %add3A_620 = arith.addf %add3A_609, %get3A_619 : vector<16xf32>
        %swap3A = arith.constant 0 : i32
        %swap3A_621 = arith.index_cast %swap3A : i32 to index
        %swap3A_622 = arith.index_cast %scan3A_568 : i32 to index
        %swap3A_623 = arith.constant 0 : index
        %swap3A_624 = tpu.vector_load %arg7[%swap3A_621, %swap3A_622, %swap3A_623] {strides = array<i32>} : memref<2x32x128xf32, #tpu.memory_space<vmem>>, vector<1x1x16xf32>,
        %swap3A_625 = vector.shape_cast %swap3A_624 : vector<1x1x16xf32> to vector<16xf32>
        %swap3A_626 = vector.shape_cast %add3A_620 : vector<16xf32> to vector<1x1x16xf32>
        tpu.vector_store %arg7[%swap3A_621, %swap3A_622, %swap3A_623], %swap3A_626 {strides = array<i32>} : memref<2x32x128xf32, #tpu.memory_space<vmem>>, vector<1x1x16xf32>,
        %mul3A_627 = arith.constant 5 : i32
        %mul3A_628 = arith.muli %mul3A_627, %scan3A_568 : i32
        %get3A_629 = arith.constant 2 : i32
        %get3A_630 = arith.index_cast %get3A_629 : i32 to index
        %get3A_631 = arith.index_cast %mul3A_628 : i32 to index
        %get3A_632 = arith.constant 16 : index
        %get3A_633 = tpu.vector_load %arg6[%get3A_630, %get3A_631, %get3A_632] {strides = array<i32>} : memref<4x160x128xf32, #tpu.memory_space<vmem>>, vector<1x1x16xf32>,
        %get3A_634 = vector.shape_cast %get3A_633 : vector<1x1x16xf32> to vector<16xf32>
        %mul3A_635 = arith.constant 5 : i32
        %mul3A_636 = arith.muli %mul3A_635, %scan3A_568 : i32
        %add3A_637 = arith.constant 1 : i32
        %add3A_638 = arith.addi %mul3A_636, %add3A_637 : i32
        %get3A_639 = arith.constant 2 : i32
        %get3A_640 = arith.index_cast %get3A_639 : i32 to index
        %get3A_641 = arith.index_cast %add3A_638 : i32 to index
        %get3A_642 = arith.constant 16 : index
        %get3A_643 = tpu.vector_load %arg6[%get3A_640, %get3A_641, %get3A_642] {strides = array<i32>} : memref<4x160x128xf32, #tpu.memory_space<vmem>>, vector<1x1x16xf32>,
        %get3A_644 = vector.shape_cast %get3A_643 : vector<1x1x16xf32> to vector<16xf32>
        %add3A_645 = arith.addf %get3A_634, %get3A_644 : vector<16xf32>
        %mul3A_646 = arith.constant 5 : i32
        %mul3A_647 = arith.muli %mul3A_646, %scan3A_568 : i32
        %add3A_648 = arith.constant 2 : i32
        %add3A_649 = arith.addi %mul3A_647, %add3A_648 : i32
        %get3A_650 = arith.constant 2 : i32
        %get3A_651 = arith.index_cast %get3A_650 : i32 to index
        %get3A_652 = arith.index_cast %add3A_649 : i32 to index
        %get3A_653 = arith.constant 16 : index
        %get3A_654 = tpu.vector_load %arg6[%get3A_651, %get3A_652, %get3A_653] {strides = array<i32>} : memref<4x160x128xf32, #tpu.memory_space<vmem>>, vector<1x1x16xf32>,
        %get3A_655 = vector.shape_cast %get3A_654 : vector<1x1x16xf32> to vector<16xf32>
        %add3A_656 = arith.addf %add3A_645, %get3A_655 : vector<16xf32>
        %mul3A_657 = arith.constant 5 : i32
        %mul3A_658 = arith.muli %mul3A_657, %scan3A_568 : i32
        %add3A_659 = arith.constant 3 : i32
        %add3A_660 = arith.addi %mul3A_658, %add3A_659 : i32
        %get3A_661 = arith.constant 2 : i32
        %get3A_662 = arith.index_cast %get3A_661 : i32 to index
        %get3A_663 = arith.index_cast %add3A_660 : i32 to index
        %get3A_664 = arith.constant 16 : index
        %get3A_665 = tpu.vector_load %arg6[%get3A_662, %get3A_663, %get3A_664] {strides = array<i32>} : memref<4x160x128xf32, #tpu.memory_space<vmem>>, vector<1x1x16xf32>,
        %get3A_666 = vector.shape_cast %get3A_665 : vector<1x1x16xf32> to vector<16xf32>
        %add3A_667 = arith.addf %add3A_656, %get3A_666 : vector<16xf32>
        %mul3A_668 = arith.constant 5 : i32
        %mul3A_669 = arith.muli %mul3A_668, %scan3A_568 : i32
        %add3A_670 = arith.constant 4 : i32
        %add3A_671 = arith.addi %mul3A_669, %add3A_670 : i32
        %get3A_672 = arith.constant 2 : i32
        %get3A_673 = arith.index_cast %get3A_672 : i32 to index
        %get3A_674 = arith.index_cast %add3A_671 : i32 to index
        %get3A_675 = arith.constant 16 : index
        %get3A_676 = tpu.vector_load %arg6[%get3A_673, %get3A_674, %get3A_675] {strides = array<i32>} : memref<4x160x128xf32, #tpu.memory_space<vmem>>, vector<1x1x16xf32>,
        %get3A_677 = vector.shape_cast %get3A_676 : vector<1x1x16xf32> to vector<16xf32>
        %add3A_678 = arith.addf %add3A_667, %get3A_677 : vector<16xf32>
        %swap3A_679 = arith.constant 0 : i32
        %swap3A_680 = arith.index_cast %swap3A_679 : i32 to index
        %swap3A_681 = arith.index_cast %scan3A_568 : i32 to index
        %swap3A_682 = arith.constant 16 : index
        %swap3A_683 = tpu.vector_load %arg7[%swap3A_680, %swap3A_681, %swap3A_682] {strides = array<i32>} : memref<2x32x128xf32, #tpu.memory_space<vmem>>, vector<1x1x16xf32>,
        %swap3A_684 = vector.shape_cast %swap3A_683 : vector<1x1x16xf32> to vector<16xf32>
        %swap3A_685 = vector.shape_cast %add3A_678 : vector<16xf32> to vector<1x1x16xf32>
        tpu.vector_store %arg7[%swap3A_680, %swap3A_681, %swap3A_682], %swap3A_685 {strides = array<i32>} : memref<2x32x128xf32, #tpu.memory_space<vmem>>, vector<1x1x16xf32>,
        %mul3A_686 = arith.constant 5 : i32
        %mul3A_687 = arith.muli %mul3A_686, %scan3A_568 : i32
        %get3A_688 = arith.constant 2 : i32
        %get3A_689 = arith.index_cast %get3A_688 : i32 to index
        %get3A_690 = arith.index_cast %mul3A_687 : i32 to index
        %get3A_691 = arith.constant 32 : index
        %get3A_692 = tpu.vector_load %arg6[%get3A_689, %get3A_690, %get3A_691] {strides = array<i32>} : memref<4x160x128xf32, #tpu.memory_space<vmem>>, vector<1x1x16xf32>,
        %get3A_693 = vector.shape_cast %get3A_692 : vector<1x1x16xf32> to vector<16xf32>
        %mul3A_694 = arith.constant 5 : i32
        %mul3A_695 = arith.muli %mul3A_694, %scan3A_568 : i32
        %add3A_696 = arith.constant 1 : i32
        %add3A_697 = arith.addi %mul3A_695, %add3A_696 : i32
        %get3A_698 = arith.constant 2 : i32
        %get3A_699 = arith.index_cast %get3A_698 : i32 to index
        %get3A_700 = arith.index_cast %add3A_697 : i32 to index
        %get3A_701 = arith.constant 32 : index
        %get3A_702 = tpu.vector_load %arg6[%get3A_699, %get3A_700, %get3A_701] {strides = array<i32>} : memref<4x160x128xf32, #tpu.memory_space<vmem>>, vector<1x1x16xf32>,
        %get3A_703 = vector.shape_cast %get3A_702 : vector<1x1x16xf32> to vector<16xf32>
        %add3A_704 = arith.addf %get3A_693, %get3A_703 : vector<16xf32>
        %mul3A_705 = arith.constant 5 : i32
        %mul3A_706 = arith.muli %mul3A_705, %scan3A_568 : i32
        %add3A_707 = arith.constant 2 : i32
        %add3A_708 = arith.addi %mul3A_706, %add3A_707 : i32
        %get3A_709 = arith.constant 2 : i32
        %get3A_710 = arith.index_cast %get3A_709 : i32 to index
        %get3A_711 = arith.index_cast %add3A_708 : i32 to index
        %get3A_712 = arith.constant 32 : index
        %get3A_713 = tpu.vector_load %arg6[%get3A_710, %get3A_711, %get3A_712] {strides = array<i32>} : memref<4x160x128xf32, #tpu.memory_space<vmem>>, vector<1x1x16xf32>,
        %get3A_714 = vector.shape_cast %get3A_713 : vector<1x1x16xf32> to vector<16xf32>
        %add3A_715 = arith.addf %add3A_704, %get3A_714 : vector<16xf32>
        %mul3A_716 = arith.constant 5 : i32
        %mul3A_717 = arith.muli %mul3A_716, %scan3A_568 : i32
        %add3A_718 = arith.constant 3 : i32
        %add3A_719 = arith.addi %mul3A_717, %add3A_718 : i32
        %get3A_720 = arith.constant 2 : i32
        %get3A_721 = arith.index_cast %get3A_720 : i32 to index
        %get3A_722 = arith.index_cast %add3A_719 : i32 to index
        %get3A_723 = arith.constant 32 : index
        %get3A_724 = tpu.vector_load %arg6[%get3A_721, %get3A_722, %get3A_723] {strides = array<i32>} : memref<4x160x128xf32, #tpu.memory_space<vmem>>, vector<1x1x16xf32>,
        %get3A_725 = vector.shape_cast %get3A_724 : vector<1x1x16xf32> to vector<16xf32>
        %add3A_726 = arith.addf %add3A_715, %get3A_725 : vector<16xf32>
        %mul3A_727 = arith.constant 5 : i32
        %mul3A_728 = arith.muli %mul3A_727, %scan3A_568 : i32
        %add3A_729 = arith.constant 4 : i32
        %add3A_730 = arith.addi %mul3A_728, %add3A_729 : i32
        %get3A_731 = arith.constant 2 : i32
        %get3A_732 = arith.index_cast %get3A_731 : i32 to index
        %get3A_733 = arith.index_cast %add3A_730 : i32 to index
        %get3A_734 = arith.constant 32 : index
        %get3A_735 = tpu.vector_load %arg6[%get3A_732, %get3A_733, %get3A_734] {strides = array<i32>} : memref<4x160x128xf32, #tpu.memory_space<vmem>>, vector<1x1x16xf32>,
        %get3A_736 = vector.shape_cast %get3A_735 : vector<1x1x16xf32> to vector<16xf32>
        %add3A_737 = arith.addf %add3A_726, %get3A_736 : vector<16xf32>
        %swap3A_738 = arith.constant 0 : i32
        %swap3A_739 = arith.index_cast %swap3A_738 : i32 to index
        %swap3A_740 = arith.index_cast %scan3A_568 : i32 to index
        %swap3A_741 = arith.constant 32 : index
        %swap3A_742 = tpu.vector_load %arg7[%swap3A_739, %swap3A_740, %swap3A_741] {strides = array<i32>} : memref<2x32x128xf32, #tpu.memory_space<vmem>>, vector<1x1x16xf32>,
        %swap3A_743 = vector.shape_cast %swap3A_742 : vector<1x1x16xf32> to vector<16xf32>
        %swap3A_744 = vector.shape_cast %add3A_737 : vector<16xf32> to vector<1x1x16xf32>
        tpu.vector_store %arg7[%swap3A_739, %swap3A_740, %swap3A_741], %swap3A_744 {strides = array<i32>} : memref<2x32x128xf32, #tpu.memory_space<vmem>>, vector<1x1x16xf32>,
        %mul3A_745 = arith.constant 5 : i32
        %mul3A_746 = arith.muli %mul3A_745, %scan3A_568 : i32
        %get3A_747 = arith.constant 2 : i32
        %get3A_748 = arith.index_cast %get3A_747 : i32 to index
        %get3A_749 = arith.index_cast %mul3A_746 : i32 to index
        %get3A_750 = arith.constant 48 : index
        %get3A_751 = tpu.vector_load %arg6[%get3A_748, %get3A_749, %get3A_750] {strides = array<i32>} : memref<4x160x128xf32, #tpu.memory_space<vmem>>, vector<1x1x16xf32>,
        %get3A_752 = vector.shape_cast %get3A_751 : vector<1x1x16xf32> to vector<16xf32>
        %mul3A_753 = arith.constant 5 : i32
        %mul3A_754 = arith.muli %mul3A_753, %scan3A_568 : i32
        %add3A_755 = arith.constant 1 : i32
        %add3A_756 = arith.addi %mul3A_754, %add3A_755 : i32
        %get3A_757 = arith.constant 2 : i32
        %get3A_758 = arith.index_cast %get3A_757 : i32 to index
        %get3A_759 = arith.index_cast %add3A_756 : i32 to index
        %get3A_760 = arith.constant 48 : index
        %get3A_761 = tpu.vector_load %arg6[%get3A_758, %get3A_759, %get3A_760] {strides = array<i32>} : memref<4x160x128xf32, #tpu.memory_space<vmem>>, vector<1x1x16xf32>,
        %get3A_762 = vector.shape_cast %get3A_761 : vector<1x1x16xf32> to vector<16xf32>
        %add3A_763 = arith.addf %get3A_752, %get3A_762 : vector<16xf32>
        %mul3A_764 = arith.constant 5 : i32
        %mul3A_765 = arith.muli %mul3A_764, %scan3A_568 : i32
        %add3A_766 = arith.constant 2 : i32
        %add3A_767 = arith.addi %mul3A_765, %add3A_766 : i32
        %get3A_768 = arith.constant 2 : i32
        %get3A_769 = arith.index_cast %get3A_768 : i32 to index
        %get3A_770 = arith.index_cast %add3A_767 : i32 to index
        %get3A_771 = arith.constant 48 : index
        %get3A_772 = tpu.vector_load %arg6[%get3A_769, %get3A_770, %get3A_771] {strides = array<i32>} : memref<4x160x128xf32, #tpu.memory_space<vmem>>, vector<1x1x16xf32>,
        %get3A_773 = vector.shape_cast %get3A_772 : vector<1x1x16xf32> to vector<16xf32>
        %add3A_774 = arith.addf %add3A_763, %get3A_773 : vector<16xf32>
        %mul3A_775 = arith.constant 5 : i32
        %mul3A_776 = arith.muli %mul3A_775, %scan3A_568 : i32
        %add3A_777 = arith.constant 3 : i32
        %add3A_778 = arith.addi %mul3A_776, %add3A_777 : i32
        %get3A_779 = arith.constant 2 : i32
        %get3A_780 = arith.index_cast %get3A_779 : i32 to index
        %get3A_781 = arith.index_cast %add3A_778 : i32 to index
        %get3A_782 = arith.constant 48 : index
        %get3A_783 = tpu.vector_load %arg6[%get3A_780, %get3A_781, %get3A_782] {strides = array<i32>} : memref<4x160x128xf32, #tpu.memory_space<vmem>>, vector<1x1x16xf32>,
        %get3A_784 = vector.shape_cast %get3A_783 : vector<1x1x16xf32> to vector<16xf32>
        %add3A_785 = arith.addf %add3A_774, %get3A_784 : vector<16xf32>
        %mul3A_786 = arith.constant 5 : i32
        %mul3A_787 = arith.muli %mul3A_786, %scan3A_568 : i32
        %add3A_788 = arith.constant 4 : i32
        %add3A_789 = arith.addi %mul3A_787, %add3A_788 : i32
        %get3A_790 = arith.constant 2 : i32
        %get3A_791 = arith.index_cast %get3A_790 : i32 to index
        %get3A_792 = arith.index_cast %add3A_789 : i32 to index
        %get3A_793 = arith.constant 48 : index
        %get3A_794 = tpu.vector_load %arg6[%get3A_791, %get3A_792, %get3A_793] {strides = array<i32>} : memref<4x160x128xf32, #tpu.memory_space<vmem>>, vector<1x1x16xf32>,
        %get3A_795 = vector.shape_cast %get3A_794 : vector<1x1x16xf32> to vector<16xf32>
        %add3A_796 = arith.addf %add3A_785, %get3A_795 : vector<16xf32>
        %swap3A_797 = arith.constant 0 : i32
        %swap3A_798 = arith.index_cast %swap3A_797 : i32 to index
        %swap3A_799 = arith.index_cast %scan3A_568 : i32 to index
        %swap3A_800 = arith.constant 48 : index
        %swap3A_801 = tpu.vector_load %arg7[%swap3A_798, %swap3A_799, %swap3A_800] {strides = array<i32>} : memref<2x32x128xf32, #tpu.memory_space<vmem>>, vector<1x1x16xf32>,
        %swap3A_802 = vector.shape_cast %swap3A_801 : vector<1x1x16xf32> to vector<16xf32>
        %swap3A_803 = vector.shape_cast %add3A_796 : vector<16xf32> to vector<1x1x16xf32>
        tpu.vector_store %arg7[%swap3A_798, %swap3A_799, %swap3A_800], %swap3A_803 {strides = array<i32>} : memref<2x32x128xf32, #tpu.memory_space<vmem>>, vector<1x1x16xf32>,
        %mul3A_804 = arith.constant 5 : i32
        %mul3A_805 = arith.muli %mul3A_804, %scan3A_568 : i32
        %get3A_806 = arith.constant 2 : i32
        %get3A_807 = arith.index_cast %get3A_806 : i32 to index
        %get3A_808 = arith.index_cast %mul3A_805 : i32 to index
        %get3A_809 = arith.constant 64 : index
        %get3A_810 = tpu.vector_load %arg6[%get3A_807, %get3A_808, %get3A_809] {strides = array<i32>} : memref<4x160x128xf32, #tpu.memory_space<vmem>>, vector<1x1x16xf32>,
        %get3A_811 = vector.shape_cast %get3A_810 : vector<1x1x16xf32> to vector<16xf32>
        %mul3A_812 = arith.constant 5 : i32
        %mul3A_813 = arith.muli %mul3A_812, %scan3A_568 : i32
        %add3A_814 = arith.constant 1 : i32
        %add3A_815 = arith.addi %mul3A_813, %add3A_814 : i32
        %get3A_816 = arith.constant 2 : i32
        %get3A_817 = arith.index_cast %get3A_816 : i32 to index
        %get3A_818 = arith.index_cast %add3A_815 : i32 to index
        %get3A_819 = arith.constant 64 : index
        %get3A_820 = tpu.vector_load %arg6[%get3A_817, %get3A_818, %get3A_819] {strides = array<i32>} : memref<4x160x128xf32, #tpu.memory_space<vmem>>, vector<1x1x16xf32>,
        %get3A_821 = vector.shape_cast %get3A_820 : vector<1x1x16xf32> to vector<16xf32>
        %add3A_822 = arith.addf %get3A_811, %get3A_821 : vector<16xf32>
        %mul3A_823 = arith.constant 5 : i32
        %mul3A_824 = arith.muli %mul3A_823, %scan3A_568 : i32
        %add3A_825 = arith.constant 2 : i32
        %add3A_826 = arith.addi %mul3A_824, %add3A_825 : i32
        %get3A_827 = arith.constant 2 : i32
        %get3A_828 = arith.index_cast %get3A_827 : i32 to index
        %get3A_829 = arith.index_cast %add3A_826 : i32 to index
        %get3A_830 = arith.constant 64 : index
        %get3A_831 = tpu.vector_load %arg6[%get3A_828, %get3A_829, %get3A_830] {strides = array<i32>} : memref<4x160x128xf32, #tpu.memory_space<vmem>>, vector<1x1x16xf32>,
        %get3A_832 = vector.shape_cast %get3A_831 : vector<1x1x16xf32> to vector<16xf32>
        %add3A_833 = arith.addf %add3A_822, %get3A_832 : vector<16xf32>
        %mul3A_834 = arith.constant 5 : i32
        %mul3A_835 = arith.muli %mul3A_834, %scan3A_568 : i32
        %add3A_836 = arith.constant 3 : i32
        %add3A_837 = arith.addi %mul3A_835, %add3A_836 : i32
        %get3A_838 = arith.constant 2 : i32
        %get3A_839 = arith.index_cast %get3A_838 : i32 to index
        %get3A_840 = arith.index_cast %add3A_837 : i32 to index
        %get3A_841 = arith.constant 64 : index
        %get3A_842 = tpu.vector_load %arg6[%get3A_839, %get3A_840, %get3A_841] {strides = array<i32>} : memref<4x160x128xf32, #tpu.memory_space<vmem>>, vector<1x1x16xf32>,
        %get3A_843 = vector.shape_cast %get3A_842 : vector<1x1x16xf32> to vector<16xf32>
        %add3A_844 = arith.addf %add3A_833, %get3A_843 : vector<16xf32>
        %mul3A_845 = arith.constant 5 : i32
        %mul3A_846 = arith.muli %mul3A_845, %scan3A_568 : i32
        %add3A_847 = arith.constant 4 : i32
        %add3A_848 = arith.addi %mul3A_846, %add3A_847 : i32
        %get3A_849 = arith.constant 2 : i32
        %get3A_850 = arith.index_cast %get3A_849 : i32 to index
        %get3A_851 = arith.index_cast %add3A_848 : i32 to index
        %get3A_852 = arith.constant 64 : index
        %get3A_853 = tpu.vector_load %arg6[%get3A_850, %get3A_851, %get3A_852] {strides = array<i32>} : memref<4x160x128xf32, #tpu.memory_space<vmem>>, vector<1x1x16xf32>,
        %get3A_854 = vector.shape_cast %get3A_853 : vector<1x1x16xf32> to vector<16xf32>
        %add3A_855 = arith.addf %add3A_844, %get3A_854 : vector<16xf32>
        %swap3A_856 = arith.constant 0 : i32
        %swap3A_857 = arith.index_cast %swap3A_856 : i32 to index
        %swap3A_858 = arith.index_cast %scan3A_568 : i32 to index
        %swap3A_859 = arith.constant 64 : index
        %swap3A_860 = tpu.vector_load %arg7[%swap3A_857, %swap3A_858, %swap3A_859] {strides = array<i32>} : memref<2x32x128xf32, #tpu.memory_space<vmem>>, vector<1x1x16xf32>,
        %swap3A_861 = vector.shape_cast %swap3A_860 : vector<1x1x16xf32> to vector<16xf32>
        %swap3A_862 = vector.shape_cast %add3A_855 : vector<16xf32> to vector<1x1x16xf32>
        tpu.vector_store %arg7[%swap3A_857, %swap3A_858, %swap3A_859], %swap3A_862 {strides = array<i32>} : memref<2x32x128xf32, #tpu.memory_space<vmem>>, vector<1x1x16xf32>,
        %mul3A_863 = arith.constant 5 : i32
        %mul3A_864 = arith.muli %mul3A_863, %scan3A_568 : i32
        %get3A_865 = arith.constant 2 : i32
        %get3A_866 = arith.index_cast %get3A_865 : i32 to index
        %get3A_867 = arith.index_cast %mul3A_864 : i32 to index
        %get3A_868 = arith.constant 80 : index
        %get3A_869 = tpu.vector_load %arg6[%get3A_866, %get3A_867, %get3A_868] {strides = array<i32>} : memref<4x160x128xf32, #tpu.memory_space<vmem>>, vector<1x1x16xf32>,
        %get3A_870 = vector.shape_cast %get3A_869 : vector<1x1x16xf32> to vector<16xf32>
        %mul3A_871 = arith.constant 5 : i32
        %mul3A_872 = arith.muli %mul3A_871, %scan3A_568 : i32
        %add3A_873 = arith.constant 1 : i32
        %add3A_874 = arith.addi %mul3A_872, %add3A_873 : i32
        %get3A_875 = arith.constant 2 : i32
        %get3A_876 = arith.index_cast %get3A_875 : i32 to index
        %get3A_877 = arith.index_cast %add3A_874 : i32 to index
        %get3A_878 = arith.constant 80 : index
        %get3A_879 = tpu.vector_load %arg6[%get3A_876, %get3A_877, %get3A_878] {strides = array<i32>} : memref<4x160x128xf32, #tpu.memory_space<vmem>>, vector<1x1x16xf32>,
        %get3A_880 = vector.shape_cast %get3A_879 : vector<1x1x16xf32> to vector<16xf32>
        %add3A_881 = arith.addf %get3A_870, %get3A_880 : vector<16xf32>
        %mul3A_882 = arith.constant 5 : i32
        %mul3A_883 = arith.muli %mul3A_882, %scan3A_568 : i32
        %add3A_884 = arith.constant 2 : i32
        %add3A_885 = arith.addi %mul3A_883, %add3A_884 : i32
        %get3A_886 = arith.constant 2 : i32
        %get3A_887 = arith.index_cast %get3A_886 : i32 to index
        %get3A_888 = arith.index_cast %add3A_885 : i32 to index
        %get3A_889 = arith.constant 80 : index
        %get3A_890 = tpu.vector_load %arg6[%get3A_887, %get3A_888, %get3A_889] {strides = array<i32>} : memref<4x160x128xf32, #tpu.memory_space<vmem>>, vector<1x1x16xf32>,
        %get3A_891 = vector.shape_cast %get3A_890 : vector<1x1x16xf32> to vector<16xf32>
        %add3A_892 = arith.addf %add3A_881, %get3A_891 : vector<16xf32>
        %mul3A_893 = arith.constant 5 : i32
        %mul3A_894 = arith.muli %mul3A_893, %scan3A_568 : i32
        %add3A_895 = arith.constant 3 : i32
        %add3A_896 = arith.addi %mul3A_894, %add3A_895 : i32
        %get3A_897 = arith.constant 2 : i32
        %get3A_898 = arith.index_cast %get3A_897 : i32 to index
        %get3A_899 = arith.index_cast %add3A_896 : i32 to index
        %get3A_900 = arith.constant 80 : index
        %get3A_901 = tpu.vector_load %arg6[%get3A_898, %get3A_899, %get3A_900] {strides = array<i32>} : memref<4x160x128xf32, #tpu.memory_space<vmem>>, vector<1x1x16xf32>,
        %get3A_902 = vector.shape_cast %get3A_901 : vector<1x1x16xf32> to vector<16xf32>
        %add3A_903 = arith.addf %add3A_892, %get3A_902 : vector<16xf32>
        %mul3A_904 = arith.constant 5 : i32
        %mul3A_905 = arith.muli %mul3A_904, %scan3A_568 : i32
        %add3A_906 = arith.constant 4 : i32
        %add3A_907 = arith.addi %mul3A_905, %add3A_906 : i32
        %get3A_908 = arith.constant 2 : i32
        %get3A_909 = arith.index_cast %get3A_908 : i32 to index
        %get3A_910 = arith.index_cast %add3A_907 : i32 to index
        %get3A_911 = arith.constant 80 : index
        %get3A_912 = tpu.vector_load %arg6[%get3A_909, %get3A_910, %get3A_911] {strides = array<i32>} : memref<4x160x128xf32, #tpu.memory_space<vmem>>, vector<1x1x16xf32>,
        %get3A_913 = vector.shape_cast %get3A_912 : vector<1x1x16xf32> to vector<16xf32>
        %add3A_914 = arith.addf %add3A_903, %get3A_913 : vector<16xf32>
        %swap3A_915 = arith.constant 0 : i32
        %swap3A_916 = arith.index_cast %swap3A_915 : i32 to index
        %swap3A_917 = arith.index_cast %scan3A_568 : i32 to index
        %swap3A_918 = arith.constant 80 : index
        %swap3A_919 = tpu.vector_load %arg7[%swap3A_916, %swap3A_917, %swap3A_918] {strides = array<i32>} : memref<2x32x128xf32, #tpu.memory_space<vmem>>, vector<1x1x16xf32>,
        %swap3A_920 = vector.shape_cast %swap3A_919 : vector<1x1x16xf32> to vector<16xf32>
        %swap3A_921 = vector.shape_cast %add3A_914 : vector<16xf32> to vector<1x1x16xf32>
        tpu.vector_store %arg7[%swap3A_916, %swap3A_917, %swap3A_918], %swap3A_921 {strides = array<i32>} : memref<2x32x128xf32, #tpu.memory_space<vmem>>, vector<1x1x16xf32>,
        %mul3A_922 = arith.constant 5 : i32
        %mul3A_923 = arith.muli %mul3A_922, %scan3A_568 : i32
        %get3A_924 = arith.constant 2 : i32
        %get3A_925 = arith.index_cast %get3A_924 : i32 to index
        %get3A_926 = arith.index_cast %mul3A_923 : i32 to index
        %get3A_927 = arith.constant 96 : index
        %get3A_928 = tpu.vector_load %arg6[%get3A_925, %get3A_926, %get3A_927] {strides = array<i32>} : memref<4x160x128xf32, #tpu.memory_space<vmem>>, vector<1x1x16xf32>,
        %get3A_929 = vector.shape_cast %get3A_928 : vector<1x1x16xf32> to vector<16xf32>
        %mul3A_930 = arith.constant 5 : i32
        %mul3A_931 = arith.muli %mul3A_930, %scan3A_568 : i32
        %add3A_932 = arith.constant 1 : i32
        %add3A_933 = arith.addi %mul3A_931, %add3A_932 : i32
        %get3A_934 = arith.constant 2 : i32
        %get3A_935 = arith.index_cast %get3A_934 : i32 to index
        %get3A_936 = arith.index_cast %add3A_933 : i32 to index
        %get3A_937 = arith.constant 96 : index
        %get3A_938 = tpu.vector_load %arg6[%get3A_935, %get3A_936, %get3A_937] {strides = array<i32>} : memref<4x160x128xf32, #tpu.memory_space<vmem>>, vector<1x1x16xf32>,
        %get3A_939 = vector.shape_cast %get3A_938 : vector<1x1x16xf32> to vector<16xf32>
        %add3A_940 = arith.addf %get3A_929, %get3A_939 : vector<16xf32>
        %mul3A_941 = arith.constant 5 : i32
        %mul3A_942 = arith.muli %mul3A_941, %scan3A_568 : i32
        %add3A_943 = arith.constant 2 : i32
        %add3A_944 = arith.addi %mul3A_942, %add3A_943 : i32
        %get3A_945 = arith.constant 2 : i32
        %get3A_946 = arith.index_cast %get3A_945 : i32 to index
        %get3A_947 = arith.index_cast %add3A_944 : i32 to index
        %get3A_948 = arith.constant 96 : index
        %get3A_949 = tpu.vector_load %arg6[%get3A_946, %get3A_947, %get3A_948] {strides = array<i32>} : memref<4x160x128xf32, #tpu.memory_space<vmem>>, vector<1x1x16xf32>,
        %get3A_950 = vector.shape_cast %get3A_949 : vector<1x1x16xf32> to vector<16xf32>
        %add3A_951 = arith.addf %add3A_940, %get3A_950 : vector<16xf32>
        %mul3A_952 = arith.constant 5 : i32
        %mul3A_953 = arith.muli %mul3A_952, %scan3A_568 : i32
        %add3A_954 = arith.constant 3 : i32
        %add3A_955 = arith.addi %mul3A_953, %add3A_954 : i32
        %get3A_956 = arith.constant 2 : i32
        %get3A_957 = arith.index_cast %get3A_956 : i32 to index
        %get3A_958 = arith.index_cast %add3A_955 : i32 to index
        %get3A_959 = arith.constant 96 : index
        %get3A_960 = tpu.vector_load %arg6[%get3A_957, %get3A_958, %get3A_959] {strides = array<i32>} : memref<4x160x128xf32, #tpu.memory_space<vmem>>, vector<1x1x16xf32>,
        %get3A_961 = vector.shape_cast %get3A_960 : vector<1x1x16xf32> to vector<16xf32>
        %add3A_962 = arith.addf %add3A_951, %get3A_961 : vector<16xf32>
        %mul3A_963 = arith.constant 5 : i32
        %mul3A_964 = arith.muli %mul3A_963, %scan3A_568 : i32
        %add3A_965 = arith.constant 4 : i32
        %add3A_966 = arith.addi %mul3A_964, %add3A_965 : i32
        %get3A_967 = arith.constant 2 : i32
        %get3A_968 = arith.index_cast %get3A_967 : i32 to index
        %get3A_969 = arith.index_cast %add3A_966 : i32 to index
        %get3A_970 = arith.constant 96 : index
        %get3A_971 = tpu.vector_load %arg6[%get3A_968, %get3A_969, %get3A_970] {strides = array<i32>} : memref<4x160x128xf32, #tpu.memory_space<vmem>>, vector<1x1x16xf32>,
        %get3A_972 = vector.shape_cast %get3A_971 : vector<1x1x16xf32> to vector<16xf32>
        %add3A_973 = arith.addf %add3A_962, %get3A_972 : vector<16xf32>
        %swap3A_974 = arith.constant 0 : i32
        %swap3A_975 = arith.index_cast %swap3A_974 : i32 to index
        %swap3A_976 = arith.index_cast %scan3A_568 : i32 to index
        %swap3A_977 = arith.constant 96 : index
        %swap3A_978 = tpu.vector_load %arg7[%swap3A_975, %swap3A_976, %swap3A_977] {strides = array<i32>} : memref<2x32x128xf32, #tpu.memory_space<vmem>>, vector<1x1x16xf32>,
        %swap3A_979 = vector.shape_cast %swap3A_978 : vector<1x1x16xf32> to vector<16xf32>
        %swap3A_980 = vector.shape_cast %add3A_973 : vector<16xf32> to vector<1x1x16xf32>
        tpu.vector_store %arg7[%swap3A_975, %swap3A_976, %swap3A_977], %swap3A_980 {strides = array<i32>} : memref<2x32x128xf32, #tpu.memory_space<vmem>>, vector<1x1x16xf32>,
        %mul3A_981 = arith.constant 5 : i32
        %mul3A_982 = arith.muli %mul3A_981, %scan3A_568 : i32
        %get3A_983 = arith.constant 2 : i32
        %get3A_984 = arith.index_cast %get3A_983 : i32 to index
        %get3A_985 = arith.index_cast %mul3A_982 : i32 to index
        %get3A_986 = arith.constant 112 : index
        %get3A_987 = tpu.vector_load %arg6[%get3A_984, %get3A_985, %get3A_986] {strides = array<i32>} : memref<4x160x128xf32, #tpu.memory_space<vmem>>, vector<1x1x16xf32>,
        %get3A_988 = vector.shape_cast %get3A_987 : vector<1x1x16xf32> to vector<16xf32>
        %mul3A_989 = arith.constant 5 : i32
        %mul3A_990 = arith.muli %mul3A_989, %scan3A_568 : i32
        %add3A_991 = arith.constant 1 : i32
        %add3A_992 = arith.addi %mul3A_990, %add3A_991 : i32
        %get3A_993 = arith.constant 2 : i32
        %get3A_994 = arith.index_cast %get3A_993 : i32 to index
        %get3A_995 = arith.index_cast %add3A_992 : i32 to index
        %get3A_996 = arith.constant 112 : index
        %get3A_997 = tpu.vector_load %arg6[%get3A_994, %get3A_995, %get3A_996] {strides = array<i32>} : memref<4x160x128xf32, #tpu.memory_space<vmem>>, vector<1x1x16xf32>,
        %get3A_998 = vector.shape_cast %get3A_997 : vector<1x1x16xf32> to vector<16xf32>
        %add3A_999 = arith.addf %get3A_988, %get3A_998 : vector<16xf32>
        %mul3A_1000 = arith.constant 5 : i32
        %mul3A_1001 = arith.muli %mul3A_1000, %scan3A_568 : i32
        %add3A_1002 = arith.constant 2 : i32
        %add3A_1003 = arith.addi %mul3A_1001, %add3A_1002 : i32
        %get3A_1004 = arith.constant 2 : i32
        %get3A_1005 = arith.index_cast %get3A_1004 : i32 to index
        %get3A_1006 = arith.index_cast %add3A_1003 : i32 to index
        %get3A_1007 = arith.constant 112 : index
        %get3A_1008 = tpu.vector_load %arg6[%get3A_1005, %get3A_1006, %get3A_1007] {strides = array<i32>} : memref<4x160x128xf32, #tpu.memory_space<vmem>>, vector<1x1x16xf32>,
        %get3A_1009 = vector.shape_cast %get3A_1008 : vector<1x1x16xf32> to vector<16xf32>
        %add3A_1010 = arith.addf %add3A_999, %get3A_1009 : vector<16xf32>
        %mul3A_1011 = arith.constant 5 : i32
        %mul3A_1012 = arith.muli %mul3A_1011, %scan3A_568 : i32
        %add3A_1013 = arith.constant 3 : i32
        %add3A_1014 = arith.addi %mul3A_1012, %add3A_1013 : i32
        %get3A_1015 = arith.constant 2 : i32
        %get3A_1016 = arith.index_cast %get3A_1015 : i32 to index
        %get3A_1017 = arith.index_cast %add3A_1014 : i32 to index
        %get3A_1018 = arith.constant 112 : index
        %get3A_1019 = tpu.vector_load %arg6[%get3A_1016, %get3A_1017, %get3A_1018] {strides = array<i32>} : memref<4x160x128xf32, #tpu.memory_space<vmem>>, vector<1x1x16xf32>,
        %get3A_1020 = vector.shape_cast %get3A_1019 : vector<1x1x16xf32> to vector<16xf32>
        %add3A_1021 = arith.addf %add3A_1010, %get3A_1020 : vector<16xf32>
        %mul3A_1022 = arith.constant 5 : i32
        %mul3A_1023 = arith.muli %mul3A_1022, %scan3A_568 : i32
        %add3A_1024 = arith.constant 4 : i32
        %add3A_1025 = arith.addi %mul3A_1023, %add3A_1024 : i32
        %get3A_1026 = arith.constant 2 : i32
        %get3A_1027 = arith.index_cast %get3A_1026 : i32 to index
        %get3A_1028 = arith.index_cast %add3A_1025 : i32 to index
        %get3A_1029 = arith.constant 112 : index
        %get3A_1030 = tpu.vector_load %arg6[%get3A_1027, %get3A_1028, %get3A_1029] {strides = array<i32>} : memref<4x160x128xf32, #tpu.memory_space<vmem>>, vector<1x1x16xf32>,
        %get3A_1031 = vector.shape_cast %get3A_1030 : vector<1x1x16xf32> to vector<16xf32>
        %add3A_1032 = arith.addf %add3A_1021, %get3A_1031 : vector<16xf32>
        %swap3A_1033 = arith.constant 0 : i32
        %swap3A_1034 = arith.index_cast %swap3A_1033 : i32 to index
        %swap3A_1035 = arith.index_cast %scan3A_568 : i32 to index
        %swap3A_1036 = arith.constant 112 : index
        %swap3A_1037 = tpu.vector_load %arg7[%swap3A_1034, %swap3A_1035, %swap3A_1036] {strides = array<i32>} : memref<2x32x128xf32, #tpu.memory_space<vmem>>, vector<1x1x16xf32>,
        %swap3A_1038 = vector.shape_cast %swap3A_1037 : vector<1x1x16xf32> to vector<16xf32>
        %swap3A_1039 = vector.shape_cast %add3A_1032 : vector<16xf32> to vector<1x1x16xf32>
        tpu.vector_store %arg7[%swap3A_1034, %swap3A_1035, %swap3A_1036], %swap3A_1039 {strides = array<i32>} : memref<2x32x128xf32, #tpu.memory_space<vmem>>, vector<1x1x16xf32>,
        %scan3A_1040 = arith.constant 0 : i32
        scf.yield %scan3A_1040 : i32
      }
      %scan3A_460 = arith.constant 32 : i32
      %mul3A_461 = arith.constant 32 : i32
      %mul3A_462 = arith.muli %add3A_390, %mul3A_461 : i32
      %add3A_463 = arith.addi %add3A, %mul3A_462 : i32
      %dma_start3A_464 = arith.constant 0 : i32
      %dma_start3A_465 = arith.constant 0 : i32
      %dma_start3A_466 = arith.constant 0 : i32
      %dma_start3A_467 = tpu.memref_slice %arg7[%dma_start3A_464, %dma_start3A_465, %dma_start3A_466] : memref<2x32x128xf32, #tpu.memory_space<vmem>> -> memref<1x32x128xf32, #tpu.memory_space<vmem>>
      %dma_start3A_468 = tpu.memref_squeeze %dma_start3A_467 : memref<1x32x128xf32, #tpu.memory_space<vmem>> -> memref<32x128xf32, #tpu.memory_space<vmem>>
      %dma_start3A_469 = arith.constant 0 : i32
      %dma_start3A_470 = tpu.memref_slice %arg4[%add3A_463, %dma_start3A_469] : memref<102400x128xf32, #tpu.memory_space<hbm>> -> memref<32x128xf32, #tpu.memory_space<hbm>>
      %dma_start3A_471 = arith.constant 0 : i32
      %dma_start3A_472 = tpu.memref_slice %arg4[%add3A_463, %dma_start3A_471] : memref<102400x128xf32, #tpu.memory_space<hbm>> -> memref<32x128xf32, #tpu.memory_space<hbm>>
      %dma_start3A_473 = arith.constant 0 : i32
      %dma_start3A_474 = arith.constant 0 : i32
      %dma_start3A_475 = tpu.memref_slice %arg7[%dma_start3A_464, %dma_start3A_473, %dma_start3A_474] : memref<2x32x128xf32, #tpu.memory_space<vmem>> -> memref<1x32x128xf32, #tpu.memory_space<vmem>>
      %dma_start3A_476 = tpu.memref_squeeze %dma_start3A_475 : memref<1x32x128xf32, #tpu.memory_space<vmem>> -> memref<32x128xf32, #tpu.memory_space<vmem>>
      tpu.enqueue_dma source(%dma_start3A_476 : memref<32x128xf32, #tpu.memory_space<vmem>>) target(%dma_start3A_472 : memref<32x128xf32, #tpu.memory_space<hbm>>) target_semaphore(%arg12 : memref<!tpu.dma_semaphore, #tpu.memory_space<semaphore_mem>>)
      %mul3A_477 = arith.constant 4 : i32
      %mul3A_478 = arith.muli %mul3A_477, %while3A_210 : i32
      %add3A_479 = arith.constant 3 : i32
      %add3A_480 = arith.addi %mul3A_478, %add3A_479 : i32
      %add3A_481 = arith.constant 4 : i32
      %add3A_482 = arith.addi %add3A_480, %add3A_481 : i32
      %sub3A_483 = arith.constant 1 : i32
      %sub3A_484 = arith.subi %add3A_482, %sub3A_483 : i32
      %lt3A_485 = arith.cmpi slt, %sub3A_484, %select_n3A : i32
      %convert_element_type3A_486 = arith.extui %lt3A_485 : i1 to i32
      %cond3A_487 = arith.constant 0 : i32
      %cond3A_488 = arith.cmpi ne, %convert_element_type3A_486, %cond3A_487 : i32
      scf.if %cond3A_488 {
        %mul3A_568 = arith.constant 160 : i32
        %mul3A_569 = arith.muli %sub3A_484, %mul3A_568 : i32
        %add3A_570 = arith.constant 0 : i32
        %add3A_571 = arith.addi %mul3A_569, %add3A_570 : i32
        %dma_start3A_572 = arith.constant 2 : i32
        %dma_start3A_573 = arith.constant 0 : i32
        %dma_start3A_574 = arith.constant 0 : i32
        %dma_start3A_575 = tpu.memref_slice %arg6[%dma_start3A_572, %dma_start3A_573, %dma_start3A_574] : memref<4x160x128xf32, #tpu.memory_space<vmem>> -> memref<1x32x128xf32, #tpu.memory_space<vmem>>
        %dma_start3A_576 = tpu.memref_squeeze %dma_start3A_575 : memref<1x32x128xf32, #tpu.memory_space<vmem>> -> memref<32x128xf32, #tpu.memory_space<vmem>>
        %dma_start3A_577 = tpu.memref_slice %arg5[%add3A_571] : memref<16000xi32, #tpu.memory_space<vmem>> -> memref<32xi32, #tpu.memory_space<vmem>>
        %dma_start3A_578 = arith.constant 0 : i32
        %dma_start3A_579 = arith.constant 0 : i32
        %dma_start3A_580 = tpu.memref_slice %arg2[%dma_start3A_578, %dma_start3A_579] : memref<100000x128xf32, #tpu.memory_space<hbm>> -> memref<100000x128xf32, #tpu.memory_space<hbm>>
        tpu.enqueue_indirect_dma source(%dma_start3A_580 : memref<100000x128xf32, #tpu.memory_space<hbm>>) target(%dma_start3A_576 : memref<32x128xf32, #tpu.memory_space<vmem>>) offsets(%dma_start3A_577 : memref<32xi32, #tpu.memory_space<vmem>>) semaphore(%arg10 : memref<!tpu.dma_semaphore, #tpu.memory_space<semaphore_mem>>)
        %mul3A_581 = arith.constant 160 : i32
        %mul3A_582 = arith.muli %sub3A_484, %mul3A_581 : i32
        %add3A_583 = arith.constant 32 : i32
        %add3A_584 = arith.addi %mul3A_582, %add3A_583 : i32
        %dma_start3A_585 = arith.constant 2 : i32
        %dma_start3A_586 = arith.constant 32 : i32
        %dma_start3A_587 = arith.constant 0 : i32
        %dma_start3A_588 = tpu.memref_slice %arg6[%dma_start3A_585, %dma_start3A_586, %dma_start3A_587] : memref<4x160x128xf32, #tpu.memory_space<vmem>> -> memref<1x32x128xf32, #tpu.memory_space<vmem>>
        %dma_start3A_589 = tpu.memref_squeeze %dma_start3A_588 : memref<1x32x128xf32, #tpu.memory_space<vmem>> -> memref<32x128xf32, #tpu.memory_space<vmem>>
        %dma_start3A_590 = tpu.memref_slice %arg5[%add3A_584] : memref<16000xi32, #tpu.memory_space<vmem>> -> memref<32xi32, #tpu.memory_space<vmem>>
        %dma_start3A_591 = arith.constant 0 : i32
        %dma_start3A_592 = arith.constant 0 : i32
        %dma_start3A_593 = tpu.memref_slice %arg2[%dma_start3A_591, %dma_start3A_592] : memref<100000x128xf32, #tpu.memory_space<hbm>> -> memref<100000x128xf32, #tpu.memory_space<hbm>>
        tpu.enqueue_indirect_dma source(%dma_start3A_593 : memref<100000x128xf32, #tpu.memory_space<hbm>>) target(%dma_start3A_589 : memref<32x128xf32, #tpu.memory_space<vmem>>) offsets(%dma_start3A_590 : memref<32xi32, #tpu.memory_space<vmem>>) semaphore(%arg10 : memref<!tpu.dma_semaphore, #tpu.memory_space<semaphore_mem>>)
        %mul3A_594 = arith.constant 160 : i32
        %mul3A_595 = arith.muli %sub3A_484, %mul3A_594 : i32
        %add3A_596 = arith.constant 64 : i32
        %add3A_597 = arith.addi %mul3A_595, %add3A_596 : i32
        %dma_start3A_598 = arith.constant 2 : i32
        %dma_start3A_599 = arith.constant 64 : i32
        %dma_start3A_600 = arith.constant 0 : i32
        %dma_start3A_601 = tpu.memref_slice %arg6[%dma_start3A_598, %dma_start3A_599, %dma_start3A_600] : memref<4x160x128xf32, #tpu.memory_space<vmem>> -> memref<1x32x128xf32, #tpu.memory_space<vmem>>
        %dma_start3A_602 = tpu.memref_squeeze %dma_start3A_601 : memref<1x32x128xf32, #tpu.memory_space<vmem>> -> memref<32x128xf32, #tpu.memory_space<vmem>>
        %dma_start3A_603 = tpu.memref_slice %arg5[%add3A_597] : memref<16000xi32, #tpu.memory_space<vmem>> -> memref<32xi32, #tpu.memory_space<vmem>>
        %dma_start3A_604 = arith.constant 0 : i32
        %dma_start3A_605 = arith.constant 0 : i32
        %dma_start3A_606 = tpu.memref_slice %arg2[%dma_start3A_604, %dma_start3A_605] : memref<100000x128xf32, #tpu.memory_space<hbm>> -> memref<100000x128xf32, #tpu.memory_space<hbm>>
        tpu.enqueue_indirect_dma source(%dma_start3A_606 : memref<100000x128xf32, #tpu.memory_space<hbm>>) target(%dma_start3A_602 : memref<32x128xf32, #tpu.memory_space<vmem>>) offsets(%dma_start3A_603 : memref<32xi32, #tpu.memory_space<vmem>>) semaphore(%arg10 : memref<!tpu.dma_semaphore, #tpu.memory_space<semaphore_mem>>)
        %mul3A_607 = arith.constant 160 : i32
        %mul3A_608 = arith.muli %sub3A_484, %mul3A_607 : i32
        %add3A_609 = arith.constant 96 : i32
        %add3A_610 = arith.addi %mul3A_608, %add3A_609 : i32
        %dma_start3A_611 = arith.constant 2 : i32
        %dma_start3A_612 = arith.constant 96 : i32
        %dma_start3A_613 = arith.constant 0 : i32
        %dma_start3A_614 = tpu.memref_slice %arg6[%dma_start3A_611, %dma_start3A_612, %dma_start3A_613] : memref<4x160x128xf32, #tpu.memory_space<vmem>> -> memref<1x32x128xf32, #tpu.memory_space<vmem>>
        %dma_start3A_615 = tpu.memref_squeeze %dma_start3A_614 : memref<1x32x128xf32, #tpu.memory_space<vmem>> -> memref<32x128xf32, #tpu.memory_space<vmem>>
        %dma_start3A_616 = tpu.memref_slice %arg5[%add3A_610] : memref<16000xi32, #tpu.memory_space<vmem>> -> memref<32xi32, #tpu.memory_space<vmem>>
        %dma_start3A_617 = arith.constant 0 : i32
        %dma_start3A_618 = arith.constant 0 : i32
        %dma_start3A_619 = tpu.memref_slice %arg2[%dma_start3A_617, %dma_start3A_618] : memref<100000x128xf32, #tpu.memory_space<hbm>> -> memref<100000x128xf32, #tpu.memory_space<hbm>>
        tpu.enqueue_indirect_dma source(%dma_start3A_619 : memref<100000x128xf32, #tpu.memory_space<hbm>>) target(%dma_start3A_615 : memref<32x128xf32, #tpu.memory_space<vmem>>) offsets(%dma_start3A_616 : memref<32xi32, #tpu.memory_space<vmem>>) semaphore(%arg10 : memref<!tpu.dma_semaphore, #tpu.memory_space<semaphore_mem>>)
        %mul3A_620 = arith.constant 160 : i32
        %mul3A_621 = arith.muli %sub3A_484, %mul3A_620 : i32
        %add3A_622 = arith.constant 128 : i32
        %add3A_623 = arith.addi %mul3A_621, %add3A_622 : i32
        %dma_start3A_624 = arith.constant 2 : i32
        %dma_start3A_625 = arith.constant 128 : i32
        %dma_start3A_626 = arith.constant 0 : i32
        %dma_start3A_627 = tpu.memref_slice %arg6[%dma_start3A_624, %dma_start3A_625, %dma_start3A_626] : memref<4x160x128xf32, #tpu.memory_space<vmem>> -> memref<1x32x128xf32, #tpu.memory_space<vmem>>
        %dma_start3A_628 = tpu.memref_squeeze %dma_start3A_627 : memref<1x32x128xf32, #tpu.memory_space<vmem>> -> memref<32x128xf32, #tpu.memory_space<vmem>>
        %dma_start3A_629 = tpu.memref_slice %arg5[%add3A_623] : memref<16000xi32, #tpu.memory_space<vmem>> -> memref<32xi32, #tpu.memory_space<vmem>>
        %dma_start3A_630 = arith.constant 0 : i32
        %dma_start3A_631 = arith.constant 0 : i32
        %dma_start3A_632 = tpu.memref_slice %arg2[%dma_start3A_630, %dma_start3A_631] : memref<100000x128xf32, #tpu.memory_space<hbm>> -> memref<100000x128xf32, #tpu.memory_space<hbm>>
        tpu.enqueue_indirect_dma source(%dma_start3A_632 : memref<100000x128xf32, #tpu.memory_space<hbm>>) target(%dma_start3A_628 : memref<32x128xf32, #tpu.memory_space<vmem>>) offsets(%dma_start3A_629 : memref<32xi32, #tpu.memory_space<vmem>>) semaphore(%arg10 : memref<!tpu.dma_semaphore, #tpu.memory_space<semaphore_mem>>)
      } else {
      }
      %dma_wait3A_489 = arith.constant 3 : i32
      %dma_wait3A_490 = arith.constant 0 : i32
      %dma_wait3A_491 = arith.constant 0 : i32
      %dma_wait3A_492 = tpu.memref_slice %arg6[%dma_wait3A_489, %dma_wait3A_490, %dma_wait3A_491] : memref<4x160x128xf32, #tpu.memory_space<vmem>> -> memref<1x32x128xf32, #tpu.memory_space<vmem>>
      %dma_wait3A_493 = tpu.memref_squeeze %dma_wait3A_492 : memref<1x32x128xf32, #tpu.memory_space<vmem>> -> memref<32x128xf32, #tpu.memory_space<vmem>>
      %dma_wait3A_494 = arith.constant 0 : i32
      %dma_wait3A_495 = tpu.memref_slice %arg5[%dma_wait3A_494] : memref<16000xi32, #tpu.memory_space<vmem>> -> memref<32xi32, #tpu.memory_space<vmem>>
      %dma_wait3A_496 = arith.constant 0 : i32
      %dma_wait3A_497 = arith.constant 0 : i32
      %dma_wait3A_498 = tpu.memref_slice %arg2[%dma_wait3A_496, %dma_wait3A_497] : memref<100000x128xf32, #tpu.memory_space<hbm>> -> memref<100000x128xf32, #tpu.memory_space<hbm>>
      tpu.wait_indirect_dma semaphore(%arg11 : memref<!tpu.dma_semaphore, #tpu.memory_space<semaphore_mem>>) src(%dma_wait3A_498 : memref<100000x128xf32, #tpu.memory_space<hbm>>) dst(%dma_wait3A_493 : memref<32x128xf32, #tpu.memory_space<vmem>>)
      %dma_wait3A_499 = arith.constant 3 : i32
      %dma_wait3A_500 = arith.constant 32 : i32
      %dma_wait3A_501 = arith.constant 0 : i32
      %dma_wait3A_502 = tpu.memref_slice %arg6[%dma_wait3A_499, %dma_wait3A_500, %dma_wait3A_501] : memref<4x160x128xf32, #tpu.memory_space<vmem>> -> memref<1x32x128xf32, #tpu.memory_space<vmem>>
      %dma_wait3A_503 = tpu.memref_squeeze %dma_wait3A_502 : memref<1x32x128xf32, #tpu.memory_space<vmem>> -> memref<32x128xf32, #tpu.memory_space<vmem>>
      %dma_wait3A_504 = arith.constant 32 : i32
      %dma_wait3A_505 = tpu.memref_slice %arg5[%dma_wait3A_504] : memref<16000xi32, #tpu.memory_space<vmem>> -> memref<32xi32, #tpu.memory_space<vmem>>
      %dma_wait3A_506 = arith.constant 0 : i32
      %dma_wait3A_507 = arith.constant 0 : i32
      %dma_wait3A_508 = tpu.memref_slice %arg2[%dma_wait3A_506, %dma_wait3A_507] : memref<100000x128xf32, #tpu.memory_space<hbm>> -> memref<100000x128xf32, #tpu.memory_space<hbm>>
      tpu.wait_indirect_dma semaphore(%arg11 : memref<!tpu.dma_semaphore, #tpu.memory_space<semaphore_mem>>) src(%dma_wait3A_508 : memref<100000x128xf32, #tpu.memory_space<hbm>>) dst(%dma_wait3A_503 : memref<32x128xf32, #tpu.memory_space<vmem>>)
      %dma_wait3A_509 = arith.constant 3 : i32
      %dma_wait3A_510 = arith.constant 64 : i32
      %dma_wait3A_511 = arith.constant 0 : i32
      %dma_wait3A_512 = tpu.memref_slice %arg6[%dma_wait3A_509, %dma_wait3A_510, %dma_wait3A_511] : memref<4x160x128xf32, #tpu.memory_space<vmem>> -> memref<1x32x128xf32, #tpu.memory_space<vmem>>
      %dma_wait3A_513 = tpu.memref_squeeze %dma_wait3A_512 : memref<1x32x128xf32, #tpu.memory_space<vmem>> -> memref<32x128xf32, #tpu.memory_space<vmem>>
      %dma_wait3A_514 = arith.constant 64 : i32
      %dma_wait3A_515 = tpu.memref_slice %arg5[%dma_wait3A_514] : memref<16000xi32, #tpu.memory_space<vmem>> -> memref<32xi32, #tpu.memory_space<vmem>>
      %dma_wait3A_516 = arith.constant 0 : i32
      %dma_wait3A_517 = arith.constant 0 : i32
      %dma_wait3A_518 = tpu.memref_slice %arg2[%dma_wait3A_516, %dma_wait3A_517] : memref<100000x128xf32, #tpu.memory_space<hbm>> -> memref<100000x128xf32, #tpu.memory_space<hbm>>
      tpu.wait_indirect_dma semaphore(%arg11 : memref<!tpu.dma_semaphore, #tpu.memory_space<semaphore_mem>>) src(%dma_wait3A_518 : memref<100000x128xf32, #tpu.memory_space<hbm>>) dst(%dma_wait3A_513 : memref<32x128xf32, #tpu.memory_space<vmem>>)
      %dma_wait3A_519 = arith.constant 3 : i32
      %dma_wait3A_520 = arith.constant 96 : i32
      %dma_wait3A_521 = arith.constant 0 : i32
      %dma_wait3A_522 = tpu.memref_slice %arg6[%dma_wait3A_519, %dma_wait3A_520, %dma_wait3A_521] : memref<4x160x128xf32, #tpu.memory_space<vmem>> -> memref<1x32x128xf32, #tpu.memory_space<vmem>>
      %dma_wait3A_523 = tpu.memref_squeeze %dma_wait3A_522 : memref<1x32x128xf32, #tpu.memory_space<vmem>> -> memref<32x128xf32, #tpu.memory_space<vmem>>
      %dma_wait3A_524 = arith.constant 96 : i32
      %dma_wait3A_525 = tpu.memref_slice %arg5[%dma_wait3A_524] : memref<16000xi32, #tpu.memory_space<vmem>> -> memref<32xi32, #tpu.memory_space<vmem>>
      %dma_wait3A_526 = arith.constant 0 : i32
      %dma_wait3A_527 = arith.constant 0 : i32
      %dma_wait3A_528 = tpu.memref_slice %arg2[%dma_wait3A_526, %dma_wait3A_527] : memref<100000x128xf32, #tpu.memory_space<hbm>> -> memref<100000x128xf32, #tpu.memory_space<hbm>>
      tpu.wait_indirect_dma semaphore(%arg11 : memref<!tpu.dma_semaphore, #tpu.memory_space<semaphore_mem>>) src(%dma_wait3A_528 : memref<100000x128xf32, #tpu.memory_space<hbm>>) dst(%dma_wait3A_523 : memref<32x128xf32, #tpu.memory_space<vmem>>)
      %dma_wait3A_529 = arith.constant 3 : i32
      %dma_wait3A_530 = arith.constant 128 : i32
      %dma_wait3A_531 = arith.constant 0 : i32
      %dma_wait3A_532 = tpu.memref_slice %arg6[%dma_wait3A_529, %dma_wait3A_530, %dma_wait3A_531] : memref<4x160x128xf32, #tpu.memory_space<vmem>> -> memref<1x32x128xf32, #tpu.memory_space<vmem>>
      %dma_wait3A_533 = tpu.memref_squeeze %dma_wait3A_532 : memref<1x32x128xf32, #tpu.memory_space<vmem>> -> memref<32x128xf32, #tpu.memory_space<vmem>>
      %dma_wait3A_534 = arith.constant 128 : i32
      %dma_wait3A_535 = tpu.memref_slice %arg5[%dma_wait3A_534] : memref<16000xi32, #tpu.memory_space<vmem>> -> memref<32xi32, #tpu.memory_space<vmem>>
      %dma_wait3A_536 = arith.constant 0 : i32
      %dma_wait3A_537 = arith.constant 0 : i32
      %dma_wait3A_538 = tpu.memref_slice %arg2[%dma_wait3A_536, %dma_wait3A_537] : memref<100000x128xf32, #tpu.memory_space<hbm>> -> memref<100000x128xf32, #tpu.memory_space<hbm>>
      tpu.wait_indirect_dma semaphore(%arg11 : memref<!tpu.dma_semaphore, #tpu.memory_space<semaphore_mem>>) src(%dma_wait3A_538 : memref<100000x128xf32, #tpu.memory_space<hbm>>) dst(%dma_wait3A_533 : memref<32x128xf32, #tpu.memory_space<vmem>>)
      %ge3A_539 = arith.constant 2 : i32
      %ge3A_540 = arith.cmpi sge, %add3A_480, %ge3A_539 : i32
      %convert_element_type3A_541 = arith.extui %ge3A_540 : i1 to i32
      %cond3A_542 = arith.constant 0 : i32
      %cond3A_543 = arith.cmpi ne, %convert_element_type3A_541, %cond3A_542 : i32
      scf.if %cond3A_543 {
        %dma_wait3A_568 = arith.constant 1 : i32
        %dma_wait3A_569 = arith.constant 0 : i32
        %dma_wait3A_570 = arith.constant 0 : i32
        %dma_wait3A_571 = tpu.memref_slice %arg7[%dma_wait3A_568, %dma_wait3A_569, %dma_wait3A_570] : memref<2x32x128xf32, #tpu.memory_space<vmem>> -> memref<1x32x128xf32, #tpu.memory_space<vmem>>
        %dma_wait3A_572 = tpu.memref_squeeze %dma_wait3A_571 : memref<1x32x128xf32, #tpu.memory_space<vmem>> -> memref<32x128xf32, #tpu.memory_space<vmem>>
        %dma_wait3A_573 = arith.constant 0 : i32
        %dma_wait3A_574 = tpu.memref_slice %arg4[%add3A, %dma_wait3A_573] : memref<102400x128xf32, #tpu.memory_space<hbm>> -> memref<32x128xf32, #tpu.memory_space<hbm>>
        %dma_wait3A_575 = arith.constant 0 : i32
        %dma_wait3A_576 = tpu.memref_slice %arg4[%add3A, %dma_wait3A_575] : memref<102400x128xf32, #tpu.memory_space<hbm>> -> memref<32x128xf32, #tpu.memory_space<hbm>>
        %dma_wait3A_577 = arith.constant 0 : i32
        %dma_wait3A_578 = arith.constant 0 : i32
        %dma_wait3A_579 = tpu.memref_slice %arg7[%dma_wait3A_568, %dma_wait3A_577, %dma_wait3A_578] : memref<2x32x128xf32, #tpu.memory_space<vmem>> -> memref<1x32x128xf32, #tpu.memory_space<vmem>>
        %dma_wait3A_580 = tpu.memref_squeeze %dma_wait3A_579 : memref<1x32x128xf32, #tpu.memory_space<vmem>> -> memref<32x128xf32, #tpu.memory_space<vmem>>
        tpu.wait_dma2 semaphore(%arg13 : memref<!tpu.dma_semaphore, #tpu.memory_space<semaphore_mem>>) src(%dma_wait3A_580 : memref<32x128xf32, #tpu.memory_space<vmem>>) dst(%dma_wait3A_576 : memref<32x128xf32, #tpu.memory_space<hbm>>)
      } else {
      }
      %scan3A_544 = arith.constant 0 : i32
      %scan3A_545 = arith.constant 0 : i32
      %scan3A_546 = arith.constant 32 : i32
      %scan3A_547 = arith.addi %scan3A_545, %scan3A_546 : i32
      %scan3A_548 = arith.constant 1 : i32
      %scan3A_549 = scf.for %scan3A_568 = %scan3A_545 to %scan3A_547 step %scan3A_548 iter_args(%scan3A_569 = %scan3A_544) -> (i32)  : i32 {
        %mul3A_570 = arith.constant 5 : i32
        %mul3A_571 = arith.muli %mul3A_570, %scan3A_568 : i32
        %get3A = arith.constant 3 : i32
        %get3A_572 = arith.index_cast %get3A : i32 to index
        %get3A_573 = arith.index_cast %mul3A_571 : i32 to index
        %get3A_574 = arith.constant 0 : index
        %get3A_575 = tpu.vector_load %arg6[%get3A_572, %get3A_573, %get3A_574] {strides = array<i32>} : memref<4x160x128xf32, #tpu.memory_space<vmem>>, vector<1x1x16xf32>,
        %get3A_576 = vector.shape_cast %get3A_575 : vector<1x1x16xf32> to vector<16xf32>
        %mul3A_577 = arith.constant 5 : i32
        %mul3A_578 = arith.muli %mul3A_577, %scan3A_568 : i32
        %add3A_579 = arith.constant 1 : i32
        %add3A_580 = arith.addi %mul3A_578, %add3A_579 : i32
        %get3A_581 = arith.constant 3 : i32
        %get3A_582 = arith.index_cast %get3A_581 : i32 to index
        %get3A_583 = arith.index_cast %add3A_580 : i32 to index
        %get3A_584 = arith.constant 0 : index
        %get3A_585 = tpu.vector_load %arg6[%get3A_582, %get3A_583, %get3A_584] {strides = array<i32>} : memref<4x160x128xf32, #tpu.memory_space<vmem>>, vector<1x1x16xf32>,
        %get3A_586 = vector.shape_cast %get3A_585 : vector<1x1x16xf32> to vector<16xf32>
        %add3A_587 = arith.addf %get3A_576, %get3A_586 : vector<16xf32>
        %mul3A_588 = arith.constant 5 : i32
        %mul3A_589 = arith.muli %mul3A_588, %scan3A_568 : i32
        %add3A_590 = arith.constant 2 : i32
        %add3A_591 = arith.addi %mul3A_589, %add3A_590 : i32
        %get3A_592 = arith.constant 3 : i32
        %get3A_593 = arith.index_cast %get3A_592 : i32 to index
        %get3A_594 = arith.index_cast %add3A_591 : i32 to index
        %get3A_595 = arith.constant 0 : index
        %get3A_596 = tpu.vector_load %arg6[%get3A_593, %get3A_594, %get3A_595] {strides = array<i32>} : memref<4x160x128xf32, #tpu.memory_space<vmem>>, vector<1x1x16xf32>,
        %get3A_597 = vector.shape_cast %get3A_596 : vector<1x1x16xf32> to vector<16xf32>
        %add3A_598 = arith.addf %add3A_587, %get3A_597 : vector<16xf32>
        %mul3A_599 = arith.constant 5 : i32
        %mul3A_600 = arith.muli %mul3A_599, %scan3A_568 : i32
        %add3A_601 = arith.constant 3 : i32
        %add3A_602 = arith.addi %mul3A_600, %add3A_601 : i32
        %get3A_603 = arith.constant 3 : i32
        %get3A_604 = arith.index_cast %get3A_603 : i32 to index
        %get3A_605 = arith.index_cast %add3A_602 : i32 to index
        %get3A_606 = arith.constant 0 : index
        %get3A_607 = tpu.vector_load %arg6[%get3A_604, %get3A_605, %get3A_606] {strides = array<i32>} : memref<4x160x128xf32, #tpu.memory_space<vmem>>, vector<1x1x16xf32>,
        %get3A_608 = vector.shape_cast %get3A_607 : vector<1x1x16xf32> to vector<16xf32>
        %add3A_609 = arith.addf %add3A_598, %get3A_608 : vector<16xf32>
        %mul3A_610 = arith.constant 5 : i32
        %mul3A_611 = arith.muli %mul3A_610, %scan3A_568 : i32
        %add3A_612 = arith.constant 4 : i32
        %add3A_613 = arith.addi %mul3A_611, %add3A_612 : i32
        %get3A_614 = arith.constant 3 : i32
        %get3A_615 = arith.index_cast %get3A_614 : i32 to index
        %get3A_616 = arith.index_cast %add3A_613 : i32 to index
        %get3A_617 = arith.constant 0 : index
        %get3A_618 = tpu.vector_load %arg6[%get3A_615, %get3A_616, %get3A_617] {strides = array<i32>} : memref<4x160x128xf32, #tpu.memory_space<vmem>>, vector<1x1x16xf32>,
        %get3A_619 = vector.shape_cast %get3A_618 : vector<1x1x16xf32> to vector<16xf32>
        %add3A_620 = arith.addf %add3A_609, %get3A_619 : vector<16xf32>
        %swap3A = arith.constant 1 : i32
        %swap3A_621 = arith.index_cast %swap3A : i32 to index
        %swap3A_622 = arith.index_cast %scan3A_568 : i32 to index
        %swap3A_623 = arith.constant 0 : index
        %swap3A_624 = tpu.vector_load %arg7[%swap3A_621, %swap3A_622, %swap3A_623] {strides = array<i32>} : memref<2x32x128xf32, #tpu.memory_space<vmem>>, vector<1x1x16xf32>,
        %swap3A_625 = vector.shape_cast %swap3A_624 : vector<1x1x16xf32> to vector<16xf32>
        %swap3A_626 = vector.shape_cast %add3A_620 : vector<16xf32> to vector<1x1x16xf32>
        tpu.vector_store %arg7[%swap3A_621, %swap3A_622, %swap3A_623], %swap3A_626 {strides = array<i32>} : memref<2x32x128xf32, #tpu.memory_space<vmem>>, vector<1x1x16xf32>,
        %mul3A_627 = arith.constant 5 : i32
        %mul3A_628 = arith.muli %mul3A_627, %scan3A_568 : i32
        %get3A_629 = arith.constant 3 : i32
        %get3A_630 = arith.index_cast %get3A_629 : i32 to index
        %get3A_631 = arith.index_cast %mul3A_628 : i32 to index
        %get3A_632 = arith.constant 16 : index
        %get3A_633 = tpu.vector_load %arg6[%get3A_630, %get3A_631, %get3A_632] {strides = array<i32>} : memref<4x160x128xf32, #tpu.memory_space<vmem>>, vector<1x1x16xf32>,
        %get3A_634 = vector.shape_cast %get3A_633 : vector<1x1x16xf32> to vector<16xf32>
        %mul3A_635 = arith.constant 5 : i32
        %mul3A_636 = arith.muli %mul3A_635, %scan3A_568 : i32
        %add3A_637 = arith.constant 1 : i32
        %add3A_638 = arith.addi %mul3A_636, %add3A_637 : i32
        %get3A_639 = arith.constant 3 : i32
        %get3A_640 = arith.index_cast %get3A_639 : i32 to index
        %get3A_641 = arith.index_cast %add3A_638 : i32 to index
        %get3A_642 = arith.constant 16 : index
        %get3A_643 = tpu.vector_load %arg6[%get3A_640, %get3A_641, %get3A_642] {strides = array<i32>} : memref<4x160x128xf32, #tpu.memory_space<vmem>>, vector<1x1x16xf32>,
        %get3A_644 = vector.shape_cast %get3A_643 : vector<1x1x16xf32> to vector<16xf32>
        %add3A_645 = arith.addf %get3A_634, %get3A_644 : vector<16xf32>
        %mul3A_646 = arith.constant 5 : i32
        %mul3A_647 = arith.muli %mul3A_646, %scan3A_568 : i32
        %add3A_648 = arith.constant 2 : i32
        %add3A_649 = arith.addi %mul3A_647, %add3A_648 : i32
        %get3A_650 = arith.constant 3 : i32
        %get3A_651 = arith.index_cast %get3A_650 : i32 to index
        %get3A_652 = arith.index_cast %add3A_649 : i32 to index
        %get3A_653 = arith.constant 16 : index
        %get3A_654 = tpu.vector_load %arg6[%get3A_651, %get3A_652, %get3A_653] {strides = array<i32>} : memref<4x160x128xf32, #tpu.memory_space<vmem>>, vector<1x1x16xf32>,
        %get3A_655 = vector.shape_cast %get3A_654 : vector<1x1x16xf32> to vector<16xf32>
        %add3A_656 = arith.addf %add3A_645, %get3A_655 : vector<16xf32>
        %mul3A_657 = arith.constant 5 : i32
        %mul3A_658 = arith.muli %mul3A_657, %scan3A_568 : i32
        %add3A_659 = arith.constant 3 : i32
        %add3A_660 = arith.addi %mul3A_658, %add3A_659 : i32
        %get3A_661 = arith.constant 3 : i32
        %get3A_662 = arith.index_cast %get3A_661 : i32 to index
        %get3A_663 = arith.index_cast %add3A_660 : i32 to index
        %get3A_664 = arith.constant 16 : index
        %get3A_665 = tpu.vector_load %arg6[%get3A_662, %get3A_663, %get3A_664] {strides = array<i32>} : memref<4x160x128xf32, #tpu.memory_space<vmem>>, vector<1x1x16xf32>,
        %get3A_666 = vector.shape_cast %get3A_665 : vector<1x1x16xf32> to vector<16xf32>
        %add3A_667 = arith.addf %add3A_656, %get3A_666 : vector<16xf32>
        %mul3A_668 = arith.constant 5 : i32
        %mul3A_669 = arith.muli %mul3A_668, %scan3A_568 : i32
        %add3A_670 = arith.constant 4 : i32
        %add3A_671 = arith.addi %mul3A_669, %add3A_670 : i32
        %get3A_672 = arith.constant 3 : i32
        %get3A_673 = arith.index_cast %get3A_672 : i32 to index
        %get3A_674 = arith.index_cast %add3A_671 : i32 to index
        %get3A_675 = arith.constant 16 : index
        %get3A_676 = tpu.vector_load %arg6[%get3A_673, %get3A_674, %get3A_675] {strides = array<i32>} : memref<4x160x128xf32, #tpu.memory_space<vmem>>, vector<1x1x16xf32>,
        %get3A_677 = vector.shape_cast %get3A_676 : vector<1x1x16xf32> to vector<16xf32>
        %add3A_678 = arith.addf %add3A_667, %get3A_677 : vector<16xf32>
        %swap3A_679 = arith.constant 1 : i32
        %swap3A_680 = arith.index_cast %swap3A_679 : i32 to index
        %swap3A_681 = arith.index_cast %scan3A_568 : i32 to index
        %swap3A_682 = arith.constant 16 : index
        %swap3A_683 = tpu.vector_load %arg7[%swap3A_680, %swap3A_681, %swap3A_682] {strides = array<i32>} : memref<2x32x128xf32, #tpu.memory_space<vmem>>, vector<1x1x16xf32>,
        %swap3A_684 = vector.shape_cast %swap3A_683 : vector<1x1x16xf32> to vector<16xf32>
        %swap3A_685 = vector.shape_cast %add3A_678 : vector<16xf32> to vector<1x1x16xf32>
        tpu.vector_store %arg7[%swap3A_680, %swap3A_681, %swap3A_682], %swap3A_685 {strides = array<i32>} : memref<2x32x128xf32, #tpu.memory_space<vmem>>, vector<1x1x16xf32>,
        %mul3A_686 = arith.constant 5 : i32
        %mul3A_687 = arith.muli %mul3A_686, %scan3A_568 : i32
        %get3A_688 = arith.constant 3 : i32
        %get3A_689 = arith.index_cast %get3A_688 : i32 to index
        %get3A_690 = arith.index_cast %mul3A_687 : i32 to index
        %get3A_691 = arith.constant 32 : index
        %get3A_692 = tpu.vector_load %arg6[%get3A_689, %get3A_690, %get3A_691] {strides = array<i32>} : memref<4x160x128xf32, #tpu.memory_space<vmem>>, vector<1x1x16xf32>,
        %get3A_693 = vector.shape_cast %get3A_692 : vector<1x1x16xf32> to vector<16xf32>
        %mul3A_694 = arith.constant 5 : i32
        %mul3A_695 = arith.muli %mul3A_694, %scan3A_568 : i32
        %add3A_696 = arith.constant 1 : i32
        %add3A_697 = arith.addi %mul3A_695, %add3A_696 : i32
        %get3A_698 = arith.constant 3 : i32
        %get3A_699 = arith.index_cast %get3A_698 : i32 to index
        %get3A_700 = arith.index_cast %add3A_697 : i32 to index
        %get3A_701 = arith.constant 32 : index
        %get3A_702 = tpu.vector_load %arg6[%get3A_699, %get3A_700, %get3A_701] {strides = array<i32>} : memref<4x160x128xf32, #tpu.memory_space<vmem>>, vector<1x1x16xf32>,
        %get3A_703 = vector.shape_cast %get3A_702 : vector<1x1x16xf32> to vector<16xf32>
        %add3A_704 = arith.addf %get3A_693, %get3A_703 : vector<16xf32>
        %mul3A_705 = arith.constant 5 : i32
        %mul3A_706 = arith.muli %mul3A_705, %scan3A_568 : i32
        %add3A_707 = arith.constant 2 : i32
        %add3A_708 = arith.addi %mul3A_706, %add3A_707 : i32
        %get3A_709 = arith.constant 3 : i32
        %get3A_710 = arith.index_cast %get3A_709 : i32 to index
        %get3A_711 = arith.index_cast %add3A_708 : i32 to index
        %get3A_712 = arith.constant 32 : index
        %get3A_713 = tpu.vector_load %arg6[%get3A_710, %get3A_711, %get3A_712] {strides = array<i32>} : memref<4x160x128xf32, #tpu.memory_space<vmem>>, vector<1x1x16xf32>,
        %get3A_714 = vector.shape_cast %get3A_713 : vector<1x1x16xf32> to vector<16xf32>
        %add3A_715 = arith.addf %add3A_704, %get3A_714 : vector<16xf32>
        %mul3A_716 = arith.constant 5 : i32
        %mul3A_717 = arith.muli %mul3A_716, %scan3A_568 : i32
        %add3A_718 = arith.constant 3 : i32
        %add3A_719 = arith.addi %mul3A_717, %add3A_718 : i32
        %get3A_720 = arith.constant 3 : i32
        %get3A_721 = arith.index_cast %get3A_720 : i32 to index
        %get3A_722 = arith.index_cast %add3A_719 : i32 to index
        %get3A_723 = arith.constant 32 : index
        %get3A_724 = tpu.vector_load %arg6[%get3A_721, %get3A_722, %get3A_723] {strides = array<i32>} : memref<4x160x128xf32, #tpu.memory_space<vmem>>, vector<1x1x16xf32>,
        %get3A_725 = vector.shape_cast %get3A_724 : vector<1x1x16xf32> to vector<16xf32>
        %add3A_726 = arith.addf %add3A_715, %get3A_725 : vector<16xf32>
        %mul3A_727 = arith.constant 5 : i32
        %mul3A_728 = arith.muli %mul3A_727, %scan3A_568 : i32
        %add3A_729 = arith.constant 4 : i32
        %add3A_730 = arith.addi %mul3A_728, %add3A_729 : i32
        %get3A_731 = arith.constant 3 : i32
        %get3A_732 = arith.index_cast %get3A_731 : i32 to index
        %get3A_733 = arith.index_cast %add3A_730 : i32 to index
        %get3A_734 = arith.constant 32 : index
        %get3A_735 = tpu.vector_load %arg6[%get3A_732, %get3A_733, %get3A_734] {strides = array<i32>} : memref<4x160x128xf32, #tpu.memory_space<vmem>>, vector<1x1x16xf32>,
        %get3A_736 = vector.shape_cast %get3A_735 : vector<1x1x16xf32> to vector<16xf32>
        %add3A_737 = arith.addf %add3A_726, %get3A_736 : vector<16xf32>
        %swap3A_738 = arith.constant 1 : i32
        %swap3A_739 = arith.index_cast %swap3A_738 : i32 to index
        %swap3A_740 = arith.index_cast %scan3A_568 : i32 to index
        %swap3A_741 = arith.constant 32 : index
        %swap3A_742 = tpu.vector_load %arg7[%swap3A_739, %swap3A_740, %swap3A_741] {strides = array<i32>} : memref<2x32x128xf32, #tpu.memory_space<vmem>>, vector<1x1x16xf32>,
        %swap3A_743 = vector.shape_cast %swap3A_742 : vector<1x1x16xf32> to vector<16xf32>
        %swap3A_744 = vector.shape_cast %add3A_737 : vector<16xf32> to vector<1x1x16xf32>
        tpu.vector_store %arg7[%swap3A_739, %swap3A_740, %swap3A_741], %swap3A_744 {strides = array<i32>} : memref<2x32x128xf32, #tpu.memory_space<vmem>>, vector<1x1x16xf32>,
        %mul3A_745 = arith.constant 5 : i32
        %mul3A_746 = arith.muli %mul3A_745, %scan3A_568 : i32
        %get3A_747 = arith.constant 3 : i32
        %get3A_748 = arith.index_cast %get3A_747 : i32 to index
        %get3A_749 = arith.index_cast %mul3A_746 : i32 to index
        %get3A_750 = arith.constant 48 : index
        %get3A_751 = tpu.vector_load %arg6[%get3A_748, %get3A_749, %get3A_750] {strides = array<i32>} : memref<4x160x128xf32, #tpu.memory_space<vmem>>, vector<1x1x16xf32>,
        %get3A_752 = vector.shape_cast %get3A_751 : vector<1x1x16xf32> to vector<16xf32>
        %mul3A_753 = arith.constant 5 : i32
        %mul3A_754 = arith.muli %mul3A_753, %scan3A_568 : i32
        %add3A_755 = arith.constant 1 : i32
        %add3A_756 = arith.addi %mul3A_754, %add3A_755 : i32
        %get3A_757 = arith.constant 3 : i32
        %get3A_758 = arith.index_cast %get3A_757 : i32 to index
        %get3A_759 = arith.index_cast %add3A_756 : i32 to index
        %get3A_760 = arith.constant 48 : index
        %get3A_761 = tpu.vector_load %arg6[%get3A_758, %get3A_759, %get3A_760] {strides = array<i32>} : memref<4x160x128xf32, #tpu.memory_space<vmem>>, vector<1x1x16xf32>,
        %get3A_762 = vector.shape_cast %get3A_761 : vector<1x1x16xf32> to vector<16xf32>
        %add3A_763 = arith.addf %get3A_752, %get3A_762 : vector<16xf32>
        %mul3A_764 = arith.constant 5 : i32
        %mul3A_765 = arith.muli %mul3A_764, %scan3A_568 : i32
        %add3A_766 = arith.constant 2 : i32
        %add3A_767 = arith.addi %mul3A_765, %add3A_766 : i32
        %get3A_768 = arith.constant 3 : i32
        %get3A_769 = arith.index_cast %get3A_768 : i32 to index
        %get3A_770 = arith.index_cast %add3A_767 : i32 to index
        %get3A_771 = arith.constant 48 : index
        %get3A_772 = tpu.vector_load %arg6[%get3A_769, %get3A_770, %get3A_771] {strides = array<i32>} : memref<4x160x128xf32, #tpu.memory_space<vmem>>, vector<1x1x16xf32>,
        %get3A_773 = vector.shape_cast %get3A_772 : vector<1x1x16xf32> to vector<16xf32>
        %add3A_774 = arith.addf %add3A_763, %get3A_773 : vector<16xf32>
        %mul3A_775 = arith.constant 5 : i32
        %mul3A_776 = arith.muli %mul3A_775, %scan3A_568 : i32
        %add3A_777 = arith.constant 3 : i32
        %add3A_778 = arith.addi %mul3A_776, %add3A_777 : i32
        %get3A_779 = arith.constant 3 : i32
        %get3A_780 = arith.index_cast %get3A_779 : i32 to index
        %get3A_781 = arith.index_cast %add3A_778 : i32 to index
        %get3A_782 = arith.constant 48 : index
        %get3A_783 = tpu.vector_load %arg6[%get3A_780, %get3A_781, %get3A_782] {strides = array<i32>} : memref<4x160x128xf32, #tpu.memory_space<vmem>>, vector<1x1x16xf32>,
        %get3A_784 = vector.shape_cast %get3A_783 : vector<1x1x16xf32> to vector<16xf32>
        %add3A_785 = arith.addf %add3A_774, %get3A_784 : vector<16xf32>
        %mul3A_786 = arith.constant 5 : i32
        %mul3A_787 = arith.muli %mul3A_786, %scan3A_568 : i32
        %add3A_788 = arith.constant 4 : i32
        %add3A_789 = arith.addi %mul3A_787, %add3A_788 : i32
        %get3A_790 = arith.constant 3 : i32
        %get3A_791 = arith.index_cast %get3A_790 : i32 to index
        %get3A_792 = arith.index_cast %add3A_789 : i32 to index
        %get3A_793 = arith.constant 48 : index
        %get3A_794 = tpu.vector_load %arg6[%get3A_791, %get3A_792, %get3A_793] {strides = array<i32>} : memref<4x160x128xf32, #tpu.memory_space<vmem>>, vector<1x1x16xf32>,
        %get3A_795 = vector.shape_cast %get3A_794 : vector<1x1x16xf32> to vector<16xf32>
        %add3A_796 = arith.addf %add3A_785, %get3A_795 : vector<16xf32>
        %swap3A_797 = arith.constant 1 : i32
        %swap3A_798 = arith.index_cast %swap3A_797 : i32 to index
        %swap3A_799 = arith.index_cast %scan3A_568 : i32 to index
        %swap3A_800 = arith.constant 48 : index
        %swap3A_801 = tpu.vector_load %arg7[%swap3A_798, %swap3A_799, %swap3A_800] {strides = array<i32>} : memref<2x32x128xf32, #tpu.memory_space<vmem>>, vector<1x1x16xf32>,
        %swap3A_802 = vector.shape_cast %swap3A_801 : vector<1x1x16xf32> to vector<16xf32>
        %swap3A_803 = vector.shape_cast %add3A_796 : vector<16xf32> to vector<1x1x16xf32>
        tpu.vector_store %arg7[%swap3A_798, %swap3A_799, %swap3A_800], %swap3A_803 {strides = array<i32>} : memref<2x32x128xf32, #tpu.memory_space<vmem>>, vector<1x1x16xf32>,
        %mul3A_804 = arith.constant 5 : i32
        %mul3A_805 = arith.muli %mul3A_804, %scan3A_568 : i32
        %get3A_806 = arith.constant 3 : i32
        %get3A_807 = arith.index_cast %get3A_806 : i32 to index
        %get3A_808 = arith.index_cast %mul3A_805 : i32 to index
        %get3A_809 = arith.constant 64 : index
        %get3A_810 = tpu.vector_load %arg6[%get3A_807, %get3A_808, %get3A_809] {strides = array<i32>} : memref<4x160x128xf32, #tpu.memory_space<vmem>>, vector<1x1x16xf32>,
        %get3A_811 = vector.shape_cast %get3A_810 : vector<1x1x16xf32> to vector<16xf32>
        %mul3A_812 = arith.constant 5 : i32
        %mul3A_813 = arith.muli %mul3A_812, %scan3A_568 : i32
        %add3A_814 = arith.constant 1 : i32
        %add3A_815 = arith.addi %mul3A_813, %add3A_814 : i32
        %get3A_816 = arith.constant 3 : i32
        %get3A_817 = arith.index_cast %get3A_816 : i32 to index
        %get3A_818 = arith.index_cast %add3A_815 : i32 to index
        %get3A_819 = arith.constant 64 : index
        %get3A_820 = tpu.vector_load %arg6[%get3A_817, %get3A_818, %get3A_819] {strides = array<i32>} : memref<4x160x128xf32, #tpu.memory_space<vmem>>, vector<1x1x16xf32>,
        %get3A_821 = vector.shape_cast %get3A_820 : vector<1x1x16xf32> to vector<16xf32>
        %add3A_822 = arith.addf %get3A_811, %get3A_821 : vector<16xf32>
        %mul3A_823 = arith.constant 5 : i32
        %mul3A_824 = arith.muli %mul3A_823, %scan3A_568 : i32
        %add3A_825 = arith.constant 2 : i32
        %add3A_826 = arith.addi %mul3A_824, %add3A_825 : i32
        %get3A_827 = arith.constant 3 : i32
        %get3A_828 = arith.index_cast %get3A_827 : i32 to index
        %get3A_829 = arith.index_cast %add3A_826 : i32 to index
        %get3A_830 = arith.constant 64 : index
        %get3A_831 = tpu.vector_load %arg6[%get3A_828, %get3A_829, %get3A_830] {strides = array<i32>} : memref<4x160x128xf32, #tpu.memory_space<vmem>>, vector<1x1x16xf32>,
        %get3A_832 = vector.shape_cast %get3A_831 : vector<1x1x16xf32> to vector<16xf32>
        %add3A_833 = arith.addf %add3A_822, %get3A_832 : vector<16xf32>
        %mul3A_834 = arith.constant 5 : i32
        %mul3A_835 = arith.muli %mul3A_834, %scan3A_568 : i32
        %add3A_836 = arith.constant 3 : i32
        %add3A_837 = arith.addi %mul3A_835, %add3A_836 : i32
        %get3A_838 = arith.constant 3 : i32
        %get3A_839 = arith.index_cast %get3A_838 : i32 to index
        %get3A_840 = arith.index_cast %add3A_837 : i32 to index
        %get3A_841 = arith.constant 64 : index
        %get3A_842 = tpu.vector_load %arg6[%get3A_839, %get3A_840, %get3A_841] {strides = array<i32>} : memref<4x160x128xf32, #tpu.memory_space<vmem>>, vector<1x1x16xf32>,
        %get3A_843 = vector.shape_cast %get3A_842 : vector<1x1x16xf32> to vector<16xf32>
        %add3A_844 = arith.addf %add3A_833, %get3A_843 : vector<16xf32>
        %mul3A_845 = arith.constant 5 : i32
        %mul3A_846 = arith.muli %mul3A_845, %scan3A_568 : i32
        %add3A_847 = arith.constant 4 : i32
        %add3A_848 = arith.addi %mul3A_846, %add3A_847 : i32
        %get3A_849 = arith.constant 3 : i32
        %get3A_850 = arith.index_cast %get3A_849 : i32 to index
        %get3A_851 = arith.index_cast %add3A_848 : i32 to index
        %get3A_852 = arith.constant 64 : index
        %get3A_853 = tpu.vector_load %arg6[%get3A_850, %get3A_851, %get3A_852] {strides = array<i32>} : memref<4x160x128xf32, #tpu.memory_space<vmem>>, vector<1x1x16xf32>,
        %get3A_854 = vector.shape_cast %get3A_853 : vector<1x1x16xf32> to vector<16xf32>
        %add3A_855 = arith.addf %add3A_844, %get3A_854 : vector<16xf32>
        %swap3A_856 = arith.constant 1 : i32
        %swap3A_857 = arith.index_cast %swap3A_856 : i32 to index
        %swap3A_858 = arith.index_cast %scan3A_568 : i32 to index
        %swap3A_859 = arith.constant 64 : index
        %swap3A_860 = tpu.vector_load %arg7[%swap3A_857, %swap3A_858, %swap3A_859] {strides = array<i32>} : memref<2x32x128xf32, #tpu.memory_space<vmem>>, vector<1x1x16xf32>,
        %swap3A_861 = vector.shape_cast %swap3A_860 : vector<1x1x16xf32> to vector<16xf32>
        %swap3A_862 = vector.shape_cast %add3A_855 : vector<16xf32> to vector<1x1x16xf32>
        tpu.vector_store %arg7[%swap3A_857, %swap3A_858, %swap3A_859], %swap3A_862 {strides = array<i32>} : memref<2x32x128xf32, #tpu.memory_space<vmem>>, vector<1x1x16xf32>,
        %mul3A_863 = arith.constant 5 : i32
        %mul3A_864 = arith.muli %mul3A_863, %scan3A_568 : i32
        %get3A_865 = arith.constant 3 : i32
        %get3A_866 = arith.index_cast %get3A_865 : i32 to index
        %get3A_867 = arith.index_cast %mul3A_864 : i32 to index
        %get3A_868 = arith.constant 80 : index
        %get3A_869 = tpu.vector_load %arg6[%get3A_866, %get3A_867, %get3A_868] {strides = array<i32>} : memref<4x160x128xf32, #tpu.memory_space<vmem>>, vector<1x1x16xf32>,
        %get3A_870 = vector.shape_cast %get3A_869 : vector<1x1x16xf32> to vector<16xf32>
        %mul3A_871 = arith.constant 5 : i32
        %mul3A_872 = arith.muli %mul3A_871, %scan3A_568 : i32
        %add3A_873 = arith.constant 1 : i32
        %add3A_874 = arith.addi %mul3A_872, %add3A_873 : i32
        %get3A_875 = arith.constant 3 : i32
        %get3A_876 = arith.index_cast %get3A_875 : i32 to index
        %get3A_877 = arith.index_cast %add3A_874 : i32 to index
        %get3A_878 = arith.constant 80 : index
        %get3A_879 = tpu.vector_load %arg6[%get3A_876, %get3A_877, %get3A_878] {strides = array<i32>} : memref<4x160x128xf32, #tpu.memory_space<vmem>>, vector<1x1x16xf32>,
        %get3A_880 = vector.shape_cast %get3A_879 : vector<1x1x16xf32> to vector<16xf32>
        %add3A_881 = arith.addf %get3A_870, %get3A_880 : vector<16xf32>
        %mul3A_882 = arith.constant 5 : i32
        %mul3A_883 = arith.muli %mul3A_882, %scan3A_568 : i32
        %add3A_884 = arith.constant 2 : i32
        %add3A_885 = arith.addi %mul3A_883, %add3A_884 : i32
        %get3A_886 = arith.constant 3 : i32
        %get3A_887 = arith.index_cast %get3A_886 : i32 to index
        %get3A_888 = arith.index_cast %add3A_885 : i32 to index
        %get3A_889 = arith.constant 80 : index
        %get3A_890 = tpu.vector_load %arg6[%get3A_887, %get3A_888, %get3A_889] {strides = array<i32>} : memref<4x160x128xf32, #tpu.memory_space<vmem>>, vector<1x1x16xf32>,
        %get3A_891 = vector.shape_cast %get3A_890 : vector<1x1x16xf32> to vector<16xf32>
        %add3A_892 = arith.addf %add3A_881, %get3A_891 : vector<16xf32>
        %mul3A_893 = arith.constant 5 : i32
        %mul3A_894 = arith.muli %mul3A_893, %scan3A_568 : i32
        %add3A_895 = arith.constant 3 : i32
        %add3A_896 = arith.addi %mul3A_894, %add3A_895 : i32
        %get3A_897 = arith.constant 3 : i32
        %get3A_898 = arith.index_cast %get3A_897 : i32 to index
        %get3A_899 = arith.index_cast %add3A_896 : i32 to index
        %get3A_900 = arith.constant 80 : index
        %get3A_901 = tpu.vector_load %arg6[%get3A_898, %get3A_899, %get3A_900] {strides = array<i32>} : memref<4x160x128xf32, #tpu.memory_space<vmem>>, vector<1x1x16xf32>,
        %get3A_902 = vector.shape_cast %get3A_901 : vector<1x1x16xf32> to vector<16xf32>
        %add3A_903 = arith.addf %add3A_892, %get3A_902 : vector<16xf32>
        %mul3A_904 = arith.constant 5 : i32
        %mul3A_905 = arith.muli %mul3A_904, %scan3A_568 : i32
        %add3A_906 = arith.constant 4 : i32
        %add3A_907 = arith.addi %mul3A_905, %add3A_906 : i32
        %get3A_908 = arith.constant 3 : i32
        %get3A_909 = arith.index_cast %get3A_908 : i32 to index
        %get3A_910 = arith.index_cast %add3A_907 : i32 to index
        %get3A_911 = arith.constant 80 : index
        %get3A_912 = tpu.vector_load %arg6[%get3A_909, %get3A_910, %get3A_911] {strides = array<i32>} : memref<4x160x128xf32, #tpu.memory_space<vmem>>, vector<1x1x16xf32>,
        %get3A_913 = vector.shape_cast %get3A_912 : vector<1x1x16xf32> to vector<16xf32>
        %add3A_914 = arith.addf %add3A_903, %get3A_913 : vector<16xf32>
        %swap3A_915 = arith.constant 1 : i32
        %swap3A_916 = arith.index_cast %swap3A_915 : i32 to index
        %swap3A_917 = arith.index_cast %scan3A_568 : i32 to index
        %swap3A_918 = arith.constant 80 : index
        %swap3A_919 = tpu.vector_load %arg7[%swap3A_916, %swap3A_917, %swap3A_918] {strides = array<i32>} : memref<2x32x128xf32, #tpu.memory_space<vmem>>, vector<1x1x16xf32>,
        %swap3A_920 = vector.shape_cast %swap3A_919 : vector<1x1x16xf32> to vector<16xf32>
        %swap3A_921 = vector.shape_cast %add3A_914 : vector<16xf32> to vector<1x1x16xf32>
        tpu.vector_store %arg7[%swap3A_916, %swap3A_917, %swap3A_918], %swap3A_921 {strides = array<i32>} : memref<2x32x128xf32, #tpu.memory_space<vmem>>, vector<1x1x16xf32>,
        %mul3A_922 = arith.constant 5 : i32
        %mul3A_923 = arith.muli %mul3A_922, %scan3A_568 : i32
        %get3A_924 = arith.constant 3 : i32
        %get3A_925 = arith.index_cast %get3A_924 : i32 to index
        %get3A_926 = arith.index_cast %mul3A_923 : i32 to index
        %get3A_927 = arith.constant 96 : index
        %get3A_928 = tpu.vector_load %arg6[%get3A_925, %get3A_926, %get3A_927] {strides = array<i32>} : memref<4x160x128xf32, #tpu.memory_space<vmem>>, vector<1x1x16xf32>,
        %get3A_929 = vector.shape_cast %get3A_928 : vector<1x1x16xf32> to vector<16xf32>
        %mul3A_930 = arith.constant 5 : i32
        %mul3A_931 = arith.muli %mul3A_930, %scan3A_568 : i32
        %add3A_932 = arith.constant 1 : i32
        %add3A_933 = arith.addi %mul3A_931, %add3A_932 : i32
        %get3A_934 = arith.constant 3 : i32
        %get3A_935 = arith.index_cast %get3A_934 : i32 to index
        %get3A_936 = arith.index_cast %add3A_933 : i32 to index
        %get3A_937 = arith.constant 96 : index
        %get3A_938 = tpu.vector_load %arg6[%get3A_935, %get3A_936, %get3A_937] {strides = array<i32>} : memref<4x160x128xf32, #tpu.memory_space<vmem>>, vector<1x1x16xf32>,
        %get3A_939 = vector.shape_cast %get3A_938 : vector<1x1x16xf32> to vector<16xf32>
        %add3A_940 = arith.addf %get3A_929, %get3A_939 : vector<16xf32>
        %mul3A_941 = arith.constant 5 : i32
        %mul3A_942 = arith.muli %mul3A_941, %scan3A_568 : i32
        %add3A_943 = arith.constant 2 : i32
        %add3A_944 = arith.addi %mul3A_942, %add3A_943 : i32
        %get3A_945 = arith.constant 3 : i32
        %get3A_946 = arith.index_cast %get3A_945 : i32 to index
        %get3A_947 = arith.index_cast %add3A_944 : i32 to index
        %get3A_948 = arith.constant 96 : index
        %get3A_949 = tpu.vector_load %arg6[%get3A_946, %get3A_947, %get3A_948] {strides = array<i32>} : memref<4x160x128xf32, #tpu.memory_space<vmem>>, vector<1x1x16xf32>,
        %get3A_950 = vector.shape_cast %get3A_949 : vector<1x1x16xf32> to vector<16xf32>
        %add3A_951 = arith.addf %add3A_940, %get3A_950 : vector<16xf32>
        %mul3A_952 = arith.constant 5 : i32
        %mul3A_953 = arith.muli %mul3A_952, %scan3A_568 : i32
        %add3A_954 = arith.constant 3 : i32
        %add3A_955 = arith.addi %mul3A_953, %add3A_954 : i32
        %get3A_956 = arith.constant 3 : i32
        %get3A_957 = arith.index_cast %get3A_956 : i32 to index
        %get3A_958 = arith.index_cast %add3A_955 : i32 to index
        %get3A_959 = arith.constant 96 : index
        %get3A_960 = tpu.vector_load %arg6[%get3A_957, %get3A_958, %get3A_959] {strides = array<i32>} : memref<4x160x128xf32, #tpu.memory_space<vmem>>, vector<1x1x16xf32>,
        %get3A_961 = vector.shape_cast %get3A_960 : vector<1x1x16xf32> to vector<16xf32>
        %add3A_962 = arith.addf %add3A_951, %get3A_961 : vector<16xf32>
        %mul3A_963 = arith.constant 5 : i32
        %mul3A_964 = arith.muli %mul3A_963, %scan3A_568 : i32
        %add3A_965 = arith.constant 4 : i32
        %add3A_966 = arith.addi %mul3A_964, %add3A_965 : i32
        %get3A_967 = arith.constant 3 : i32
        %get3A_968 = arith.index_cast %get3A_967 : i32 to index
        %get3A_969 = arith.index_cast %add3A_966 : i32 to index
        %get3A_970 = arith.constant 96 : index
        %get3A_971 = tpu.vector_load %arg6[%get3A_968, %get3A_969, %get3A_970] {strides = array<i32>} : memref<4x160x128xf32, #tpu.memory_space<vmem>>, vector<1x1x16xf32>,
        %get3A_972 = vector.shape_cast %get3A_971 : vector<1x1x16xf32> to vector<16xf32>
        %add3A_973 = arith.addf %add3A_962, %get3A_972 : vector<16xf32>
        %swap3A_974 = arith.constant 1 : i32
        %swap3A_975 = arith.index_cast %swap3A_974 : i32 to index
        %swap3A_976 = arith.index_cast %scan3A_568 : i32 to index
        %swap3A_977 = arith.constant 96 : index
        %swap3A_978 = tpu.vector_load %arg7[%swap3A_975, %swap3A_976, %swap3A_977] {strides = array<i32>} : memref<2x32x128xf32, #tpu.memory_space<vmem>>, vector<1x1x16xf32>,
        %swap3A_979 = vector.shape_cast %swap3A_978 : vector<1x1x16xf32> to vector<16xf32>
        %swap3A_980 = vector.shape_cast %add3A_973 : vector<16xf32> to vector<1x1x16xf32>
        tpu.vector_store %arg7[%swap3A_975, %swap3A_976, %swap3A_977], %swap3A_980 {strides = array<i32>} : memref<2x32x128xf32, #tpu.memory_space<vmem>>, vector<1x1x16xf32>,
        %mul3A_981 = arith.constant 5 : i32
        %mul3A_982 = arith.muli %mul3A_981, %scan3A_568 : i32
        %get3A_983 = arith.constant 3 : i32
        %get3A_984 = arith.index_cast %get3A_983 : i32 to index
        %get3A_985 = arith.index_cast %mul3A_982 : i32 to index
        %get3A_986 = arith.constant 112 : index
        %get3A_987 = tpu.vector_load %arg6[%get3A_984, %get3A_985, %get3A_986] {strides = array<i32>} : memref<4x160x128xf32, #tpu.memory_space<vmem>>, vector<1x1x16xf32>,
        %get3A_988 = vector.shape_cast %get3A_987 : vector<1x1x16xf32> to vector<16xf32>
        %mul3A_989 = arith.constant 5 : i32
        %mul3A_990 = arith.muli %mul3A_989, %scan3A_568 : i32
        %add3A_991 = arith.constant 1 : i32
        %add3A_992 = arith.addi %mul3A_990, %add3A_991 : i32
        %get3A_993 = arith.constant 3 : i32
        %get3A_994 = arith.index_cast %get3A_993 : i32 to index
        %get3A_995 = arith.index_cast %add3A_992 : i32 to index
        %get3A_996 = arith.constant 112 : index
        %get3A_997 = tpu.vector_load %arg6[%get3A_994, %get3A_995, %get3A_996] {strides = array<i32>} : memref<4x160x128xf32, #tpu.memory_space<vmem>>, vector<1x1x16xf32>,
        %get3A_998 = vector.shape_cast %get3A_997 : vector<1x1x16xf32> to vector<16xf32>
        %add3A_999 = arith.addf %get3A_988, %get3A_998 : vector<16xf32>
        %mul3A_1000 = arith.constant 5 : i32
        %mul3A_1001 = arith.muli %mul3A_1000, %scan3A_568 : i32
        %add3A_1002 = arith.constant 2 : i32
        %add3A_1003 = arith.addi %mul3A_1001, %add3A_1002 : i32
        %get3A_1004 = arith.constant 3 : i32
        %get3A_1005 = arith.index_cast %get3A_1004 : i32 to index
        %get3A_1006 = arith.index_cast %add3A_1003 : i32 to index
        %get3A_1007 = arith.constant 112 : index
        %get3A_1008 = tpu.vector_load %arg6[%get3A_1005, %get3A_1006, %get3A_1007] {strides = array<i32>} : memref<4x160x128xf32, #tpu.memory_space<vmem>>, vector<1x1x16xf32>,
        %get3A_1009 = vector.shape_cast %get3A_1008 : vector<1x1x16xf32> to vector<16xf32>
        %add3A_1010 = arith.addf %add3A_999, %get3A_1009 : vector<16xf32>
        %mul3A_1011 = arith.constant 5 : i32
        %mul3A_1012 = arith.muli %mul3A_1011, %scan3A_568 : i32
        %add3A_1013 = arith.constant 3 : i32
        %add3A_1014 = arith.addi %mul3A_1012, %add3A_1013 : i32
        %get3A_1015 = arith.constant 3 : i32
        %get3A_1016 = arith.index_cast %get3A_1015 : i32 to index
        %get3A_1017 = arith.index_cast %add3A_1014 : i32 to index
        %get3A_1018 = arith.constant 112 : index
        %get3A_1019 = tpu.vector_load %arg6[%get3A_1016, %get3A_1017, %get3A_1018] {strides = array<i32>} : memref<4x160x128xf32, #tpu.memory_space<vmem>>, vector<1x1x16xf32>,
        %get3A_1020 = vector.shape_cast %get3A_1019 : vector<1x1x16xf32> to vector<16xf32>
        %add3A_1021 = arith.addf %add3A_1010, %get3A_1020 : vector<16xf32>
        %mul3A_1022 = arith.constant 5 : i32
        %mul3A_1023 = arith.muli %mul3A_1022, %scan3A_568 : i32
        %add3A_1024 = arith.constant 4 : i32
        %add3A_1025 = arith.addi %mul3A_1023, %add3A_1024 : i32
        %get3A_1026 = arith.constant 3 : i32
        %get3A_1027 = arith.index_cast %get3A_1026 : i32 to index
        %get3A_1028 = arith.index_cast %add3A_1025 : i32 to index
        %get3A_1029 = arith.constant 112 : index
        %get3A_1030 = tpu.vector_load %arg6[%get3A_1027, %get3A_1028, %get3A_1029] {strides = array<i32>} : memref<4x160x128xf32, #tpu.memory_space<vmem>>, vector<1x1x16xf32>,
        %get3A_1031 = vector.shape_cast %get3A_1030 : vector<1x1x16xf32> to vector<16xf32>
        %add3A_1032 = arith.addf %add3A_1021, %get3A_1031 : vector<16xf32>
        %swap3A_1033 = arith.constant 1 : i32
        %swap3A_1034 = arith.index_cast %swap3A_1033 : i32 to index
        %swap3A_1035 = arith.index_cast %scan3A_568 : i32 to index
        %swap3A_1036 = arith.constant 112 : index
        %swap3A_1037 = tpu.vector_load %arg7[%swap3A_1034, %swap3A_1035, %swap3A_1036] {strides = array<i32>} : memref<2x32x128xf32, #tpu.memory_space<vmem>>, vector<1x1x16xf32>,
        %swap3A_1038 = vector.shape_cast %swap3A_1037 : vector<1x1x16xf32> to vector<16xf32>
        %swap3A_1039 = vector.shape_cast %add3A_1032 : vector<16xf32> to vector<1x1x16xf32>
        tpu.vector_store %arg7[%swap3A_1034, %swap3A_1035, %swap3A_1036], %swap3A_1039 {strides = array<i32>} : memref<2x32x128xf32, #tpu.memory_space<vmem>>, vector<1x1x16xf32>,
        %scan3A_1040 = arith.constant 0 : i32
        scf.yield %scan3A_1040 : i32
      }
      %scan3A_550 = arith.constant 32 : i32
      %mul3A_551 = arith.constant 32 : i32
      %mul3A_552 = arith.muli %add3A_480, %mul3A_551 : i32
      %add3A_553 = arith.addi %add3A, %mul3A_552 : i32
      %dma_start3A_554 = arith.constant 1 : i32
      %dma_start3A_555 = arith.constant 0 : i32
      %dma_start3A_556 = arith.constant 0 : i32
      %dma_start3A_557 = tpu.memref_slice %arg7[%dma_start3A_554, %dma_start3A_555, %dma_start3A_556] : memref<2x32x128xf32, #tpu.memory_space<vmem>> -> memref<1x32x128xf32, #tpu.memory_space<vmem>>
      %dma_start3A_558 = tpu.memref_squeeze %dma_start3A_557 : memref<1x32x128xf32, #tpu.memory_space<vmem>> -> memref<32x128xf32, #tpu.memory_space<vmem>>
      %dma_start3A_559 = arith.constant 0 : i32
      %dma_start3A_560 = tpu.memref_slice %arg4[%add3A_553, %dma_start3A_559] : memref<102400x128xf32, #tpu.memory_space<hbm>> -> memref<32x128xf32, #tpu.memory_space<hbm>>
      %dma_start3A_561 = arith.constant 0 : i32
      %dma_start3A_562 = tpu.memref_slice %arg4[%add3A_553, %dma_start3A_561] : memref<102400x128xf32, #tpu.memory_space<hbm>> -> memref<32x128xf32, #tpu.memory_space<hbm>>
      %dma_start3A_563 = arith.constant 0 : i32
      %dma_start3A_564 = arith.constant 0 : i32
      %dma_start3A_565 = tpu.memref_slice %arg7[%dma_start3A_554, %dma_start3A_563, %dma_start3A_564] : memref<2x32x128xf32, #tpu.memory_space<vmem>> -> memref<1x32x128xf32, #tpu.memory_space<vmem>>
      %dma_start3A_566 = tpu.memref_squeeze %dma_start3A_565 : memref<1x32x128xf32, #tpu.memory_space<vmem>> -> memref<32x128xf32, #tpu.memory_space<vmem>>
      tpu.enqueue_dma source(%dma_start3A_566 : memref<32x128xf32, #tpu.memory_space<vmem>>) target(%dma_start3A_562 : memref<32x128xf32, #tpu.memory_space<hbm>>) target_semaphore(%arg13 : memref<!tpu.dma_semaphore, #tpu.memory_space<semaphore_mem>>)
      %while3A_567 = arith.constant 0 : i32
      scf.yield %while3A_567 : i32
    }
    %dma_wait3A = arith.constant 0 : i32
    %dma_wait3A_185 = arith.constant 0 : i32
    %dma_wait3A_186 = arith.constant 0 : i32
    %dma_wait3A_187 = tpu.memref_slice %arg7[%dma_wait3A, %dma_wait3A_185, %dma_wait3A_186] : memref<2x32x128xf32, #tpu.memory_space<vmem>> -> memref<1x32x128xf32, #tpu.memory_space<vmem>>
    %dma_wait3A_188 = tpu.memref_squeeze %dma_wait3A_187 : memref<1x32x128xf32, #tpu.memory_space<vmem>> -> memref<32x128xf32, #tpu.memory_space<vmem>>
    %dma_wait3A_189 = arith.constant 0 : i32
    %dma_wait3A_190 = tpu.memref_slice %arg4[%add3A, %dma_wait3A_189] : memref<102400x128xf32, #tpu.memory_space<hbm>> -> memref<32x128xf32, #tpu.memory_space<hbm>>
    %dma_wait3A_191 = arith.constant 0 : i32
    %dma_wait3A_192 = tpu.memref_slice %arg4[%add3A, %dma_wait3A_191] : memref<102400x128xf32, #tpu.memory_space<hbm>> -> memref<32x128xf32, #tpu.memory_space<hbm>>
    %dma_wait3A_193 = arith.constant 0 : i32
    %dma_wait3A_194 = arith.constant 0 : i32
    %dma_wait3A_195 = tpu.memref_slice %arg7[%dma_wait3A, %dma_wait3A_193, %dma_wait3A_194] : memref<2x32x128xf32, #tpu.memory_space<vmem>> -> memref<1x32x128xf32, #tpu.memory_space<vmem>>
    %dma_wait3A_196 = tpu.memref_squeeze %dma_wait3A_195 : memref<1x32x128xf32, #tpu.memory_space<vmem>> -> memref<32x128xf32, #tpu.memory_space<vmem>>
    tpu.wait_dma2 semaphore(%arg12 : memref<!tpu.dma_semaphore, #tpu.memory_space<semaphore_mem>>) src(%dma_wait3A_196 : memref<32x128xf32, #tpu.memory_space<vmem>>) dst(%dma_wait3A_192 : memref<32x128xf32, #tpu.memory_space<hbm>>)
    %dma_wait3A_197 = arith.constant 1 : i32
    %dma_wait3A_198 = arith.constant 0 : i32
    %dma_wait3A_199 = arith.constant 0 : i32
    %dma_wait3A_200 = tpu.memref_slice %arg7[%dma_wait3A_197, %dma_wait3A_198, %dma_wait3A_199] : memref<2x32x128xf32, #tpu.memory_space<vmem>> -> memref<1x32x128xf32, #tpu.memory_space<vmem>>
    %dma_wait3A_201 = tpu.memref_squeeze %dma_wait3A_200 : memref<1x32x128xf32, #tpu.memory_space<vmem>> -> memref<32x128xf32, #tpu.memory_space<vmem>>
    %dma_wait3A_202 = arith.constant 0 : i32
    %dma_wait3A_203 = tpu.memref_slice %arg4[%add3A, %dma_wait3A_202] : memref<102400x128xf32, #tpu.memory_space<hbm>> -> memref<32x128xf32, #tpu.memory_space<hbm>>
    %dma_wait3A_204 = arith.constant 0 : i32
    %dma_wait3A_205 = tpu.memref_slice %arg4[%add3A, %dma_wait3A_204] : memref<102400x128xf32, #tpu.memory_space<hbm>> -> memref<32x128xf32, #tpu.memory_space<hbm>>
    %dma_wait3A_206 = arith.constant 0 : i32
    %dma_wait3A_207 = arith.constant 0 : i32
    %dma_wait3A_208 = tpu.memref_slice %arg7[%dma_wait3A_197, %dma_wait3A_206, %dma_wait3A_207] : memref<2x32x128xf32, #tpu.memory_space<vmem>> -> memref<1x32x128xf32, #tpu.memory_space<vmem>>
    %dma_wait3A_209 = tpu.memref_squeeze %dma_wait3A_208 : memref<1x32x128xf32, #tpu.memory_space<vmem>> -> memref<32x128xf32, #tpu.memory_space<vmem>>
    tpu.wait_dma2 semaphore(%arg13 : memref<!tpu.dma_semaphore, #tpu.memory_space<semaphore_mem>>) src(%dma_wait3A_209 : memref<32x128xf32, #tpu.memory_space<vmem>>) dst(%dma_wait3A_205 : memref<32x128xf32, #tpu.memory_space<hbm>>)
    return
  }
}

module attributes {stable_mosaic.version = 14 : i64} {
  func.func @body(%arg0: i32, %arg1: memref<2000x128xf32, #tpu.memory_space<vmem>>, %arg2: memref<2000x128xf32, #tpu.memory_space<vmem>>, %arg3: memref<1x20x2000xf32, #tpu.memory_space<vmem>>, %arg4: memref<128x128xf32, #tpu.memory_space<vmem>>, %arg5: memref<20x128xf32, #tpu.memory_space<vmem>>, %arg6: memref<1x128xf32, #tpu.memory_space<vmem>>, %arg7: memref<2000x128xf32, #tpu.memory_space<vmem>>) attributes {dimension_semantics = [#tpu.dimension_semantics<arbitrary>], iteration_bounds = array<i64: 50>, scalar_prefetch = 0 : i64, scratch_operands = 0 : i64, tpu.core_type = #tpu.core_type<tc>, window_params = [{transform_indices = @transform_0, window_bounds = array<i64: 2000, 128>}, {transform_indices = @transform_1, window_bounds = array<i64: 2000, 128>}, {transform_indices = @transform_2, window_bounds = array<i64: 1, 20, 2000>}, {pipeline_mode = #tpu.pipeline_mode<synchronous>, transform_indices = @transform_3, window_bounds = array<i64: 128, 128>}, {pipeline_mode = #tpu.pipeline_mode<synchronous>, transform_indices = @transform_4, window_bounds = array<i64: 20, 128>}, {pipeline_mode = #tpu.pipeline_mode<synchronous>, transform_indices = @transform_5, window_bounds = array<i64: 1, 128>}, {transform_indices = @transform_6, window_bounds = array<i64: 2000, 128>}]} {
    %get3A = arith.constant 0 : index
    %get3A_0 = arith.constant 0 : index
    %get3A_1 = vector.load %arg1[%get3A, %get3A_0] : memref<2000x128xf32, #tpu.memory_space<vmem>>, vector<2000x128xf32>
    %get3A_2 = arith.constant 0 : index
    %get3A_3 = arith.constant 0 : index
    %get3A_4 = vector.load %arg2[%get3A_2, %get3A_3] : memref<2000x128xf32, #tpu.memory_space<vmem>>, vector<2000x128xf32>
    %add3A = arith.addf %get3A_1, %get3A_4 : vector<2000x128xf32>
    %get3A_5 = arith.constant 0 : index
    %get3A_6 = arith.constant 0 : index
    %get3A_7 = vector.load %arg4[%get3A_5, %get3A_6] : memref<128x128xf32, #tpu.memory_space<vmem>>, vector<128x128xf32>
    %dot_general3A = arith.constant dense<0.000000e+00> : vector<2000x128xf32>
    %dot_general3A_8 = tpu.matmul %add3A, %get3A_7, %dot_general3A {dimension_numbers = #tpu.dot_dimension_numbers<[1], [0], [0], [1], [0, 0, 1, 1], [], []>, transpose_lhs_hint = false} : vector<2000x128xf32>, vector<128x128xf32>, vector<2000x128xf32> -> vector<2000x128xf32>
    %get3A_9 = arith.constant 0 : index
    %get3A_10 = arith.constant 0 : index
    %get3A_11 = arith.constant 0 : index
    %get3A_12 = vector.load %arg3[%get3A_9, %get3A_10, %get3A_11] : memref<1x20x2000xf32, #tpu.memory_space<vmem>>, vector<1x20x2000xf32>
    %get3A_13 = vector.shape_cast %get3A_12 : vector<1x20x2000xf32> to vector<20x2000xf32>
    %get3A_14 = arith.constant 0 : index
    %get3A_15 = arith.constant 0 : index
    %get3A_16 = vector.load %arg5[%get3A_14, %get3A_15] : memref<20x128xf32, #tpu.memory_space<vmem>>, vector<20x128xf32>
    %dot_general3A_17 = arith.constant dense<0.000000e+00> : vector<2000x128xf32>
    %dot_general3A_18 = tpu.matmul %get3A_13, %get3A_16, %dot_general3A_17 {dimension_numbers = #tpu.dot_dimension_numbers<[0], [0], [1], [1], [0, 1, 1, 1], [], []>, transpose_lhs_hint = false} : vector<20x2000xf32>, vector<20x128xf32>, vector<2000x128xf32> -> vector<2000x128xf32>
    %add3A_19 = arith.addf %dot_general3A_8, %dot_general3A_18 : vector<2000x128xf32>
    %get3A_20 = arith.constant 0 : index
    %get3A_21 = arith.constant 0 : index
    %get3A_22 = vector.load %arg6[%get3A_20, %get3A_21] : memref<1x128xf32, #tpu.memory_space<vmem>>, vector<1x128xf32>
    %add3A_23 = vector.broadcast %get3A_22 : vector<1x128xf32> to vector<2000x128xf32>
    %add3A_24 = arith.addf %add3A_19, %add3A_23 : vector<2000x128xf32>
    %max3A = arith.constant 0.000000e+00 : f32
    %max3A_25 = vector.broadcast %max3A : f32 to vector<2000x128xf32>
    %max3A_26 = arith.maximumf %add3A_24, %max3A_25 : vector<2000x128xf32>
    %swap3A = arith.constant 0 : index
    %swap3A_27 = arith.constant 0 : index
    %swap3A_28 = vector.load %arg7[%swap3A, %swap3A_27] : memref<2000x128xf32, #tpu.memory_space<vmem>>, vector<2000x128xf32>
    tpu.vector_store %arg7[%swap3A, %swap3A_27], %max3A_26 {strides = array<i32>} : memref<2000x128xf32, #tpu.memory_space<vmem>>, vector<2000x128xf32>,
    return
  }
  func.func @transform_0(%arg0: i32) -> (i32, i32) {
    %c0_i32 = arith.constant 0 : i32
    %c0_i32_0 = arith.constant 0 : i32
    return %arg0, %c0_i32 : i32, i32
  }
  func.func @transform_1(%arg0: i32) -> (i32, i32) {
    %c0_i32 = arith.constant 0 : i32
    %c0_i32_0 = arith.constant 0 : i32
    return %arg0, %c0_i32 : i32, i32
  }
  func.func @transform_2(%arg0: i32) -> (i32, i32, i32) {
    %c0_i32 = arith.constant 0 : i32
    %c0_i32_0 = arith.constant 0 : i32
    %c0_i32_1 = arith.constant 0 : i32
    return %arg0, %c0_i32, %c0_i32_0 : i32, i32, i32
  }
  func.func @transform_3(%arg0: i32) -> (i32, i32) {
    %c0_i32 = arith.constant 0 : i32
    %c0_i32_0 = arith.constant 0 : i32
    %c0_i32_1 = arith.constant 0 : i32
    return %c0_i32, %c0_i32_0 : i32, i32
  }
  func.func @transform_4(%arg0: i32) -> (i32, i32) {
    %c0_i32 = arith.constant 0 : i32
    %c0_i32_0 = arith.constant 0 : i32
    %c0_i32_1 = arith.constant 0 : i32
    return %c0_i32, %c0_i32_0 : i32, i32
  }
  func.func @transform_5(%arg0: i32) -> (i32, i32) {
    %c0_i32 = arith.constant 0 : i32
    %c0_i32_0 = arith.constant 0 : i32
    %c0_i32_1 = arith.constant 0 : i32
    return %c0_i32, %c0_i32_0 : i32, i32
  }
  func.func @transform_6(%arg0: i32) -> (i32, i32) {
    %c0_i32 = arith.constant 0 : i32
    %c0_i32_0 = arith.constant 0 : i32
    return %arg0, %c0_i32 : i32, i32
  }
}

</mosaic_0001>

<sc_bundles>
// kernel: kernel.4.cloned.1.call-start
scs
__scs_entry_jumppad:
0x0: {  	(pc) =	sbr.rel $0x88, $3  }
0x1: {  	(tag) =	ssettag $0x0;
	lr =	simm.s32 $0x1  }
0x2: {  	[smem:$0x3F9C] =	sst lr;
	_ =	strace $0xD0000000  }
0x3: {  	_ = 	snop  }
0x4: {  	_ = 	snop  }
0x5: {  	_ = 	snop  }
0x6: {  	_ = 	snop  }
0x7: {  	_ = 	snop  }
__scs_overlays_trampoline_lowered:
0x8: {  	[smem:$0x3FAB] =	sst s0  }
0x9: {  	[smem:$0x3FAC] =	sst s1  }
0xa: {  	[smem:$0x3FAD] =	sst s2  }
0xb: {  	[smem:$0x3FAE] =	sst s3  }
0xc: {  	[smem:$0x3FAF] =	sst s4  }
0xd: {  	[smem:$0x3FB0] =	sst s5  }
0xe: {  	[smem:$0x3FB1] =	sst s6  }
0xf: {  	[smem:$0x3FB2] =	sst s7  }
0x10: {  	[smem:$0x3FB3] =	sst s8  }
0x11: {  	[smem:$0x3FB4] =	sst s9;
	s0 =	simm.s32 @!p0 $0x0  }
0x12: {  	s1 =	sld [smem:$0x3F9A];
	s0 =	simm.s32 @p0 $0x1  }
0x13: {  	[smem:$0x3FB5] =	sst s0;
	s0 =	simm.s32 @!p1 $0x0  }
0x14: {  	s2 =	sld [smem:$0x3F99];
	s0 =	simm.s32 @p1 $0x1  }
0x15: {  	[smem:$0x3FB6] =	sst s0;
	s0 =	simm.s32 @!p2 $0x0  }
0x16: {  	s3 =	sld [smem:$0x3FDB];
	s0 =	simm.s32 @p2 $0x1  }
0x17: {  	s4 =	simm.s32 $0x1BF5;
	[smem:$0x3FB8] =	sst s0  }
0x18: {  	s0 =	sld [smem:$0x3F9B];
	_ =	swait.ge [sflag:s4], $0x0  }
0x19: {  	s7 =	sld [smem:$0x3F9C]  }
0x1a: {  	s8 =	sadd.s32 $0xFFFFE003, lr  }
0x1b: {  	s9 =	sadd.s32 $0xFFFFFEF7, lr;
	s5 =	simm.s32 $0xFFFFFFFF;
	p2 =	slt.u32 s8, $0xFFFFF086  }
0x1c: {  	p1 =	slt.u32 s9, $0xF7A;
	s5 =	simm.s32 @!p2 $0x0  }
0x1d: {  	s5 =	simm.s32 @p1 $0x1;
	p0 =	seq.s32 s7, s2  }
0x1e: {  	s7 =	smul.u32 @!p0 $0xF7A, s2;
	p2 =	seq.s32 @!p0 s5, $0x0  }
0x1f: {  	s9 =	smul.u32 $0xF7A, s1;
	s8 =	simm.s32 @!p0 $0x1BF5;
	p2 =	por !p2, p0  }
0x20: {  	[sflag:s8] =	ssyncset.s32 @!p0 $0xFFFFF086;
	s6 =	sadd.s32 @!p0 s3, s7;
	s7 =	simm.s32 @!p0 $0x108  }
0x21: {  	s3 =	sadd.s32 s3, s9;
	s6 =	sadd.s32 @!p0 $0x88, s6;
	s7 =	simm.s32 @p2 $0x1082  }
0x22: {  	[simem:s7], [sflag:s8] =	dma.local @!p0 [hbm:s6], $0xF7A  }
0x23: {  	s9 =	sor.u32 $0xD0000000, s2;
	s6 =	simm.s32 $0x108;
	_ =	swait.ge @!p0 [sflag:s8], $0x0  }
0x24: {  	s3 =	sadd.s32 $0x88, s3;
	s6 =	simm.s32 @!p1 $0x1082;
	[sflag:s4] =	ssyncset.s32 $0xFFFFF086  }
0x25: {  	[simem:s6], [sflag:s4] =	dma.local [hbm:s3], $0xF7A  }
0x26: {  	[smem:$0x3F9C] =	sst s1;
	(tag) =	ssettag s2;
	_ =	strace s9  }
0x27: {  	s1 =	sld [smem:$0x3FAC]  }
0x28: {  	s2 =	sld [smem:$0x3FAD]  }
0x29: {  	s4 =	sld [smem:$0x3FAF]  }
0x2a: {  	p0 =	seq.s32 s5, $0x0;
	s5 =	sld [smem:$0x3FB0]  }
0x2b: {  	s6 =	sld [smem:$0x3FB1]  }
0x2c: {  	s7 =	sld [smem:$0x3FB2]  }
0x2d: {  	s3 =	simm.s32 $0x108;
	s8 =	sld [smem:$0x3FB3]  }
0x2e: {  	s3 =	simm.s32 @!p0 $0x1082;
	s9 =	sld [smem:$0x3FB4]  }
0x2f: {  	lr =	sadd.s32 s0, s3;
	s0 =	sld [smem:$0x3FAB]  }
0x30: {  	s3 =	sld [smem:$0x3FAE]  }
0x31: {  	[smem:$0x3FB7] =	sst s10  }
0x32: {  	s10 =	sld [smem:$0x3FB5];
	_ =	sdelay $0x3  }
0x33: {  	p0 =	seq.s32 s10, $0x1;
	s10 =	sld [smem:$0x3FB7];
	_ =	sdelay $0x3  }
0x34: {  	[smem:$0x3FB7] =	sst s10  }
0x35: {  	s10 =	sld [smem:$0x3FB6];
	_ =	sdelay $0x3  }
0x36: {  	p1 =	seq.s32 s10, $0x1;
	s10 =	sld [smem:$0x3FB7];
	_ =	sdelay $0x3  }
0x37: {  	[smem:$0x3FB7] =	sst s10  }
0x38: {  	s10 =	sld [smem:$0x3FB8]  }
0x39: {  	_ = 	snop;
	(pc) =	sbr.ind lr, $3  }
0x3a: {  	_ = 	snop  }
0x3b: {  	_ = 	snop  }
0x3c: {  	p2 =	seq.s32 s10, $0x1;
	s10 =	sld [smem:$0x3FB7]  }
0x3d: {  	_ =	shalt  }
0x3e: {  	_ =	shalt  }
0x3f: {  	_ =	shalt  }
0x40: {  	_ =	shalt  }
0x41: {  	_ =	shalt  }
0x42: {  	_ =	shalt  }
0x43: {  	_ =	shalt  }
0x44: {  	_ =	shalt  }
0x45: {  	_ =	shalt  }
0x46: {  	_ =	shalt  }
0x47: {  	_ =	shalt  }
0x48: {  	_ =	shalt  }
0x49: {  	_ =	shalt  }
0x4a: {  	_ =	shalt  }
0x4b: {  	_ =	shalt  }
0x4c: {  	_ =	shalt  }
0x4d: {  	_ =	shalt  }
0x4e: {  	_ =	shalt  }
0x4f: {  	_ =	shalt  }
0x50: {  	_ =	shalt  }
0x51: {  	_ =	shalt  }
0x52: {  	_ =	shalt  }
0x53: {  	_ =	shalt  }
0x54: {  	_ =	shalt  }
0x55: {  	_ =	shalt  }
0x56: {  	_ =	shalt  }
0x57: {  	_ =	shalt  }
0x58: {  	_ =	shalt  }
0x59: {  	_ =	shalt  }
0x5a: {  	_ =	shalt  }
0x5b: {  	_ =	shalt  }
0x5c: {  	_ =	shalt  }
0x5d: {  	_ =	shalt  }
0x5e: {  	_ =	shalt  }
0x5f: {  	_ =	shalt  }
0x60: {  	_ =	shalt  }
0x61: {  	_ =	shalt  }
0x62: {  	_ =	shalt  }
0x63: {  	_ =	shalt  }
0x64: {  	_ =	shalt  }
0x65: {  	_ =	shalt  }
0x66: {  	_ =	shalt  }
0x67: {  	_ =	shalt  }
0x68: {  	_ =	shalt  }
0x69: {  	_ =	shalt  }
0x6a: {  	_ =	shalt  }
0x6b: {  	_ =	shalt  }
0x6c: {  	_ =	shalt  }
0x6d: {  	_ =	shalt  }
0x6e: {  	_ =	shalt  }
0x6f: {  	_ =	shalt  }
0x70: {  	_ =	shalt  }
0x71: {  	_ =	shalt  }
0x72: {  	_ =	shalt  }
0x73: {  	_ =	shalt  }
0x74: {  	_ =	shalt  }
0x75: {  	_ =	shalt  }
0x76: {  	_ =	shalt  }
0x77: {  	_ =	shalt  }
0x78: {  	_ =	shalt  }
0x79: {  	_ =	shalt  }
0x7a: {  	_ =	shalt  }
0x7b: {  	_ =	shalt  }
0x7c: {  	_ =	shalt  }
0x7d: {  	_ =	shalt  }
0x7e: {  	_ =	shalt  }
0x7f: {  	_ =	shalt  }
0x80: {  	_ =	shalt  }
0x81: {  	_ =	shalt  }
0x82: {  	_ =	shalt  }
0x83: {  	_ =	shalt  }
0x84: {  	_ =	shalt  }
0x85: {  	_ =	shalt  }
0x86: {  	_ =	shalt  }
0x87: {  	_ =	shalt  }
.Lfunc_end0:
.L_simem_size_0:
called_computation_lowered:
.L_overlay_start_0:
0x88: {  	s2 =	sld [smem:$0x3FD9]  }
0x89: {  	s3 =	sld [smem:$0x3FFE];
	_ =	sdelay $0x1  }
0x8a: {  	s1 =	srdreg.scid  }
0x8b: {  	s0 =	sand.u32 $0x1, s1  }
0x8c: {  	s17 =	sshll.u32 s0, $0xA;
	s2 =	sadd.s32 s3, s2  }
0x8d: {  	s2 =	sadd.s32 s2, s17  }
0x8e: {  	[smem:$0x3FC3] =	sst s2  }
0x8f: {  	_ = 	snop  }
0x90: {  	s2 =	sld [smem:$0x3FC9]  }
0x91: {  	s18 =	sld [smem:$0x3FD0];
	(tm) =	ssettm $0x1  }
0x92: {  	s4 =	sld [smem:$0x3FFB];
	_ =	sdelay $0x3  }
0x93: {  	_ =	strace s4  }
0x94: {  	s4 =	sld [smem:$0x3FFC];
	_ =	sdelay $0x3  }
0x95: {  	_ =	strace s4  }
0x96: {  	s4 =	sld [smem:$0x3FFD];
	_ =	sdelay $0x3  }
0x97: {  	_ =	strace s4  }
0x98: {  	_ =	strace $0x8FFFFFFF  }
0x99: {  	s19 =	sld [smem:$0x3FDB];
	_ =	sdelay $0x1  }
0x9a: {  	s5 =	simm.s32 $_scs_section_size  }
0x9b: {  	s6 =	simm.s32 $_size__tile_overlayer_lowered;
	s7 =	simm.s32 $_tile_overlayer_lowered  }
0x9c: {  	s22 =	simm.s32 $0x1BFF;
	s21 =	sshll.u32 s7, $0x1;
	s4 =	sadd.s32 s5, s19  }
0x9d: {  	s8 =	simm.s32 $0x0;
	s20 =	sshll.u32 s6, $0x1;
	s6 =	sadd.s32 s21, s4  }
0x9e: {  	[timem:s8], [sflag:s22] =	dma.local [hbm:s6], s20  }
0x9f: {  	_ =	swait.ge [sflag:s22], s20  }
0xa0: {  	s5 =	ssub.s32 $0x0, s20;
	[sflag:s22] =	ssyncset.done $0x0  }
0xa1: {  	[sflag:s22] =	ssyncadd.s32 s5;
	_ =	sdelay $0x1  }
0xa2: {  	s23 =	simm.s32 $0x1B8B  }
0xa3: {  	_ =	swait.ge [sflag:s23], $0x1  }
0xa4: {  	[sflag:s23] =	ssyncset.done $0x0  }
0xa5: {  	s25 =	simm.s32 $0x1B8E;
	s24 =	sld [smem:$0x3FFE];
	[sflag:s23] =	ssyncadd.s32 $0xFFFFFFFF  }
0xa6: {  	s26 =	simm.s32 $execute0_lowered;
	[smem:$0x3FD2] =	sst s25  }
0xa7: {  	s6 =	sshll.u32 s26, $0x1;
	_ =	strace $0x80000046;
	[dreg:$0x1] =	wrdreg $0xFFFFFFFF  }
0xa8: {  	s28 =	simm.s32 $_size_execute0_lowered;
	s4 =	sadd.s32 s4, s6;
	[dreg:$0x0] =	wrdreg $0x0  }
0xa9: {  	s6 =	sshll.u32 s28, $0x1;
	[dreg:$0x2] =	wrdreg s4  }
0xaa: {  	[dreg:$0x3] =	wrdreg s6  }
0xab: {  	[dreg:$0x4] =	wrdreg $0xC0  }
0xac: {  	_ =	task [dreg:s8], $0x5FFFF  }
0xad: {  	[dreg:$0x1] =	wrdreg $0xFFFFFFFF  }
0xae: {  	[dreg:$0x0] =	wrdreg $0x60  }
0xaf: {  	[dreg:$0x2] =	wrdreg s2  }
0xb0: {  	[dreg:$0x3] =	wrdreg s18  }
0xb1: {  	[dreg:$0x4] =	wrdreg s24  }
0xb2: {  	[dreg:$0x5] =	wrdreg $0x9  }
0xb3: {  	_ =	task.clear_ibuf [dreg:s8], $0x6FFFF;
	_ =	strace $0x90000046  }
0xb4: {  	s29 =	simm.s32 $0x9;
	_ =	strace $0x80000048  }
0xb5: {  	_ =	swait.ge [sflag:s29], $0x1  }
0xb6: {  	[sflag:s29] =	ssyncadd.s32 $0xFFFFFFFF  }
0xb7: {  	_ =	strace $0x90000048  }
0xb8: {  	_ =	sfence  }
0xb9: {  	s30 =	sld [smem:$0x0];
	_ =	sdelay $0x2  }
0xba: {  	s31 =	sshll.u32 s1, $0xD;
	s1 =	sshrl.u32 s1, $0x2  }
0xbb: {  	s3 =	sand.u32 $0x4000, s31;
	s1 =	sadd.s32 s1, s30  }
0xbc: {  	s0 =	sor.u32 s3, s0;
	s1 =	sshll.u32 s1, $0x11  }
0xbd: {  	s0 =	sor.u32 s1, s0  }
0xbe: {  	s0 =	sadd.s32 $0x8F2B, s0  }
0xbf: {  	[sflag:s0] =	ssyncadd.remote.s32 $0x1  }
0xc0: {  	_ =	sfence.sel $0xFFFF  }
0xc1: {  	[dreg:$0x0] =	wrdreg $0xFFFFFFFF;
	(pc) =	sbr.abs _section_cstart, $3  }
0xc2: {  	[dreg:$0x1] =	wrdreg $0xFFFFFFFF  }
0xc3: {  	_ =	task.clear_ibuf [dreg:s8], $0x2FFFF;
	_ =	strace $0x9FFFFFFF  }
0xc4: {  	(tm) =	ssettm $0x7FFFFFFF  }
0xc5: {  	_ =	shalt  }
tec
execute0_lowered:
.L_overlay_start_1:
0x0: {  	(tag) =	ssettag $0x1  }
0x1: {  	s2 =	rddreg [dreg:$0x0]  }
0x2: {  	s0 =	srdreg.scid;
	s5 =	rddreg [dreg:$0x1]  }
0x3: {  	s1 =	stileid.u32;
	s6 =	rddreg [dreg:$0x2]  }
0x4: {  	s3 =	simm.s32 $0x0;
	s10 =	simm.s32 $0x7;
	s11 =	simm.s32 $0x20  }
0x5: {  	s19 =	simm.s32 $0x12E80;
	s20 =	simm.s32 $0x13E80;
	s21 =	simm.s32 $0x14E80  }
0x6: {  	s22 =	simm.s32 $0x15E80;
	s23 =	simm.s32 $0x16E80;
	s24 =	simm.s32 $0x1  }
0x7: {  	s28 =	simm.s32 $0x18E80;
	s0 =	sand.u32 $0x1, s0;
	s1 =	smul.u32 $0x1900, s1  }
0x8: {  	s29 =	simm.s32 $0x3;
	s30 =	simm.s32 $0x5;
	s4 =	smul.u32 $0xC80, s0  }
0x9: {  	s31 =	simm.s32 $0x4;
	[smem:$0x7FF] =	sst s3;
	s0 =	ssub.s32 $0x2, s0  }
0xa: {  	_ =	strace $0x80000047;
	s25 =	sshrl.u32 s0, $0x1;
	s1 =	sadd.s32 s4, s1  }
0xb: {  	s4 =	sadd.s32 $0xC00, s6;
	s0 =	ssub.s32 s0, s25;
	s7 =	smul.u32 $0x5, s1  }
0xc: {  	s25 =	simm.s32 $0x17E80;
	s26 =	sshll.u32 s1, $0x4;
	s8 =	sor.u32 $0x40, s1  }
0xd: {  	s9 =	smax.u32 s0, $0x1;
	s0 =	simm.s32 $0x0;
	s7 =	sshrl.u32 s7, $0x3  }
0xe: {  	s6 =	sadd.s32 s4, s26;
	s26 =	simm.s32 $0x2;
	s5 =	sadd.s32 s5, s7  }
0xf: {  	s7 =	sor.u32 $0x20, s1;
	s1 =	simm.s32 $0x6;
	[dreg:$0x4] =	wrdreg s5  }
.LBB2_1:
0x10: {  	s5 =	rddreg [dreg:$0x4]  }
0x11: {  	[tilespmem:s3], [sflag:$0x7] =	stream.linear.gather [hbm4b:s5+s3], $0x3E80, $0x38;
	[tilespmem:$0x19E80] =	vst v63  }
0x12: {  	_ =	swait.ge [sflag:s10], $0x3E80  }
0x13: {  	[sflag:s10] =	ssyncset.done $0x0  }
0x14: {  	s16 =	simm.s32 $0x3E80;
	[sflag:s10] =	ssyncadd.s32 $0xFFFFC180  }
0x15: {  	[tilespmem:s16], [sflag:$0x1] =	stream.indirect.gather [hbm4b:s2+s11], $0x80, s3, s11, $0xb8;
	[tilespmem:$0x19E80] =	vst v63  }
0x16: {  	s17 =	simm.s32 $0x4E80  }
0x17: {  	[tilespmem:s17], [sflag:$0x1] =	stream.indirect.gather [hbm4b:s2+s11], $0x80, s11, s11, $0xb8;
	[tilespmem:$0x19E80] =	vst v63  }
0x18: {  	s18 =	simm.s32 $0x40;
	s12 =	simm.s32 $0x5E80  }
0x19: {  	[tilespmem:s12], [sflag:$0x1] =	stream.indirect.gather [hbm4b:s2+s11], $0x80, s18, s11, $0xb8;
	[tilespmem:$0x19E80] =	vst v63  }
0x1a: {  	s13 =	simm.s32 $0x60;
	s14 =	simm.s32 $0x6E80  }
0x1b: {  	[tilespmem:s14], [sflag:$0x1] =	stream.indirect.gather [hbm4b:s2+s11], $0x80, s13, s11, $0xb8;
	[tilespmem:$0x19E80] =	vst v63  }
0x1c: {  	s15 =	simm.s32 $0x80;
	s16 =	simm.s32 $0x7E80  }
0x1d: {  	[tilespmem:s16], [sflag:$0x1] =	stream.indirect.gather [hbm4b:s2+s11], $0x80, s15, s11, $0xb8;
	[tilespmem:$0x19E80] =	vst v63  }
0x1e: {  	s17 =	simm.s32 $0xA0;
	s18 =	simm.s32 $0x8E80  }
0x1f: {  	[tilespmem:s18], [sflag:$0x2] =	stream.indirect.gather [hbm4b:s2+s11], $0x80, s17, s11, $0xb8;
	[tilespmem:$0x19E80] =	vst v63  }
0x20: {  	s13 =	simm.s32 $0xC0;
	s14 =	simm.s32 $0x9E80  }
0x21: {  	[tilespmem:s14], [sflag:$0x2] =	stream.indirect.gather [hbm4b:s2+s11], $0x80, s13, s11, $0xb8;
	[tilespmem:$0x19E80] =	vst v63  }
0x22: {  	s15 =	simm.s32 $0xE0;
	s16 =	simm.s32 $0xAE80  }
0x23: {  	[tilespmem:s16], [sflag:$0x2] =	stream.indirect.gather [hbm4b:s2+s11], $0x80, s15, s11, $0xb8;
	[tilespmem:$0x19E80] =	vst v63  }
0x24: {  	s17 =	simm.s32 $0x100;
	s18 =	simm.s32 $0xBE80  }
0x25: {  	[tilespmem:s18], [sflag:$0x2] =	stream.indirect.gather [hbm4b:s2+s11], $0x80, s17, s11, $0xb8;
	[tilespmem:$0x19E80] =	vst v63  }
0x26: {  	s13 =	simm.s32 $0x120;
	s14 =	simm.s32 $0xCE80  }
0x27: {  	[tilespmem:s14], [sflag:$0x2] =	stream.indirect.gather [hbm4b:s2+s11], $0x80, s13, s11, $0xb8;
	[tilespmem:$0x19E80] =	vst v63  }
0x28: {  	s15 =	simm.s32 $0x140;
	s16 =	simm.s32 $0xDE80  }
0x29: {  	[tilespmem:s16], [sflag:$0x3] =	stream.indirect.gather [hbm4b:s2+s11], $0x80, s15, s11, $0xb8;
	[tilespmem:$0x19E80] =	vst v63  }
0x2a: {  	s17 =	simm.s32 $0x160;
	s18 =	simm.s32 $0xEE80  }
0x2b: {  	[tilespmem:s18], [sflag:$0x3] =	stream.indirect.gather [hbm4b:s2+s11], $0x80, s17, s11, $0xb8;
	[tilespmem:$0x19E80] =	vst v63  }
0x2c: {  	s13 =	simm.s32 $0x180;
	s14 =	simm.s32 $0xFE80  }
0x2d: {  	[tilespmem:s14], [sflag:$0x3] =	stream.indirect.gather [hbm4b:s2+s11], $0x80, s13, s11, $0xb8;
	[tilespmem:$0x19E80] =	vst v63  }
0x2e: {  	s15 =	simm.s32 $0x1A0;
	s16 =	simm.s32 $0x10E80  }
0x2f: {  	[tilespmem:s16], [sflag:$0x3] =	stream.indirect.gather [hbm4b:s2+s11], $0x80, s15, s11, $0xb8;
	[tilespmem:$0x19E80] =	vst v63  }
0x30: {  	s12 =	simm.s32 $0x0;
	s17 =	simm.s32 $0x1C0;
	s18 =	simm.s32 $0x11E80  }
0x31: {  	[tilespmem:s18], [sflag:$0x3] =	stream.indirect.gather [hbm4b:s2+s11], $0x80, s17, s11, $0xb8;
	[tilespmem:$0x19E80] =	vst v63  }
.LBB2_2:
0x32: {  	s13 =	sshllo.u32 s12, $0x2  }
0x33: {  	s5 =	smul.u32 $0x280, s13;
	_ =	sdelay $0x1  }
0x34: {  	s5 =	sshra.s32 s5, $0x2  }
0x35: {  	[tilespmem:s19], [sflag:$0x4] =	stream.indirect.gather [hbm4b:s2+s11], $0x80, s5, s11, $0xb8;
	[tilespmem:$0x19E80] =	vst v63  }
0x36: {  	s14 =	sadd.s32 $0x20, s5  }
0x37: {  	[tilespmem:s20], [sflag:$0x4] =	stream.indirect.gather [hbm4b:s2+s11], $0x80, s14, s11, $0xb8;
	[tilespmem:$0x19E80] =	vst v63  }
0x38: {  	s17 =	sadd.s32 $0x40, s5  }
0x39: {  	[tilespmem:s21], [sflag:$0x4] =	stream.indirect.gather [hbm4b:s2+s11], $0x80, s17, s11, $0xb8;
	[tilespmem:$0x19E80] =	vst v63  }
0x3a: {  	s18 =	sadd.s32 $0x60, s5  }
0x3b: {  	[tilespmem:s22], [sflag:$0x4] =	stream.indirect.gather [hbm4b:s2+s11], $0x80, s18, s11, $0xb8;
	[tilespmem:$0x19E80] =	vst v63  }
0x3c: {  	s5 =	sadd.s32 $0x80, s5  }
0x3d: {  	[tilespmem:s23], [sflag:$0x4] =	stream.indirect.gather [hbm4b:s2+s11], $0x80, s5, s11, $0xb8;
	[tilespmem:$0x19E80] =	vst v63  }
0x3e: {  	_ =	swait.ge [sflag:s24], $0x1000  }
0x3f: {  	[sflag:s24] =	ssyncset.done $0x0  }
0x40: {  	[sflag:s24] =	ssyncadd.s32 $0xFFFFF000  }
0x41: {  	_ =	swait.ge [sflag:s24], $0x1000  }
0x42: {  	[sflag:s24] =	ssyncset.done $0x0  }
0x43: {  	[sflag:s24] =	ssyncadd.s32 $0xFFFFF000  }
0x44: {  	_ =	swait.ge [sflag:s24], $0x1000  }
0x45: {  	[sflag:s24] =	ssyncset.done $0x0  }
0x46: {  	[sflag:s24] =	ssyncadd.s32 $0xFFFFF000  }
0x47: {  	_ =	swait.ge [sflag:s24], $0x1000  }
0x48: {  	[sflag:s24] =	ssyncset.done $0x0  }
0x49: {  	[sflag:s24] =	ssyncadd.s32 $0xFFFFF000  }
0x4a: {  	_ =	swait.ge [sflag:s24], $0x1000  }
0x4b: {  	p1 =	seq.s32 s12, $0x0;
	[sflag:s24] =	ssyncset.done $0x0  }
0x4c: {  	s5 =	simm.s32 @!p1 $0x5;
	[sflag:s24] =	ssyncadd.s32 $0xFFFFF000  }
0x4d: {  	_ =	swait.ge @!p1 [sflag:s5], $0x1000  }
0x4e: {  	[sflag:s5] =	ssyncset.done @!p1 $0x0  }
0x4f: {  	s14 =	simm.s32 $0x3FC0;
	[sflag:s5] =	ssyncadd.s32 @!p1 $0xFFFFF000  }
0x50: {  	v0 =	vld [tilespmem:s14+$0xFFFFFF40]  }
0x51: {  	v1 =	vld [tilespmem:s14+$0xFFFFFEC0];
	_ =	sdelay $0x1  }
0x52: {  	v2 =	vld [tilespmem:s14+$0xFFFFFFC0];
	_ =	sdelay $0x1  }
0x53: {  	v3 =	vld [tilespmem:s14+$0x40]  }
0x54: {  	v0 =	vadd.f32 v0, v1  }
0x55: {  	v1 =	vld [tilespmem:s14+$0xC0]  }
0x56: {  	v0 =	vadd.f32 v2, v0;
	_ =	sdelay $0x1  }
0x57: {  	v0 =	vadd.f32 v3, v0;
	_ =	sdelay $0x1  }
0x58: {  	v0 =	vadd.f32 v1, v0  }
0x59: {  	s15 =	simm.s32 $0x0  }
0x5a: {  	[tilespmem:s15+$0x17E80] =	vst v0  }
0x5b: {  	v0 =	vld [tilespmem:s14+$0xFFFFFED0]  }
0x5c: {  	v1 =	vld [tilespmem:s14+$0xFFFFFF50];
	_ =	sdelay $0x1  }
0x5d: {  	v2 =	vld [tilespmem:s14+$0xFFFFFFD0];
	_ =	sdelay $0x1  }
0x5e: {  	v3 =	vld [tilespmem:s14+$0x50]  }
0x5f: {  	v0 =	vadd.f32 v1, v0  }
0x60: {  	v1 =	vld [tilespmem:s14+$0xD0]  }
0x61: {  	v0 =	vadd.f32 v2, v0;
	_ =	sdelay $0x1  }
0x62: {  	v0 =	vadd.f32 v3, v0;
	_ =	sdelay $0x1  }
0x63: {  	v0 =	vadd.f32 v1, v0;
	_ =	sdelay $0x1  }
0x64: {  	[tilespmem:s15+$0x17E90] =	vst v0  }
0x65: {  	v0 =	vld [tilespmem:s14+$0xFFFFFEE0]  }
0x66: {  	v1 =	vld [tilespmem:s14+$0xFFFFFF60];
	_ =	sdelay $0x1  }
0x67: {  	v2 =	vld [tilespmem:s14+$0xFFFFFFE0];
	_ =	sdelay $0x1  }
0x68: {  	v3 =	vld [tilespmem:s14+$0x60]  }
0x69: {  	v0 =	vadd.f32 v1, v0  }
0x6a: {  	v1 =	vld [tilespmem:s14+$0xE0]  }
0x6b: {  	v0 =	vadd.f32 v2, v0;
	_ =	sdelay $0x1  }
0x6c: {  	v0 =	vadd.f32 v3, v0;
	_ =	sdelay $0x1  }
0x6d: {  	v0 =	vadd.f32 v1, v0;
	_ =	sdelay $0x1  }
0x6e: {  	[tilespmem:s15+$0x17EA0] =	vst v0  }
0x6f: {  	v0 =	vld [tilespmem:s14+$0xFFFFFEF0]  }
0x70: {  	v1 =	vld [tilespmem:s14+$0xFFFFFF70];
	_ =	sdelay $0x1  }
0x71: {  	v2 =	vld [tilespmem:s14+$0xFFFFFFF0];
	_ =	sdelay $0x1  }
0x72: {  	v3 =	vld [tilespmem:s14+$0x70]  }
0x73: {  	v0 =	vadd.f32 v1, v0  }
0x74: {  	v1 =	vld [tilespmem:s14+$0xF0]  }
0x75: {  	v0 =	vadd.f32 v2, v0;
	_ =	sdelay $0x1  }
0x76: {  	v0 =	vadd.f32 v3, v0;
	_ =	sdelay $0x1  }
0x77: {  	v0 =	vadd.f32 v1, v0;
	_ =	sdelay $0x1  }
0x78: {  	[tilespmem:s15+$0x17EB0] =	vst v0  }
0x79: {  	v0 =	vld [tilespmem:s14+$0xFFFFFF00]  }
0x7a: {  	v1 =	vld [tilespmem:s14+$0xFFFFFF80];
	_ =	sdelay $0x1  }
0x7b: {  	v2 =	vld [tilespmem:s14+$0x0];
	_ =	sdelay $0x1  }
0x7c: {  	v3 =	vld [tilespmem:s14+$0x80]  }
0x7d: {  	v0 =	vadd.f32 v1, v0  }
0x7e: {  	v1 =	vld [tilespmem:s14+$0x100]  }
0x7f: {  	v0 =	vadd.f32 v2, v0;
	_ =	sdelay $0x1  }
0x80: {  	v0 =	vadd.f32 v3, v0;
	_ =	sdelay $0x1  }
0x81: {  	v0 =	vadd.f32 v1, v0;
	_ =	sdelay $0x1  }
0x82: {  	[tilespmem:s15+$0x17EC0] =	vst v0  }
0x83: {  	v0 =	vld [tilespmem:s14+$0xFFFFFF10]  }
0x84: {  	v1 =	vld [tilespmem:s14+$0xFFFFFF90];
	_ =	sdelay $0x1  }
0x85: {  	v2 =	vld [tilespmem:s14+$0x10];
	_ =	sdelay $0x1  }
0x86: {  	v3 =	vld [tilespmem:s14+$0x90]  }
0x87: {  	v0 =	vadd.f32 v1, v0  }
0x88: {  	v1 =	vld [tilespmem:s14+$0x110]  }
0x89: {  	v0 =	vadd.f32 v2, v0;
	_ =	sdelay $0x1  }
0x8a: {  	v0 =	vadd.f32 v3, v0;
	_ =	sdelay $0x1  }
0x8b: {  	v0 =	vadd.f32 v1, v0;
	_ =	sdelay $0x1  }
0x8c: {  	[tilespmem:s15+$0x17ED0] =	vst v0  }
0x8d: {  	v0 =	vld [tilespmem:s14+$0xFFFFFF20]  }
0x8e: {  	v1 =	vld [tilespmem:s14+$0xFFFFFFA0];
	_ =	sdelay $0x1  }
0x8f: {  	v2 =	vld [tilespmem:s14+$0x20];
	_ =	sdelay $0x1  }
0x90: {  	v3 =	vld [tilespmem:s14+$0xA0]  }
0x91: {  	v0 =	vadd.f32 v1, v0  }
0x92: {  	v1 =	vld [tilespmem:s14+$0x120]  }
0x93: {  	v0 =	vadd.f32 v2, v0;
	_ =	sdelay $0x1  }
0x94: {  	v0 =	vadd.f32 v3, v0;
	_ =	sdelay $0x1  }
0x95: {  	v0 =	vadd.f32 v1, v0;
	_ =	sdelay $0x1  }
0x96: {  	[tilespmem:s15+$0x17EE0] =	vst v0  }
0x97: {  	v3 =	vld [tilespmem:s14+$0xFFFFFF30]  }
0x98: {  	v4 =	vld [tilespmem:s14+$0xFFFFFFB0]  }
0x99: {  	v2 =	vld [tilespmem:s14+$0x30]  }
0x9a: {  	v0 =	vld [tilespmem:s14+$0xB0]  }
0x9b: {  	s16 =	simm.s32 $0x200;
	v1 =	vld [tilespmem:s14+$0x130]  }
.LBB2_3:
0x9c: {  	p0 =	sne.s32 s16, $0x3E00  }
0x9d: {  	s14 =	sadd.s32 $0x280, s14;
	s5 =	smov.u32 s16;
	s16 =	sadd.s32 $0x200, s16;
	v3 =	vadd.f32 v4, v3  }
0x9e: {  	_ = 	snop  }
0x9f: {  	v2 =	vadd.f32 v2, v3;
	_ =	sdelay $0x1  }
0xa0: {  	v0 =	vadd.f32 v0, v2;
	_ =	sdelay $0x1  }
0xa1: {  	v0 =	vadd.f32 v1, v0;
	_ =	sdelay $0x1  }
0xa2: {  	[tilespmem:s15+$0x17EF0] =	vst v0  }
0xa3: {  	v0 =	vld [tilespmem:s14+$0xFFFFFF40]  }
0xa4: {  	v1 =	vld [tilespmem:s14+$0xFFFFFEC0]  }
0xa5: {  	v2 =	vld [tilespmem:s14+$0xFFFFFFC0];
	_ =	sdelay $0x2  }
0xa6: {  	v3 =	vld [tilespmem:s14+$0x40]  }
0xa7: {  	v0 =	vadd.f32 v0, v1  }
0xa8: {  	v1 =	vld [tilespmem:s14+$0xC0]  }
0xa9: {  	v0 =	vadd.f32 v2, v0;
	_ =	sdelay $0x1  }
0xaa: {  	v0 =	vadd.f32 v3, v0;
	_ =	sdelay $0x1  }
0xab: {  	v0 =	vadd.f32 v1, v0  }
0xac: {  	s15 =	sshra.s32 s5, $0x2  }
0xad: {  	[tilespmem:s15+$0x17E80] =	vst v0  }
0xae: {  	v0 =	vld [tilespmem:s14+$0xFFFFFED0]  }
0xaf: {  	v1 =	vld [tilespmem:s14+$0xFFFFFF50];
	_ =	sdelay $0x1  }
0xb0: {  	v2 =	vld [tilespmem:s14+$0xFFFFFFD0];
	_ =	sdelay $0x1  }
0xb1: {  	v3 =	vld [tilespmem:s14+$0x50]  }
0xb2: {  	v0 =	vadd.f32 v1, v0  }
0xb3: {  	v1 =	vld [tilespmem:s14+$0xD0]  }
0xb4: {  	v0 =	vadd.f32 v2, v0;
	_ =	sdelay $0x1  }
0xb5: {  	v0 =	vadd.f32 v3, v0;
	_ =	sdelay $0x1  }
0xb6: {  	v0 =	vadd.f32 v1, v0;
	_ =	sdelay $0x1  }
0xb7: {  	[tilespmem:s15+$0x17E90] =	vst v0  }
0xb8: {  	v0 =	vld [tilespmem:s14+$0xFFFFFEE0]  }
0xb9: {  	v1 =	vld [tilespmem:s14+$0xFFFFFF60];
	_ =	sdelay $0x1  }
0xba: {  	v2 =	vld [tilespmem:s14+$0xFFFFFFE0];
	_ =	sdelay $0x1  }
0xbb: {  	v3 =	vld [tilespmem:s14+$0x60]  }
0xbc: {  	v0 =	vadd.f32 v1, v0  }
0xbd: {  	v1 =	vld [tilespmem:s14+$0xE0]  }
0xbe: {  	v0 =	vadd.f32 v2, v0;
	_ =	sdelay $0x1  }
0xbf: {  	v0 =	vadd.f32 v3, v0;
	_ =	sdelay $0x1  }
0xc0: {  	v0 =	vadd.f32 v1, v0;
	_ =	sdelay $0x1  }
0xc1: {  	[tilespmem:s15+$0x17EA0] =	vst v0  }
0xc2: {  	v0 =	vld [tilespmem:s14+$0xFFFFFEF0]  }
0xc3: {  	v1 =	vld [tilespmem:s14+$0xFFFFFF70];
	_ =	sdelay $0x1  }
0xc4: {  	v2 =	vld [tilespmem:s14+$0xFFFFFFF0];
	_ =	sdelay $0x1  }
0xc5: {  	v3 =	vld [tilespmem:s14+$0x70]  }
0xc6: {  	v0 =	vadd.f32 v1, v0  }
0xc7: {  	v1 =	vld [tilespmem:s14+$0xF0]  }
0xc8: {  	v0 =	vadd.f32 v2, v0;
	_ =	sdelay $0x1  }
0xc9: {  	v0 =	vadd.f32 v3, v0;
	_ =	sdelay $0x1  }
0xca: {  	v0 =	vadd.f32 v1, v0;
	_ =	sdelay $0x1  }
0xcb: {  	[tilespmem:s15+$0x17EB0] =	vst v0  }
0xcc: {  	v0 =	vld [tilespmem:s14+$0xFFFFFF00]  }
0xcd: {  	v1 =	vld [tilespmem:s14+$0xFFFFFF80];
	_ =	sdelay $0x1  }
0xce: {  	v2 =	vld [tilespmem:s14+$0x0];
	_ =	sdelay $0x1  }
0xcf: {  	v3 =	vld [tilespmem:s14+$0x80]  }
0xd0: {  	v0 =	vadd.f32 v1, v0  }
0xd1: {  	v1 =	vld [tilespmem:s14+$0x100]  }
0xd2: {  	v0 =	vadd.f32 v2, v0;
	_ =	sdelay $0x1  }
0xd3: {  	v0 =	vadd.f32 v3, v0;
	_ =	sdelay $0x1  }
0xd4: {  	v0 =	vadd.f32 v1, v0;
	_ =	sdelay $0x1  }
0xd5: {  	[tilespmem:s15+$0x17EC0] =	vst v0  }
0xd6: {  	v0 =	vld [tilespmem:s14+$0xFFFFFF10]  }
0xd7: {  	v1 =	vld [tilespmem:s14+$0xFFFFFF90]  }
0xd8: {  	v2 =	vld [tilespmem:s14+$0x10]  }
0xd9: {  	v3 =	vld [tilespmem:s14+$0x90]  }
0xda: {  	v4 =	vld [tilespmem:s14+$0x110];
	_ =	sdelay $0x1  }
0xdb: {  	v0 =	vadd.f32 v1, v0;
	_ =	sdelay $0x1  }
0xdc: {  	v0 =	vadd.f32 v2, v0;
	_ =	sdelay $0x1  }
0xdd: {  	v0 =	vadd.f32 v3, v0;
	_ =	sdelay $0x1  }
0xde: {  	v0 =	vadd.f32 v4, v0;
	_ =	sdelay $0x1  }
0xdf: {  	[tilespmem:s15+$0x17ED0] =	vst v0  }
0xe0: {  	v0 =	vld [tilespmem:s14+$0xFFFFFF20]  }
0xe1: {  	v1 =	vld [tilespmem:s14+$0xFFFFFFA0]  }
0xe2: {  	v2 =	vld [tilespmem:s14+$0x20]  }
0xe3: {  	v3 =	vld [tilespmem:s14+$0xA0]  }
0xe4: {  	v4 =	vld [tilespmem:s14+$0x120];
	_ =	sdelay $0x1  }
0xe5: {  	v0 =	vadd.f32 v1, v0;
	_ =	sdelay $0x1  }
0xe6: {  	v0 =	vadd.f32 v2, v0;
	_ =	sdelay $0x1  }
0xe7: {  	v0 =	vadd.f32 v3, v0;
	_ =	sdelay $0x1  }
0xe8: {  	v0 =	vadd.f32 v4, v0;
	_ =	sdelay $0x1  }
0xe9: {  	[tilespmem:s15+$0x17EE0] =	vst v0  }
.Ltmp0:
0xea: {  	v3 =	vld [tilespmem:s14+$0xFFFFFF30];
	(pc) =	sbr.rel @p0 .LBB2_3-.Ltmp0, $4  }
0xeb: {  	v4 =	vld [tilespmem:s14+$0xFFFFFFB0]  }
0xec: {  	v2 =	vld [tilespmem:s14+$0x30]  }
0xed: {  	v0 =	vld [tilespmem:s14+$0xB0]  }
0xee: {  	v1 =	vld [tilespmem:s14+$0x130]  }
0xef: {  	_ = 	snop  }
0xf0: {  	v3 =	vadd.f32 v4, v3;
	_ =	sdelay $0x1  }
0xf1: {  	v2 =	vadd.f32 v2, v3;
	_ =	sdelay $0x1  }
0xf2: {  	v0 =	vadd.f32 v0, v2  }
0xf3: {  	p0 =	seq.s32 s12, $0x18  }
0xf4: {  	s14 =	smul.u32 @!p0 $0xA00, s12;
	v0 =	vadd.f32 v1, v0  }
0xf5: {  	s5 =	sshll.u32 s12, $0xB  }
0xf6: {  	s5 =	sadd.s32 s5, s6;
	s14 =	sshra.s32 @!p0 s14, $0x2;
	[tilespmem:s15+$0x17EF0] =	vst v0  }
0xf7: {  	[hbm4b:s5+s3] =	stream.linear.scatter [tilespmem:s25], [sflag:$0x5], $0x1000, $0x38;
	[tilespmem:$0x19E80] =	vst v63  }
0xf8: {  	s16 =	simm.s32 @!p0 $0x3E80;
	s15 =	simm.s32 @!p0 $0x20;
	s5 =	sadd.s32 @!p0 $0x280, s14  }
0xf9: {  	[tilespmem:s16], [sflag:$0x1] =	stream.indirect.gather @!p0 [hbm4b:s2+s15], $0x80, s5, s15, $0xb8;
	[tilespmem:$0x19E80] =	vst v63  }
0xfa: {  	s5 =	sadd.s32 @!p0 $0x2A0, s14;
	s16 =	simm.s32 @!p0 $0x4E80  }
0xfb: {  	[tilespmem:s16], [sflag:$0x1] =	stream.indirect.gather @!p0 [hbm4b:s2+s15], $0x80, s5, s15, $0xb8;
	[tilespmem:$0x19E80] =	vst v63  }
0xfc: {  	s5 =	sadd.s32 @!p0 $0x2C0, s14;
	s16 =	simm.s32 @!p0 $0x5E80  }
0xfd: {  	[tilespmem:s16], [sflag:$0x1] =	stream.indirect.gather @!p0 [hbm4b:s2+s15], $0x80, s5, s15, $0xb8;
	[tilespmem:$0x19E80] =	vst v63  }
0xfe: {  	s5 =	sadd.s32 @!p0 $0x2E0, s14;
	s16 =	simm.s32 @!p0 $0x6E80  }
0xff: {  	[tilespmem:s16], [sflag:$0x1] =	stream.indirect.gather @!p0 [hbm4b:s2+s15], $0x80, s5, s15, $0xb8;
	[tilespmem:$0x19E80] =	vst v63  }
0x100: {  	s5 =	sadd.s32 @!p0 $0x300, s14;
	s16 =	simm.s32 @!p0 $0x7E80  }
0x101: {  	[tilespmem:s16], [sflag:$0x1] =	stream.indirect.gather @!p0 [hbm4b:s2+s15], $0x80, s5, s15, $0xb8;
	[tilespmem:$0x19E80] =	vst v63  }
0x102: {  	_ =	swait.ge [sflag:s26], $0x1000  }
0x103: {  	[sflag:s26] =	ssyncset.done $0x0  }
0x104: {  	[sflag:s26] =	ssyncadd.s32 $0xFFFFF000  }
0x105: {  	_ =	swait.ge [sflag:s26], $0x1000  }
0x106: {  	[sflag:s26] =	ssyncset.done $0x0  }
0x107: {  	[sflag:s26] =	ssyncadd.s32 $0xFFFFF000  }
0x108: {  	_ =	swait.ge [sflag:s26], $0x1000  }
0x109: {  	[sflag:s26] =	ssyncset.done $0x0  }
0x10a: {  	[sflag:s26] =	ssyncadd.s32 $0xFFFFF000  }
0x10b: {  	_ =	swait.ge [sflag:s26], $0x1000  }
0x10c: {  	[sflag:s26] =	ssyncset.done $0x0  }
0x10d: {  	[sflag:s26] =	ssyncadd.s32 $0xFFFFF000  }
0x10e: {  	_ =	swait.ge [sflag:s26], $0x1000  }
0x10f: {  	[sflag:s26] =	ssyncset.done $0x0  }
0x110: {  	s5 =	simm.s32 @!p1 $0x6;
	[sflag:s26] =	ssyncadd.s32 $0xFFFFF000  }
0x111: {  	_ =	swait.ge @!p1 [sflag:s5], $0x1000  }
0x112: {  	[sflag:s5] =	ssyncset.done @!p1 $0x0  }
0x113: {  	s18 =	simm.s32 $0x0;
	[sflag:s5] =	ssyncadd.s32 @!p1 $0xFFFFF000  }
0x114: {  	v0 =	vld [tilespmem:s18+$0x8E80]  }
0x115: {  	v1 =	vld [tilespmem:s18+$0x8F00];
	_ =	sdelay $0x1  }
0x116: {  	v2 =	vld [tilespmem:s18+$0x8F80];
	_ =	sdelay $0x1  }
0x117: {  	v3 =	vld [tilespmem:s18+$0x9000]  }
0x118: {  	v0 =	vadd.f32 v1, v0  }
0x119: {  	v1 =	vld [tilespmem:s18+$0x9080]  }
0x11a: {  	v0 =	vadd.f32 v2, v0;
	_ =	sdelay $0x1  }
0x11b: {  	v0 =	vadd.f32 v3, v0;
	_ =	sdelay $0x1  }
0x11c: {  	v0 =	vadd.f32 v1, v0  }
0x11d: {  	s15 =	simm.s32 $0x18EF0  }
0x11e: {  	[tilespmem:s15+$0xFFFFFF90] =	vst v0  }
0x11f: {  	v0 =	vld [tilespmem:s18+$0x8E90]  }
0x120: {  	v1 =	vld [tilespmem:s18+$0x8F10];
	_ =	sdelay $0x1  }
0x121: {  	v2 =	vld [tilespmem:s18+$0x8F90];
	_ =	sdelay $0x1  }
0x122: {  	v3 =	vld [tilespmem:s18+$0x9010]  }
0x123: {  	v0 =	vadd.f32 v1, v0  }
0x124: {  	v1 =	vld [tilespmem:s18+$0x9090]  }
0x125: {  	v0 =	vadd.f32 v2, v0;
	_ =	sdelay $0x1  }
0x126: {  	v0 =	vadd.f32 v3, v0;
	_ =	sdelay $0x1  }
0x127: {  	v0 =	vadd.f32 v1, v0;
	_ =	sdelay $0x1  }
0x128: {  	[tilespmem:s15+$0xFFFFFFA0] =	vst v0  }
0x129: {  	v0 =	vld [tilespmem:s18+$0x8EA0]  }
0x12a: {  	v1 =	vld [tilespmem:s18+$0x8F20];
	_ =	sdelay $0x1  }
0x12b: {  	v2 =	vld [tilespmem:s18+$0x8FA0];
	_ =	sdelay $0x1  }
0x12c: {  	v3 =	vld [tilespmem:s18+$0x9020]  }
0x12d: {  	v0 =	vadd.f32 v1, v0  }
0x12e: {  	v1 =	vld [tilespmem:s18+$0x90A0]  }
0x12f: {  	v0 =	vadd.f32 v2, v0;
	_ =	sdelay $0x1  }
0x130: {  	v0 =	vadd.f32 v3, v0;
	_ =	sdelay $0x1  }
0x131: {  	v0 =	vadd.f32 v1, v0;
	_ =	sdelay $0x1  }
0x132: {  	[tilespmem:s15+$0xFFFFFFB0] =	vst v0  }
0x133: {  	v0 =	vld [tilespmem:s18+$0x8EB0]  }
0x134: {  	v1 =	vld [tilespmem:s18+$0x8F30];
	_ =	sdelay $0x1  }
0x135: {  	v2 =	vld [tilespmem:s18+$0x8FB0];
	_ =	sdelay $0x1  }
0x136: {  	v3 =	vld [tilespmem:s18+$0x9030]  }
0x137: {  	v0 =	vadd.f32 v1, v0  }
0x138: {  	v1 =	vld [tilespmem:s18+$0x90B0]  }
0x139: {  	v0 =	vadd.f32 v2, v0;
	_ =	sdelay $0x1  }
0x13a: {  	v0 =	vadd.f32 v3, v0;
	_ =	sdelay $0x1  }
0x13b: {  	v0 =	vadd.f32 v1, v0;
	_ =	sdelay $0x1  }
0x13c: {  	[tilespmem:s15+$0xFFFFFFC0] =	vst v0  }
0x13d: {  	v0 =	vld [tilespmem:s18+$0x8EC0]  }
0x13e: {  	v1 =	vld [tilespmem:s18+$0x8F40];
	_ =	sdelay $0x1  }
0x13f: {  	v2 =	vld [tilespmem:s18+$0x8FC0];
	_ =	sdelay $0x1  }
0x140: {  	v3 =	vld [tilespmem:s18+$0x9040]  }
0x141: {  	v0 =	vadd.f32 v1, v0  }
0x142: {  	v1 =	vld [tilespmem:s18+$0x90C0]  }
0x143: {  	v0 =	vadd.f32 v2, v0;
	_ =	sdelay $0x1  }
0x144: {  	v0 =	vadd.f32 v3, v0;
	_ =	sdelay $0x1  }
0x145: {  	v0 =	vadd.f32 v1, v0;
	_ =	sdelay $0x1  }
0x146: {  	[tilespmem:s15+$0xFFFFFFD0] =	vst v0  }
0x147: {  	v0 =	vld [tilespmem:s18+$0x8ED0]  }
0x148: {  	v1 =	vld [tilespmem:s18+$0x8F50];
	_ =	sdelay $0x1  }
0x149: {  	v2 =	vld [tilespmem:s18+$0x8FD0];
	_ =	sdelay $0x1  }
0x14a: {  	v3 =	vld [tilespmem:s18+$0x9050]  }
0x14b: {  	v0 =	vadd.f32 v1, v0  }
0x14c: {  	v1 =	vld [tilespmem:s18+$0x90D0]  }
0x14d: {  	v0 =	vadd.f32 v2, v0;
	_ =	sdelay $0x1  }
0x14e: {  	v0 =	vadd.f32 v3, v0;
	_ =	sdelay $0x1  }
0x14f: {  	v0 =	vadd.f32 v1, v0;
	_ =	sdelay $0x1  }
0x150: {  	[tilespmem:s15+$0xFFFFFFE0] =	vst v0  }
0x151: {  	v0 =	vld [tilespmem:s18+$0x8EE0]  }
0x152: {  	v1 =	vld [tilespmem:s18+$0x8F60];
	_ =	sdelay $0x1  }
0x153: {  	v2 =	vld [tilespmem:s18+$0x8FE0];
	_ =	sdelay $0x1  }
0x154: {  	v3 =	vld [tilespmem:s18+$0x9060]  }
0x155: {  	v0 =	vadd.f32 v1, v0  }
0x156: {  	v1 =	vld [tilespmem:s18+$0x90E0]  }
0x157: {  	v0 =	vadd.f32 v2, v0;
	_ =	sdelay $0x1  }
0x158: {  	v0 =	vadd.f32 v3, v0;
	_ =	sdelay $0x1  }
0x159: {  	v0 =	vadd.f32 v1, v0;
	_ =	sdelay $0x1  }
0x15a: {  	[tilespmem:s15+$0xFFFFFFF0] =	vst v0  }
0x15b: {  	v0 =	vld [tilespmem:s18+$0x8EF0]  }
0x15c: {  	v4 =	vld [tilespmem:s18+$0x8F70]  }
0x15d: {  	v3 =	vld [tilespmem:s18+$0x8FF0]  }
0x15e: {  	v2 =	vld [tilespmem:s18+$0x9070]  }
0x15f: {  	s17 =	simm.s32 $0xA00;
	s16 =	simm.s32 $0x18EF0;
	v1 =	vld [tilespmem:s18+$0x90F0]  }
.LBB2_5:
0x160: {  	p1 =	sne.s32 s17, $0x13600  }
0x161: {  	s15 =	sadd.s32 $0x80, s15;
	s5 =	smov.u32 s17;
	s17 =	sadd.s32 $0xA00, s17  }
0x162: {  	v0 =	vadd.f32 v4, v0;
	_ =	sdelay $0x1  }
0x163: {  	v0 =	vadd.f32 v3, v0;
	_ =	sdelay $0x1  }
0x164: {  	v0 =	vadd.f32 v2, v0;
	_ =	sdelay $0x1  }
0x165: {  	v0 =	vadd.f32 v1, v0  }
0x166: {  	s18 =	sshra.s32 s5, $0x2  }
0x167: {  	[tilespmem:s16+$0x0] =	vst v0;
	s16 =	smov.u32 s15  }
0x168: {  	v0 =	vld [tilespmem:s18+$0x8E80]  }
0x169: {  	v1 =	vld [tilespmem:s18+$0x8F00]  }
0x16a: {  	v2 =	vld [tilespmem:s18+$0x8F80];
	_ =	sdelay $0x1  }
0x16b: {  	v3 =	vld [tilespmem:s18+$0x9000];
	_ =	sdelay $0x1  }
0x16c: {  	v0 =	vadd.f32 v1, v0  }
0x16d: {  	v1 =	vld [tilespmem:s18+$0x9080]  }
0x16e: {  	v0 =	vadd.f32 v2, v0;
	_ =	sdelay $0x1  }
0x16f: {  	v0 =	vadd.f32 v3, v0;
	_ =	sdelay $0x1  }
0x170: {  	v0 =	vadd.f32 v1, v0;
	_ =	sdelay $0x1  }
0x171: {  	[tilespmem:s15+$0xFFFFFF90] =	vst v0  }
0x172: {  	v0 =	vld [tilespmem:s18+$0x8E90]  }
0x173: {  	v1 =	vld [tilespmem:s18+$0x8F10];
	_ =	sdelay $0x1  }
0x174: {  	v2 =	vld [tilespmem:s18+$0x8F90];
	_ =	sdelay $0x1  }
0x175: {  	v3 =	vld [tilespmem:s18+$0x9010]  }
0x176: {  	v0 =	vadd.f32 v1, v0  }
0x177: {  	v1 =	vld [tilespmem:s18+$0x9090]  }
0x178: {  	v0 =	vadd.f32 v2, v0;
	_ =	sdelay $0x1  }
0x179: {  	v0 =	vadd.f32 v3, v0;
	_ =	sdelay $0x1  }
0x17a: {  	v0 =	vadd.f32 v1, v0;
	_ =	sdelay $0x1  }
0x17b: {  	[tilespmem:s15+$0xFFFFFFA0] =	vst v0  }
0x17c: {  	v0 =	vld [tilespmem:s18+$0x8EA0]  }
0x17d: {  	v1 =	vld [tilespmem:s18+$0x8F20];
	_ =	sdelay $0x1  }
0x17e: {  	v2 =	vld [tilespmem:s18+$0x8FA0];
	_ =	sdelay $0x1  }
0x17f: {  	v3 =	vld [tilespmem:s18+$0x9020]  }
0x180: {  	v0 =	vadd.f32 v1, v0  }
0x181: {  	v1 =	vld [tilespmem:s18+$0x90A0]  }
0x182: {  	v0 =	vadd.f32 v2, v0;
	_ =	sdelay $0x1  }
0x183: {  	v0 =	vadd.f32 v3, v0;
	_ =	sdelay $0x1  }
0x184: {  	v0 =	vadd.f32 v1, v0;
	_ =	sdelay $0x1  }
0x185: {  	[tilespmem:s15+$0xFFFFFFB0] =	vst v0  }
0x186: {  	v0 =	vld [tilespmem:s18+$0x8EB0]  }
0x187: {  	v1 =	vld [tilespmem:s18+$0x8F30]  }
0x188: {  	v2 =	vld [tilespmem:s18+$0x8FB0];
	_ =	sdelay $0x2  }
0x189: {  	v3 =	vld [tilespmem:s18+$0x9030]  }
0x18a: {  	v0 =	vadd.f32 v1, v0  }
0x18b: {  	v1 =	vld [tilespmem:s18+$0x90B0]  }
0x18c: {  	v0 =	vadd.f32 v2, v0;
	_ =	sdelay $0x1  }
0x18d: {  	v0 =	vadd.f32 v3, v0;
	_ =	sdelay $0x1  }
0x18e: {  	v0 =	vadd.f32 v1, v0;
	_ =	sdelay $0x1  }
0x18f: {  	[tilespmem:s15+$0xFFFFFFC0] =	vst v0  }
0x190: {  	v0 =	vld [tilespmem:s18+$0x8EC0]  }
0x191: {  	v1 =	vld [tilespmem:s18+$0x8F40]  }
0x192: {  	v2 =	vld [tilespmem:s18+$0x8FC0];
	_ =	sdelay $0x2  }
0x193: {  	v3 =	vld [tilespmem:s18+$0x9040]  }
0x194: {  	v0 =	vadd.f32 v1, v0  }
0x195: {  	v1 =	vld [tilespmem:s18+$0x90C0]  }
0x196: {  	v0 =	vadd.f32 v2, v0;
	_ =	sdelay $0x1  }
0x197: {  	v0 =	vadd.f32 v3, v0;
	_ =	sdelay $0x1  }
0x198: {  	v0 =	vadd.f32 v1, v0;
	_ =	sdelay $0x1  }
0x199: {  	[tilespmem:s15+$0xFFFFFFD0] =	vst v0  }
0x19a: {  	v0 =	vld [tilespmem:s18+$0x8ED0]  }
0x19b: {  	v1 =	vld [tilespmem:s18+$0x8F50]  }
0x19c: {  	v2 =	vld [tilespmem:s18+$0x8FD0]  }
0x19d: {  	v3 =	vld [tilespmem:s18+$0x9050]  }
0x19e: {  	v4 =	vld [tilespmem:s18+$0x90D0];
	_ =	sdelay $0x1  }
0x19f: {  	v0 =	vadd.f32 v1, v0;
	_ =	sdelay $0x1  }
0x1a0: {  	v0 =	vadd.f32 v2, v0;
	_ =	sdelay $0x1  }
0x1a1: {  	v0 =	vadd.f32 v3, v0;
	_ =	sdelay $0x1  }
0x1a2: {  	v0 =	vadd.f32 v4, v0;
	_ =	sdelay $0x1  }
0x1a3: {  	[tilespmem:s15+$0xFFFFFFE0] =	vst v0  }
0x1a4: {  	v0 =	vld [tilespmem:s18+$0x8EE0]  }
0x1a5: {  	v1 =	vld [tilespmem:s18+$0x8F60]  }
0x1a6: {  	v2 =	vld [tilespmem:s18+$0x8FE0]  }
0x1a7: {  	v3 =	vld [tilespmem:s18+$0x9060]  }
0x1a8: {  	v4 =	vld [tilespmem:s18+$0x90E0];
	_ =	sdelay $0x1  }
0x1a9: {  	v0 =	vadd.f32 v1, v0;
	_ =	sdelay $0x1  }
0x1aa: {  	v0 =	vadd.f32 v2, v0;
	_ =	sdelay $0x1  }
0x1ab: {  	v0 =	vadd.f32 v3, v0;
	_ =	sdelay $0x1  }
0x1ac: {  	v0 =	vadd.f32 v4, v0;
	_ =	sdelay $0x1  }
0x1ad: {  	[tilespmem:s15+$0xFFFFFFF0] =	vst v0  }
.Ltmp1:
0x1ae: {  	v0 =	vld [tilespmem:s18+$0x8EF0];
	(pc) =	sbr.rel @p1 .LBB2_5-.Ltmp1, $4  }
0x1af: {  	v4 =	vld [tilespmem:s18+$0x8F70]  }
0x1b0: {  	v3 =	vld [tilespmem:s18+$0x8FF0]  }
0x1b1: {  	v2 =	vld [tilespmem:s18+$0x9070]  }
0x1b2: {  	v1 =	vld [tilespmem:s18+$0x90F0]  }
0x1b3: {  	_ = 	snop  }
0x1b4: {  	v0 =	vadd.f32 v4, v0;
	_ =	sdelay $0x1  }
0x1b5: {  	v0 =	vadd.f32 v3, v0;
	_ =	sdelay $0x1  }
0x1b6: {  	v0 =	vadd.f32 v2, v0  }
0x1b7: {  	s15 =	sshll.u32 s12, $0x7  }
0x1b8: {  	s5 =	sadd.s32 s15, s7;
	v0 =	vadd.f32 v1, v0  }
0x1b9: {  	s5 =	sshll.u32 s5, $0x4  }
0x1ba: {  	s5 =	sadd.s32 s4, s5;
	[tilespmem:s16+$0x0] =	vst v0  }
0x1bb: {  	[hbm4b:s5+s3] =	stream.linear.scatter [tilespmem:s28], [sflag:$0x6], $0x1000, $0x38;
	[tilespmem:$0x19E80] =	vst v63  }
0x1bc: {  	s17 =	simm.s32 @!p0 $0x8E80;
	s16 =	simm.s32 @!p0 $0x20;
	s5 =	sadd.s32 @!p0 $0x320, s14  }
0x1bd: {  	[tilespmem:s17], [sflag:$0x2] =	stream.indirect.gather @!p0 [hbm4b:s2+s16], $0x80, s5, s16, $0xb8;
	[tilespmem:$0x19E80] =	vst v63  }
0x1be: {  	s5 =	sadd.s32 @!p0 $0x340, s14;
	s17 =	simm.s32 @!p0 $0x9E80  }
0x1bf: {  	[tilespmem:s17], [sflag:$0x2] =	stream.indirect.gather @!p0 [hbm4b:s2+s16], $0x80, s5, s16, $0xb8;
	[tilespmem:$0x19E80] =	vst v63  }
0x1c0: {  	s5 =	sadd.s32 @!p0 $0x360, s14;
	s17 =	simm.s32 @!p0 $0xAE80  }
0x1c1: {  	[tilespmem:s17], [sflag:$0x2] =	stream.indirect.gather @!p0 [hbm4b:s2+s16], $0x80, s5, s16, $0xb8;
	[tilespmem:$0x19E80] =	vst v63  }
0x1c2: {  	s5 =	sadd.s32 @!p0 $0x380, s14;
	s17 =	simm.s32 @!p0 $0xBE80  }
0x1c3: {  	[tilespmem:s17], [sflag:$0x2] =	stream.indirect.gather @!p0 [hbm4b:s2+s16], $0x80, s5, s16, $0xb8;
	[tilespmem:$0x19E80] =	vst v63  }
0x1c4: {  	s5 =	sadd.s32 @!p0 $0x3A0, s14;
	s17 =	simm.s32 @!p0 $0xCE80  }
0x1c5: {  	[tilespmem:s17], [sflag:$0x2] =	stream.indirect.gather @!p0 [hbm4b:s2+s16], $0x80, s5, s16, $0xb8;
	[tilespmem:$0x19E80] =	vst v63  }
0x1c6: {  	_ =	swait.ge [sflag:s29], $0x1000  }
0x1c7: {  	[sflag:s29] =	ssyncset.done $0x0  }
0x1c8: {  	[sflag:s29] =	ssyncadd.s32 $0xFFFFF000  }
0x1c9: {  	_ =	swait.ge [sflag:s29], $0x1000  }
0x1ca: {  	[sflag:s29] =	ssyncset.done $0x0  }
0x1cb: {  	[sflag:s29] =	ssyncadd.s32 $0xFFFFF000  }
0x1cc: {  	_ =	swait.ge [sflag:s29], $0x1000  }
0x1cd: {  	[sflag:s29] =	ssyncset.done $0x0  }
0x1ce: {  	[sflag:s29] =	ssyncadd.s32 $0xFFFFF000  }
0x1cf: {  	_ =	swait.ge [sflag:s29], $0x1000  }
0x1d0: {  	[sflag:s29] =	ssyncset.done $0x0  }
0x1d1: {  	[sflag:s29] =	ssyncadd.s32 $0xFFFFF000  }
0x1d2: {  	_ =	swait.ge [sflag:s29], $0x1000  }
0x1d3: {  	[sflag:s29] =	ssyncset.done $0x0  }
0x1d4: {  	[sflag:s29] =	ssyncadd.s32 $0xFFFFF000  }
0x1d5: {  	_ =	swait.ge [sflag:s30], $0x1000  }
0x1d6: {  	[sflag:s30] =	ssyncset.done $0x0  }
0x1d7: {  	s17 =	simm.s32 $0x0;
	[sflag:s30] =	ssyncadd.s32 $0xFFFFF000  }
0x1d8: {  	v0 =	vld [tilespmem:s17+$0xDE80]  }
0x1d9: {  	v1 =	vld [tilespmem:s17+$0xDF00];
	_ =	sdelay $0x1  }
0x1da: {  	v2 =	vld [tilespmem:s17+$0xDF80];
	_ =	sdelay $0x1  }
0x1db: {  	v3 =	vld [tilespmem:s17+$0xE000]  }
0x1dc: {  	v0 =	vadd.f32 v1, v0  }
0x1dd: {  	v1 =	vld [tilespmem:s17+$0xE080]  }
0x1de: {  	v0 =	vadd.f32 v2, v0;
	_ =	sdelay $0x1  }
0x1df: {  	v0 =	vadd.f32 v3, v0;
	_ =	sdelay $0x1  }
0x1e0: {  	v0 =	vadd.f32 v1, v0  }
0x1e1: {  	s16 =	simm.s32 $0x17EC0  }
0x1e2: {  	[tilespmem:s16+$0xFFFFFFC0] =	vst v0  }
0x1e3: {  	v0 =	vld [tilespmem:s17+$0xDE90]  }
0x1e4: {  	v1 =	vld [tilespmem:s17+$0xDF10];
	_ =	sdelay $0x1  }
0x1e5: {  	v2 =	vld [tilespmem:s17+$0xDF90];
	_ =	sdelay $0x1  }
0x1e6: {  	v3 =	vld [tilespmem:s17+$0xE010]  }
0x1e7: {  	v0 =	vadd.f32 v1, v0  }
0x1e8: {  	v1 =	vld [tilespmem:s17+$0xE090]  }
0x1e9: {  	v0 =	vadd.f32 v2, v0;
	_ =	sdelay $0x1  }
0x1ea: {  	v0 =	vadd.f32 v3, v0;
	_ =	sdelay $0x1  }
0x1eb: {  	v0 =	vadd.f32 v1, v0;
	_ =	sdelay $0x1  }
0x1ec: {  	[tilespmem:s16+$0xFFFFFFD0] =	vst v0  }
0x1ed: {  	v0 =	vld [tilespmem:s17+$0xDEA0]  }
0x1ee: {  	v1 =	vld [tilespmem:s17+$0xDF20];
	_ =	sdelay $0x1  }
0x1ef: {  	v2 =	vld [tilespmem:s17+$0xDFA0];
	_ =	sdelay $0x1  }
0x1f0: {  	v3 =	vld [tilespmem:s17+$0xE020]  }
0x1f1: {  	v0 =	vadd.f32 v1, v0  }
0x1f2: {  	v1 =	vld [tilespmem:s17+$0xE0A0]  }
0x1f3: {  	v0 =	vadd.f32 v2, v0;
	_ =	sdelay $0x1  }
0x1f4: {  	v0 =	vadd.f32 v3, v0;
	_ =	sdelay $0x1  }
0x1f5: {  	v0 =	vadd.f32 v1, v0;
	_ =	sdelay $0x1  }
0x1f6: {  	[tilespmem:s16+$0xFFFFFFE0] =	vst v0  }
0x1f7: {  	v0 =	vld [tilespmem:s17+$0xDEB0]  }
0x1f8: {  	v1 =	vld [tilespmem:s17+$0xDF30];
	_ =	sdelay $0x1  }
0x1f9: {  	v2 =	vld [tilespmem:s17+$0xDFB0];
	_ =	sdelay $0x1  }
0x1fa: {  	v3 =	vld [tilespmem:s17+$0xE030]  }
0x1fb: {  	v0 =	vadd.f32 v1, v0  }
0x1fc: {  	v1 =	vld [tilespmem:s17+$0xE0B0]  }
0x1fd: {  	v0 =	vadd.f32 v2, v0;
	_ =	sdelay $0x1  }
0x1fe: {  	v0 =	vadd.f32 v3, v0;
	_ =	sdelay $0x1  }
0x1ff: {  	v0 =	vadd.f32 v1, v0;
	_ =	sdelay $0x1  }
0x200: {  	[tilespmem:s16+$0xFFFFFFF0] =	vst v0  }
0x201: {  	v0 =	vld [tilespmem:s17+$0xDEC0]  }
0x202: {  	v1 =	vld [tilespmem:s17+$0xDF40];
	_ =	sdelay $0x1  }
0x203: {  	v2 =	vld [tilespmem:s17+$0xDFC0];
	_ =	sdelay $0x1  }
0x204: {  	v3 =	vld [tilespmem:s17+$0xE040]  }
0x205: {  	v0 =	vadd.f32 v1, v0  }
0x206: {  	v1 =	vld [tilespmem:s17+$0xE0C0]  }
0x207: {  	v0 =	vadd.f32 v2, v0;
	_ =	sdelay $0x1  }
0x208: {  	v0 =	vadd.f32 v3, v0;
	_ =	sdelay $0x1  }
0x209: {  	v0 =	vadd.f32 v1, v0;
	_ =	sdelay $0x1  }
0x20a: {  	[tilespmem:s16+$0x0] =	vst v0  }
0x20b: {  	v0 =	vld [tilespmem:s17+$0xDED0]  }
0x20c: {  	v1 =	vld [tilespmem:s17+$0xDF50];
	_ =	sdelay $0x1  }
0x20d: {  	v2 =	vld [tilespmem:s17+$0xDFD0];
	_ =	sdelay $0x1  }
0x20e: {  	v3 =	vld [tilespmem:s17+$0xE050]  }
0x20f: {  	v0 =	vadd.f32 v1, v0  }
0x210: {  	v1 =	vld [tilespmem:s17+$0xE0D0]  }
0x211: {  	v0 =	vadd.f32 v2, v0;
	_ =	sdelay $0x1  }
0x212: {  	v0 =	vadd.f32 v3, v0;
	_ =	sdelay $0x1  }
0x213: {  	v0 =	vadd.f32 v1, v0;
	_ =	sdelay $0x1  }
0x214: {  	[tilespmem:s16+$0x10] =	vst v0  }
0x215: {  	v0 =	vld [tilespmem:s17+$0xDEE0]  }
0x216: {  	v1 =	vld [tilespmem:s17+$0xDF60];
	_ =	sdelay $0x1  }
0x217: {  	v2 =	vld [tilespmem:s17+$0xDFE0];
	_ =	sdelay $0x1  }
0x218: {  	v3 =	vld [tilespmem:s17+$0xE060]  }
0x219: {  	v0 =	vadd.f32 v1, v0  }
0x21a: {  	v1 =	vld [tilespmem:s17+$0xE0E0]  }
0x21b: {  	v0 =	vadd.f32 v2, v0;
	_ =	sdelay $0x1  }
0x21c: {  	v0 =	vadd.f32 v3, v0;
	_ =	sdelay $0x1  }
0x21d: {  	v0 =	vadd.f32 v1, v0;
	_ =	sdelay $0x1  }
0x21e: {  	[tilespmem:s16+$0x20] =	vst v0  }
0x21f: {  	v0 =	vld [tilespmem:s17+$0xDEF0]  }
0x220: {  	v4 =	vld [tilespmem:s17+$0xDF70]  }
0x221: {  	v3 =	vld [tilespmem:s17+$0xDFF0]  }
0x222: {  	v1 =	vld [tilespmem:s17+$0xE070]  }
0x223: {  	s18 =	simm.s32 $0xA00;
	v2 =	vld [tilespmem:s17+$0xE0F0];
	s17 =	simm.s32 $0x17EC0  }
.LBB2_7:
0x224: {  	p1 =	sne.s32 s18, $0x13600  }
0x225: {  	s16 =	sadd.s32 $0x80, s16;
	s5 =	smov.u32 s18;
	s18 =	sadd.s32 $0xA00, s18  }
0x226: {  	v0 =	vadd.f32 v4, v0;
	_ =	sdelay $0x1  }
0x227: {  	v0 =	vadd.f32 v3, v0;
	_ =	sdelay $0x1  }
0x228: {  	v0 =	vadd.f32 v1, v0;
	_ =	sdelay $0x1  }
0x229: {  	v0 =	vadd.f32 v2, v0  }
0x22a: {  	s5 =	sshra.s32 s5, $0x2  }
0x22b: {  	[tilespmem:s17+$0x30] =	vst v0;
	s17 =	smov.u32 s16  }
0x22c: {  	v0 =	vld [tilespmem:s5+$0xDE80]  }
0x22d: {  	v1 =	vld [tilespmem:s5+$0xDF00]  }
0x22e: {  	v2 =	vld [tilespmem:s5+$0xDF80];
	_ =	sdelay $0x1  }
0x22f: {  	v3 =	vld [tilespmem:s5+$0xE000];
	_ =	sdelay $0x1  }
0x230: {  	v0 =	vadd.f32 v1, v0  }
0x231: {  	v1 =	vld [tilespmem:s5+$0xE080]  }
0x232: {  	v0 =	vadd.f32 v2, v0;
	_ =	sdelay $0x1  }
0x233: {  	v0 =	vadd.f32 v3, v0;
	_ =	sdelay $0x1  }
0x234: {  	v0 =	vadd.f32 v1, v0;
	_ =	sdelay $0x1  }
0x235: {  	[tilespmem:s16+$0xFFFFFFC0] =	vst v0  }
0x236: {  	v0 =	vld [tilespmem:s5+$0xDE90]  }
0x237: {  	v1 =	vld [tilespmem:s5+$0xDF10];
	_ =	sdelay $0x1  }
0x238: {  	v2 =	vld [tilespmem:s5+$0xDF90];
	_ =	sdelay $0x1  }
0x239: {  	v3 =	vld [tilespmem:s5+$0xE010]  }
0x23a: {  	v0 =	vadd.f32 v1, v0  }
0x23b: {  	v1 =	vld [tilespmem:s5+$0xE090]  }
0x23c: {  	v0 =	vadd.f32 v2, v0;
	_ =	sdelay $0x1  }
0x23d: {  	v0 =	vadd.f32 v3, v0;
	_ =	sdelay $0x1  }
0x23e: {  	v0 =	vadd.f32 v1, v0;
	_ =	sdelay $0x1  }
0x23f: {  	[tilespmem:s16+$0xFFFFFFD0] =	vst v0  }
0x240: {  	v0 =	vld [tilespmem:s5+$0xDEA0]  }
0x241: {  	v1 =	vld [tilespmem:s5+$0xDF20];
	_ =	sdelay $0x1  }
0x242: {  	v2 =	vld [tilespmem:s5+$0xDFA0];
	_ =	sdelay $0x1  }
0x243: {  	v3 =	vld [tilespmem:s5+$0xE020]  }
0x244: {  	v0 =	vadd.f32 v1, v0  }
0x245: {  	v1 =	vld [tilespmem:s5+$0xE0A0]  }
0x246: {  	v0 =	vadd.f32 v2, v0;
	_ =	sdelay $0x1  }
0x247: {  	v0 =	vadd.f32 v3, v0;
	_ =	sdelay $0x1  }
0x248: {  	v0 =	vadd.f32 v1, v0;
	_ =	sdelay $0x1  }
0x249: {  	[tilespmem:s16+$0xFFFFFFE0] =	vst v0  }
0x24a: {  	v0 =	vld [tilespmem:s5+$0xDEB0]  }
0x24b: {  	v1 =	vld [tilespmem:s5+$0xDF30]  }
0x24c: {  	v2 =	vld [tilespmem:s5+$0xDFB0];
	_ =	sdelay $0x2  }
0x24d: {  	v3 =	vld [tilespmem:s5+$0xE030]  }
0x24e: {  	v0 =	vadd.f32 v1, v0  }
0x24f: {  	v1 =	vld [tilespmem:s5+$0xE0B0]  }
0x250: {  	v0 =	vadd.f32 v2, v0;
	_ =	sdelay $0x1  }
0x251: {  	v0 =	vadd.f32 v3, v0;
	_ =	sdelay $0x1  }
0x252: {  	v0 =	vadd.f32 v1, v0;
	_ =	sdelay $0x1  }
0x253: {  	[tilespmem:s16+$0xFFFFFFF0] =	vst v0  }
0x254: {  	v0 =	vld [tilespmem:s5+$0xDEC0]  }
0x255: {  	v1 =	vld [tilespmem:s5+$0xDF40]  }
0x256: {  	v2 =	vld [tilespmem:s5+$0xDFC0];
	_ =	sdelay $0x2  }
0x257: {  	v3 =	vld [tilespmem:s5+$0xE040]  }
0x258: {  	v0 =	vadd.f32 v1, v0  }
0x259: {  	v1 =	vld [tilespmem:s5+$0xE0C0]  }
0x25a: {  	v0 =	vadd.f32 v2, v0;
	_ =	sdelay $0x1  }
0x25b: {  	v0 =	vadd.f32 v3, v0;
	_ =	sdelay $0x1  }
0x25c: {  	v0 =	vadd.f32 v1, v0;
	_ =	sdelay $0x1  }
0x25d: {  	[tilespmem:s16+$0x0] =	vst v0  }
0x25e: {  	v0 =	vld [tilespmem:s5+$0xDED0]  }
0x25f: {  	v1 =	vld [tilespmem:s5+$0xDF50]  }
0x260: {  	v2 =	vld [tilespmem:s5+$0xDFD0]  }
0x261: {  	v3 =	vld [tilespmem:s5+$0xE050]  }
0x262: {  	v4 =	vld [tilespmem:s5+$0xE0D0];
	_ =	sdelay $0x1  }
0x263: {  	v0 =	vadd.f32 v1, v0;
	_ =	sdelay $0x1  }
0x264: {  	v0 =	vadd.f32 v2, v0;
	_ =	sdelay $0x1  }
0x265: {  	v0 =	vadd.f32 v3, v0;
	_ =	sdelay $0x1  }
0x266: {  	v0 =	vadd.f32 v4, v0;
	_ =	sdelay $0x1  }
0x267: {  	[tilespmem:s16+$0x10] =	vst v0  }
0x268: {  	v0 =	vld [tilespmem:s5+$0xDEE0]  }
0x269: {  	v1 =	vld [tilespmem:s5+$0xDF60]  }
0x26a: {  	v2 =	vld [tilespmem:s5+$0xDFE0]  }
0x26b: {  	v3 =	vld [tilespmem:s5+$0xE060]  }
0x26c: {  	v4 =	vld [tilespmem:s5+$0xE0E0];
	_ =	sdelay $0x1  }
0x26d: {  	v0 =	vadd.f32 v1, v0;
	_ =	sdelay $0x1  }
0x26e: {  	v0 =	vadd.f32 v2, v0;
	_ =	sdelay $0x1  }
0x26f: {  	v0 =	vadd.f32 v3, v0;
	_ =	sdelay $0x1  }
0x270: {  	v0 =	vadd.f32 v4, v0;
	_ =	sdelay $0x1  }
0x271: {  	[tilespmem:s16+$0x20] =	vst v0  }
.Ltmp2:
0x272: {  	v0 =	vld [tilespmem:s5+$0xDEF0];
	(pc) =	sbr.rel @p1 .LBB2_7-.Ltmp2, $4  }
0x273: {  	v4 =	vld [tilespmem:s5+$0xDF70]  }
0x274: {  	v3 =	vld [tilespmem:s5+$0xDFF0]  }
0x275: {  	v1 =	vld [tilespmem:s5+$0xE070]  }
0x276: {  	v2 =	vld [tilespmem:s5+$0xE0F0]  }
0x277: {  	_ = 	snop  }
0x278: {  	v0 =	vadd.f32 v4, v0;
	_ =	sdelay $0x1  }
0x279: {  	v0 =	vadd.f32 v3, v0;
	_ =	sdelay $0x1  }
0x27a: {  	v0 =	vadd.f32 v1, v0;
	_ =	sdelay $0x1  }
0x27b: {  	s5 =	sadd.s32 s15, s8;
	v0 =	vadd.f32 v2, v0  }
0x27c: {  	s5 =	sshll.u32 s5, $0x4  }
0x27d: {  	s5 =	sadd.s32 s4, s5;
	[tilespmem:s17+$0x30] =	vst v0  }
0x27e: {  	[hbm4b:s5+s3] =	stream.linear.scatter [tilespmem:s25], [sflag:$0x5], $0x1000, $0x38;
	[tilespmem:$0x19E80] =	vst v63  }
0x27f: {  	s15 =	simm.s32 @!p0 $0x20;
	s16 =	simm.s32 @!p0 $0xDE80;
	s5 =	sadd.s32 @!p0 $0x3C0, s14  }
0x280: {  	[tilespmem:s16], [sflag:$0x3] =	stream.indirect.gather @!p0 [hbm4b:s2+s15], $0x80, s5, s15, $0xb8;
	[tilespmem:$0x19E80] =	vst v63  }
0x281: {  	s5 =	sadd.s32 @!p0 $0x3E0, s14;
	s16 =	simm.s32 @!p0 $0xEE80  }
0x282: {  	[tilespmem:s16], [sflag:$0x3] =	stream.indirect.gather @!p0 [hbm4b:s2+s15], $0x80, s5, s15, $0xb8;
	[tilespmem:$0x19E80] =	vst v63  }
0x283: {  	s5 =	sadd.s32 @!p0 $0x400, s14;
	s16 =	simm.s32 @!p0 $0xFE80  }
0x284: {  	[tilespmem:s16], [sflag:$0x3] =	stream.indirect.gather @!p0 [hbm4b:s2+s15], $0x80, s5, s15, $0xb8;
	[tilespmem:$0x19E80] =	vst v63  }
0x285: {  	s5 =	sadd.s32 @!p0 $0x420, s14;
	s16 =	simm.s32 @!p0 $0x10E80  }
0x286: {  	[tilespmem:s16], [sflag:$0x3] =	stream.indirect.gather @!p0 [hbm4b:s2+s15], $0x80, s5, s15, $0xb8;
	[tilespmem:$0x19E80] =	vst v63  }
0x287: {  	s5 =	sadd.s32 @!p0 $0x440, s14;
	s14 =	simm.s32 @!p0 $0x11E80  }
0x288: {  	[tilespmem:s14], [sflag:$0x3] =	stream.indirect.gather @!p0 [hbm4b:s2+s15], $0x80, s5, s15, $0xb8;
	[tilespmem:$0x19E80] =	vst v63  }
0x289: {  	_ =	swait.ge [sflag:s31], $0x1000  }
0x28a: {  	[sflag:s31] =	ssyncset.done $0x0  }
0x28b: {  	[sflag:s31] =	ssyncadd.s32 $0xFFFFF000  }
0x28c: {  	_ =	swait.ge [sflag:s31], $0x1000  }
0x28d: {  	[sflag:s31] =	ssyncset.done $0x0  }
0x28e: {  	[sflag:s31] =	ssyncadd.s32 $0xFFFFF000  }
0x28f: {  	_ =	swait.ge [sflag:s31], $0x1000  }
0x290: {  	[sflag:s31] =	ssyncset.done $0x0  }
0x291: {  	[sflag:s31] =	ssyncadd.s32 $0xFFFFF000  }
0x292: {  	_ =	swait.ge [sflag:s31], $0x1000  }
0x293: {  	[sflag:s31] =	ssyncset.done $0x0  }
0x294: {  	[sflag:s31] =	ssyncadd.s32 $0xFFFFF000  }
0x295: {  	_ =	swait.ge [sflag:s31], $0x1000  }
0x296: {  	[sflag:s31] =	ssyncset.done $0x0  }
0x297: {  	[sflag:s31] =	ssyncadd.s32 $0xFFFFF000  }
0x298: {  	_ =	swait.ge [sflag:s1], $0x1000  }
0x299: {  	[sflag:s1] =	ssyncset.done $0x0  }
0x29a: {  	s18 =	simm.s32 $0x0;
	[sflag:s1] =	ssyncadd.s32 $0xFFFFF000  }
0x29b: {  	v0 =	vld [tilespmem:s18+$0x12E80]  }
0x29c: {  	v1 =	vld [tilespmem:s18+$0x12F00];
	_ =	sdelay $0x1  }
0x29d: {  	v2 =	vld [tilespmem:s18+$0x12F80];
	_ =	sdelay $0x1  }
0x29e: {  	v3 =	vld [tilespmem:s18+$0x13000]  }
0x29f: {  	v0 =	vadd.f32 v1, v0  }
0x2a0: {  	v1 =	vld [tilespmem:s18+$0x13080]  }
0x2a1: {  	v0 =	vadd.f32 v2, v0;
	_ =	sdelay $0x1  }
0x2a2: {  	v0 =	vadd.f32 v3, v0;
	_ =	sdelay $0x1  }
0x2a3: {  	v0 =	vadd.f32 v1, v0  }
0x2a4: {  	s14 =	simm.s32 $0x18EF0  }
0x2a5: {  	[tilespmem:s14+$0xFFFFFF90] =	vst v0  }
0x2a6: {  	v0 =	vld [tilespmem:s18+$0x12E90]  }
0x2a7: {  	v1 =	vld [tilespmem:s18+$0x12F10];
	_ =	sdelay $0x1  }
0x2a8: {  	v2 =	vld [tilespmem:s18+$0x12F90];
	_ =	sdelay $0x1  }
0x2a9: {  	v3 =	vld [tilespmem:s18+$0x13010]  }
0x2aa: {  	v0 =	vadd.f32 v1, v0  }
0x2ab: {  	v1 =	vld [tilespmem:s18+$0x13090]  }
0x2ac: {  	v0 =	vadd.f32 v2, v0;
	_ =	sdelay $0x1  }
0x2ad: {  	v0 =	vadd.f32 v3, v0;
	_ =	sdelay $0x1  }
0x2ae: {  	v0 =	vadd.f32 v1, v0;
	_ =	sdelay $0x1  }
0x2af: {  	[tilespmem:s14+$0xFFFFFFA0] =	vst v0  }
0x2b0: {  	v0 =	vld [tilespmem:s18+$0x12EA0]  }
0x2b1: {  	v1 =	vld [tilespmem:s18+$0x12F20];
	_ =	sdelay $0x1  }
0x2b2: {  	v2 =	vld [tilespmem:s18+$0x12FA0];
	_ =	sdelay $0x1  }
0x2b3: {  	v3 =	vld [tilespmem:s18+$0x13020]  }
0x2b4: {  	v0 =	vadd.f32 v1, v0  }
0x2b5: {  	v1 =	vld [tilespmem:s18+$0x130A0]  }
0x2b6: {  	v0 =	vadd.f32 v2, v0;
	_ =	sdelay $0x1  }
0x2b7: {  	v0 =	vadd.f32 v3, v0;
	_ =	sdelay $0x1  }
0x2b8: {  	v0 =	vadd.f32 v1, v0;
	_ =	sdelay $0x1  }
0x2b9: {  	[tilespmem:s14+$0xFFFFFFB0] =	vst v0  }
0x2ba: {  	v0 =	vld [tilespmem:s18+$0x12EB0]  }
0x2bb: {  	v1 =	vld [tilespmem:s18+$0x12F30];
	_ =	sdelay $0x1  }
0x2bc: {  	v2 =	vld [tilespmem:s18+$0x12FB0];
	_ =	sdelay $0x1  }
0x2bd: {  	v3 =	vld [tilespmem:s18+$0x13030]  }
0x2be: {  	v0 =	vadd.f32 v1, v0  }
0x2bf: {  	v1 =	vld [tilespmem:s18+$0x130B0]  }
0x2c0: {  	v0 =	vadd.f32 v2, v0;
	_ =	sdelay $0x1  }
0x2c1: {  	v0 =	vadd.f32 v3, v0;
	_ =	sdelay $0x1  }
0x2c2: {  	v0 =	vadd.f32 v1, v0;
	_ =	sdelay $0x1  }
0x2c3: {  	[tilespmem:s14+$0xFFFFFFC0] =	vst v0  }
0x2c4: {  	v0 =	vld [tilespmem:s18+$0x12EC0]  }
0x2c5: {  	v1 =	vld [tilespmem:s18+$0x12F40];
	_ =	sdelay $0x1  }
0x2c6: {  	v2 =	vld [tilespmem:s18+$0x12FC0];
	_ =	sdelay $0x1  }
0x2c7: {  	v3 =	vld [tilespmem:s18+$0x13040]  }
0x2c8: {  	v0 =	vadd.f32 v1, v0  }
0x2c9: {  	v1 =	vld [tilespmem:s18+$0x130C0]  }
0x2ca: {  	v0 =	vadd.f32 v2, v0;
	_ =	sdelay $0x1  }
0x2cb: {  	v0 =	vadd.f32 v3, v0;
	_ =	sdelay $0x1  }
0x2cc: {  	v0 =	vadd.f32 v1, v0;
	_ =	sdelay $0x1  }
0x2cd: {  	[tilespmem:s14+$0xFFFFFFD0] =	vst v0  }
0x2ce: {  	v0 =	vld [tilespmem:s18+$0x12ED0]  }
0x2cf: {  	v1 =	vld [tilespmem:s18+$0x12F50];
	_ =	sdelay $0x1  }
0x2d0: {  	v2 =	vld [tilespmem:s18+$0x12FD0];
	_ =	sdelay $0x1  }
0x2d1: {  	v3 =	vld [tilespmem:s18+$0x13050]  }
0x2d2: {  	v0 =	vadd.f32 v1, v0  }
0x2d3: {  	v1 =	vld [tilespmem:s18+$0x130D0]  }
0x2d4: {  	v0 =	vadd.f32 v2, v0;
	_ =	sdelay $0x1  }
0x2d5: {  	v0 =	vadd.f32 v3, v0;
	_ =	sdelay $0x1  }
0x2d6: {  	v0 =	vadd.f32 v1, v0;
	_ =	sdelay $0x1  }
0x2d7: {  	[tilespmem:s14+$0xFFFFFFE0] =	vst v0  }
0x2d8: {  	v0 =	vld [tilespmem:s18+$0x12EE0]  }
0x2d9: {  	v1 =	vld [tilespmem:s18+$0x12F60];
	_ =	sdelay $0x1  }
0x2da: {  	v2 =	vld [tilespmem:s18+$0x12FE0];
	_ =	sdelay $0x1  }
0x2db: {  	v3 =	vld [tilespmem:s18+$0x13060]  }
0x2dc: {  	v0 =	vadd.f32 v1, v0  }
0x2dd: {  	v1 =	vld [tilespmem:s18+$0x130E0]  }
0x2de: {  	v0 =	vadd.f32 v2, v0;
	_ =	sdelay $0x1  }
0x2df: {  	v0 =	vadd.f32 v3, v0;
	_ =	sdelay $0x1  }
0x2e0: {  	v0 =	vadd.f32 v1, v0;
	_ =	sdelay $0x1  }
0x2e1: {  	[tilespmem:s14+$0xFFFFFFF0] =	vst v0  }
0x2e2: {  	v0 =	vld [tilespmem:s18+$0x12EF0]  }
0x2e3: {  	v4 =	vld [tilespmem:s18+$0x12F70]  }
0x2e4: {  	v3 =	vld [tilespmem:s18+$0x12FF0]  }
0x2e5: {  	v1 =	vld [tilespmem:s18+$0x13070]  }
0x2e6: {  	s16 =	simm.s32 $0xA00;
	s15 =	simm.s32 $0x18EF0;
	v2 =	vld [tilespmem:s18+$0x130F0]  }
.LBB2_9:
0x2e7: {  	p0 =	sne.s32 s16, $0x13600  }
0x2e8: {  	s14 =	sadd.s32 $0x80, s14;
	s5 =	smov.u32 s16;
	s16 =	sadd.s32 $0xA00, s16  }
0x2e9: {  	v0 =	vadd.f32 v4, v0;
	_ =	sdelay $0x1  }
0x2ea: {  	v0 =	vadd.f32 v3, v0;
	_ =	sdelay $0x1  }
0x2eb: {  	v0 =	vadd.f32 v1, v0;
	_ =	sdelay $0x1  }
0x2ec: {  	v0 =	vadd.f32 v2, v0  }
0x2ed: {  	s5 =	sshra.s32 s5, $0x2  }
0x2ee: {  	[tilespmem:s15+$0x0] =	vst v0;
	s15 =	smov.u32 s14  }
0x2ef: {  	v0 =	vld [tilespmem:s5+$0x12E80]  }
0x2f0: {  	v1 =	vld [tilespmem:s5+$0x12F00]  }
0x2f1: {  	v2 =	vld [tilespmem:s5+$0x12F80];
	_ =	sdelay $0x1  }
0x2f2: {  	v3 =	vld [tilespmem:s5+$0x13000];
	_ =	sdelay $0x1  }
0x2f3: {  	v0 =	vadd.f32 v1, v0  }
0x2f4: {  	v1 =	vld [tilespmem:s5+$0x13080]  }
0x2f5: {  	v0 =	vadd.f32 v2, v0;
	_ =	sdelay $0x1  }
0x2f6: {  	v0 =	vadd.f32 v3, v0;
	_ =	sdelay $0x1  }
0x2f7: {  	v0 =	vadd.f32 v1, v0;
	_ =	sdelay $0x1  }
0x2f8: {  	[tilespmem:s14+$0xFFFFFF90] =	vst v0  }
0x2f9: {  	v0 =	vld [tilespmem:s5+$0x12E90]  }
0x2fa: {  	v1 =	vld [tilespmem:s5+$0x12F10];
	_ =	sdelay $0x1  }
0x2fb: {  	v2 =	vld [tilespmem:s5+$0x12F90];
	_ =	sdelay $0x1  }
0x2fc: {  	v3 =	vld [tilespmem:s5+$0x13010]  }
0x2fd: {  	v0 =	vadd.f32 v1, v0  }
0x2fe: {  	v1 =	vld [tilespmem:s5+$0x13090]  }
0x2ff: {  	v0 =	vadd.f32 v2, v0;
	_ =	sdelay $0x1  }
0x300: {  	v0 =	vadd.f32 v3, v0;
	_ =	sdelay $0x1  }
0x301: {  	v0 =	vadd.f32 v1, v0;
	_ =	sdelay $0x1  }
0x302: {  	[tilespmem:s14+$0xFFFFFFA0] =	vst v0  }
0x303: {  	v0 =	vld [tilespmem:s5+$0x12EA0]  }
0x304: {  	v1 =	vld [tilespmem:s5+$0x12F20];
	_ =	sdelay $0x1  }
0x305: {  	v2 =	vld [tilespmem:s5+$0x12FA0];
	_ =	sdelay $0x1  }
0x306: {  	v3 =	vld [tilespmem:s5+$0x13020]  }
0x307: {  	v0 =	vadd.f32 v1, v0  }
0x308: {  	v1 =	vld [tilespmem:s5+$0x130A0]  }
0x309: {  	v0 =	vadd.f32 v2, v0;
	_ =	sdelay $0x1  }
0x30a: {  	v0 =	vadd.f32 v3, v0;
	_ =	sdelay $0x1  }
0x30b: {  	v0 =	vadd.f32 v1, v0;
	_ =	sdelay $0x1  }
0x30c: {  	[tilespmem:s14+$0xFFFFFFB0] =	vst v0  }
0x30d: {  	v0 =	vld [tilespmem:s5+$0x12EB0]  }
0x30e: {  	v1 =	vld [tilespmem:s5+$0x12F30]  }
0x30f: {  	v2 =	vld [tilespmem:s5+$0x12FB0];
	_ =	sdelay $0x2  }
0x310: {  	v3 =	vld [tilespmem:s5+$0x13030]  }
0x311: {  	v0 =	vadd.f32 v1, v0  }
0x312: {  	v1 =	vld [tilespmem:s5+$0x130B0]  }
0x313: {  	v0 =	vadd.f32 v2, v0;
	_ =	sdelay $0x1  }
0x314: {  	v0 =	vadd.f32 v3, v0;
	_ =	sdelay $0x1  }
0x315: {  	v0 =	vadd.f32 v1, v0;
	_ =	sdelay $0x1  }
0x316: {  	[tilespmem:s14+$0xFFFFFFC0] =	vst v0  }
0x317: {  	v0 =	vld [tilespmem:s5+$0x12EC0]  }
0x318: {  	v1 =	vld [tilespmem:s5+$0x12F40]  }
0x319: {  	v2 =	vld [tilespmem:s5+$0x12FC0];
	_ =	sdelay $0x2  }
0x31a: {  	v3 =	vld [tilespmem:s5+$0x13040]  }
0x31b: {  	v0 =	vadd.f32 v1, v0  }
0x31c: {  	v1 =	vld [tilespmem:s5+$0x130C0]  }
0x31d: {  	v0 =	vadd.f32 v2, v0;
	_ =	sdelay $0x1  }
0x31e: {  	v0 =	vadd.f32 v3, v0;
	_ =	sdelay $0x1  }
0x31f: {  	v0 =	vadd.f32 v1, v0;
	_ =	sdelay $0x1  }
0x320: {  	[tilespmem:s14+$0xFFFFFFD0] =	vst v0  }
0x321: {  	v0 =	vld [tilespmem:s5+$0x12ED0]  }
0x322: {  	v1 =	vld [tilespmem:s5+$0x12F50]  }
0x323: {  	v2 =	vld [tilespmem:s5+$0x12FD0]  }
0x324: {  	v3 =	vld [tilespmem:s5+$0x13050]  }
0x325: {  	v4 =	vld [tilespmem:s5+$0x130D0];
	_ =	sdelay $0x1  }
0x326: {  	v0 =	vadd.f32 v1, v0;
	_ =	sdelay $0x1  }
0x327: {  	v0 =	vadd.f32 v2, v0;
	_ =	sdelay $0x1  }
0x328: {  	v0 =	vadd.f32 v3, v0;
	_ =	sdelay $0x1  }
0x329: {  	v0 =	vadd.f32 v4, v0;
	_ =	sdelay $0x1  }
0x32a: {  	[tilespmem:s14+$0xFFFFFFE0] =	vst v0  }
0x32b: {  	v0 =	vld [tilespmem:s5+$0x12EE0]  }
0x32c: {  	v1 =	vld [tilespmem:s5+$0x12F60]  }
0x32d: {  	v2 =	vld [tilespmem:s5+$0x12FE0]  }
0x32e: {  	v3 =	vld [tilespmem:s5+$0x13060]  }
0x32f: {  	v4 =	vld [tilespmem:s5+$0x130E0];
	_ =	sdelay $0x1  }
0x330: {  	v0 =	vadd.f32 v1, v0;
	_ =	sdelay $0x1  }
0x331: {  	v0 =	vadd.f32 v2, v0;
	_ =	sdelay $0x1  }
0x332: {  	v0 =	vadd.f32 v3, v0;
	_ =	sdelay $0x1  }
0x333: {  	v0 =	vadd.f32 v4, v0;
	_ =	sdelay $0x1  }
0x334: {  	[tilespmem:s14+$0xFFFFFFF0] =	vst v0  }
.Ltmp3:
0x335: {  	v0 =	vld [tilespmem:s5+$0x12EF0];
	(pc) =	sbr.rel @p0 .LBB2_9-.Ltmp3, $4  }
0x336: {  	v4 =	vld [tilespmem:s5+$0x12F70]  }
0x337: {  	v3 =	vld [tilespmem:s5+$0x12FF0]  }
0x338: {  	v1 =	vld [tilespmem:s5+$0x13070]  }
0x339: {  	v2 =	vld [tilespmem:s5+$0x130F0]  }
0x33a: {  	_ = 	snop  }
0x33b: {  	v0 =	vadd.f32 v4, v0;
	_ =	sdelay $0x1  }
0x33c: {  	v0 =	vadd.f32 v3, v0  }
0x33d: {  	s12 =	sadd.s32 $0x1, s12  }
0x33e: {  	p0 =	sne.s32 s12, $0x19;
	v0 =	vadd.f32 v1, v0  }
.Ltmp4:
0x33f: {  	_ = 	snop;
	(pc) =	sbr.rel @p0 .LBB2_2-.Ltmp4, $4  }
0x340: {  	v0 =	vadd.f32 v2, v0  }
0x341: {  	s5 =	sshll.u32 s13, $0x9  }
0x342: {  	s5 =	sadd.s32 s5, s6;
	[tilespmem:s15+$0x0] =	vst v0  }
0x343: {  	[hbm4b:s5+s3] =	stream.linear.scatter [tilespmem:s28], [sflag:$0x6], $0x1000, $0x38;
	[tilespmem:$0x19E80] =	vst v63  }
0x344: {  	s0 =	sadd.s32 $0x1, s0  }
0x345: {  	_ =	swait.ge [sflag:s30], $0x1000;
	p0 =	sne.s32 s0, s9  }
.Ltmp5:
0x346: {  	[sflag:s30] =	ssyncset.done $0x0;
	(pc) =	sbr.rel @p0 .LBB2_1-.Ltmp5, $4  }
0x347: {  	[sflag:s30] =	ssyncadd.s32 $0xFFFFF000  }
0x348: {  	_ =	swait.ge [sflag:s1], $0x1000  }
0x349: {  	[sflag:s1] =	ssyncset.done $0x0  }
0x34a: {  	[sflag:s1] =	ssyncadd.s32 $0xFFFFF000  }
0x34b: {  	_ =	sfence.sel $0x180000  }
0x34c: {  	[bflag:$0x0] =	sbarrier.arrive $0xFFFF  }
0x34d: {  	_ =	strace $0x90000047  }
0x34e: {  	s0 =	stileid.u32;
	[bflag:$0x2] =	sbarrier.arrive $0xFFFF  }
0x34f: {  	p0 =	sne.s32 s0, $0x0;
	s0 =	rddreg [dreg:$0x3]  }
0x350: {  	s0 =	sadd.s32 @!p0 $0x100000, s0  }
0x351: {  	[sflag:s0] =	ssyncadd.tile.s32 @!p0 $0x1;
	_ =	shalt  }
.Lfunc_end2:
_tile_overlayer_lowered:
.L_overlay_start_2:
0x352: {  	(tag) =	ssettag $0x2  }
0x353: {  	s0 =	rddreg [dreg:$0x0];
	s2 =	stileid.u32  }
0x354: {  	s1 =	rddreg [dreg:$0x1];
	p0 =	sne.s32 s2, $0x0  }
0x355: {  	s3 =	rddreg [dreg:$0x2];
	[bflag:$0x3] =	sbarrier.arrive $0xFFFF;
	s2 =	simm.s32 @!p0 $0x1C07  }
0x356: {  	[timem:s3], [sflag:s2] =	dma.local @!p0 [hbm:s0], s1  }
0x357: {  	s0 =	simm.s32 @!p0 $0x7  }
0x358: {  	_ =	swait.ge @!p0 [sflag:s0], s1  }
0x359: {  	s1 =	ssub.s32 @!p0 $0x0, s1;
	[sflag:s0] =	ssyncset.done @!p0 $0x0  }
0x35a: {  	[sflag:s0] =	ssyncadd.s32 @!p0 s1  }
0x35b: {  	[bflag:$0x3] =	sbarrier.arrive $0xFFFF  }
0x35c: {  	_ =	shalt  }

</sc_bundles>
